<compile_context>
chip_gen: v7x
topology: tpu7x:2x2x1
jax: 0.10.2.dev20260603
libtpu: 0.0.44.dev20260713+nightly
codegen_flags: <defaults>
</compile_context>

<pallas_src>
import functools

import jax
import jax.numpy as jnp
from jax import lax
from jax.experimental import pallas as pl
from jax.experimental.pallas import tpu as pltpu
from jax.experimental.pallas import tpu_sc as plsc

N = 10000
E = 320000
D = 128

NUM_CORES = 2
NUM_SUBCORES = 16
NUM_WORKERS = NUM_CORES * NUM_SUBCORES
EPW = 10560
CHUNK = 80
NCHUNKS = EPW // CHUNK
SEG_CHUNKS = 33
SEG_EDGES = SEG_CHUNKS * CHUNK
NSEG = NCHUNKS // SEG_CHUNKS
NPAD = 10112
ROWS_PER_TILE = NPAD // NUM_SUBCORES
ZROWS = 8


def _mm_body(x_ref, w_ref, b_ref, o_ref):
    h = lax.dot_general(x_ref[...], w_ref[...],
                        (((1,), (1,)), ((), ())),
                        preferred_element_type=jnp.float32)
    o_ref[...] = h + b_ref[...]


def _matmul(x2d, W, b2d):
    blk = 1000
    grid = N // blk
    return pl.pallas_call(
        _mm_body,
        grid=(grid,),
        in_specs=[
            pl.BlockSpec((blk, D), lambda i: (i, 0)),
            pl.BlockSpec((D, D), lambda i: (0, 0)),
            pl.BlockSpec((1, D), lambda i: (0, 0)),
        ],
        out_specs=pl.BlockSpec((blk, D), lambda i: (i, 0)),
        out_shape=jax.ShapeDtypeStruct((N, D), jnp.float32),
    )(x2d, W, b2d)


def _edge_body(h_hbm, src_hbm, dst_hbm, w_hbm, out_hbm,
               src_a, src_b, dst_a, dst_b, w_a, w_b,
               dc0, dc1, dc2, wc0, wc1, wc2, r0, r1, r2, zbuf, acc_sh,
               sg0, sg1, sg2, ss0, ss1, ss2, sem_idx):
    cid = lax.axis_index("c")
    sid = lax.axis_index("s")
    wid = sid * NUM_CORES + cid

    rows = (r0, r1, r2)
    dcs = (dc0, dc1, dc2)
    wcs = (wc0, wc1, wc2)
    gsems = (sg0, sg1, sg2)
    ssems = (ss0, ss1, ss2)

    for i in range(ZROWS):
        for j in range(D // 16):
            zbuf[i, pl.ds(j * 16, 16)] = jnp.zeros((16,), jnp.float32)

    def _zero_step(t, carry):
        pltpu.sync_copy(zbuf, acc_sh.at[pl.ds(sid * ROWS_PER_TILE + t * ZROWS, ZROWS)])
        return carry
    lax.fori_loop(0, ROWS_PER_TILE // ZROWS, _zero_step, 0)
    plsc.subcore_barrier()

    base = wid * EPW

    def _bcast(w16, lane):
        return lax.gather(
            w16, jnp.full((16, 1), lane, jnp.int32),
            lax.GatherDimensionNumbers(
                offset_dims=(), collapsed_slice_dims=(0,),
                start_index_map=(0,)),
            (1,), mode=lax.GatherScatterMode.PROMISE_IN_BOUNDS)

    def _scale(slot):
        @plsc.parallel_loop(0, CHUNK, unroll=4)
        def _edge(e):
            w16 = wcs[slot][pl.ds((e // 16) * 16, 16)]
            w_b = _bcast(w16, e % 16)
            for j in range(D // 16):
                sl = pl.ds(j * 16, 16)
                rows[slot][e, sl] = rows[slot][e, sl] * w_b

    def _fill(slot, dbuf, wbuf, goff):
        for q in range(CHUNK // 16):
            dcs[slot][pl.ds(q * 16, 16)] = dbuf[pl.ds(goff + q * 16, 16)]
            wcs[slot][pl.ds(q * 16, 16)] = wbuf[pl.ds(goff + q * 16, 16)]

    def _start_gather(sbuf, goff, slot):
        pltpu.async_copy(h_hbm.at[sbuf.at[pl.ds(goff, CHUNK)]], rows[slot], gsems[slot])

    def _wait_gather(slot):
        pltpu.make_async_copy(h_hbm.at[dcs[slot]], rows[slot], gsems[slot]).wait()

    def _start_scatter(slot):
        pltpu.async_copy(rows[slot], acc_sh.at[dcs[slot]], ssems[slot], add=True)

    def _wait_scatter(slot):
        pltpu.make_async_copy(rows[slot], acc_sh.at[dcs[slot]], ssems[slot]).wait()

    def _issue_staging(bufs, s0):
        pltpu.async_copy(src_hbm.at[pl.ds(s0, SEG_EDGES)], bufs[0], sem_idx)
        pltpu.async_copy(dst_hbm.at[pl.ds(s0, SEG_EDGES)], bufs[1], sem_idx)
        pltpu.async_copy(w_hbm.at[pl.ds(s0, SEG_EDGES)], bufs[2], sem_idx)

    def _wait_staging():
        pltpu.make_async_copy(src_hbm.at[pl.ds(base, SEG_EDGES)], src_a, sem_idx).wait()
        pltpu.make_async_copy(dst_hbm.at[pl.ds(base, SEG_EDGES)], dst_a, sem_idx).wait()
        pltpu.make_async_copy(w_hbm.at[pl.ds(base, SEG_EDGES)], w_a, sem_idx).wait()

    AB = ((src_a, dst_a, w_a), (src_b, dst_b, w_b))

    def _steady_body(g, slot, m, par):
        _wait_gather(slot)
        for p in range(2):
            @pl.when(par == p)
            def _(p=p):
                _fill(slot, AB[p][1], AB[p][2], m * CHUNK)
        _scale(slot)
        _start_scatter(slot)
        nslot = (slot + 2) % 3
        _wait_scatter(nslot)
        if slot == 1:
            @pl.when(m == SEG_CHUNKS - 2)
            def _():
                _wait_staging()
        if slot == 0:
            @pl.when((m == 0) & (g < (NSEG - 1) * SEG_CHUNKS))
            def _():
                for p in range(2):
                    @pl.when(par == p)
                    def __(p=p):
                        _issue_staging(AB[1 - p], base + (g // SEG_CHUNKS + 1) * SEG_EDGES)
        m2 = m + 2
        wrap = m2 >= SEG_CHUNKS
        par2 = jnp.where(wrap, 1 - par, par)
        off2 = jnp.where(wrap, m2 - SEG_CHUNKS, m2)
        for p in range(2):
            @pl.when(par2 == p)
            def _(p=p):
                _start_gather(AB[p][0], off2 * CHUNK, nslot)

    def _static_body(g, wait_prev, issue_next):
        slot = g % 3
        par = (g // SEG_CHUNKS) % 2
        _wait_gather(slot)
        _fill(slot, AB[par][1], AB[par][2], (g % SEG_CHUNKS) * CHUNK)
        _scale(slot)
        _start_scatter(slot)
        nslot = (slot + 2) % 3
        if wait_prev:
            _wait_scatter(nslot)
        if issue_next:
            g2 = g + 2
            _start_gather(AB[(g2 // SEG_CHUNKS) % 2][0],
                          (g2 % SEG_CHUNKS) * CHUNK, nslot)

    pltpu.sync_copy(src_hbm.at[pl.ds(base, SEG_EDGES)], src_a)
    pltpu.sync_copy(dst_hbm.at[pl.ds(base, SEG_EDGES)], dst_a)
    pltpu.sync_copy(w_hbm.at[pl.ds(base, SEG_EDGES)], w_a)
    _issue_staging(AB[1], base + SEG_EDGES)
    _start_gather(src_a, 0, 0)
    _start_gather(src_a, CHUNK, 1)
    _static_body(0, False, True)
    _static_body(1, True, True)
    _static_body(2, True, True)

    def _triple(t, carry):
        m, par = carry
        a = 3 * t + 3
        _steady_body(a, 0, m, par)
        _steady_body(a + 1, 1, m + 1, par)
        _steady_body(a + 2, 2, m + 2, par)
        m3 = m + 3
        wrap = m3 >= SEG_CHUNKS
        return (jnp.where(wrap, 0, m3), jnp.where(wrap, 1 - par, par))
    lax.fori_loop(0, (NCHUNKS - 6) // 3, _triple,
                  (jnp.int32(3), jnp.int32(0)))

    _static_body(NCHUNKS - 3, True, True)
    _static_body(NCHUNKS - 2, True, False)
    _static_body(NCHUNKS - 1, True, False)
    _wait_scatter((NCHUNKS - 1) % 3)

    plsc.subcore_barrier()

    pltpu.sync_copy(acc_sh.at[pl.ds(sid * ROWS_PER_TILE, ROWS_PER_TILE)],
                    out_hbm.at[cid, pl.ds(sid * ROWS_PER_TILE, ROWS_PER_TILE)])


def _edge_pass(h, src, dst, w):
    mesh = plsc.VectorSubcoreMesh(core_axis_name="c", subcore_axis_name="s")
    fn = functools.partial(
        pl.kernel, mesh=mesh,
        out_type=jax.ShapeDtypeStruct((NUM_CORES, NPAD, D), jnp.float32),
        scratch_types=[
            pltpu.VMEM((SEG_EDGES,), jnp.int32),
            pltpu.VMEM((SEG_EDGES,), jnp.int32),
            pltpu.VMEM((SEG_EDGES,), jnp.int32),
            pltpu.VMEM((SEG_EDGES,), jnp.int32),
            pltpu.VMEM((SEG_EDGES,), jnp.float32),
            pltpu.VMEM((SEG_EDGES,), jnp.float32),
            pltpu.VMEM((CHUNK,), jnp.int32),
            pltpu.VMEM((CHUNK,), jnp.int32),
            pltpu.VMEM((CHUNK,), jnp.int32),
            pltpu.VMEM((CHUNK,), jnp.float32),
            pltpu.VMEM((CHUNK,), jnp.float32),
            pltpu.VMEM((CHUNK,), jnp.float32),
            pltpu.VMEM((CHUNK, D), jnp.float32),
            pltpu.VMEM((CHUNK, D), jnp.float32),
            pltpu.VMEM((CHUNK, D), jnp.float32),
            pltpu.VMEM((ZROWS, D), jnp.float32),
            pltpu.VMEM_SHARED((NPAD, D), jnp.float32),
            pltpu.SemaphoreType.DMA,
            pltpu.SemaphoreType.DMA,
            pltpu.SemaphoreType.DMA,
            pltpu.SemaphoreType.DMA,
            pltpu.SemaphoreType.DMA,
            pltpu.SemaphoreType.DMA,
            pltpu.SemaphoreType.DMA,
        ],
    )(_edge_body)
    return fn(h, src, dst, w)


def _comb_body(p_ref, o_ref):
    o_ref[...] = jnp.tanh(p_ref[0] + p_ref[1])


def _combine(partials):
    blk = 1000
    grid = N // blk
    return pl.pallas_call(
        _comb_body,
        grid=(grid,),
        in_specs=[pl.BlockSpec((NUM_CORES, blk, D), lambda i: (0, i, 0))],
        out_specs=pl.BlockSpec((blk, D), lambda i: (i, 0)),
        out_shape=jax.ShapeDtypeStruct((N, D), jnp.float32),
    )(partials)


def _pad_edges(src, dst, w):
    per = E // NUM_WORKERS
    npad = EPW - per
    pad_src = jnp.broadcast_to((jnp.arange(npad, dtype=jnp.int32) * 41) % N,
                               (NUM_WORKERS, npad))
    pad_dst = jnp.broadcast_to(N + (jnp.arange(npad, dtype=jnp.int32) % (NPAD - N)),
                               (NUM_WORKERS, npad))
    pad_w = jnp.zeros((NUM_WORKERS, npad), jnp.float32)
    src2 = jnp.concatenate([src.reshape(NUM_WORKERS, per), pad_src], axis=1)
    dst2 = jnp.concatenate([dst.reshape(NUM_WORKERS, per), pad_dst], axis=1)
    w2 = jnp.concatenate([w.reshape(NUM_WORKERS, per), pad_w], axis=1)
    return src2.reshape(-1), dst2.reshape(-1), w2.reshape(-1)


def kernel(x, edge_index, edge_weight, W, b):
    x2d = x[0]
    b2d = b.reshape(1, D)
    h = _matmul(x2d, W, b2d)
    src, dst, w = _pad_edges(edge_index[1], edge_index[0], edge_weight)
    partials = _edge_pass(h, src, dst, w)
    out = _combine(partials)
    return out[None, :, :]

# --- scband reference (transcript-rebuilt; emitter-appended) ---
"""Pipeline reference for scband-abstract-gcn-4123168604344 (READ-ONLY COPY).

The authoritative reference and input builder live on the scoring server;
editing this copy changes nothing except your own understanding.
"""

import jax, jax.numpy as jnp
import numpy as np

N = 10000
E = 320000
D = 128


def setup_inputs(seed: int = 0) -> dict:
    key = jax.random.key(seed)
    k1, k2, k3, k4 = jax.random.split(key, 4)
    # forward inputs
    x = jax.random.normal(k1, (1, N, D), dtype=jnp.float32)
    edge_index = jax.random.randint(k2, (2, E), 0, N, dtype=jnp.int32)
    edge_weight = jax.random.uniform(k3, (E,), dtype=jnp.float32)
    # learned parameters of the single subchain Linear(128 -> 128)
    W = jax.random.normal(k4, (D, D), dtype=jnp.float32) * (1.0 / np.sqrt(D))
    b = jnp.zeros((D,), dtype=jnp.float32)
    return {"x": x, "edge_index": edge_index, "edge_weight": edge_weight, "W": W, "b": b}


def reference(x, edge_index, edge_weight, W, b):
    # AbstractGCN.forward with a concrete GCN core:
    #   _forward_single_core(x, i, support) = tanh(support @ Linear(x))
    # One support matrix (COO: rows=edge_index[0], cols=edge_index[1], vals=edge_weight),
    # one subchain layer (nodes=[128,128], activation='tanh'), batch of 1 graph,
    # no residual, dropout ratio 0.0 (identity at inference).
    h = x[0]                       # [N, D] single graph in the batch
    h = h @ W.T + b                # subchain Linear
    dst = edge_index[0]
    src = edge_index[1]
    msg = h[src] * edge_weight[:, None]           # gather + scale (sparse mm gather side)
    agg = jax.ops.segment_sum(msg, dst, num_segments=N)  # scatter-add (sparse mm reduce side)
    h = jnp.tanh(agg)              # activation
    # torch.sum(torch.stack([...]), dim=0) over the single support is identity
    out = h
    # outer torch.stack over batch dimension
    return out[None, :, :]

if __name__ == "__main__":
    import jax
    _d = setup_inputs()
    print(jax.jit(kernel)(*tuple(_d.values())))

</pallas_src>

<mosaic_0001>
#map = affine_map<(d0, d1) -> (0, 0)>
#map1 = affine_map<(d0, d1) -> (0)>
#map2 = affine_map<(d0, d1) -> (0, 0, 0)>
module attributes {stable_mosaic.version = 14 : i64} {
  func.func @_edge_body(%arg0: i32, %arg1: i32, %arg2: memref<10000x128xf32, #tpu.memory_space<hbm>>, %arg3: memref<337920xi32, #tpu.memory_space<hbm>>, %arg4: memref<337920xi32, #tpu.memory_space<hbm>>, %arg5: memref<337920xf32, #tpu.memory_space<hbm>>, %arg6: memref<2x10112x128xf32, #tpu.memory_space<hbm>>, %arg7: memref<2640xi32, #tpu.memory_space<vmem>>, %arg8: memref<2640xi32, #tpu.memory_space<vmem>>, %arg9: memref<2640xi32, #tpu.memory_space<vmem>>, %arg10: memref<2640xi32, #tpu.memory_space<vmem>>, %arg11: memref<2640xf32, #tpu.memory_space<vmem>>, %arg12: memref<2640xf32, #tpu.memory_space<vmem>>, %arg13: memref<80xi32, #tpu.memory_space<vmem>>, %arg14: memref<80xi32, #tpu.memory_space<vmem>>, %arg15: memref<80xi32, #tpu.memory_space<vmem>>, %arg16: memref<80xf32, #tpu.memory_space<vmem>>, %arg17: memref<80xf32, #tpu.memory_space<vmem>>, %arg18: memref<80xf32, #tpu.memory_space<vmem>>, %arg19: memref<80x128xf32, #tpu.memory_space<vmem>>, %arg20: memref<80x128xf32, #tpu.memory_space<vmem>>, %arg21: memref<80x128xf32, #tpu.memory_space<vmem>>, %arg22: memref<8x128xf32, #tpu.memory_space<vmem>>, %arg23: memref<10112x128xf32, #tpu.memory_space<vmem_shared>>, %arg24: memref<!tpu.dma_semaphore, #tpu.memory_space<semaphore_mem>>, %arg25: memref<!tpu.dma_semaphore, #tpu.memory_space<semaphore_mem>>, %arg26: memref<!tpu.dma_semaphore, #tpu.memory_space<semaphore_mem>>, %arg27: memref<!tpu.dma_semaphore, #tpu.memory_space<semaphore_mem>>, %arg28: memref<!tpu.dma_semaphore, #tpu.memory_space<semaphore_mem>>, %arg29: memref<!tpu.dma_semaphore, #tpu.memory_space<semaphore_mem>>, %arg30: memref<!tpu.dma_semaphore, #tpu.memory_space<semaphore_mem>>) attributes {dimension_semantics = [#tpu.dimension_semantics<core_parallel>, #tpu.dimension_semantics<subcore_parallel>], iteration_bounds = array<i64: 2, 16>, scalar_prefetch = 0 : i64, scratch_operands = 24 : i64, tpu.core_type = #tpu.core_type<sc_vector_subcore>, window_params = [{transform_indices = #map}, {transform_indices = #map1}, {transform_indices = #map1}, {transform_indices = #map1}, {transform_indices = #map2}]} {
    %mul3A = arith.constant 2 : i32
    %mul3A_0 = arith.muli %arg1, %mul3A : i32
    %add3A = arith.addi %mul3A_0, %arg0 : i32
    %broadcast_in_dim3A = arith.constant 0.000000e+00 : f32
    %broadcast_in_dim3A_1 = vector.broadcast %broadcast_in_dim3A : f32 to vector<16xf32>
    %swap3A = arith.constant 0 : i32
    %swap3A_2 = arith.index_cast %swap3A : i32 to index
    %swap3A_3 = arith.constant 0 : index
    %swap3A_4 = tpu.vector_load %arg22[%swap3A_2, %swap3A_3] {strides = array<i32>} : memref<8x128xf32, #tpu.memory_space<vmem>>, vector<1x16xf32>,
    %swap3A_5 = vector.shape_cast %swap3A_4 : vector<1x16xf32> to vector<16xf32>
    %swap3A_6 = vector.shape_cast %broadcast_in_dim3A_1 : vector<16xf32> to vector<1x16xf32>
    tpu.vector_store %arg22[%swap3A_2, %swap3A_3], %swap3A_6 {strides = array<i32>} : memref<8x128xf32, #tpu.memory_space<vmem>>, vector<1x16xf32>,
    %broadcast_in_dim3A_7 = arith.constant 0.000000e+00 : f32
    %broadcast_in_dim3A_8 = vector.broadcast %broadcast_in_dim3A_7 : f32 to vector<16xf32>
    %swap3A_9 = arith.constant 0 : i32
    %swap3A_10 = arith.index_cast %swap3A_9 : i32 to index
    %swap3A_11 = arith.constant 16 : index
    %swap3A_12 = tpu.vector_load %arg22[%swap3A_10, %swap3A_11] {strides = array<i32>} : memref<8x128xf32, #tpu.memory_space<vmem>>, vector<1x16xf32>,
    %swap3A_13 = vector.shape_cast %swap3A_12 : vector<1x16xf32> to vector<16xf32>
    %swap3A_14 = vector.shape_cast %broadcast_in_dim3A_8 : vector<16xf32> to vector<1x16xf32>
    tpu.vector_store %arg22[%swap3A_10, %swap3A_11], %swap3A_14 {strides = array<i32>} : memref<8x128xf32, #tpu.memory_space<vmem>>, vector<1x16xf32>,
    %broadcast_in_dim3A_15 = arith.constant 0.000000e+00 : f32
    %broadcast_in_dim3A_16 = vector.broadcast %broadcast_in_dim3A_15 : f32 to vector<16xf32>
    %swap3A_17 = arith.constant 0 : i32
    %swap3A_18 = arith.index_cast %swap3A_17 : i32 to index
    %swap3A_19 = arith.constant 32 : index
    %swap3A_20 = tpu.vector_load %arg22[%swap3A_18, %swap3A_19] {strides = array<i32>} : memref<8x128xf32, #tpu.memory_space<vmem>>, vector<1x16xf32>,
    %swap3A_21 = vector.shape_cast %swap3A_20 : vector<1x16xf32> to vector<16xf32>
    %swap3A_22 = vector.shape_cast %broadcast_in_dim3A_16 : vector<16xf32> to vector<1x16xf32>
    tpu.vector_store %arg22[%swap3A_18, %swap3A_19], %swap3A_22 {strides = array<i32>} : memref<8x128xf32, #tpu.memory_space<vmem>>, vector<1x16xf32>,
    %broadcast_in_dim3A_23 = arith.constant 0.000000e+00 : f32
    %broadcast_in_dim3A_24 = vector.broadcast %broadcast_in_dim3A_23 : f32 to vector<16xf32>
    %swap3A_25 = arith.constant 0 : i32
    %swap3A_26 = arith.index_cast %swap3A_25 : i32 to index
    %swap3A_27 = arith.constant 48 : index
    %swap3A_28 = tpu.vector_load %arg22[%swap3A_26, %swap3A_27] {strides = array<i32>} : memref<8x128xf32, #tpu.memory_space<vmem>>, vector<1x16xf32>,
    %swap3A_29 = vector.shape_cast %swap3A_28 : vector<1x16xf32> to vector<16xf32>
    %swap3A_30 = vector.shape_cast %broadcast_in_dim3A_24 : vector<16xf32> to vector<1x16xf32>
    tpu.vector_store %arg22[%swap3A_26, %swap3A_27], %swap3A_30 {strides = array<i32>} : memref<8x128xf32, #tpu.memory_space<vmem>>, vector<1x16xf32>,
    %broadcast_in_dim3A_31 = arith.constant 0.000000e+00 : f32
    %broadcast_in_dim3A_32 = vector.broadcast %broadcast_in_dim3A_31 : f32 to vector<16xf32>
    %swap3A_33 = arith.constant 0 : i32
    %swap3A_34 = arith.index_cast %swap3A_33 : i32 to index
    %swap3A_35 = arith.constant 64 : index
    %swap3A_36 = tpu.vector_load %arg22[%swap3A_34, %swap3A_35] {strides = array<i32>} : memref<8x128xf32, #tpu.memory_space<vmem>>, vector<1x16xf32>,
    %swap3A_37 = vector.shape_cast %swap3A_36 : vector<1x16xf32> to vector<16xf32>
    %swap3A_38 = vector.shape_cast %broadcast_in_dim3A_32 : vector<16xf32> to vector<1x16xf32>
    tpu.vector_store %arg22[%swap3A_34, %swap3A_35], %swap3A_38 {strides = array<i32>} : memref<8x128xf32, #tpu.memory_space<vmem>>, vector<1x16xf32>,
    %broadcast_in_dim3A_39 = arith.constant 0.000000e+00 : f32
    %broadcast_in_dim3A_40 = vector.broadcast %broadcast_in_dim3A_39 : f32 to vector<16xf32>
    %swap3A_41 = arith.constant 0 : i32
    %swap3A_42 = arith.index_cast %swap3A_41 : i32 to index
    %swap3A_43 = arith.constant 80 : index
    %swap3A_44 = tpu.vector_load %arg22[%swap3A_42, %swap3A_43] {strides = array<i32>} : memref<8x128xf32, #tpu.memory_space<vmem>>, vector<1x16xf32>,
    %swap3A_45 = vector.shape_cast %swap3A_44 : vector<1x16xf32> to vector<16xf32>
    %swap3A_46 = vector.shape_cast %broadcast_in_dim3A_40 : vector<16xf32> to vector<1x16xf32>
    tpu.vector_store %arg22[%swap3A_42, %swap3A_43], %swap3A_46 {strides = array<i32>} : memref<8x128xf32, #tpu.memory_space<vmem>>, vector<1x16xf32>,
    %broadcast_in_dim3A_47 = arith.constant 0.000000e+00 : f32
    %broadcast_in_dim3A_48 = vector.broadcast %broadcast_in_dim3A_47 : f32 to vector<16xf32>
    %swap3A_49 = arith.constant 0 : i32
    %swap3A_50 = arith.index_cast %swap3A_49 : i32 to index
    %swap3A_51 = arith.constant 96 : index
    %swap3A_52 = tpu.vector_load %arg22[%swap3A_50, %swap3A_51] {strides = array<i32>} : memref<8x128xf32, #tpu.memory_space<vmem>>, vector<1x16xf32>,
    %swap3A_53 = vector.shape_cast %swap3A_52 : vector<1x16xf32> to vector<16xf32>
    %swap3A_54 = vector.shape_cast %broadcast_in_dim3A_48 : vector<16xf32> to vector<1x16xf32>
    tpu.vector_store %arg22[%swap3A_50, %swap3A_51], %swap3A_54 {strides = array<i32>} : memref<8x128xf32, #tpu.memory_space<vmem>>, vector<1x16xf32>,
    %broadcast_in_dim3A_55 = arith.constant 0.000000e+00 : f32
    %broadcast_in_dim3A_56 = vector.broadcast %broadcast_in_dim3A_55 : f32 to vector<16xf32>
    %swap3A_57 = arith.constant 0 : i32
    %swap3A_58 = arith.index_cast %swap3A_57 : i32 to index
    %swap3A_59 = arith.constant 112 : index
    %swap3A_60 = tpu.vector_load %arg22[%swap3A_58, %swap3A_59] {strides = array<i32>} : memref<8x128xf32, #tpu.memory_space<vmem>>, vector<1x16xf32>,
    %swap3A_61 = vector.shape_cast %swap3A_60 : vector<1x16xf32> to vector<16xf32>
    %swap3A_62 = vector.shape_cast %broadcast_in_dim3A_56 : vector<16xf32> to vector<1x16xf32>
    tpu.vector_store %arg22[%swap3A_58, %swap3A_59], %swap3A_62 {strides = array<i32>} : memref<8x128xf32, #tpu.memory_space<vmem>>, vector<1x16xf32>,
    %broadcast_in_dim3A_63 = arith.constant 0.000000e+00 : f32
    %broadcast_in_dim3A_64 = vector.broadcast %broadcast_in_dim3A_63 : f32 to vector<16xf32>
    %swap3A_65 = arith.constant 1 : i32
    %swap3A_66 = arith.index_cast %swap3A_65 : i32 to index
    %swap3A_67 = arith.constant 0 : index
    %swap3A_68 = tpu.vector_load %arg22[%swap3A_66, %swap3A_67] {strides = array<i32>} : memref<8x128xf32, #tpu.memory_space<vmem>>, vector<1x16xf32>,
    %swap3A_69 = vector.shape_cast %swap3A_68 : vector<1x16xf32> to vector<16xf32>
    %swap3A_70 = vector.shape_cast %broadcast_in_dim3A_64 : vector<16xf32> to vector<1x16xf32>
    tpu.vector_store %arg22[%swap3A_66, %swap3A_67], %swap3A_70 {strides = array<i32>} : memref<8x128xf32, #tpu.memory_space<vmem>>, vector<1x16xf32>,
    %broadcast_in_dim3A_71 = arith.constant 0.000000e+00 : f32
    %broadcast_in_dim3A_72 = vector.broadcast %broadcast_in_dim3A_71 : f32 to vector<16xf32>
    %swap3A_73 = arith.constant 1 : i32
    %swap3A_74 = arith.index_cast %swap3A_73 : i32 to index
    %swap3A_75 = arith.constant 16 : index
    %swap3A_76 = tpu.vector_load %arg22[%swap3A_74, %swap3A_75] {strides = array<i32>} : memref<8x128xf32, #tpu.memory_space<vmem>>, vector<1x16xf32>,
    %swap3A_77 = vector.shape_cast %swap3A_76 : vector<1x16xf32> to vector<16xf32>
    %swap3A_78 = vector.shape_cast %broadcast_in_dim3A_72 : vector<16xf32> to vector<1x16xf32>
    tpu.vector_store %arg22[%swap3A_74, %swap3A_75], %swap3A_78 {strides = array<i32>} : memref<8x128xf32, #tpu.memory_space<vmem>>, vector<1x16xf32>,
    %broadcast_in_dim3A_79 = arith.constant 0.000000e+00 : f32
    %broadcast_in_dim3A_80 = vector.broadcast %broadcast_in_dim3A_79 : f32 to vector<16xf32>
    %swap3A_81 = arith.constant 1 : i32
    %swap3A_82 = arith.index_cast %swap3A_81 : i32 to index
    %swap3A_83 = arith.constant 32 : index
    %swap3A_84 = tpu.vector_load %arg22[%swap3A_82, %swap3A_83] {strides = array<i32>} : memref<8x128xf32, #tpu.memory_space<vmem>>, vector<1x16xf32>,
    %swap3A_85 = vector.shape_cast %swap3A_84 : vector<1x16xf32> to vector<16xf32>
    %swap3A_86 = vector.shape_cast %broadcast_in_dim3A_80 : vector<16xf32> to vector<1x16xf32>
    tpu.vector_store %arg22[%swap3A_82, %swap3A_83], %swap3A_86 {strides = array<i32>} : memref<8x128xf32, #tpu.memory_space<vmem>>, vector<1x16xf32>,
    %broadcast_in_dim3A_87 = arith.constant 0.000000e+00 : f32
    %broadcast_in_dim3A_88 = vector.broadcast %broadcast_in_dim3A_87 : f32 to vector<16xf32>
    %swap3A_89 = arith.constant 1 : i32
    %swap3A_90 = arith.index_cast %swap3A_89 : i32 to index
    %swap3A_91 = arith.constant 48 : index
    %swap3A_92 = tpu.vector_load %arg22[%swap3A_90, %swap3A_91] {strides = array<i32>} : memref<8x128xf32, #tpu.memory_space<vmem>>, vector<1x16xf32>,
    %swap3A_93 = vector.shape_cast %swap3A_92 : vector<1x16xf32> to vector<16xf32>
    %swap3A_94 = vector.shape_cast %broadcast_in_dim3A_88 : vector<16xf32> to vector<1x16xf32>
    tpu.vector_store %arg22[%swap3A_90, %swap3A_91], %swap3A_94 {strides = array<i32>} : memref<8x128xf32, #tpu.memory_space<vmem>>, vector<1x16xf32>,
    %broadcast_in_dim3A_95 = arith.constant 0.000000e+00 : f32
    %broadcast_in_dim3A_96 = vector.broadcast %broadcast_in_dim3A_95 : f32 to vector<16xf32>
    %swap3A_97 = arith.constant 1 : i32
    %swap3A_98 = arith.index_cast %swap3A_97 : i32 to index
    %swap3A_99 = arith.constant 64 : index
    %swap3A_100 = tpu.vector_load %arg22[%swap3A_98, %swap3A_99] {strides = array<i32>} : memref<8x128xf32, #tpu.memory_space<vmem>>, vector<1x16xf32>,
    %swap3A_101 = vector.shape_cast %swap3A_100 : vector<1x16xf32> to vector<16xf32>
    %swap3A_102 = vector.shape_cast %broadcast_in_dim3A_96 : vector<16xf32> to vector<1x16xf32>
    tpu.vector_store %arg22[%swap3A_98, %swap3A_99], %swap3A_102 {strides = array<i32>} : memref<8x128xf32, #tpu.memory_space<vmem>>, vector<1x16xf32>,
    %broadcast_in_dim3A_103 = arith.constant 0.000000e+00 : f32
    %broadcast_in_dim3A_104 = vector.broadcast %broadcast_in_dim3A_103 : f32 to vector<16xf32>
    %swap3A_105 = arith.constant 1 : i32
    %swap3A_106 = arith.index_cast %swap3A_105 : i32 to index
    %swap3A_107 = arith.constant 80 : index
    %swap3A_108 = tpu.vector_load %arg22[%swap3A_106, %swap3A_107] {strides = array<i32>} : memref<8x128xf32, #tpu.memory_space<vmem>>, vector<1x16xf32>,
    %swap3A_109 = vector.shape_cast %swap3A_108 : vector<1x16xf32> to vector<16xf32>
    %swap3A_110 = vector.shape_cast %broadcast_in_dim3A_104 : vector<16xf32> to vector<1x16xf32>
    tpu.vector_store %arg22[%swap3A_106, %swap3A_107], %swap3A_110 {strides = array<i32>} : memref<8x128xf32, #tpu.memory_space<vmem>>, vector<1x16xf32>,
    %broadcast_in_dim3A_111 = arith.constant 0.000000e+00 : f32
    %broadcast_in_dim3A_112 = vector.broadcast %broadcast_in_dim3A_111 : f32 to vector<16xf32>
    %swap3A_113 = arith.constant 1 : i32
    %swap3A_114 = arith.index_cast %swap3A_113 : i32 to index
    %swap3A_115 = arith.constant 96 : index
    %swap3A_116 = tpu.vector_load %arg22[%swap3A_114, %swap3A_115] {strides = array<i32>} : memref<8x128xf32, #tpu.memory_space<vmem>>, vector<1x16xf32>,
    %swap3A_117 = vector.shape_cast %swap3A_116 : vector<1x16xf32> to vector<16xf32>
    %swap3A_118 = vector.shape_cast %broadcast_in_dim3A_112 : vector<16xf32> to vector<1x16xf32>
    tpu.vector_store %arg22[%swap3A_114, %swap3A_115], %swap3A_118 {strides = array<i32>} : memref<8x128xf32, #tpu.memory_space<vmem>>, vector<1x16xf32>,
    %broadcast_in_dim3A_119 = arith.constant 0.000000e+00 : f32
    %broadcast_in_dim3A_120 = vector.broadcast %broadcast_in_dim3A_119 : f32 to vector<16xf32>
    %swap3A_121 = arith.constant 1 : i32
    %swap3A_122 = arith.index_cast %swap3A_121 : i32 to index
    %swap3A_123 = arith.constant 112 : index
    %swap3A_124 = tpu.vector_load %arg22[%swap3A_122, %swap3A_123] {strides = array<i32>} : memref<8x128xf32, #tpu.memory_space<vmem>>, vector<1x16xf32>,
    %swap3A_125 = vector.shape_cast %swap3A_124 : vector<1x16xf32> to vector<16xf32>
    %swap3A_126 = vector.shape_cast %broadcast_in_dim3A_120 : vector<16xf32> to vector<1x16xf32>
    tpu.vector_store %arg22[%swap3A_122, %swap3A_123], %swap3A_126 {strides = array<i32>} : memref<8x128xf32, #tpu.memory_space<vmem>>, vector<1x16xf32>,
    %broadcast_in_dim3A_127 = arith.constant 0.000000e+00 : f32
    %broadcast_in_dim3A_128 = vector.broadcast %broadcast_in_dim3A_127 : f32 to vector<16xf32>
    %swap3A_129 = arith.constant 2 : i32
    %swap3A_130 = arith.index_cast %swap3A_129 : i32 to index
    %swap3A_131 = arith.constant 0 : index
    %swap3A_132 = tpu.vector_load %arg22[%swap3A_130, %swap3A_131] {strides = array<i32>} : memref<8x128xf32, #tpu.memory_space<vmem>>, vector<1x16xf32>,
    %swap3A_133 = vector.shape_cast %swap3A_132 : vector<1x16xf32> to vector<16xf32>
    %swap3A_134 = vector.shape_cast %broadcast_in_dim3A_128 : vector<16xf32> to vector<1x16xf32>
    tpu.vector_store %arg22[%swap3A_130, %swap3A_131], %swap3A_134 {strides = array<i32>} : memref<8x128xf32, #tpu.memory_space<vmem>>, vector<1x16xf32>,
    %broadcast_in_dim3A_135 = arith.constant 0.000000e+00 : f32
    %broadcast_in_dim3A_136 = vector.broadcast %broadcast_in_dim3A_135 : f32 to vector<16xf32>
    %swap3A_137 = arith.constant 2 : i32
    %swap3A_138 = arith.index_cast %swap3A_137 : i32 to index
    %swap3A_139 = arith.constant 16 : index
    %swap3A_140 = tpu.vector_load %arg22[%swap3A_138, %swap3A_139] {strides = array<i32>} : memref<8x128xf32, #tpu.memory_space<vmem>>, vector<1x16xf32>,
    %swap3A_141 = vector.shape_cast %swap3A_140 : vector<1x16xf32> to vector<16xf32>
    %swap3A_142 = vector.shape_cast %broadcast_in_dim3A_136 : vector<16xf32> to vector<1x16xf32>
    tpu.vector_store %arg22[%swap3A_138, %swap3A_139], %swap3A_142 {strides = array<i32>} : memref<8x128xf32, #tpu.memory_space<vmem>>, vector<1x16xf32>,
    %broadcast_in_dim3A_143 = arith.constant 0.000000e+00 : f32
    %broadcast_in_dim3A_144 = vector.broadcast %broadcast_in_dim3A_143 : f32 to vector<16xf32>
    %swap3A_145 = arith.constant 2 : i32
    %swap3A_146 = arith.index_cast %swap3A_145 : i32 to index
    %swap3A_147 = arith.constant 32 : index
    %swap3A_148 = tpu.vector_load %arg22[%swap3A_146, %swap3A_147] {strides = array<i32>} : memref<8x128xf32, #tpu.memory_space<vmem>>, vector<1x16xf32>,
    %swap3A_149 = vector.shape_cast %swap3A_148 : vector<1x16xf32> to vector<16xf32>
    %swap3A_150 = vector.shape_cast %broadcast_in_dim3A_144 : vector<16xf32> to vector<1x16xf32>
    tpu.vector_store %arg22[%swap3A_146, %swap3A_147], %swap3A_150 {strides = array<i32>} : memref<8x128xf32, #tpu.memory_space<vmem>>, vector<1x16xf32>,
    %broadcast_in_dim3A_151 = arith.constant 0.000000e+00 : f32
    %broadcast_in_dim3A_152 = vector.broadcast %broadcast_in_dim3A_151 : f32 to vector<16xf32>
    %swap3A_153 = arith.constant 2 : i32
    %swap3A_154 = arith.index_cast %swap3A_153 : i32 to index
    %swap3A_155 = arith.constant 48 : index
    %swap3A_156 = tpu.vector_load %arg22[%swap3A_154, %swap3A_155] {strides = array<i32>} : memref<8x128xf32, #tpu.memory_space<vmem>>, vector<1x16xf32>,
    %swap3A_157 = vector.shape_cast %swap3A_156 : vector<1x16xf32> to vector<16xf32>
    %swap3A_158 = vector.shape_cast %broadcast_in_dim3A_152 : vector<16xf32> to vector<1x16xf32>
    tpu.vector_store %arg22[%swap3A_154, %swap3A_155], %swap3A_158 {strides = array<i32>} : memref<8x128xf32, #tpu.memory_space<vmem>>, vector<1x16xf32>,
    %broadcast_in_dim3A_159 = arith.constant 0.000000e+00 : f32
    %broadcast_in_dim3A_160 = vector.broadcast %broadcast_in_dim3A_159 : f32 to vector<16xf32>
    %swap3A_161 = arith.constant 2 : i32
    %swap3A_162 = arith.index_cast %swap3A_161 : i32 to index
    %swap3A_163 = arith.constant 64 : index
    %swap3A_164 = tpu.vector_load %arg22[%swap3A_162, %swap3A_163] {strides = array<i32>} : memref<8x128xf32, #tpu.memory_space<vmem>>, vector<1x16xf32>,
    %swap3A_165 = vector.shape_cast %swap3A_164 : vector<1x16xf32> to vector<16xf32>
    %swap3A_166 = vector.shape_cast %broadcast_in_dim3A_160 : vector<16xf32> to vector<1x16xf32>
    tpu.vector_store %arg22[%swap3A_162, %swap3A_163], %swap3A_166 {strides = array<i32>} : memref<8x128xf32, #tpu.memory_space<vmem>>, vector<1x16xf32>,
    %broadcast_in_dim3A_167 = arith.constant 0.000000e+00 : f32
    %broadcast_in_dim3A_168 = vector.broadcast %broadcast_in_dim3A_167 : f32 to vector<16xf32>
    %swap3A_169 = arith.constant 2 : i32
    %swap3A_170 = arith.index_cast %swap3A_169 : i32 to index
    %swap3A_171 = arith.constant 80 : index
    %swap3A_172 = tpu.vector_load %arg22[%swap3A_170, %swap3A_171] {strides = array<i32>} : memref<8x128xf32, #tpu.memory_space<vmem>>, vector<1x16xf32>,
    %swap3A_173 = vector.shape_cast %swap3A_172 : vector<1x16xf32> to vector<16xf32>
    %swap3A_174 = vector.shape_cast %broadcast_in_dim3A_168 : vector<16xf32> to vector<1x16xf32>
    tpu.vector_store %arg22[%swap3A_170, %swap3A_171], %swap3A_174 {strides = array<i32>} : memref<8x128xf32, #tpu.memory_space<vmem>>, vector<1x16xf32>,
    %broadcast_in_dim3A_175 = arith.constant 0.000000e+00 : f32
    %broadcast_in_dim3A_176 = vector.broadcast %broadcast_in_dim3A_175 : f32 to vector<16xf32>
    %swap3A_177 = arith.constant 2 : i32
    %swap3A_178 = arith.index_cast %swap3A_177 : i32 to index
    %swap3A_179 = arith.constant 96 : index
    %swap3A_180 = tpu.vector_load %arg22[%swap3A_178, %swap3A_179] {strides = array<i32>} : memref<8x128xf32, #tpu.memory_space<vmem>>, vector<1x16xf32>,
    %swap3A_181 = vector.shape_cast %swap3A_180 : vector<1x16xf32> to vector<16xf32>
    %swap3A_182 = vector.shape_cast %broadcast_in_dim3A_176 : vector<16xf32> to vector<1x16xf32>
    tpu.vector_store %arg22[%swap3A_178, %swap3A_179], %swap3A_182 {strides = array<i32>} : memref<8x128xf32, #tpu.memory_space<vmem>>, vector<1x16xf32>,
    %broadcast_in_dim3A_183 = arith.constant 0.000000e+00 : f32
    %broadcast_in_dim3A_184 = vector.broadcast %broadcast_in_dim3A_183 : f32 to vector<16xf32>
    %swap3A_185 = arith.constant 2 : i32
    %swap3A_186 = arith.index_cast %swap3A_185 : i32 to index
    %swap3A_187 = arith.constant 112 : index
    %swap3A_188 = tpu.vector_load %arg22[%swap3A_186, %swap3A_187] {strides = array<i32>} : memref<8x128xf32, #tpu.memory_space<vmem>>, vector<1x16xf32>,
    %swap3A_189 = vector.shape_cast %swap3A_188 : vector<1x16xf32> to vector<16xf32>
    %swap3A_190 = vector.shape_cast %broadcast_in_dim3A_184 : vector<16xf32> to vector<1x16xf32>
    tpu.vector_store %arg22[%swap3A_186, %swap3A_187], %swap3A_190 {strides = array<i32>} : memref<8x128xf32, #tpu.memory_space<vmem>>, vector<1x16xf32>,
    %broadcast_in_dim3A_191 = arith.constant 0.000000e+00 : f32
    %broadcast_in_dim3A_192 = vector.broadcast %broadcast_in_dim3A_191 : f32 to vector<16xf32>
    %swap3A_193 = arith.constant 3 : i32
    %swap3A_194 = arith.index_cast %swap3A_193 : i32 to index
    %swap3A_195 = arith.constant 0 : index
    %swap3A_196 = tpu.vector_load %arg22[%swap3A_194, %swap3A_195] {strides = array<i32>} : memref<8x128xf32, #tpu.memory_space<vmem>>, vector<1x16xf32>,
    %swap3A_197 = vector.shape_cast %swap3A_196 : vector<1x16xf32> to vector<16xf32>
    %swap3A_198 = vector.shape_cast %broadcast_in_dim3A_192 : vector<16xf32> to vector<1x16xf32>
    tpu.vector_store %arg22[%swap3A_194, %swap3A_195], %swap3A_198 {strides = array<i32>} : memref<8x128xf32, #tpu.memory_space<vmem>>, vector<1x16xf32>,
    %broadcast_in_dim3A_199 = arith.constant 0.000000e+00 : f32
    %broadcast_in_dim3A_200 = vector.broadcast %broadcast_in_dim3A_199 : f32 to vector<16xf32>
    %swap3A_201 = arith.constant 3 : i32
    %swap3A_202 = arith.index_cast %swap3A_201 : i32 to index
    %swap3A_203 = arith.constant 16 : index
    %swap3A_204 = tpu.vector_load %arg22[%swap3A_202, %swap3A_203] {strides = array<i32>} : memref<8x128xf32, #tpu.memory_space<vmem>>, vector<1x16xf32>,
    %swap3A_205 = vector.shape_cast %swap3A_204 : vector<1x16xf32> to vector<16xf32>
    %swap3A_206 = vector.shape_cast %broadcast_in_dim3A_200 : vector<16xf32> to vector<1x16xf32>
    tpu.vector_store %arg22[%swap3A_202, %swap3A_203], %swap3A_206 {strides = array<i32>} : memref<8x128xf32, #tpu.memory_space<vmem>>, vector<1x16xf32>,
    %broadcast_in_dim3A_207 = arith.constant 0.000000e+00 : f32
    %broadcast_in_dim3A_208 = vector.broadcast %broadcast_in_dim3A_207 : f32 to vector<16xf32>
    %swap3A_209 = arith.constant 3 : i32
    %swap3A_210 = arith.index_cast %swap3A_209 : i32 to index
    %swap3A_211 = arith.constant 32 : index
    %swap3A_212 = tpu.vector_load %arg22[%swap3A_210, %swap3A_211] {strides = array<i32>} : memref<8x128xf32, #tpu.memory_space<vmem>>, vector<1x16xf32>,
    %swap3A_213 = vector.shape_cast %swap3A_212 : vector<1x16xf32> to vector<16xf32>
    %swap3A_214 = vector.shape_cast %broadcast_in_dim3A_208 : vector<16xf32> to vector<1x16xf32>
    tpu.vector_store %arg22[%swap3A_210, %swap3A_211], %swap3A_214 {strides = array<i32>} : memref<8x128xf32, #tpu.memory_space<vmem>>, vector<1x16xf32>,
    %broadcast_in_dim3A_215 = arith.constant 0.000000e+00 : f32
    %broadcast_in_dim3A_216 = vector.broadcast %broadcast_in_dim3A_215 : f32 to vector<16xf32>
    %swap3A_217 = arith.constant 3 : i32
    %swap3A_218 = arith.index_cast %swap3A_217 : i32 to index
    %swap3A_219 = arith.constant 48 : index
    %swap3A_220 = tpu.vector_load %arg22[%swap3A_218, %swap3A_219] {strides = array<i32>} : memref<8x128xf32, #tpu.memory_space<vmem>>, vector<1x16xf32>,
    %swap3A_221 = vector.shape_cast %swap3A_220 : vector<1x16xf32> to vector<16xf32>
    %swap3A_222 = vector.shape_cast %broadcast_in_dim3A_216 : vector<16xf32> to vector<1x16xf32>
    tpu.vector_store %arg22[%swap3A_218, %swap3A_219], %swap3A_222 {strides = array<i32>} : memref<8x128xf32, #tpu.memory_space<vmem>>, vector<1x16xf32>,
    %broadcast_in_dim3A_223 = arith.constant 0.000000e+00 : f32
    %broadcast_in_dim3A_224 = vector.broadcast %broadcast_in_dim3A_223 : f32 to vector<16xf32>
    %swap3A_225 = arith.constant 3 : i32
    %swap3A_226 = arith.index_cast %swap3A_225 : i32 to index
    %swap3A_227 = arith.constant 64 : index
    %swap3A_228 = tpu.vector_load %arg22[%swap3A_226, %swap3A_227] {strides = array<i32>} : memref<8x128xf32, #tpu.memory_space<vmem>>, vector<1x16xf32>,
    %swap3A_229 = vector.shape_cast %swap3A_228 : vector<1x16xf32> to vector<16xf32>
    %swap3A_230 = vector.shape_cast %broadcast_in_dim3A_224 : vector<16xf32> to vector<1x16xf32>
    tpu.vector_store %arg22[%swap3A_226, %swap3A_227], %swap3A_230 {strides = array<i32>} : memref<8x128xf32, #tpu.memory_space<vmem>>, vector<1x16xf32>,
    %broadcast_in_dim3A_231 = arith.constant 0.000000e+00 : f32
    %broadcast_in_dim3A_232 = vector.broadcast %broadcast_in_dim3A_231 : f32 to vector<16xf32>
    %swap3A_233 = arith.constant 3 : i32
    %swap3A_234 = arith.index_cast %swap3A_233 : i32 to index
    %swap3A_235 = arith.constant 80 : index
    %swap3A_236 = tpu.vector_load %arg22[%swap3A_234, %swap3A_235] {strides = array<i32>} : memref<8x128xf32, #tpu.memory_space<vmem>>, vector<1x16xf32>,
    %swap3A_237 = vector.shape_cast %swap3A_236 : vector<1x16xf32> to vector<16xf32>
    %swap3A_238 = vector.shape_cast %broadcast_in_dim3A_232 : vector<16xf32> to vector<1x16xf32>
    tpu.vector_store %arg22[%swap3A_234, %swap3A_235], %swap3A_238 {strides = array<i32>} : memref<8x128xf32, #tpu.memory_space<vmem>>, vector<1x16xf32>,
    %broadcast_in_dim3A_239 = arith.constant 0.000000e+00 : f32
    %broadcast_in_dim3A_240 = vector.broadcast %broadcast_in_dim3A_239 : f32 to vector<16xf32>
    %swap3A_241 = arith.constant 3 : i32
    %swap3A_242 = arith.index_cast %swap3A_241 : i32 to index
    %swap3A_243 = arith.constant 96 : index
    %swap3A_244 = tpu.vector_load %arg22[%swap3A_242, %swap3A_243] {strides = array<i32>} : memref<8x128xf32, #tpu.memory_space<vmem>>, vector<1x16xf32>,
    %swap3A_245 = vector.shape_cast %swap3A_244 : vector<1x16xf32> to vector<16xf32>
    %swap3A_246 = vector.shape_cast %broadcast_in_dim3A_240 : vector<16xf32> to vector<1x16xf32>
    tpu.vector_store %arg22[%swap3A_242, %swap3A_243], %swap3A_246 {strides = array<i32>} : memref<8x128xf32, #tpu.memory_space<vmem>>, vector<1x16xf32>,
    %broadcast_in_dim3A_247 = arith.constant 0.000000e+00 : f32
    %broadcast_in_dim3A_248 = vector.broadcast %broadcast_in_dim3A_247 : f32 to vector<16xf32>
    %swap3A_249 = arith.constant 3 : i32
    %swap3A_250 = arith.index_cast %swap3A_249 : i32 to index
    %swap3A_251 = arith.constant 112 : index
    %swap3A_252 = tpu.vector_load %arg22[%swap3A_250, %swap3A_251] {strides = array<i32>} : memref<8x128xf32, #tpu.memory_space<vmem>>, vector<1x16xf32>,
    %swap3A_253 = vector.shape_cast %swap3A_252 : vector<1x16xf32> to vector<16xf32>
    %swap3A_254 = vector.shape_cast %broadcast_in_dim3A_248 : vector<16xf32> to vector<1x16xf32>
    tpu.vector_store %arg22[%swap3A_250, %swap3A_251], %swap3A_254 {strides = array<i32>} : memref<8x128xf32, #tpu.memory_space<vmem>>, vector<1x16xf32>,
    %broadcast_in_dim3A_255 = arith.constant 0.000000e+00 : f32
    %broadcast_in_dim3A_256 = vector.broadcast %broadcast_in_dim3A_255 : f32 to vector<16xf32>
    %swap3A_257 = arith.constant 4 : i32
    %swap3A_258 = arith.index_cast %swap3A_257 : i32 to index
    %swap3A_259 = arith.constant 0 : index
    %swap3A_260 = tpu.vector_load %arg22[%swap3A_258, %swap3A_259] {strides = array<i32>} : memref<8x128xf32, #tpu.memory_space<vmem>>, vector<1x16xf32>,
    %swap3A_261 = vector.shape_cast %swap3A_260 : vector<1x16xf32> to vector<16xf32>
    %swap3A_262 = vector.shape_cast %broadcast_in_dim3A_256 : vector<16xf32> to vector<1x16xf32>
    tpu.vector_store %arg22[%swap3A_258, %swap3A_259], %swap3A_262 {strides = array<i32>} : memref<8x128xf32, #tpu.memory_space<vmem>>, vector<1x16xf32>,
    %broadcast_in_dim3A_263 = arith.constant 0.000000e+00 : f32
    %broadcast_in_dim3A_264 = vector.broadcast %broadcast_in_dim3A_263 : f32 to vector<16xf32>
    %swap3A_265 = arith.constant 4 : i32
    %swap3A_266 = arith.index_cast %swap3A_265 : i32 to index
    %swap3A_267 = arith.constant 16 : index
    %swap3A_268 = tpu.vector_load %arg22[%swap3A_266, %swap3A_267] {strides = array<i32>} : memref<8x128xf32, #tpu.memory_space<vmem>>, vector<1x16xf32>,
    %swap3A_269 = vector.shape_cast %swap3A_268 : vector<1x16xf32> to vector<16xf32>
    %swap3A_270 = vector.shape_cast %broadcast_in_dim3A_264 : vector<16xf32> to vector<1x16xf32>
    tpu.vector_store %arg22[%swap3A_266, %swap3A_267], %swap3A_270 {strides = array<i32>} : memref<8x128xf32, #tpu.memory_space<vmem>>, vector<1x16xf32>,
    %broadcast_in_dim3A_271 = arith.constant 0.000000e+00 : f32
    %broadcast_in_dim3A_272 = vector.broadcast %broadcast_in_dim3A_271 : f32 to vector<16xf32>
    %swap3A_273 = arith.constant 4 : i32
    %swap3A_274 = arith.index_cast %swap3A_273 : i32 to index
    %swap3A_275 = arith.constant 32 : index
    %swap3A_276 = tpu.vector_load %arg22[%swap3A_274, %swap3A_275] {strides = array<i32>} : memref<8x128xf32, #tpu.memory_space<vmem>>, vector<1x16xf32>,
    %swap3A_277 = vector.shape_cast %swap3A_276 : vector<1x16xf32> to vector<16xf32>
    %swap3A_278 = vector.shape_cast %broadcast_in_dim3A_272 : vector<16xf32> to vector<1x16xf32>
    tpu.vector_store %arg22[%swap3A_274, %swap3A_275], %swap3A_278 {strides = array<i32>} : memref<8x128xf32, #tpu.memory_space<vmem>>, vector<1x16xf32>,
    %broadcast_in_dim3A_279 = arith.constant 0.000000e+00 : f32
    %broadcast_in_dim3A_280 = vector.broadcast %broadcast_in_dim3A_279 : f32 to vector<16xf32>
    %swap3A_281 = arith.constant 4 : i32
    %swap3A_282 = arith.index_cast %swap3A_281 : i32 to index
    %swap3A_283 = arith.constant 48 : index
    %swap3A_284 = tpu.vector_load %arg22[%swap3A_282, %swap3A_283] {strides = array<i32>} : memref<8x128xf32, #tpu.memory_space<vmem>>, vector<1x16xf32>,
    %swap3A_285 = vector.shape_cast %swap3A_284 : vector<1x16xf32> to vector<16xf32>
    %swap3A_286 = vector.shape_cast %broadcast_in_dim3A_280 : vector<16xf32> to vector<1x16xf32>
    tpu.vector_store %arg22[%swap3A_282, %swap3A_283], %swap3A_286 {strides = array<i32>} : memref<8x128xf32, #tpu.memory_space<vmem>>, vector<1x16xf32>,
    %broadcast_in_dim3A_287 = arith.constant 0.000000e+00 : f32
    %broadcast_in_dim3A_288 = vector.broadcast %broadcast_in_dim3A_287 : f32 to vector<16xf32>
    %swap3A_289 = arith.constant 4 : i32
    %swap3A_290 = arith.index_cast %swap3A_289 : i32 to index
    %swap3A_291 = arith.constant 64 : index
    %swap3A_292 = tpu.vector_load %arg22[%swap3A_290, %swap3A_291] {strides = array<i32>} : memref<8x128xf32, #tpu.memory_space<vmem>>, vector<1x16xf32>,
    %swap3A_293 = vector.shape_cast %swap3A_292 : vector<1x16xf32> to vector<16xf32>
    %swap3A_294 = vector.shape_cast %broadcast_in_dim3A_288 : vector<16xf32> to vector<1x16xf32>
    tpu.vector_store %arg22[%swap3A_290, %swap3A_291], %swap3A_294 {strides = array<i32>} : memref<8x128xf32, #tpu.memory_space<vmem>>, vector<1x16xf32>,
    %broadcast_in_dim3A_295 = arith.constant 0.000000e+00 : f32
    %broadcast_in_dim3A_296 = vector.broadcast %broadcast_in_dim3A_295 : f32 to vector<16xf32>
    %swap3A_297 = arith.constant 4 : i32
    %swap3A_298 = arith.index_cast %swap3A_297 : i32 to index
    %swap3A_299 = arith.constant 80 : index
    %swap3A_300 = tpu.vector_load %arg22[%swap3A_298, %swap3A_299] {strides = array<i32>} : memref<8x128xf32, #tpu.memory_space<vmem>>, vector<1x16xf32>,
    %swap3A_301 = vector.shape_cast %swap3A_300 : vector<1x16xf32> to vector<16xf32>
    %swap3A_302 = vector.shape_cast %broadcast_in_dim3A_296 : vector<16xf32> to vector<1x16xf32>
    tpu.vector_store %arg22[%swap3A_298, %swap3A_299], %swap3A_302 {strides = array<i32>} : memref<8x128xf32, #tpu.memory_space<vmem>>, vector<1x16xf32>,
    %broadcast_in_dim3A_303 = arith.constant 0.000000e+00 : f32
    %broadcast_in_dim3A_304 = vector.broadcast %broadcast_in_dim3A_303 : f32 to vector<16xf32>
    %swap3A_305 = arith.constant 4 : i32
    %swap3A_306 = arith.index_cast %swap3A_305 : i32 to index
    %swap3A_307 = arith.constant 96 : index
    %swap3A_308 = tpu.vector_load %arg22[%swap3A_306, %swap3A_307] {strides = array<i32>} : memref<8x128xf32, #tpu.memory_space<vmem>>, vector<1x16xf32>,
    %swap3A_309 = vector.shape_cast %swap3A_308 : vector<1x16xf32> to vector<16xf32>
    %swap3A_310 = vector.shape_cast %broadcast_in_dim3A_304 : vector<16xf32> to vector<1x16xf32>
    tpu.vector_store %arg22[%swap3A_306, %swap3A_307], %swap3A_310 {strides = array<i32>} : memref<8x128xf32, #tpu.memory_space<vmem>>, vector<1x16xf32>,
    %broadcast_in_dim3A_311 = arith.constant 0.000000e+00 : f32
    %broadcast_in_dim3A_312 = vector.broadcast %broadcast_in_dim3A_311 : f32 to vector<16xf32>
    %swap3A_313 = arith.constant 4 : i32
    %swap3A_314 = arith.index_cast %swap3A_313 : i32 to index
    %swap3A_315 = arith.constant 112 : index
    %swap3A_316 = tpu.vector_load %arg22[%swap3A_314, %swap3A_315] {strides = array<i32>} : memref<8x128xf32, #tpu.memory_space<vmem>>, vector<1x16xf32>,
    %swap3A_317 = vector.shape_cast %swap3A_316 : vector<1x16xf32> to vector<16xf32>
    %swap3A_318 = vector.shape_cast %broadcast_in_dim3A_312 : vector<16xf32> to vector<1x16xf32>
    tpu.vector_store %arg22[%swap3A_314, %swap3A_315], %swap3A_318 {strides = array<i32>} : memref<8x128xf32, #tpu.memory_space<vmem>>, vector<1x16xf32>,
    %broadcast_in_dim3A_319 = arith.constant 0.000000e+00 : f32
    %broadcast_in_dim3A_320 = vector.broadcast %broadcast_in_dim3A_319 : f32 to vector<16xf32>
    %swap3A_321 = arith.constant 5 : i32
    %swap3A_322 = arith.index_cast %swap3A_321 : i32 to index
    %swap3A_323 = arith.constant 0 : index
    %swap3A_324 = tpu.vector_load %arg22[%swap3A_322, %swap3A_323] {strides = array<i32>} : memref<8x128xf32, #tpu.memory_space<vmem>>, vector<1x16xf32>,
    %swap3A_325 = vector.shape_cast %swap3A_324 : vector<1x16xf32> to vector<16xf32>
    %swap3A_326 = vector.shape_cast %broadcast_in_dim3A_320 : vector<16xf32> to vector<1x16xf32>
    tpu.vector_store %arg22[%swap3A_322, %swap3A_323], %swap3A_326 {strides = array<i32>} : memref<8x128xf32, #tpu.memory_space<vmem>>, vector<1x16xf32>,
    %broadcast_in_dim3A_327 = arith.constant 0.000000e+00 : f32
    %broadcast_in_dim3A_328 = vector.broadcast %broadcast_in_dim3A_327 : f32 to vector<16xf32>
    %swap3A_329 = arith.constant 5 : i32
    %swap3A_330 = arith.index_cast %swap3A_329 : i32 to index
    %swap3A_331 = arith.constant 16 : index
    %swap3A_332 = tpu.vector_load %arg22[%swap3A_330, %swap3A_331] {strides = array<i32>} : memref<8x128xf32, #tpu.memory_space<vmem>>, vector<1x16xf32>,
    %swap3A_333 = vector.shape_cast %swap3A_332 : vector<1x16xf32> to vector<16xf32>
    %swap3A_334 = vector.shape_cast %broadcast_in_dim3A_328 : vector<16xf32> to vector<1x16xf32>
    tpu.vector_store %arg22[%swap3A_330, %swap3A_331], %swap3A_334 {strides = array<i32>} : memref<8x128xf32, #tpu.memory_space<vmem>>, vector<1x16xf32>,
    %broadcast_in_dim3A_335 = arith.constant 0.000000e+00 : f32
    %broadcast_in_dim3A_336 = vector.broadcast %broadcast_in_dim3A_335 : f32 to vector<16xf32>
    %swap3A_337 = arith.constant 5 : i32
    %swap3A_338 = arith.index_cast %swap3A_337 : i32 to index
    %swap3A_339 = arith.constant 32 : index
    %swap3A_340 = tpu.vector_load %arg22[%swap3A_338, %swap3A_339] {strides = array<i32>} : memref<8x128xf32, #tpu.memory_space<vmem>>, vector<1x16xf32>,
    %swap3A_341 = vector.shape_cast %swap3A_340 : vector<1x16xf32> to vector<16xf32>
    %swap3A_342 = vector.shape_cast %broadcast_in_dim3A_336 : vector<16xf32> to vector<1x16xf32>
    tpu.vector_store %arg22[%swap3A_338, %swap3A_339], %swap3A_342 {strides = array<i32>} : memref<8x128xf32, #tpu.memory_space<vmem>>, vector<1x16xf32>,
    %broadcast_in_dim3A_343 = arith.constant 0.000000e+00 : f32
    %broadcast_in_dim3A_344 = vector.broadcast %broadcast_in_dim3A_343 : f32 to vector<16xf32>
    %swap3A_345 = arith.constant 5 : i32
    %swap3A_346 = arith.index_cast %swap3A_345 : i32 to index
    %swap3A_347 = arith.constant 48 : index
    %swap3A_348 = tpu.vector_load %arg22[%swap3A_346, %swap3A_347] {strides = array<i32>} : memref<8x128xf32, #tpu.memory_space<vmem>>, vector<1x16xf32>,
    %swap3A_349 = vector.shape_cast %swap3A_348 : vector<1x16xf32> to vector<16xf32>
    %swap3A_350 = vector.shape_cast %broadcast_in_dim3A_344 : vector<16xf32> to vector<1x16xf32>
    tpu.vector_store %arg22[%swap3A_346, %swap3A_347], %swap3A_350 {strides = array<i32>} : memref<8x128xf32, #tpu.memory_space<vmem>>, vector<1x16xf32>,
    %broadcast_in_dim3A_351 = arith.constant 0.000000e+00 : f32
    %broadcast_in_dim3A_352 = vector.broadcast %broadcast_in_dim3A_351 : f32 to vector<16xf32>
    %swap3A_353 = arith.constant 5 : i32
    %swap3A_354 = arith.index_cast %swap3A_353 : i32 to index
    %swap3A_355 = arith.constant 64 : index
    %swap3A_356 = tpu.vector_load %arg22[%swap3A_354, %swap3A_355] {strides = array<i32>} : memref<8x128xf32, #tpu.memory_space<vmem>>, vector<1x16xf32>,
    %swap3A_357 = vector.shape_cast %swap3A_356 : vector<1x16xf32> to vector<16xf32>
    %swap3A_358 = vector.shape_cast %broadcast_in_dim3A_352 : vector<16xf32> to vector<1x16xf32>
    tpu.vector_store %arg22[%swap3A_354, %swap3A_355], %swap3A_358 {strides = array<i32>} : memref<8x128xf32, #tpu.memory_space<vmem>>, vector<1x16xf32>,
    %broadcast_in_dim3A_359 = arith.constant 0.000000e+00 : f32
    %broadcast_in_dim3A_360 = vector.broadcast %broadcast_in_dim3A_359 : f32 to vector<16xf32>
    %swap3A_361 = arith.constant 5 : i32
    %swap3A_362 = arith.index_cast %swap3A_361 : i32 to index
    %swap3A_363 = arith.constant 80 : index
    %swap3A_364 = tpu.vector_load %arg22[%swap3A_362, %swap3A_363] {strides = array<i32>} : memref<8x128xf32, #tpu.memory_space<vmem>>, vector<1x16xf32>,
    %swap3A_365 = vector.shape_cast %swap3A_364 : vector<1x16xf32> to vector<16xf32>
    %swap3A_366 = vector.shape_cast %broadcast_in_dim3A_360 : vector<16xf32> to vector<1x16xf32>
    tpu.vector_store %arg22[%swap3A_362, %swap3A_363], %swap3A_366 {strides = array<i32>} : memref<8x128xf32, #tpu.memory_space<vmem>>, vector<1x16xf32>,
    %broadcast_in_dim3A_367 = arith.constant 0.000000e+00 : f32
    %broadcast_in_dim3A_368 = vector.broadcast %broadcast_in_dim3A_367 : f32 to vector<16xf32>
    %swap3A_369 = arith.constant 5 : i32
    %swap3A_370 = arith.index_cast %swap3A_369 : i32 to index
    %swap3A_371 = arith.constant 96 : index
    %swap3A_372 = tpu.vector_load %arg22[%swap3A_370, %swap3A_371] {strides = array<i32>} : memref<8x128xf32, #tpu.memory_space<vmem>>, vector<1x16xf32>,
    %swap3A_373 = vector.shape_cast %swap3A_372 : vector<1x16xf32> to vector<16xf32>
    %swap3A_374 = vector.shape_cast %broadcast_in_dim3A_368 : vector<16xf32> to vector<1x16xf32>
    tpu.vector_store %arg22[%swap3A_370, %swap3A_371], %swap3A_374 {strides = array<i32>} : memref<8x128xf32, #tpu.memory_space<vmem>>, vector<1x16xf32>,
    %broadcast_in_dim3A_375 = arith.constant 0.000000e+00 : f32
    %broadcast_in_dim3A_376 = vector.broadcast %broadcast_in_dim3A_375 : f32 to vector<16xf32>
    %swap3A_377 = arith.constant 5 : i32
    %swap3A_378 = arith.index_cast %swap3A_377 : i32 to index
    %swap3A_379 = arith.constant 112 : index
    %swap3A_380 = tpu.vector_load %arg22[%swap3A_378, %swap3A_379] {strides = array<i32>} : memref<8x128xf32, #tpu.memory_space<vmem>>, vector<1x16xf32>,
    %swap3A_381 = vector.shape_cast %swap3A_380 : vector<1x16xf32> to vector<16xf32>
    %swap3A_382 = vector.shape_cast %broadcast_in_dim3A_376 : vector<16xf32> to vector<1x16xf32>
    tpu.vector_store %arg22[%swap3A_378, %swap3A_379], %swap3A_382 {strides = array<i32>} : memref<8x128xf32, #tpu.memory_space<vmem>>, vector<1x16xf32>,
    %broadcast_in_dim3A_383 = arith.constant 0.000000e+00 : f32
    %broadcast_in_dim3A_384 = vector.broadcast %broadcast_in_dim3A_383 : f32 to vector<16xf32>
    %swap3A_385 = arith.constant 6 : i32
    %swap3A_386 = arith.index_cast %swap3A_385 : i32 to index
    %swap3A_387 = arith.constant 0 : index
    %swap3A_388 = tpu.vector_load %arg22[%swap3A_386, %swap3A_387] {strides = array<i32>} : memref<8x128xf32, #tpu.memory_space<vmem>>, vector<1x16xf32>,
    %swap3A_389 = vector.shape_cast %swap3A_388 : vector<1x16xf32> to vector<16xf32>
    %swap3A_390 = vector.shape_cast %broadcast_in_dim3A_384 : vector<16xf32> to vector<1x16xf32>
    tpu.vector_store %arg22[%swap3A_386, %swap3A_387], %swap3A_390 {strides = array<i32>} : memref<8x128xf32, #tpu.memory_space<vmem>>, vector<1x16xf32>,
    %broadcast_in_dim3A_391 = arith.constant 0.000000e+00 : f32
    %broadcast_in_dim3A_392 = vector.broadcast %broadcast_in_dim3A_391 : f32 to vector<16xf32>
    %swap3A_393 = arith.constant 6 : i32
    %swap3A_394 = arith.index_cast %swap3A_393 : i32 to index
    %swap3A_395 = arith.constant 16 : index
    %swap3A_396 = tpu.vector_load %arg22[%swap3A_394, %swap3A_395] {strides = array<i32>} : memref<8x128xf32, #tpu.memory_space<vmem>>, vector<1x16xf32>,
    %swap3A_397 = vector.shape_cast %swap3A_396 : vector<1x16xf32> to vector<16xf32>
    %swap3A_398 = vector.shape_cast %broadcast_in_dim3A_392 : vector<16xf32> to vector<1x16xf32>
    tpu.vector_store %arg22[%swap3A_394, %swap3A_395], %swap3A_398 {strides = array<i32>} : memref<8x128xf32, #tpu.memory_space<vmem>>, vector<1x16xf32>,
    %broadcast_in_dim3A_399 = arith.constant 0.000000e+00 : f32
    %broadcast_in_dim3A_400 = vector.broadcast %broadcast_in_dim3A_399 : f32 to vector<16xf32>
    %swap3A_401 = arith.constant 6 : i32
    %swap3A_402 = arith.index_cast %swap3A_401 : i32 to index
    %swap3A_403 = arith.constant 32 : index
    %swap3A_404 = tpu.vector_load %arg22[%swap3A_402, %swap3A_403] {strides = array<i32>} : memref<8x128xf32, #tpu.memory_space<vmem>>, vector<1x16xf32>,
    %swap3A_405 = vector.shape_cast %swap3A_404 : vector<1x16xf32> to vector<16xf32>
    %swap3A_406 = vector.shape_cast %broadcast_in_dim3A_400 : vector<16xf32> to vector<1x16xf32>
    tpu.vector_store %arg22[%swap3A_402, %swap3A_403], %swap3A_406 {strides = array<i32>} : memref<8x128xf32, #tpu.memory_space<vmem>>, vector<1x16xf32>,
    %broadcast_in_dim3A_407 = arith.constant 0.000000e+00 : f32
    %broadcast_in_dim3A_408 = vector.broadcast %broadcast_in_dim3A_407 : f32 to vector<16xf32>
    %swap3A_409 = arith.constant 6 : i32
    %swap3A_410 = arith.index_cast %swap3A_409 : i32 to index
    %swap3A_411 = arith.constant 48 : index
    %swap3A_412 = tpu.vector_load %arg22[%swap3A_410, %swap3A_411] {strides = array<i32>} : memref<8x128xf32, #tpu.memory_space<vmem>>, vector<1x16xf32>,
    %swap3A_413 = vector.shape_cast %swap3A_412 : vector<1x16xf32> to vector<16xf32>
    %swap3A_414 = vector.shape_cast %broadcast_in_dim3A_408 : vector<16xf32> to vector<1x16xf32>
    tpu.vector_store %arg22[%swap3A_410, %swap3A_411], %swap3A_414 {strides = array<i32>} : memref<8x128xf32, #tpu.memory_space<vmem>>, vector<1x16xf32>,
    %broadcast_in_dim3A_415 = arith.constant 0.000000e+00 : f32
    %broadcast_in_dim3A_416 = vector.broadcast %broadcast_in_dim3A_415 : f32 to vector<16xf32>
    %swap3A_417 = arith.constant 6 : i32
    %swap3A_418 = arith.index_cast %swap3A_417 : i32 to index
    %swap3A_419 = arith.constant 64 : index
    %swap3A_420 = tpu.vector_load %arg22[%swap3A_418, %swap3A_419] {strides = array<i32>} : memref<8x128xf32, #tpu.memory_space<vmem>>, vector<1x16xf32>,
    %swap3A_421 = vector.shape_cast %swap3A_420 : vector<1x16xf32> to vector<16xf32>
    %swap3A_422 = vector.shape_cast %broadcast_in_dim3A_416 : vector<16xf32> to vector<1x16xf32>
    tpu.vector_store %arg22[%swap3A_418, %swap3A_419], %swap3A_422 {strides = array<i32>} : memref<8x128xf32, #tpu.memory_space<vmem>>, vector<1x16xf32>,
    %broadcast_in_dim3A_423 = arith.constant 0.000000e+00 : f32
    %broadcast_in_dim3A_424 = vector.broadcast %broadcast_in_dim3A_423 : f32 to vector<16xf32>
    %swap3A_425 = arith.constant 6 : i32
    %swap3A_426 = arith.index_cast %swap3A_425 : i32 to index
    %swap3A_427 = arith.constant 80 : index
    %swap3A_428 = tpu.vector_load %arg22[%swap3A_426, %swap3A_427] {strides = array<i32>} : memref<8x128xf32, #tpu.memory_space<vmem>>, vector<1x16xf32>,
    %swap3A_429 = vector.shape_cast %swap3A_428 : vector<1x16xf32> to vector<16xf32>
    %swap3A_430 = vector.shape_cast %broadcast_in_dim3A_424 : vector<16xf32> to vector<1x16xf32>
    tpu.vector_store %arg22[%swap3A_426, %swap3A_427], %swap3A_430 {strides = array<i32>} : memref<8x128xf32, #tpu.memory_space<vmem>>, vector<1x16xf32>,
    %broadcast_in_dim3A_431 = arith.constant 0.000000e+00 : f32
    %broadcast_in_dim3A_432 = vector.broadcast %broadcast_in_dim3A_431 : f32 to vector<16xf32>
    %swap3A_433 = arith.constant 6 : i32
    %swap3A_434 = arith.index_cast %swap3A_433 : i32 to index
    %swap3A_435 = arith.constant 96 : index
    %swap3A_436 = tpu.vector_load %arg22[%swap3A_434, %swap3A_435] {strides = array<i32>} : memref<8x128xf32, #tpu.memory_space<vmem>>, vector<1x16xf32>,
    %swap3A_437 = vector.shape_cast %swap3A_436 : vector<1x16xf32> to vector<16xf32>
    %swap3A_438 = vector.shape_cast %broadcast_in_dim3A_432 : vector<16xf32> to vector<1x16xf32>
    tpu.vector_store %arg22[%swap3A_434, %swap3A_435], %swap3A_438 {strides = array<i32>} : memref<8x128xf32, #tpu.memory_space<vmem>>, vector<1x16xf32>,
    %broadcast_in_dim3A_439 = arith.constant 0.000000e+00 : f32
    %broadcast_in_dim3A_440 = vector.broadcast %broadcast_in_dim3A_439 : f32 to vector<16xf32>
    %swap3A_441 = arith.constant 6 : i32
    %swap3A_442 = arith.index_cast %swap3A_441 : i32 to index
    %swap3A_443 = arith.constant 112 : index
    %swap3A_444 = tpu.vector_load %arg22[%swap3A_442, %swap3A_443] {strides = array<i32>} : memref<8x128xf32, #tpu.memory_space<vmem>>, vector<1x16xf32>,
    %swap3A_445 = vector.shape_cast %swap3A_444 : vector<1x16xf32> to vector<16xf32>
    %swap3A_446 = vector.shape_cast %broadcast_in_dim3A_440 : vector<16xf32> to vector<1x16xf32>
    tpu.vector_store %arg22[%swap3A_442, %swap3A_443], %swap3A_446 {strides = array<i32>} : memref<8x128xf32, #tpu.memory_space<vmem>>, vector<1x16xf32>,
    %broadcast_in_dim3A_447 = arith.constant 0.000000e+00 : f32
    %broadcast_in_dim3A_448 = vector.broadcast %broadcast_in_dim3A_447 : f32 to vector<16xf32>
    %swap3A_449 = arith.constant 7 : i32
    %swap3A_450 = arith.index_cast %swap3A_449 : i32 to index
    %swap3A_451 = arith.constant 0 : index
    %swap3A_452 = tpu.vector_load %arg22[%swap3A_450, %swap3A_451] {strides = array<i32>} : memref<8x128xf32, #tpu.memory_space<vmem>>, vector<1x16xf32>,
    %swap3A_453 = vector.shape_cast %swap3A_452 : vector<1x16xf32> to vector<16xf32>
    %swap3A_454 = vector.shape_cast %broadcast_in_dim3A_448 : vector<16xf32> to vector<1x16xf32>
    tpu.vector_store %arg22[%swap3A_450, %swap3A_451], %swap3A_454 {strides = array<i32>} : memref<8x128xf32, #tpu.memory_space<vmem>>, vector<1x16xf32>,
    %broadcast_in_dim3A_455 = arith.constant 0.000000e+00 : f32
    %broadcast_in_dim3A_456 = vector.broadcast %broadcast_in_dim3A_455 : f32 to vector<16xf32>
    %swap3A_457 = arith.constant 7 : i32
    %swap3A_458 = arith.index_cast %swap3A_457 : i32 to index
    %swap3A_459 = arith.constant 16 : index
    %swap3A_460 = tpu.vector_load %arg22[%swap3A_458, %swap3A_459] {strides = array<i32>} : memref<8x128xf32, #tpu.memory_space<vmem>>, vector<1x16xf32>,
    %swap3A_461 = vector.shape_cast %swap3A_460 : vector<1x16xf32> to vector<16xf32>
    %swap3A_462 = vector.shape_cast %broadcast_in_dim3A_456 : vector<16xf32> to vector<1x16xf32>
    tpu.vector_store %arg22[%swap3A_458, %swap3A_459], %swap3A_462 {strides = array<i32>} : memref<8x128xf32, #tpu.memory_space<vmem>>, vector<1x16xf32>,
    %broadcast_in_dim3A_463 = arith.constant 0.000000e+00 : f32
    %broadcast_in_dim3A_464 = vector.broadcast %broadcast_in_dim3A_463 : f32 to vector<16xf32>
    %swap3A_465 = arith.constant 7 : i32
    %swap3A_466 = arith.index_cast %swap3A_465 : i32 to index
    %swap3A_467 = arith.constant 32 : index
    %swap3A_468 = tpu.vector_load %arg22[%swap3A_466, %swap3A_467] {strides = array<i32>} : memref<8x128xf32, #tpu.memory_space<vmem>>, vector<1x16xf32>,
    %swap3A_469 = vector.shape_cast %swap3A_468 : vector<1x16xf32> to vector<16xf32>
    %swap3A_470 = vector.shape_cast %broadcast_in_dim3A_464 : vector<16xf32> to vector<1x16xf32>
    tpu.vector_store %arg22[%swap3A_466, %swap3A_467], %swap3A_470 {strides = array<i32>} : memref<8x128xf32, #tpu.memory_space<vmem>>, vector<1x16xf32>,
    %broadcast_in_dim3A_471 = arith.constant 0.000000e+00 : f32
    %broadcast_in_dim3A_472 = vector.broadcast %broadcast_in_dim3A_471 : f32 to vector<16xf32>
    %swap3A_473 = arith.constant 7 : i32
    %swap3A_474 = arith.index_cast %swap3A_473 : i32 to index
    %swap3A_475 = arith.constant 48 : index
    %swap3A_476 = tpu.vector_load %arg22[%swap3A_474, %swap3A_475] {strides = array<i32>} : memref<8x128xf32, #tpu.memory_space<vmem>>, vector<1x16xf32>,
    %swap3A_477 = vector.shape_cast %swap3A_476 : vector<1x16xf32> to vector<16xf32>
    %swap3A_478 = vector.shape_cast %broadcast_in_dim3A_472 : vector<16xf32> to vector<1x16xf32>
    tpu.vector_store %arg22[%swap3A_474, %swap3A_475], %swap3A_478 {strides = array<i32>} : memref<8x128xf32, #tpu.memory_space<vmem>>, vector<1x16xf32>,
    %broadcast_in_dim3A_479 = arith.constant 0.000000e+00 : f32
    %broadcast_in_dim3A_480 = vector.broadcast %broadcast_in_dim3A_479 : f32 to vector<16xf32>
    %swap3A_481 = arith.constant 7 : i32
    %swap3A_482 = arith.index_cast %swap3A_481 : i32 to index
    %swap3A_483 = arith.constant 64 : index
    %swap3A_484 = tpu.vector_load %arg22[%swap3A_482, %swap3A_483] {strides = array<i32>} : memref<8x128xf32, #tpu.memory_space<vmem>>, vector<1x16xf32>,
    %swap3A_485 = vector.shape_cast %swap3A_484 : vector<1x16xf32> to vector<16xf32>
    %swap3A_486 = vector.shape_cast %broadcast_in_dim3A_480 : vector<16xf32> to vector<1x16xf32>
    tpu.vector_store %arg22[%swap3A_482, %swap3A_483], %swap3A_486 {strides = array<i32>} : memref<8x128xf32, #tpu.memory_space<vmem>>, vector<1x16xf32>,
    %broadcast_in_dim3A_487 = arith.constant 0.000000e+00 : f32
    %broadcast_in_dim3A_488 = vector.broadcast %broadcast_in_dim3A_487 : f32 to vector<16xf32>
    %swap3A_489 = arith.constant 7 : i32
    %swap3A_490 = arith.index_cast %swap3A_489 : i32 to index
    %swap3A_491 = arith.constant 80 : index
    %swap3A_492 = tpu.vector_load %arg22[%swap3A_490, %swap3A_491] {strides = array<i32>} : memref<8x128xf32, #tpu.memory_space<vmem>>, vector<1x16xf32>,
    %swap3A_493 = vector.shape_cast %swap3A_492 : vector<1x16xf32> to vector<16xf32>
    %swap3A_494 = vector.shape_cast %broadcast_in_dim3A_488 : vector<16xf32> to vector<1x16xf32>
    tpu.vector_store %arg22[%swap3A_490, %swap3A_491], %swap3A_494 {strides = array<i32>} : memref<8x128xf32, #tpu.memory_space<vmem>>, vector<1x16xf32>,
    %broadcast_in_dim3A_495 = arith.constant 0.000000e+00 : f32
    %broadcast_in_dim3A_496 = vector.broadcast %broadcast_in_dim3A_495 : f32 to vector<16xf32>
    %swap3A_497 = arith.constant 7 : i32
    %swap3A_498 = arith.index_cast %swap3A_497 : i32 to index
    %swap3A_499 = arith.constant 96 : index
    %swap3A_500 = tpu.vector_load %arg22[%swap3A_498, %swap3A_499] {strides = array<i32>} : memref<8x128xf32, #tpu.memory_space<vmem>>, vector<1x16xf32>,
    %swap3A_501 = vector.shape_cast %swap3A_500 : vector<1x16xf32> to vector<16xf32>
    %swap3A_502 = vector.shape_cast %broadcast_in_dim3A_496 : vector<16xf32> to vector<1x16xf32>
    tpu.vector_store %arg22[%swap3A_498, %swap3A_499], %swap3A_502 {strides = array<i32>} : memref<8x128xf32, #tpu.memory_space<vmem>>, vector<1x16xf32>,
    %broadcast_in_dim3A_503 = arith.constant 0.000000e+00 : f32
    %broadcast_in_dim3A_504 = vector.broadcast %broadcast_in_dim3A_503 : f32 to vector<16xf32>
    %swap3A_505 = arith.constant 7 : i32
    %swap3A_506 = arith.index_cast %swap3A_505 : i32 to index
    %swap3A_507 = arith.constant 112 : index
    %swap3A_508 = tpu.vector_load %arg22[%swap3A_506, %swap3A_507] {strides = array<i32>} : memref<8x128xf32, #tpu.memory_space<vmem>>, vector<1x16xf32>,
    %swap3A_509 = vector.shape_cast %swap3A_508 : vector<1x16xf32> to vector<16xf32>
    %swap3A_510 = vector.shape_cast %broadcast_in_dim3A_504 : vector<16xf32> to vector<1x16xf32>
    tpu.vector_store %arg22[%swap3A_506, %swap3A_507], %swap3A_510 {strides = array<i32>} : memref<8x128xf32, #tpu.memory_space<vmem>>, vector<1x16xf32>,
    %scan3A = arith.constant 0 : i32
    %scan3A_511 = arith.constant 0 : i32
    %scan3A_512 = arith.constant 79 : i32
    %scan3A_513 = arith.addi %scan3A_511, %scan3A_512 : i32
    %scan3A_514 = arith.constant 1 : i32
    scf.for %scan3A_1057 = %scan3A_511 to %scan3A_513 step %scan3A_514  : i32 {
      %mul3A_1058 = arith.constant 632 : i32
      %mul3A_1059 = arith.muli %arg1, %mul3A_1058 : i32
      %mul3A_1060 = arith.constant 8 : i32
      %mul3A_1061 = arith.muli %scan3A_1057, %mul3A_1060 : i32
      %add3A_1062 = arith.addi %mul3A_1059, %mul3A_1061 : i32
      "tpu.region"() ({
        %run_scoped3A = tpu.sem_alloc : memref<!tpu.dma_semaphore, #tpu.memory_space<semaphore_mem>>
        %dma_start3A_1063 = arith.constant 0 : i32
        %dma_start3A_1064 = tpu.memref_slice %arg23[%add3A_1062, %dma_start3A_1063] : memref<10112x128xf32, #tpu.memory_space<vmem_shared>> -> memref<8x128xf32, #tpu.memory_space<vmem_shared>>
        %dma_start3A_1065 = arith.constant 0 : i32
        %dma_start3A_1066 = tpu.memref_slice %arg23[%add3A_1062, %dma_start3A_1065] : memref<10112x128xf32, #tpu.memory_space<vmem_shared>> -> memref<8x128xf32, #tpu.memory_space<vmem_shared>>
        tpu.enqueue_dma source(%arg22 : memref<8x128xf32, #tpu.memory_space<vmem>>) target(%dma_start3A_1066 : memref<8x128xf32, #tpu.memory_space<vmem_shared>>) target_semaphore(%run_scoped3A : memref<!tpu.dma_semaphore, #tpu.memory_space<semaphore_mem>>)
        %dma_wait3A_1067 = arith.constant 0 : i32
        %dma_wait3A_1068 = tpu.memref_slice %arg23[%add3A_1062, %dma_wait3A_1067] : memref<10112x128xf32, #tpu.memory_space<vmem_shared>> -> memref<8x128xf32, #tpu.memory_space<vmem_shared>>
        %dma_wait3A_1069 = arith.constant 0 : i32
        %dma_wait3A_1070 = tpu.memref_slice %arg23[%add3A_1062, %dma_wait3A_1069] : memref<10112x128xf32, #tpu.memory_space<vmem_shared>> -> memref<8x128xf32, #tpu.memory_space<vmem_shared>>
        tpu.wait_dma2 semaphore(%run_scoped3A : memref<!tpu.dma_semaphore, #tpu.memory_space<semaphore_mem>>) src(%arg22 : memref<8x128xf32, #tpu.memory_space<vmem>>) dst(%dma_wait3A_1070 : memref<8x128xf32, #tpu.memory_space<vmem_shared>>)
        tpu.yield
      }) : () -> ()
    }
    %scan3A_515 = arith.constant 79 : i32
    %barrier3A = arith.constant 0 : index
    tpu.barrier barrier_id(%barrier3A)
    %mul3A_516 = arith.constant 10560 : i32
    %mul3A_517 = arith.muli %add3A, %mul3A_516 : i32
    "tpu.region"() ({
      %run_scoped3A = tpu.sem_alloc : memref<!tpu.dma_semaphore, #tpu.memory_space<semaphore_mem>>
      %dma_start3A_1057 = tpu.memref_slice %arg3[%mul3A_517] : memref<337920xi32, #tpu.memory_space<hbm>> -> memref<2640xi32, #tpu.memory_space<hbm>>
      %dma_start3A_1058 = tpu.memref_slice %arg3[%mul3A_517] : memref<337920xi32, #tpu.memory_space<hbm>> -> memref<2640xi32, #tpu.memory_space<hbm>>
      tpu.enqueue_dma source(%dma_start3A_1058 : memref<2640xi32, #tpu.memory_space<hbm>>) target(%arg7 : memref<2640xi32, #tpu.memory_space<vmem>>) target_semaphore(%run_scoped3A : memref<!tpu.dma_semaphore, #tpu.memory_space<semaphore_mem>>)
      %dma_wait3A_1059 = tpu.memref_slice %arg3[%mul3A_517] : memref<337920xi32, #tpu.memory_space<hbm>> -> memref<2640xi32, #tpu.memory_space<hbm>>
      %dma_wait3A_1060 = tpu.memref_slice %arg3[%mul3A_517] : memref<337920xi32, #tpu.memory_space<hbm>> -> memref<2640xi32, #tpu.memory_space<hbm>>
      tpu.wait_dma2 semaphore(%run_scoped3A : memref<!tpu.dma_semaphore, #tpu.memory_space<semaphore_mem>>) src(%dma_wait3A_1060 : memref<2640xi32, #tpu.memory_space<hbm>>) dst(%arg7 : memref<2640xi32, #tpu.memory_space<vmem>>)
      tpu.yield
    }) : () -> ()
    "tpu.region"() ({
      %run_scoped3A = tpu.sem_alloc : memref<!tpu.dma_semaphore, #tpu.memory_space<semaphore_mem>>
      %dma_start3A_1057 = tpu.memref_slice %arg4[%mul3A_517] : memref<337920xi32, #tpu.memory_space<hbm>> -> memref<2640xi32, #tpu.memory_space<hbm>>
      %dma_start3A_1058 = tpu.memref_slice %arg4[%mul3A_517] : memref<337920xi32, #tpu.memory_space<hbm>> -> memref<2640xi32, #tpu.memory_space<hbm>>
      tpu.enqueue_dma source(%dma_start3A_1058 : memref<2640xi32, #tpu.memory_space<hbm>>) target(%arg9 : memref<2640xi32, #tpu.memory_space<vmem>>) target_semaphore(%run_scoped3A : memref<!tpu.dma_semaphore, #tpu.memory_space<semaphore_mem>>)
      %dma_wait3A_1059 = tpu.memref_slice %arg4[%mul3A_517] : memref<337920xi32, #tpu.memory_space<hbm>> -> memref<2640xi32, #tpu.memory_space<hbm>>
      %dma_wait3A_1060 = tpu.memref_slice %arg4[%mul3A_517] : memref<337920xi32, #tpu.memory_space<hbm>> -> memref<2640xi32, #tpu.memory_space<hbm>>
      tpu.wait_dma2 semaphore(%run_scoped3A : memref<!tpu.dma_semaphore, #tpu.memory_space<semaphore_mem>>) src(%dma_wait3A_1060 : memref<2640xi32, #tpu.memory_space<hbm>>) dst(%arg9 : memref<2640xi32, #tpu.memory_space<vmem>>)
      tpu.yield
    }) : () -> ()
    "tpu.region"() ({
      %run_scoped3A = tpu.sem_alloc : memref<!tpu.dma_semaphore, #tpu.memory_space<semaphore_mem>>
      %dma_start3A_1057 = tpu.memref_slice %arg5[%mul3A_517] : memref<337920xf32, #tpu.memory_space<hbm>> -> memref<2640xf32, #tpu.memory_space<hbm>>
      %dma_start3A_1058 = tpu.memref_slice %arg5[%mul3A_517] : memref<337920xf32, #tpu.memory_space<hbm>> -> memref<2640xf32, #tpu.memory_space<hbm>>
      tpu.enqueue_dma source(%dma_start3A_1058 : memref<2640xf32, #tpu.memory_space<hbm>>) target(%arg11 : memref<2640xf32, #tpu.memory_space<vmem>>) target_semaphore(%run_scoped3A : memref<!tpu.dma_semaphore, #tpu.memory_space<semaphore_mem>>)
      %dma_wait3A_1059 = tpu.memref_slice %arg5[%mul3A_517] : memref<337920xf32, #tpu.memory_space<hbm>> -> memref<2640xf32, #tpu.memory_space<hbm>>
      %dma_wait3A_1060 = tpu.memref_slice %arg5[%mul3A_517] : memref<337920xf32, #tpu.memory_space<hbm>> -> memref<2640xf32, #tpu.memory_space<hbm>>
      tpu.wait_dma2 semaphore(%run_scoped3A : memref<!tpu.dma_semaphore, #tpu.memory_space<semaphore_mem>>) src(%dma_wait3A_1060 : memref<2640xf32, #tpu.memory_space<hbm>>) dst(%arg11 : memref<2640xf32, #tpu.memory_space<vmem>>)
      tpu.yield
    }) : () -> ()
    %add3A_518 = arith.constant 2640 : i32
    %add3A_519 = arith.addi %mul3A_517, %add3A_518 : i32
    %dma_start3A = tpu.memref_slice %arg3[%add3A_519] : memref<337920xi32, #tpu.memory_space<hbm>> -> memref<2640xi32, #tpu.memory_space<hbm>>
    %dma_start3A_520 = tpu.memref_slice %arg3[%add3A_519] : memref<337920xi32, #tpu.memory_space<hbm>> -> memref<2640xi32, #tpu.memory_space<hbm>>
    tpu.enqueue_dma source(%dma_start3A_520 : memref<2640xi32, #tpu.memory_space<hbm>>) target(%arg8 : memref<2640xi32, #tpu.memory_space<vmem>>) target_semaphore(%arg30 : memref<!tpu.dma_semaphore, #tpu.memory_space<semaphore_mem>>)
    %dma_start3A_521 = tpu.memref_slice %arg4[%add3A_519] : memref<337920xi32, #tpu.memory_space<hbm>> -> memref<2640xi32, #tpu.memory_space<hbm>>
    %dma_start3A_522 = tpu.memref_slice %arg4[%add3A_519] : memref<337920xi32, #tpu.memory_space<hbm>> -> memref<2640xi32, #tpu.memory_space<hbm>>
    tpu.enqueue_dma source(%dma_start3A_522 : memref<2640xi32, #tpu.memory_space<hbm>>) target(%arg10 : memref<2640xi32, #tpu.memory_space<vmem>>) target_semaphore(%arg30 : memref<!tpu.dma_semaphore, #tpu.memory_space<semaphore_mem>>)
    %dma_start3A_523 = tpu.memref_slice %arg5[%add3A_519] : memref<337920xf32, #tpu.memory_space<hbm>> -> memref<2640xf32, #tpu.memory_space<hbm>>
    %dma_start3A_524 = tpu.memref_slice %arg5[%add3A_519] : memref<337920xf32, #tpu.memory_space<hbm>> -> memref<2640xf32, #tpu.memory_space<hbm>>
    tpu.enqueue_dma source(%dma_start3A_524 : memref<2640xf32, #tpu.memory_space<hbm>>) target(%arg12 : memref<2640xf32, #tpu.memory_space<vmem>>) target_semaphore(%arg30 : memref<!tpu.dma_semaphore, #tpu.memory_space<semaphore_mem>>)
    %dma_start3A_525 = arith.constant 0 : i32
    %dma_start3A_526 = tpu.memref_slice %arg7[%dma_start3A_525] : memref<2640xi32, #tpu.memory_space<vmem>> -> memref<80xi32, #tpu.memory_space<vmem>>
    %dma_start3A_527 = arith.constant 0 : i32
    %dma_start3A_528 = arith.constant 0 : i32
    %dma_start3A_529 = tpu.memref_slice %arg2[%dma_start3A_527, %dma_start3A_528] : memref<10000x128xf32, #tpu.memory_space<hbm>> -> memref<10000x128xf32, #tpu.memory_space<hbm>>
    tpu.enqueue_indirect_dma source(%dma_start3A_529 : memref<10000x128xf32, #tpu.memory_space<hbm>>) target(%arg19 : memref<80x128xf32, #tpu.memory_space<vmem>>) offsets(%dma_start3A_526 : memref<80xi32, #tpu.memory_space<vmem>>) semaphore(%arg24 : memref<!tpu.dma_semaphore, #tpu.memory_space<semaphore_mem>>)
    %dma_start3A_530 = arith.constant 80 : i32
    %dma_start3A_531 = tpu.memref_slice %arg7[%dma_start3A_530] : memref<2640xi32, #tpu.memory_space<vmem>> -> memref<80xi32, #tpu.memory_space<vmem>>
    %dma_start3A_532 = arith.constant 0 : i32
    %dma_start3A_533 = arith.constant 0 : i32
    %dma_start3A_534 = tpu.memref_slice %arg2[%dma_start3A_532, %dma_start3A_533] : memref<10000x128xf32, #tpu.memory_space<hbm>> -> memref<10000x128xf32, #tpu.memory_space<hbm>>
    tpu.enqueue_indirect_dma source(%dma_start3A_534 : memref<10000x128xf32, #tpu.memory_space<hbm>>) target(%arg20 : memref<80x128xf32, #tpu.memory_space<vmem>>) offsets(%dma_start3A_531 : memref<80xi32, #tpu.memory_space<vmem>>) semaphore(%arg25 : memref<!tpu.dma_semaphore, #tpu.memory_space<semaphore_mem>>)
    %dma_wait3A = arith.constant 0 : i32
    %dma_wait3A_535 = arith.constant 0 : i32
    %dma_wait3A_536 = tpu.memref_slice %arg2[%dma_wait3A, %dma_wait3A_535] : memref<10000x128xf32, #tpu.memory_space<hbm>> -> memref<10000x128xf32, #tpu.memory_space<hbm>>
    tpu.wait_indirect_dma semaphore(%arg24 : memref<!tpu.dma_semaphore, #tpu.memory_space<semaphore_mem>>) src(%dma_wait3A_536 : memref<10000x128xf32, #tpu.memory_space<hbm>>) dst(%arg19 : memref<80x128xf32, #tpu.memory_space<vmem>>)
    %get3A = arith.constant 0 : index
    %get3A_537 = tpu.vector_load %arg9[%get3A] {strides = array<i32>} : memref<2640xi32, #tpu.memory_space<vmem>>, vector<16xi32>,
    %get3A_538 = vector.shape_cast %get3A_537 : vector<16xi32> to vector<16xi32>
    %swap3A_539 = arith.constant 0 : index
    %swap3A_540 = tpu.vector_load %arg13[%swap3A_539] {strides = array<i32>} : memref<80xi32, #tpu.memory_space<vmem>>, vector<16xi32>,
    %swap3A_541 = vector.shape_cast %swap3A_540 : vector<16xi32> to vector<16xi32>
    %swap3A_542 = vector.shape_cast %get3A_538 : vector<16xi32> to vector<16xi32>
    tpu.vector_store %arg13[%swap3A_539], %swap3A_542 {strides = array<i32>} : memref<80xi32, #tpu.memory_space<vmem>>, vector<16xi32>,
    %get3A_543 = arith.constant 0 : index
    %get3A_544 = tpu.vector_load %arg11[%get3A_543] {strides = array<i32>} : memref<2640xf32, #tpu.memory_space<vmem>>, vector<16xf32>,
    %get3A_545 = vector.shape_cast %get3A_544 : vector<16xf32> to vector<16xf32>
    %swap3A_546 = arith.constant 0 : index
    %swap3A_547 = tpu.vector_load %arg16[%swap3A_546] {strides = array<i32>} : memref<80xf32, #tpu.memory_space<vmem>>, vector<16xf32>,
    %swap3A_548 = vector.shape_cast %swap3A_547 : vector<16xf32> to vector<16xf32>
    %swap3A_549 = vector.shape_cast %get3A_545 : vector<16xf32> to vector<16xf32>
    tpu.vector_store %arg16[%swap3A_546], %swap3A_549 {strides = array<i32>} : memref<80xf32, #tpu.memory_space<vmem>>, vector<16xf32>,
    %get3A_550 = arith.constant 16 : index
    %get3A_551 = tpu.vector_load %arg9[%get3A_550] {strides = array<i32>} : memref<2640xi32, #tpu.memory_space<vmem>>, vector<16xi32>,
    %get3A_552 = vector.shape_cast %get3A_551 : vector<16xi32> to vector<16xi32>
    %swap3A_553 = arith.constant 16 : index
    %swap3A_554 = tpu.vector_load %arg13[%swap3A_553] {strides = array<i32>} : memref<80xi32, #tpu.memory_space<vmem>>, vector<16xi32>,
    %swap3A_555 = vector.shape_cast %swap3A_554 : vector<16xi32> to vector<16xi32>
    %swap3A_556 = vector.shape_cast %get3A_552 : vector<16xi32> to vector<16xi32>
    tpu.vector_store %arg13[%swap3A_553], %swap3A_556 {strides = array<i32>} : memref<80xi32, #tpu.memory_space<vmem>>, vector<16xi32>,
    %get3A_557 = arith.constant 16 : index
    %get3A_558 = tpu.vector_load %arg11[%get3A_557] {strides = array<i32>} : memref<2640xf32, #tpu.memory_space<vmem>>, vector<16xf32>,
    %get3A_559 = vector.shape_cast %get3A_558 : vector<16xf32> to vector<16xf32>
    %swap3A_560 = arith.constant 16 : index
    %swap3A_561 = tpu.vector_load %arg16[%swap3A_560] {strides = array<i32>} : memref<80xf32, #tpu.memory_space<vmem>>, vector<16xf32>,
    %swap3A_562 = vector.shape_cast %swap3A_561 : vector<16xf32> to vector<16xf32>
    %swap3A_563 = vector.shape_cast %get3A_559 : vector<16xf32> to vector<16xf32>
    tpu.vector_store %arg16[%swap3A_560], %swap3A_563 {strides = array<i32>} : memref<80xf32, #tpu.memory_space<vmem>>, vector<16xf32>,
    %get3A_564 = arith.constant 32 : index
    %get3A_565 = tpu.vector_load %arg9[%get3A_564] {strides = array<i32>} : memref<2640xi32, #tpu.memory_space<vmem>>, vector<16xi32>,
    %get3A_566 = vector.shape_cast %get3A_565 : vector<16xi32> to vector<16xi32>
    %swap3A_567 = arith.constant 32 : index
    %swap3A_568 = tpu.vector_load %arg13[%swap3A_567] {strides = array<i32>} : memref<80xi32, #tpu.memory_space<vmem>>, vector<16xi32>,
    %swap3A_569 = vector.shape_cast %swap3A_568 : vector<16xi32> to vector<16xi32>
    %swap3A_570 = vector.shape_cast %get3A_566 : vector<16xi32> to vector<16xi32>
    tpu.vector_store %arg13[%swap3A_567], %swap3A_570 {strides = array<i32>} : memref<80xi32, #tpu.memory_space<vmem>>, vector<16xi32>,
    %get3A_571 = arith.constant 32 : index
    %get3A_572 = tpu.vector_load %arg11[%get3A_571] {strides = array<i32>} : memref<2640xf32, #tpu.memory_space<vmem>>, vector<16xf32>,
    %get3A_573 = vector.shape_cast %get3A_572 : vector<16xf32> to vector<16xf32>
    %swap3A_574 = arith.constant 32 : index
    %swap3A_575 = tpu.vector_load %arg16[%swap3A_574] {strides = array<i32>} : memref<80xf32, #tpu.memory_space<vmem>>, vector<16xf32>,
    %swap3A_576 = vector.shape_cast %swap3A_575 : vector<16xf32> to vector<16xf32>
    %swap3A_577 = vector.shape_cast %get3A_573 : vector<16xf32> to vector<16xf32>
    tpu.vector_store %arg16[%swap3A_574], %swap3A_577 {strides = array<i32>} : memref<80xf32, #tpu.memory_space<vmem>>, vector<16xf32>,
    %get3A_578 = arith.constant 48 : index
    %get3A_579 = tpu.vector_load %arg9[%get3A_578] {strides = array<i32>} : memref<2640xi32, #tpu.memory_space<vmem>>, vector<16xi32>,
    %get3A_580 = vector.shape_cast %get3A_579 : vector<16xi32> to vector<16xi32>
    %swap3A_581 = arith.constant 48 : index
    %swap3A_582 = tpu.vector_load %arg13[%swap3A_581] {strides = array<i32>} : memref<80xi32, #tpu.memory_space<vmem>>, vector<16xi32>,
    %swap3A_583 = vector.shape_cast %swap3A_582 : vector<16xi32> to vector<16xi32>
    %swap3A_584 = vector.shape_cast %get3A_580 : vector<16xi32> to vector<16xi32>
    tpu.vector_store %arg13[%swap3A_581], %swap3A_584 {strides = array<i32>} : memref<80xi32, #tpu.memory_space<vmem>>, vector<16xi32>,
    %get3A_585 = arith.constant 48 : index
    %get3A_586 = tpu.vector_load %arg11[%get3A_585] {strides = array<i32>} : memref<2640xf32, #tpu.memory_space<vmem>>, vector<16xf32>,
    %get3A_587 = vector.shape_cast %get3A_586 : vector<16xf32> to vector<16xf32>
    %swap3A_588 = arith.constant 48 : index
    %swap3A_589 = tpu.vector_load %arg16[%swap3A_588] {strides = array<i32>} : memref<80xf32, #tpu.memory_space<vmem>>, vector<16xf32>,
    %swap3A_590 = vector.shape_cast %swap3A_589 : vector<16xf32> to vector<16xf32>
    %swap3A_591 = vector.shape_cast %get3A_587 : vector<16xf32> to vector<16xf32>
    tpu.vector_store %arg16[%swap3A_588], %swap3A_591 {strides = array<i32>} : memref<80xf32, #tpu.memory_space<vmem>>, vector<16xf32>,
    %get3A_592 = arith.constant 64 : index
    %get3A_593 = tpu.vector_load %arg9[%get3A_592] {strides = array<i32>} : memref<2640xi32, #tpu.memory_space<vmem>>, vector<16xi32>,
    %get3A_594 = vector.shape_cast %get3A_593 : vector<16xi32> to vector<16xi32>
    %swap3A_595 = arith.constant 64 : index
    %swap3A_596 = tpu.vector_load %arg13[%swap3A_595] {strides = array<i32>} : memref<80xi32, #tpu.memory_space<vmem>>, vector<16xi32>,
    %swap3A_597 = vector.shape_cast %swap3A_596 : vector<16xi32> to vector<16xi32>
    %swap3A_598 = vector.shape_cast %get3A_594 : vector<16xi32> to vector<16xi32>
    tpu.vector_store %arg13[%swap3A_595], %swap3A_598 {strides = array<i32>} : memref<80xi32, #tpu.memory_space<vmem>>, vector<16xi32>,
    %get3A_599 = arith.constant 64 : index
    %get3A_600 = tpu.vector_load %arg11[%get3A_599] {strides = array<i32>} : memref<2640xf32, #tpu.memory_space<vmem>>, vector<16xf32>,
    %get3A_601 = vector.shape_cast %get3A_600 : vector<16xf32> to vector<16xf32>
    %swap3A_602 = arith.constant 64 : index
    %swap3A_603 = tpu.vector_load %arg16[%swap3A_602] {strides = array<i32>} : memref<80xf32, #tpu.memory_space<vmem>>, vector<16xf32>,
    %swap3A_604 = vector.shape_cast %swap3A_603 : vector<16xf32> to vector<16xf32>
    %swap3A_605 = vector.shape_cast %get3A_601 : vector<16xf32> to vector<16xf32>
    tpu.vector_store %arg16[%swap3A_602], %swap3A_605 {strides = array<i32>} : memref<80xf32, #tpu.memory_space<vmem>>, vector<16xf32>,
    %parallel_loop3A = arith.constant 0 : i32
    %parallel_loop3A_606 = arith.constant 80 : i32
    %parallel_loop3A_607 = arith.constant 1 : i32
    scf.for %parallel_loop3A_1057 = %parallel_loop3A to %parallel_loop3A_606 step %parallel_loop3A_607  : i32 {
      %parallel_loop3A_1058 = arith.constant 16 : i32
      %parallel_loop3A_1059 = arith.divsi %parallel_loop3A_1057, %parallel_loop3A_1058 : i32
      %parallel_loop3A_1060 = arith.constant 0 : i32
      %parallel_loop3A_1061 = arith.cmpi sgt, %parallel_loop3A_1057, %parallel_loop3A_1060 : i32
      %parallel_loop3A_1062 = arith.extui %parallel_loop3A_1061 : i1 to i32
      %parallel_loop3A_1063 = arith.constant 0 : i32
      %parallel_loop3A_1064 = arith.cmpi slt, %parallel_loop3A_1057, %parallel_loop3A_1063 : i32
      %parallel_loop3A_1065 = arith.extui %parallel_loop3A_1064 : i1 to i32
      %parallel_loop3A_1066 = arith.subi %parallel_loop3A_1062, %parallel_loop3A_1065 : i32
      %parallel_loop3A_1067 = arith.constant 0 : i32
      %parallel_loop3A_1068 = arith.cmpi sgt, %parallel_loop3A_1058, %parallel_loop3A_1067 : i32
      %parallel_loop3A_1069 = arith.extui %parallel_loop3A_1068 : i1 to i32
      %parallel_loop3A_1070 = arith.constant 0 : i32
      %parallel_loop3A_1071 = arith.cmpi slt, %parallel_loop3A_1058, %parallel_loop3A_1070 : i32
      %parallel_loop3A_1072 = arith.extui %parallel_loop3A_1071 : i1 to i32
      %parallel_loop3A_1073 = arith.subi %parallel_loop3A_1069, %parallel_loop3A_1072 : i32
      %parallel_loop3A_1074 = arith.cmpi ne, %parallel_loop3A_1066, %parallel_loop3A_1073 : i32
      %parallel_loop3A_1075 = arith.remsi %parallel_loop3A_1057, %parallel_loop3A_1058 : i32
      %parallel_loop3A_1076 = arith.constant 0 : i32
      %parallel_loop3A_1077 = arith.cmpi ne, %parallel_loop3A_1075, %parallel_loop3A_1076 : i32
      %parallel_loop3A_1078 = arith.andi %parallel_loop3A_1074, %parallel_loop3A_1077 : i1
      %parallel_loop3A_1079 = arith.constant 1 : i32
      %parallel_loop3A_1080 = arith.subi %parallel_loop3A_1059, %parallel_loop3A_1079 : i32
      %parallel_loop3A_1081 = arith.select %parallel_loop3A_1078, %parallel_loop3A_1080, %parallel_loop3A_1059 : i32
      %parallel_loop3A_1082 = arith.constant 16 : i32
      %parallel_loop3A_1083 = arith.muli %parallel_loop3A_1081, %parallel_loop3A_1082 : i32
      %parallel_loop3A_1084 = arith.index_cast %parallel_loop3A_1083 : i32 to index
      %parallel_loop3A_1085 = tpu.vector_load %arg16[%parallel_loop3A_1084] {strides = array<i32>} : memref<80xf32, #tpu.memory_space<vmem>>, vector<16xf32>,
      %parallel_loop3A_1086 = vector.shape_cast %parallel_loop3A_1085 : vector<16xf32> to vector<16xf32>
      %parallel_loop3A_1087 = arith.constant 16 : i32
      %parallel_loop3A_1088 = arith.constant 0 : i32
      %parallel_loop3A_1089 = arith.cmpi eq, %parallel_loop3A_1087, %parallel_loop3A_1088 : i32
      %parallel_loop3A_1090 = arith.constant 1 : i32
      %parallel_loop3A_1091 = arith.select %parallel_loop3A_1089, %parallel_loop3A_1090, %parallel_loop3A_1087 : i32
      %parallel_loop3A_1092 = arith.remsi %parallel_loop3A_1057, %parallel_loop3A_1091 : i32
      %parallel_loop3A_1093 = arith.constant 0 : i32
      %parallel_loop3A_1094 = arith.cmpi ne, %parallel_loop3A_1092, %parallel_loop3A_1093 : i32
      %parallel_loop3A_1095 = arith.constant 0 : i32
      %parallel_loop3A_1096 = arith.cmpi slt, %parallel_loop3A_1092, %parallel_loop3A_1095 : i32
      %parallel_loop3A_1097 = arith.constant 0 : i32
      %parallel_loop3A_1098 = arith.cmpi slt, %parallel_loop3A_1091, %parallel_loop3A_1097 : i32
      %parallel_loop3A_1099 = arith.xori %parallel_loop3A_1096, %parallel_loop3A_1098 : i1
      %parallel_loop3A_1100 = arith.andi %parallel_loop3A_1099, %parallel_loop3A_1094 : i1
      %parallel_loop3A_1101 = arith.addi %parallel_loop3A_1092, %parallel_loop3A_1091 : i32
      %parallel_loop3A_1102 = arith.select %parallel_loop3A_1100, %parallel_loop3A_1101, %parallel_loop3A_1092 : i32
      %parallel_loop3A_1103 = vector.broadcast %parallel_loop3A_1102 : i32 to vector<16x1xi32>
      %parallel_loop3A_1104 = vector.shape_cast %parallel_loop3A_1103 : vector<16x1xi32> to vector<16xi32>
      %parallel_loop3A_1105 = tpu.dynamic_gather %parallel_loop3A_1086[%parallel_loop3A_1104] in [0] : vector<16xf32>, vector<16xi32> -> vector<16xf32>
      %parallel_loop3A_1106 = arith.index_cast %parallel_loop3A_1057 : i32 to index
      %parallel_loop3A_1107 = arith.constant 0 : index
      %parallel_loop3A_1108 = tpu.vector_load %arg19[%parallel_loop3A_1106, %parallel_loop3A_1107] {strides = array<i32>} : memref<80x128xf32, #tpu.memory_space<vmem>>, vector<1x16xf32>,
      %parallel_loop3A_1109 = vector.shape_cast %parallel_loop3A_1108 : vector<1x16xf32> to vector<16xf32>
      %parallel_loop3A_1110 = arith.mulf %parallel_loop3A_1109, %parallel_loop3A_1105 : vector<16xf32>
      %parallel_loop3A_1111 = arith.index_cast %parallel_loop3A_1057 : i32 to index
      %parallel_loop3A_1112 = arith.constant 0 : index
      %parallel_loop3A_1113 = tpu.vector_load %arg19[%parallel_loop3A_1111, %parallel_loop3A_1112] {strides = array<i32>} : memref<80x128xf32, #tpu.memory_space<vmem>>, vector<1x16xf32>,
      %parallel_loop3A_1114 = vector.shape_cast %parallel_loop3A_1113 : vector<1x16xf32> to vector<16xf32>
      %parallel_loop3A_1115 = vector.shape_cast %parallel_loop3A_1110 : vector<16xf32> to vector<1x16xf32>
      tpu.vector_store %arg19[%parallel_loop3A_1111, %parallel_loop3A_1112], %parallel_loop3A_1115 {strides = array<i32>} : memref<80x128xf32, #tpu.memory_space<vmem>>, vector<1x16xf32>,
      %parallel_loop3A_1116 = arith.index_cast %parallel_loop3A_1057 : i32 to index
      %parallel_loop3A_1117 = arith.constant 16 : index
      %parallel_loop3A_1118 = tpu.vector_load %arg19[%parallel_loop3A_1116, %parallel_loop3A_1117] {strides = array<i32>} : memref<80x128xf32, #tpu.memory_space<vmem>>, vector<1x16xf32>,
      %parallel_loop3A_1119 = vector.shape_cast %parallel_loop3A_1118 : vector<1x16xf32> to vector<16xf32>
      %parallel_loop3A_1120 = arith.mulf %parallel_loop3A_1119, %parallel_loop3A_1105 : vector<16xf32>
      %parallel_loop3A_1121 = arith.index_cast %parallel_loop3A_1057 : i32 to index
      %parallel_loop3A_1122 = arith.constant 16 : index
      %parallel_loop3A_1123 = tpu.vector_load %arg19[%parallel_loop3A_1121, %parallel_loop3A_1122] {strides = array<i32>} : memref<80x128xf32, #tpu.memory_space<vmem>>, vector<1x16xf32>,
      %parallel_loop3A_1124 = vector.shape_cast %parallel_loop3A_1123 : vector<1x16xf32> to vector<16xf32>
      %parallel_loop3A_1125 = vector.shape_cast %parallel_loop3A_1120 : vector<16xf32> to vector<1x16xf32>
      tpu.vector_store %arg19[%parallel_loop3A_1121, %parallel_loop3A_1122], %parallel_loop3A_1125 {strides = array<i32>} : memref<80x128xf32, #tpu.memory_space<vmem>>, vector<1x16xf32>,
      %parallel_loop3A_1126 = arith.index_cast %parallel_loop3A_1057 : i32 to index
      %parallel_loop3A_1127 = arith.constant 32 : index
      %parallel_loop3A_1128 = tpu.vector_load %arg19[%parallel_loop3A_1126, %parallel_loop3A_1127] {strides = array<i32>} : memref<80x128xf32, #tpu.memory_space<vmem>>, vector<1x16xf32>,
      %parallel_loop3A_1129 = vector.shape_cast %parallel_loop3A_1128 : vector<1x16xf32> to vector<16xf32>
      %parallel_loop3A_1130 = arith.mulf %parallel_loop3A_1129, %parallel_loop3A_1105 : vector<16xf32>
      %parallel_loop3A_1131 = arith.index_cast %parallel_loop3A_1057 : i32 to index
      %parallel_loop3A_1132 = arith.constant 32 : index
      %parallel_loop3A_1133 = tpu.vector_load %arg19[%parallel_loop3A_1131, %parallel_loop3A_1132] {strides = array<i32>} : memref<80x128xf32, #tpu.memory_space<vmem>>, vector<1x16xf32>,
      %parallel_loop3A_1134 = vector.shape_cast %parallel_loop3A_1133 : vector<1x16xf32> to vector<16xf32>
      %parallel_loop3A_1135 = vector.shape_cast %parallel_loop3A_1130 : vector<16xf32> to vector<1x16xf32>
      tpu.vector_store %arg19[%parallel_loop3A_1131, %parallel_loop3A_1132], %parallel_loop3A_1135 {strides = array<i32>} : memref<80x128xf32, #tpu.memory_space<vmem>>, vector<1x16xf32>,
      %parallel_loop3A_1136 = arith.index_cast %parallel_loop3A_1057 : i32 to index
      %parallel_loop3A_1137 = arith.constant 48 : index
      %parallel_loop3A_1138 = tpu.vector_load %arg19[%parallel_loop3A_1136, %parallel_loop3A_1137] {strides = array<i32>} : memref<80x128xf32, #tpu.memory_space<vmem>>, vector<1x16xf32>,
      %parallel_loop3A_1139 = vector.shape_cast %parallel_loop3A_1138 : vector<1x16xf32> to vector<16xf32>
      %parallel_loop3A_1140 = arith.mulf %parallel_loop3A_1139, %parallel_loop3A_1105 : vector<16xf32>
      %parallel_loop3A_1141 = arith.index_cast %parallel_loop3A_1057 : i32 to index
      %parallel_loop3A_1142 = arith.constant 48 : index
      %parallel_loop3A_1143 = tpu.vector_load %arg19[%parallel_loop3A_1141, %parallel_loop3A_1142] {strides = array<i32>} : memref<80x128xf32, #tpu.memory_space<vmem>>, vector<1x16xf32>,
      %parallel_loop3A_1144 = vector.shape_cast %parallel_loop3A_1143 : vector<1x16xf32> to vector<16xf32>
      %parallel_loop3A_1145 = vector.shape_cast %parallel_loop3A_1140 : vector<16xf32> to vector<1x16xf32>
      tpu.vector_store %arg19[%parallel_loop3A_1141, %parallel_loop3A_1142], %parallel_loop3A_1145 {strides = array<i32>} : memref<80x128xf32, #tpu.memory_space<vmem>>, vector<1x16xf32>,
      %parallel_loop3A_1146 = arith.index_cast %parallel_loop3A_1057 : i32 to index
      %parallel_loop3A_1147 = arith.constant 64 : index
      %parallel_loop3A_1148 = tpu.vector_load %arg19[%parallel_loop3A_1146, %parallel_loop3A_1147] {strides = array<i32>} : memref<80x128xf32, #tpu.memory_space<vmem>>, vector<1x16xf32>,
      %parallel_loop3A_1149 = vector.shape_cast %parallel_loop3A_1148 : vector<1x16xf32> to vector<16xf32>
      %parallel_loop3A_1150 = arith.mulf %parallel_loop3A_1149, %parallel_loop3A_1105 : vector<16xf32>
      %parallel_loop3A_1151 = arith.index_cast %parallel_loop3A_1057 : i32 to index
      %parallel_loop3A_1152 = arith.constant 64 : index
      %parallel_loop3A_1153 = tpu.vector_load %arg19[%parallel_loop3A_1151, %parallel_loop3A_1152] {strides = array<i32>} : memref<80x128xf32, #tpu.memory_space<vmem>>, vector<1x16xf32>,
      %parallel_loop3A_1154 = vector.shape_cast %parallel_loop3A_1153 : vector<1x16xf32> to vector<16xf32>
      %parallel_loop3A_1155 = vector.shape_cast %parallel_loop3A_1150 : vector<16xf32> to vector<1x16xf32>
      tpu.vector_store %arg19[%parallel_loop3A_1151, %parallel_loop3A_1152], %parallel_loop3A_1155 {strides = array<i32>} : memref<80x128xf32, #tpu.memory_space<vmem>>, vector<1x16xf32>,
      %parallel_loop3A_1156 = arith.index_cast %parallel_loop3A_1057 : i32 to index
      %parallel_loop3A_1157 = arith.constant 80 : index
      %parallel_loop3A_1158 = tpu.vector_load %arg19[%parallel_loop3A_1156, %parallel_loop3A_1157] {strides = array<i32>} : memref<80x128xf32, #tpu.memory_space<vmem>>, vector<1x16xf32>,
      %parallel_loop3A_1159 = vector.shape_cast %parallel_loop3A_1158 : vector<1x16xf32> to vector<16xf32>
      %parallel_loop3A_1160 = arith.mulf %parallel_loop3A_1159, %parallel_loop3A_1105 : vector<16xf32>
      %parallel_loop3A_1161 = arith.index_cast %parallel_loop3A_1057 : i32 to index
      %parallel_loop3A_1162 = arith.constant 80 : index
      %parallel_loop3A_1163 = tpu.vector_load %arg19[%parallel_loop3A_1161, %parallel_loop3A_1162] {strides = array<i32>} : memref<80x128xf32, #tpu.memory_space<vmem>>, vector<1x16xf32>,
      %parallel_loop3A_1164 = vector.shape_cast %parallel_loop3A_1163 : vector<1x16xf32> to vector<16xf32>
      %parallel_loop3A_1165 = vector.shape_cast %parallel_loop3A_1160 : vector<16xf32> to vector<1x16xf32>
      tpu.vector_store %arg19[%parallel_loop3A_1161, %parallel_loop3A_1162], %parallel_loop3A_1165 {strides = array<i32>} : memref<80x128xf32, #tpu.memory_space<vmem>>, vector<1x16xf32>,
      %parallel_loop3A_1166 = arith.index_cast %parallel_loop3A_1057 : i32 to index
      %parallel_loop3A_1167 = arith.constant 96 : index
      %parallel_loop3A_1168 = tpu.vector_load %arg19[%parallel_loop3A_1166, %parallel_loop3A_1167] {strides = array<i32>} : memref<80x128xf32, #tpu.memory_space<vmem>>, vector<1x16xf32>,
      %parallel_loop3A_1169 = vector.shape_cast %parallel_loop3A_1168 : vector<1x16xf32> to vector<16xf32>
      %parallel_loop3A_1170 = arith.mulf %parallel_loop3A_1169, %parallel_loop3A_1105 : vector<16xf32>
      %parallel_loop3A_1171 = arith.index_cast %parallel_loop3A_1057 : i32 to index
      %parallel_loop3A_1172 = arith.constant 96 : index
      %parallel_loop3A_1173 = tpu.vector_load %arg19[%parallel_loop3A_1171, %parallel_loop3A_1172] {strides = array<i32>} : memref<80x128xf32, #tpu.memory_space<vmem>>, vector<1x16xf32>,
      %parallel_loop3A_1174 = vector.shape_cast %parallel_loop3A_1173 : vector<1x16xf32> to vector<16xf32>
      %parallel_loop3A_1175 = vector.shape_cast %parallel_loop3A_1170 : vector<16xf32> to vector<1x16xf32>
      tpu.vector_store %arg19[%parallel_loop3A_1171, %parallel_loop3A_1172], %parallel_loop3A_1175 {strides = array<i32>} : memref<80x128xf32, #tpu.memory_space<vmem>>, vector<1x16xf32>,
      %parallel_loop3A_1176 = arith.index_cast %parallel_loop3A_1057 : i32 to index
      %parallel_loop3A_1177 = arith.constant 112 : index
      %parallel_loop3A_1178 = tpu.vector_load %arg19[%parallel_loop3A_1176, %parallel_loop3A_1177] {strides = array<i32>} : memref<80x128xf32, #tpu.memory_space<vmem>>, vector<1x16xf32>,
      %parallel_loop3A_1179 = vector.shape_cast %parallel_loop3A_1178 : vector<1x16xf32> to vector<16xf32>
      %parallel_loop3A_1180 = arith.mulf %parallel_loop3A_1179, %parallel_loop3A_1105 : vector<16xf32>
      %parallel_loop3A_1181 = arith.index_cast %parallel_loop3A_1057 : i32 to index
      %parallel_loop3A_1182 = arith.constant 112 : index
      %parallel_loop3A_1183 = tpu.vector_load %arg19[%parallel_loop3A_1181, %parallel_loop3A_1182] {strides = array<i32>} : memref<80x128xf32, #tpu.memory_space<vmem>>, vector<1x16xf32>,
      %parallel_loop3A_1184 = vector.shape_cast %parallel_loop3A_1183 : vector<1x16xf32> to vector<16xf32>
      %parallel_loop3A_1185 = vector.shape_cast %parallel_loop3A_1180 : vector<16xf32> to vector<1x16xf32>
      tpu.vector_store %arg19[%parallel_loop3A_1181, %parallel_loop3A_1182], %parallel_loop3A_1185 {strides = array<i32>} : memref<80x128xf32, #tpu.memory_space<vmem>>, vector<1x16xf32>,
    } {sc.loop_unroll_factor = 4 : i64, sc.parallel_access}
    %dma_start3A_608 = arith.constant 0 : i32
    %dma_start3A_609 = arith.constant 0 : i32
    %dma_start3A_610 = tpu.memref_slice %arg23[%dma_start3A_608, %dma_start3A_609] : memref<10112x128xf32, #tpu.memory_space<vmem_shared>> -> memref<10112x128xf32, #tpu.memory_space<vmem_shared>>
    tpu.enqueue_indirect_dma source(%arg19 : memref<80x128xf32, #tpu.memory_space<vmem>>) target(%dma_start3A_610 : memref<10112x128xf32, #tpu.memory_space<vmem_shared>>) offsets(%arg13 : memref<80xi32, #tpu.memory_space<vmem>>) semaphore(%arg27 : memref<!tpu.dma_semaphore, #tpu.memory_space<semaphore_mem>>) {add = true}
    %dma_start3A_611 = arith.constant 160 : i32
    %dma_start3A_612 = tpu.memref_slice %arg7[%dma_start3A_611] : memref<2640xi32, #tpu.memory_space<vmem>> -> memref<80xi32, #tpu.memory_space<vmem>>
    %dma_start3A_613 = arith.constant 0 : i32
    %dma_start3A_614 = arith.constant 0 : i32
    %dma_start3A_615 = tpu.memref_slice %arg2[%dma_start3A_613, %dma_start3A_614] : memref<10000x128xf32, #tpu.memory_space<hbm>> -> memref<10000x128xf32, #tpu.memory_space<hbm>>
    tpu.enqueue_indirect_dma source(%dma_start3A_615 : memref<10000x128xf32, #tpu.memory_space<hbm>>) target(%arg21 : memref<80x128xf32, #tpu.memory_space<vmem>>) offsets(%dma_start3A_612 : memref<80xi32, #tpu.memory_space<vmem>>) semaphore(%arg26 : memref<!tpu.dma_semaphore, #tpu.memory_space<semaphore_mem>>)
    %dma_wait3A_616 = arith.constant 0 : i32
    %dma_wait3A_617 = arith.constant 0 : i32
    %dma_wait3A_618 = tpu.memref_slice %arg2[%dma_wait3A_616, %dma_wait3A_617] : memref<10000x128xf32, #tpu.memory_space<hbm>> -> memref<10000x128xf32, #tpu.memory_space<hbm>>
    tpu.wait_indirect_dma semaphore(%arg25 : memref<!tpu.dma_semaphore, #tpu.memory_space<semaphore_mem>>) src(%dma_wait3A_618 : memref<10000x128xf32, #tpu.memory_space<hbm>>) dst(%arg20 : memref<80x128xf32, #tpu.memory_space<vmem>>)
    %get3A_619 = arith.constant 80 : index
    %get3A_620 = tpu.vector_load %arg9[%get3A_619] {strides = array<i32>} : memref<2640xi32, #tpu.memory_space<vmem>>, vector<16xi32>,
    %get3A_621 = vector.shape_cast %get3A_620 : vector<16xi32> to vector<16xi32>
    %swap3A_622 = arith.constant 0 : index
    %swap3A_623 = tpu.vector_load %arg14[%swap3A_622] {strides = array<i32>} : memref<80xi32, #tpu.memory_space<vmem>>, vector<16xi32>,
    %swap3A_624 = vector.shape_cast %swap3A_623 : vector<16xi32> to vector<16xi32>
    %swap3A_625 = vector.shape_cast %get3A_621 : vector<16xi32> to vector<16xi32>
    tpu.vector_store %arg14[%swap3A_622], %swap3A_625 {strides = array<i32>} : memref<80xi32, #tpu.memory_space<vmem>>, vector<16xi32>,
    %get3A_626 = arith.constant 80 : index
    %get3A_627 = tpu.vector_load %arg11[%get3A_626] {strides = array<i32>} : memref<2640xf32, #tpu.memory_space<vmem>>, vector<16xf32>,
    %get3A_628 = vector.shape_cast %get3A_627 : vector<16xf32> to vector<16xf32>
    %swap3A_629 = arith.constant 0 : index
    %swap3A_630 = tpu.vector_load %arg17[%swap3A_629] {strides = array<i32>} : memref<80xf32, #tpu.memory_space<vmem>>, vector<16xf32>,
    %swap3A_631 = vector.shape_cast %swap3A_630 : vector<16xf32> to vector<16xf32>
    %swap3A_632 = vector.shape_cast %get3A_628 : vector<16xf32> to vector<16xf32>
    tpu.vector_store %arg17[%swap3A_629], %swap3A_632 {strides = array<i32>} : memref<80xf32, #tpu.memory_space<vmem>>, vector<16xf32>,
    %get3A_633 = arith.constant 96 : index
    %get3A_634 = tpu.vector_load %arg9[%get3A_633] {strides = array<i32>} : memref<2640xi32, #tpu.memory_space<vmem>>, vector<16xi32>,
    %get3A_635 = vector.shape_cast %get3A_634 : vector<16xi32> to vector<16xi32>
    %swap3A_636 = arith.constant 16 : index
    %swap3A_637 = tpu.vector_load %arg14[%swap3A_636] {strides = array<i32>} : memref<80xi32, #tpu.memory_space<vmem>>, vector<16xi32>,
    %swap3A_638 = vector.shape_cast %swap3A_637 : vector<16xi32> to vector<16xi32>
    %swap3A_639 = vector.shape_cast %get3A_635 : vector<16xi32> to vector<16xi32>
    tpu.vector_store %arg14[%swap3A_636], %swap3A_639 {strides = array<i32>} : memref<80xi32, #tpu.memory_space<vmem>>, vector<16xi32>,
    %get3A_640 = arith.constant 96 : index
    %get3A_641 = tpu.vector_load %arg11[%get3A_640] {strides = array<i32>} : memref<2640xf32, #tpu.memory_space<vmem>>, vector<16xf32>,
    %get3A_642 = vector.shape_cast %get3A_641 : vector<16xf32> to vector<16xf32>
    %swap3A_643 = arith.constant 16 : index
    %swap3A_644 = tpu.vector_load %arg17[%swap3A_643] {strides = array<i32>} : memref<80xf32, #tpu.memory_space<vmem>>, vector<16xf32>,
    %swap3A_645 = vector.shape_cast %swap3A_644 : vector<16xf32> to vector<16xf32>
    %swap3A_646 = vector.shape_cast %get3A_642 : vector<16xf32> to vector<16xf32>
    tpu.vector_store %arg17[%swap3A_643], %swap3A_646 {strides = array<i32>} : memref<80xf32, #tpu.memory_space<vmem>>, vector<16xf32>,
    %get3A_647 = arith.constant 112 : index
    %get3A_648 = tpu.vector_load %arg9[%get3A_647] {strides = array<i32>} : memref<2640xi32, #tpu.memory_space<vmem>>, vector<16xi32>,
    %get3A_649 = vector.shape_cast %get3A_648 : vector<16xi32> to vector<16xi32>
    %swap3A_650 = arith.constant 32 : index
    %swap3A_651 = tpu.vector_load %arg14[%swap3A_650] {strides = array<i32>} : memref<80xi32, #tpu.memory_space<vmem>>, vector<16xi32>,
    %swap3A_652 = vector.shape_cast %swap3A_651 : vector<16xi32> to vector<16xi32>
    %swap3A_653 = vector.shape_cast %get3A_649 : vector<16xi32> to vector<16xi32>
    tpu.vector_store %arg14[%swap3A_650], %swap3A_653 {strides = array<i32>} : memref<80xi32, #tpu.memory_space<vmem>>, vector<16xi32>,
    %get3A_654 = arith.constant 112 : index
    %get3A_655 = tpu.vector_load %arg11[%get3A_654] {strides = array<i32>} : memref<2640xf32, #tpu.memory_space<vmem>>, vector<16xf32>,
    %get3A_656 = vector.shape_cast %get3A_655 : vector<16xf32> to vector<16xf32>
    %swap3A_657 = arith.constant 32 : index
    %swap3A_658 = tpu.vector_load %arg17[%swap3A_657] {strides = array<i32>} : memref<80xf32, #tpu.memory_space<vmem>>, vector<16xf32>,
    %swap3A_659 = vector.shape_cast %swap3A_658 : vector<16xf32> to vector<16xf32>
    %swap3A_660 = vector.shape_cast %get3A_656 : vector<16xf32> to vector<16xf32>
    tpu.vector_store %arg17[%swap3A_657], %swap3A_660 {strides = array<i32>} : memref<80xf32, #tpu.memory_space<vmem>>, vector<16xf32>,
    %get3A_661 = arith.constant 128 : index
    %get3A_662 = tpu.vector_load %arg9[%get3A_661] {strides = array<i32>} : memref<2640xi32, #tpu.memory_space<vmem>>, vector<16xi32>,
    %get3A_663 = vector.shape_cast %get3A_662 : vector<16xi32> to vector<16xi32>
    %swap3A_664 = arith.constant 48 : index
    %swap3A_665 = tpu.vector_load %arg14[%swap3A_664] {strides = array<i32>} : memref<80xi32, #tpu.memory_space<vmem>>, vector<16xi32>,
    %swap3A_666 = vector.shape_cast %swap3A_665 : vector<16xi32> to vector<16xi32>
    %swap3A_667 = vector.shape_cast %get3A_663 : vector<16xi32> to vector<16xi32>
    tpu.vector_store %arg14[%swap3A_664], %swap3A_667 {strides = array<i32>} : memref<80xi32, #tpu.memory_space<vmem>>, vector<16xi32>,
    %get3A_668 = arith.constant 128 : index
    %get3A_669 = tpu.vector_load %arg11[%get3A_668] {strides = array<i32>} : memref<2640xf32, #tpu.memory_space<vmem>>, vector<16xf32>,
    %get3A_670 = vector.shape_cast %get3A_669 : vector<16xf32> to vector<16xf32>
    %swap3A_671 = arith.constant 48 : index
    %swap3A_672 = tpu.vector_load %arg17[%swap3A_671] {strides = array<i32>} : memref<80xf32, #tpu.memory_space<vmem>>, vector<16xf32>,
    %swap3A_673 = vector.shape_cast %swap3A_672 : vector<16xf32> to vector<16xf32>
    %swap3A_674 = vector.shape_cast %get3A_670 : vector<16xf32> to vector<16xf32>
    tpu.vector_store %arg17[%swap3A_671], %swap3A_674 {strides = array<i32>} : memref<80xf32, #tpu.memory_space<vmem>>, vector<16xf32>,
    %get3A_675 = arith.constant 144 : index
    %get3A_676 = tpu.vector_load %arg9[%get3A_675] {strides = array<i32>} : memref<2640xi32, #tpu.memory_space<vmem>>, vector<16xi32>,
    %get3A_677 = vector.shape_cast %get3A_676 : vector<16xi32> to vector<16xi32>
    %swap3A_678 = arith.constant 64 : index
    %swap3A_679 = tpu.vector_load %arg14[%swap3A_678] {strides = array<i32>} : memref<80xi32, #tpu.memory_space<vmem>>, vector<16xi32>,
    %swap3A_680 = vector.shape_cast %swap3A_679 : vector<16xi32> to vector<16xi32>
    %swap3A_681 = vector.shape_cast %get3A_677 : vector<16xi32> to vector<16xi32>
    tpu.vector_store %arg14[%swap3A_678], %swap3A_681 {strides = array<i32>} : memref<80xi32, #tpu.memory_space<vmem>>, vector<16xi32>,
    %get3A_682 = arith.constant 144 : index
    %get3A_683 = tpu.vector_load %arg11[%get3A_682] {strides = array<i32>} : memref<2640xf32, #tpu.memory_space<vmem>>, vector<16xf32>,
    %get3A_684 = vector.shape_cast %get3A_683 : vector<16xf32> to vector<16xf32>
    %swap3A_685 = arith.constant 64 : index
    %swap3A_686 = tpu.vector_load %arg17[%swap3A_685] {strides = array<i32>} : memref<80xf32, #tpu.memory_space<vmem>>, vector<16xf32>,
    %swap3A_687 = vector.shape_cast %swap3A_686 : vector<16xf32> to vector<16xf32>
    %swap3A_688 = vector.shape_cast %get3A_684 : vector<16xf32> to vector<16xf32>
    tpu.vector_store %arg17[%swap3A_685], %swap3A_688 {strides = array<i32>} : memref<80xf32, #tpu.memory_space<vmem>>, vector<16xf32>,
    %parallel_loop3A_689 = arith.constant 0 : i32
    %parallel_loop3A_690 = arith.constant 80 : i32
    %parallel_loop3A_691 = arith.constant 1 : i32
    scf.for %parallel_loop3A_1057 = %parallel_loop3A_689 to %parallel_loop3A_690 step %parallel_loop3A_691  : i32 {
      %parallel_loop3A_1058 = arith.constant 16 : i32
      %parallel_loop3A_1059 = arith.divsi %parallel_loop3A_1057, %parallel_loop3A_1058 : i32
      %parallel_loop3A_1060 = arith.constant 0 : i32
      %parallel_loop3A_1061 = arith.cmpi sgt, %parallel_loop3A_1057, %parallel_loop3A_1060 : i32
      %parallel_loop3A_1062 = arith.extui %parallel_loop3A_1061 : i1 to i32
      %parallel_loop3A_1063 = arith.constant 0 : i32
      %parallel_loop3A_1064 = arith.cmpi slt, %parallel_loop3A_1057, %parallel_loop3A_1063 : i32
      %parallel_loop3A_1065 = arith.extui %parallel_loop3A_1064 : i1 to i32
      %parallel_loop3A_1066 = arith.subi %parallel_loop3A_1062, %parallel_loop3A_1065 : i32
      %parallel_loop3A_1067 = arith.constant 0 : i32
      %parallel_loop3A_1068 = arith.cmpi sgt, %parallel_loop3A_1058, %parallel_loop3A_1067 : i32
      %parallel_loop3A_1069 = arith.extui %parallel_loop3A_1068 : i1 to i32
      %parallel_loop3A_1070 = arith.constant 0 : i32
      %parallel_loop3A_1071 = arith.cmpi slt, %parallel_loop3A_1058, %parallel_loop3A_1070 : i32
      %parallel_loop3A_1072 = arith.extui %parallel_loop3A_1071 : i1 to i32
      %parallel_loop3A_1073 = arith.subi %parallel_loop3A_1069, %parallel_loop3A_1072 : i32
      %parallel_loop3A_1074 = arith.cmpi ne, %parallel_loop3A_1066, %parallel_loop3A_1073 : i32
      %parallel_loop3A_1075 = arith.remsi %parallel_loop3A_1057, %parallel_loop3A_1058 : i32
      %parallel_loop3A_1076 = arith.constant 0 : i32
      %parallel_loop3A_1077 = arith.cmpi ne, %parallel_loop3A_1075, %parallel_loop3A_1076 : i32
      %parallel_loop3A_1078 = arith.andi %parallel_loop3A_1074, %parallel_loop3A_1077 : i1
      %parallel_loop3A_1079 = arith.constant 1 : i32
      %parallel_loop3A_1080 = arith.subi %parallel_loop3A_1059, %parallel_loop3A_1079 : i32
      %parallel_loop3A_1081 = arith.select %parallel_loop3A_1078, %parallel_loop3A_1080, %parallel_loop3A_1059 : i32
      %parallel_loop3A_1082 = arith.constant 16 : i32
      %parallel_loop3A_1083 = arith.muli %parallel_loop3A_1081, %parallel_loop3A_1082 : i32
      %parallel_loop3A_1084 = arith.index_cast %parallel_loop3A_1083 : i32 to index
      %parallel_loop3A_1085 = tpu.vector_load %arg17[%parallel_loop3A_1084] {strides = array<i32>} : memref<80xf32, #tpu.memory_space<vmem>>, vector<16xf32>,
      %parallel_loop3A_1086 = vector.shape_cast %parallel_loop3A_1085 : vector<16xf32> to vector<16xf32>
      %parallel_loop3A_1087 = arith.constant 16 : i32
      %parallel_loop3A_1088 = arith.constant 0 : i32
      %parallel_loop3A_1089 = arith.cmpi eq, %parallel_loop3A_1087, %parallel_loop3A_1088 : i32
      %parallel_loop3A_1090 = arith.constant 1 : i32
      %parallel_loop3A_1091 = arith.select %parallel_loop3A_1089, %parallel_loop3A_1090, %parallel_loop3A_1087 : i32
      %parallel_loop3A_1092 = arith.remsi %parallel_loop3A_1057, %parallel_loop3A_1091 : i32
      %parallel_loop3A_1093 = arith.constant 0 : i32
      %parallel_loop3A_1094 = arith.cmpi ne, %parallel_loop3A_1092, %parallel_loop3A_1093 : i32
      %parallel_loop3A_1095 = arith.constant 0 : i32
      %parallel_loop3A_1096 = arith.cmpi slt, %parallel_loop3A_1092, %parallel_loop3A_1095 : i32
      %parallel_loop3A_1097 = arith.constant 0 : i32
      %parallel_loop3A_1098 = arith.cmpi slt, %parallel_loop3A_1091, %parallel_loop3A_1097 : i32
      %parallel_loop3A_1099 = arith.xori %parallel_loop3A_1096, %parallel_loop3A_1098 : i1
      %parallel_loop3A_1100 = arith.andi %parallel_loop3A_1099, %parallel_loop3A_1094 : i1
      %parallel_loop3A_1101 = arith.addi %parallel_loop3A_1092, %parallel_loop3A_1091 : i32
      %parallel_loop3A_1102 = arith.select %parallel_loop3A_1100, %parallel_loop3A_1101, %parallel_loop3A_1092 : i32
      %parallel_loop3A_1103 = vector.broadcast %parallel_loop3A_1102 : i32 to vector<16x1xi32>
      %parallel_loop3A_1104 = vector.shape_cast %parallel_loop3A_1103 : vector<16x1xi32> to vector<16xi32>
      %parallel_loop3A_1105 = tpu.dynamic_gather %parallel_loop3A_1086[%parallel_loop3A_1104] in [0] : vector<16xf32>, vector<16xi32> -> vector<16xf32>
      %parallel_loop3A_1106 = arith.index_cast %parallel_loop3A_1057 : i32 to index
      %parallel_loop3A_1107 = arith.constant 0 : index
      %parallel_loop3A_1108 = tpu.vector_load %arg20[%parallel_loop3A_1106, %parallel_loop3A_1107] {strides = array<i32>} : memref<80x128xf32, #tpu.memory_space<vmem>>, vector<1x16xf32>,
      %parallel_loop3A_1109 = vector.shape_cast %parallel_loop3A_1108 : vector<1x16xf32> to vector<16xf32>
      %parallel_loop3A_1110 = arith.mulf %parallel_loop3A_1109, %parallel_loop3A_1105 : vector<16xf32>
      %parallel_loop3A_1111 = arith.index_cast %parallel_loop3A_1057 : i32 to index
      %parallel_loop3A_1112 = arith.constant 0 : index
      %parallel_loop3A_1113 = tpu.vector_load %arg20[%parallel_loop3A_1111, %parallel_loop3A_1112] {strides = array<i32>} : memref<80x128xf32, #tpu.memory_space<vmem>>, vector<1x16xf32>,
      %parallel_loop3A_1114 = vector.shape_cast %parallel_loop3A_1113 : vector<1x16xf32> to vector<16xf32>
      %parallel_loop3A_1115 = vector.shape_cast %parallel_loop3A_1110 : vector<16xf32> to vector<1x16xf32>
      tpu.vector_store %arg20[%parallel_loop3A_1111, %parallel_loop3A_1112], %parallel_loop3A_1115 {strides = array<i32>} : memref<80x128xf32, #tpu.memory_space<vmem>>, vector<1x16xf32>,
      %parallel_loop3A_1116 = arith.index_cast %parallel_loop3A_1057 : i32 to index
      %parallel_loop3A_1117 = arith.constant 16 : index
      %parallel_loop3A_1118 = tpu.vector_load %arg20[%parallel_loop3A_1116, %parallel_loop3A_1117] {strides = array<i32>} : memref<80x128xf32, #tpu.memory_space<vmem>>, vector<1x16xf32>,
      %parallel_loop3A_1119 = vector.shape_cast %parallel_loop3A_1118 : vector<1x16xf32> to vector<16xf32>
      %parallel_loop3A_1120 = arith.mulf %parallel_loop3A_1119, %parallel_loop3A_1105 : vector<16xf32>
      %parallel_loop3A_1121 = arith.index_cast %parallel_loop3A_1057 : i32 to index
      %parallel_loop3A_1122 = arith.constant 16 : index
      %parallel_loop3A_1123 = tpu.vector_load %arg20[%parallel_loop3A_1121, %parallel_loop3A_1122] {strides = array<i32>} : memref<80x128xf32, #tpu.memory_space<vmem>>, vector<1x16xf32>,
      %parallel_loop3A_1124 = vector.shape_cast %parallel_loop3A_1123 : vector<1x16xf32> to vector<16xf32>
      %parallel_loop3A_1125 = vector.shape_cast %parallel_loop3A_1120 : vector<16xf32> to vector<1x16xf32>
      tpu.vector_store %arg20[%parallel_loop3A_1121, %parallel_loop3A_1122], %parallel_loop3A_1125 {strides = array<i32>} : memref<80x128xf32, #tpu.memory_space<vmem>>, vector<1x16xf32>,
      %parallel_loop3A_1126 = arith.index_cast %parallel_loop3A_1057 : i32 to index
      %parallel_loop3A_1127 = arith.constant 32 : index
      %parallel_loop3A_1128 = tpu.vector_load %arg20[%parallel_loop3A_1126, %parallel_loop3A_1127] {strides = array<i32>} : memref<80x128xf32, #tpu.memory_space<vmem>>, vector<1x16xf32>,
      %parallel_loop3A_1129 = vector.shape_cast %parallel_loop3A_1128 : vector<1x16xf32> to vector<16xf32>
      %parallel_loop3A_1130 = arith.mulf %parallel_loop3A_1129, %parallel_loop3A_1105 : vector<16xf32>
      %parallel_loop3A_1131 = arith.index_cast %parallel_loop3A_1057 : i32 to index
      %parallel_loop3A_1132 = arith.constant 32 : index
      %parallel_loop3A_1133 = tpu.vector_load %arg20[%parallel_loop3A_1131, %parallel_loop3A_1132] {strides = array<i32>} : memref<80x128xf32, #tpu.memory_space<vmem>>, vector<1x16xf32>,
      %parallel_loop3A_1134 = vector.shape_cast %parallel_loop3A_1133 : vector<1x16xf32> to vector<16xf32>
      %parallel_loop3A_1135 = vector.shape_cast %parallel_loop3A_1130 : vector<16xf32> to vector<1x16xf32>
      tpu.vector_store %arg20[%parallel_loop3A_1131, %parallel_loop3A_1132], %parallel_loop3A_1135 {strides = array<i32>} : memref<80x128xf32, #tpu.memory_space<vmem>>, vector<1x16xf32>,
      %parallel_loop3A_1136 = arith.index_cast %parallel_loop3A_1057 : i32 to index
      %parallel_loop3A_1137 = arith.constant 48 : index
      %parallel_loop3A_1138 = tpu.vector_load %arg20[%parallel_loop3A_1136, %parallel_loop3A_1137] {strides = array<i32>} : memref<80x128xf32, #tpu.memory_space<vmem>>, vector<1x16xf32>,
      %parallel_loop3A_1139 = vector.shape_cast %parallel_loop3A_1138 : vector<1x16xf32> to vector<16xf32>
      %parallel_loop3A_1140 = arith.mulf %parallel_loop3A_1139, %parallel_loop3A_1105 : vector<16xf32>
      %parallel_loop3A_1141 = arith.index_cast %parallel_loop3A_1057 : i32 to index
      %parallel_loop3A_1142 = arith.constant 48 : index
      %parallel_loop3A_1143 = tpu.vector_load %arg20[%parallel_loop3A_1141, %parallel_loop3A_1142] {strides = array<i32>} : memref<80x128xf32, #tpu.memory_space<vmem>>, vector<1x16xf32>,
      %parallel_loop3A_1144 = vector.shape_cast %parallel_loop3A_1143 : vector<1x16xf32> to vector<16xf32>
      %parallel_loop3A_1145 = vector.shape_cast %parallel_loop3A_1140 : vector<16xf32> to vector<1x16xf32>
      tpu.vector_store %arg20[%parallel_loop3A_1141, %parallel_loop3A_1142], %parallel_loop3A_1145 {strides = array<i32>} : memref<80x128xf32, #tpu.memory_space<vmem>>, vector<1x16xf32>,
      %parallel_loop3A_1146 = arith.index_cast %parallel_loop3A_1057 : i32 to index
      %parallel_loop3A_1147 = arith.constant 64 : index
      %parallel_loop3A_1148 = tpu.vector_load %arg20[%parallel_loop3A_1146, %parallel_loop3A_1147] {strides = array<i32>} : memref<80x128xf32, #tpu.memory_space<vmem>>, vector<1x16xf32>,
      %parallel_loop3A_1149 = vector.shape_cast %parallel_loop3A_1148 : vector<1x16xf32> to vector<16xf32>
      %parallel_loop3A_1150 = arith.mulf %parallel_loop3A_1149, %parallel_loop3A_1105 : vector<16xf32>
      %parallel_loop3A_1151 = arith.index_cast %parallel_loop3A_1057 : i32 to index
      %parallel_loop3A_1152 = arith.constant 64 : index
      %parallel_loop3A_1153 = tpu.vector_load %arg20[%parallel_loop3A_1151, %parallel_loop3A_1152] {strides = array<i32>} : memref<80x128xf32, #tpu.memory_space<vmem>>, vector<1x16xf32>,
      %parallel_loop3A_1154 = vector.shape_cast %parallel_loop3A_1153 : vector<1x16xf32> to vector<16xf32>
      %parallel_loop3A_1155 = vector.shape_cast %parallel_loop3A_1150 : vector<16xf32> to vector<1x16xf32>
      tpu.vector_store %arg20[%parallel_loop3A_1151, %parallel_loop3A_1152], %parallel_loop3A_1155 {strides = array<i32>} : memref<80x128xf32, #tpu.memory_space<vmem>>, vector<1x16xf32>,
      %parallel_loop3A_1156 = arith.index_cast %parallel_loop3A_1057 : i32 to index
      %parallel_loop3A_1157 = arith.constant 80 : index
      %parallel_loop3A_1158 = tpu.vector_load %arg20[%parallel_loop3A_1156, %parallel_loop3A_1157] {strides = array<i32>} : memref<80x128xf32, #tpu.memory_space<vmem>>, vector<1x16xf32>,
      %parallel_loop3A_1159 = vector.shape_cast %parallel_loop3A_1158 : vector<1x16xf32> to vector<16xf32>
      %parallel_loop3A_1160 = arith.mulf %parallel_loop3A_1159, %parallel_loop3A_1105 : vector<16xf32>
      %parallel_loop3A_1161 = arith.index_cast %parallel_loop3A_1057 : i32 to index
      %parallel_loop3A_1162 = arith.constant 80 : index
      %parallel_loop3A_1163 = tpu.vector_load %arg20[%parallel_loop3A_1161, %parallel_loop3A_1162] {strides = array<i32>} : memref<80x128xf32, #tpu.memory_space<vmem>>, vector<1x16xf32>,
      %parallel_loop3A_1164 = vector.shape_cast %parallel_loop3A_1163 : vector<1x16xf32> to vector<16xf32>
      %parallel_loop3A_1165 = vector.shape_cast %parallel_loop3A_1160 : vector<16xf32> to vector<1x16xf32>
      tpu.vector_store %arg20[%parallel_loop3A_1161, %parallel_loop3A_1162], %parallel_loop3A_1165 {strides = array<i32>} : memref<80x128xf32, #tpu.memory_space<vmem>>, vector<1x16xf32>,
      %parallel_loop3A_1166 = arith.index_cast %parallel_loop3A_1057 : i32 to index
      %parallel_loop3A_1167 = arith.constant 96 : index
      %parallel_loop3A_1168 = tpu.vector_load %arg20[%parallel_loop3A_1166, %parallel_loop3A_1167] {strides = array<i32>} : memref<80x128xf32, #tpu.memory_space<vmem>>, vector<1x16xf32>,
      %parallel_loop3A_1169 = vector.shape_cast %parallel_loop3A_1168 : vector<1x16xf32> to vector<16xf32>
      %parallel_loop3A_1170 = arith.mulf %parallel_loop3A_1169, %parallel_loop3A_1105 : vector<16xf32>
      %parallel_loop3A_1171 = arith.index_cast %parallel_loop3A_1057 : i32 to index
      %parallel_loop3A_1172 = arith.constant 96 : index
      %parallel_loop3A_1173 = tpu.vector_load %arg20[%parallel_loop3A_1171, %parallel_loop3A_1172] {strides = array<i32>} : memref<80x128xf32, #tpu.memory_space<vmem>>, vector<1x16xf32>,
      %parallel_loop3A_1174 = vector.shape_cast %parallel_loop3A_1173 : vector<1x16xf32> to vector<16xf32>
      %parallel_loop3A_1175 = vector.shape_cast %parallel_loop3A_1170 : vector<16xf32> to vector<1x16xf32>
      tpu.vector_store %arg20[%parallel_loop3A_1171, %parallel_loop3A_1172], %parallel_loop3A_1175 {strides = array<i32>} : memref<80x128xf32, #tpu.memory_space<vmem>>, vector<1x16xf32>,
      %parallel_loop3A_1176 = arith.index_cast %parallel_loop3A_1057 : i32 to index
      %parallel_loop3A_1177 = arith.constant 112 : index
      %parallel_loop3A_1178 = tpu.vector_load %arg20[%parallel_loop3A_1176, %parallel_loop3A_1177] {strides = array<i32>} : memref<80x128xf32, #tpu.memory_space<vmem>>, vector<1x16xf32>,
      %parallel_loop3A_1179 = vector.shape_cast %parallel_loop3A_1178 : vector<1x16xf32> to vector<16xf32>
      %parallel_loop3A_1180 = arith.mulf %parallel_loop3A_1179, %parallel_loop3A_1105 : vector<16xf32>
      %parallel_loop3A_1181 = arith.index_cast %parallel_loop3A_1057 : i32 to index
      %parallel_loop3A_1182 = arith.constant 112 : index
      %parallel_loop3A_1183 = tpu.vector_load %arg20[%parallel_loop3A_1181, %parallel_loop3A_1182] {strides = array<i32>} : memref<80x128xf32, #tpu.memory_space<vmem>>, vector<1x16xf32>,
      %parallel_loop3A_1184 = vector.shape_cast %parallel_loop3A_1183 : vector<1x16xf32> to vector<16xf32>
      %parallel_loop3A_1185 = vector.shape_cast %parallel_loop3A_1180 : vector<16xf32> to vector<1x16xf32>
      tpu.vector_store %arg20[%parallel_loop3A_1181, %parallel_loop3A_1182], %parallel_loop3A_1185 {strides = array<i32>} : memref<80x128xf32, #tpu.memory_space<vmem>>, vector<1x16xf32>,
    } {sc.loop_unroll_factor = 4 : i64, sc.parallel_access}
    %dma_start3A_692 = arith.constant 0 : i32
    %dma_start3A_693 = arith.constant 0 : i32
    %dma_start3A_694 = tpu.memref_slice %arg23[%dma_start3A_692, %dma_start3A_693] : memref<10112x128xf32, #tpu.memory_space<vmem_shared>> -> memref<10112x128xf32, #tpu.memory_space<vmem_shared>>
    tpu.enqueue_indirect_dma source(%arg20 : memref<80x128xf32, #tpu.memory_space<vmem>>) target(%dma_start3A_694 : memref<10112x128xf32, #tpu.memory_space<vmem_shared>>) offsets(%arg14 : memref<80xi32, #tpu.memory_space<vmem>>) semaphore(%arg28 : memref<!tpu.dma_semaphore, #tpu.memory_space<semaphore_mem>>) {add = true}
    %dma_wait3A_695 = arith.constant 0 : i32
    %dma_wait3A_696 = arith.constant 0 : i32
    %dma_wait3A_697 = tpu.memref_slice %arg23[%dma_wait3A_695, %dma_wait3A_696] : memref<10112x128xf32, #tpu.memory_space<vmem_shared>> -> memref<10112x128xf32, #tpu.memory_space<vmem_shared>>
    tpu.wait_indirect_dma semaphore(%arg27 : memref<!tpu.dma_semaphore, #tpu.memory_space<semaphore_mem>>) src(%arg19 : memref<80x128xf32, #tpu.memory_space<vmem>>) dst(%dma_wait3A_697 : memref<10112x128xf32, #tpu.memory_space<vmem_shared>>)
    %dma_start3A_698 = arith.constant 240 : i32
    %dma_start3A_699 = tpu.memref_slice %arg7[%dma_start3A_698] : memref<2640xi32, #tpu.memory_space<vmem>> -> memref<80xi32, #tpu.memory_space<vmem>>
    %dma_start3A_700 = arith.constant 0 : i32
    %dma_start3A_701 = arith.constant 0 : i32
    %dma_start3A_702 = tpu.memref_slice %arg2[%dma_start3A_700, %dma_start3A_701] : memref<10000x128xf32, #tpu.memory_space<hbm>> -> memref<10000x128xf32, #tpu.memory_space<hbm>>
    tpu.enqueue_indirect_dma source(%dma_start3A_702 : memref<10000x128xf32, #tpu.memory_space<hbm>>) target(%arg19 : memref<80x128xf32, #tpu.memory_space<vmem>>) offsets(%dma_start3A_699 : memref<80xi32, #tpu.memory_space<vmem>>) semaphore(%arg24 : memref<!tpu.dma_semaphore, #tpu.memory_space<semaphore_mem>>)
    %dma_wait3A_703 = arith.constant 0 : i32
    %dma_wait3A_704 = arith.constant 0 : i32
    %dma_wait3A_705 = tpu.memref_slice %arg2[%dma_wait3A_703, %dma_wait3A_704] : memref<10000x128xf32, #tpu.memory_space<hbm>> -> memref<10000x128xf32, #tpu.memory_space<hbm>>
    tpu.wait_indirect_dma semaphore(%arg26 : memref<!tpu.dma_semaphore, #tpu.memory_space<semaphore_mem>>) src(%dma_wait3A_705 : memref<10000x128xf32, #tpu.memory_space<hbm>>) dst(%arg21 : memref<80x128xf32, #tpu.memory_space<vmem>>)
    %get3A_706 = arith.constant 160 : index
    %get3A_707 = tpu.vector_load %arg9[%get3A_706] {strides = array<i32>} : memref<2640xi32, #tpu.memory_space<vmem>>, vector<16xi32>,
    %get3A_708 = vector.shape_cast %get3A_707 : vector<16xi32> to vector<16xi32>
    %swap3A_709 = arith.constant 0 : index
    %swap3A_710 = tpu.vector_load %arg15[%swap3A_709] {strides = array<i32>} : memref<80xi32, #tpu.memory_space<vmem>>, vector<16xi32>,
    %swap3A_711 = vector.shape_cast %swap3A_710 : vector<16xi32> to vector<16xi32>
    %swap3A_712 = vector.shape_cast %get3A_708 : vector<16xi32> to vector<16xi32>
    tpu.vector_store %arg15[%swap3A_709], %swap3A_712 {strides = array<i32>} : memref<80xi32, #tpu.memory_space<vmem>>, vector<16xi32>,
    %get3A_713 = arith.constant 160 : index
    %get3A_714 = tpu.vector_load %arg11[%get3A_713] {strides = array<i32>} : memref<2640xf32, #tpu.memory_space<vmem>>, vector<16xf32>,
    %get3A_715 = vector.shape_cast %get3A_714 : vector<16xf32> to vector<16xf32>
    %swap3A_716 = arith.constant 0 : index
    %swap3A_717 = tpu.vector_load %arg18[%swap3A_716] {strides = array<i32>} : memref<80xf32, #tpu.memory_space<vmem>>, vector<16xf32>,
    %swap3A_718 = vector.shape_cast %swap3A_717 : vector<16xf32> to vector<16xf32>
    %swap3A_719 = vector.shape_cast %get3A_715 : vector<16xf32> to vector<16xf32>
    tpu.vector_store %arg18[%swap3A_716], %swap3A_719 {strides = array<i32>} : memref<80xf32, #tpu.memory_space<vmem>>, vector<16xf32>,
    %get3A_720 = arith.constant 176 : index
    %get3A_721 = tpu.vector_load %arg9[%get3A_720] {strides = array<i32>} : memref<2640xi32, #tpu.memory_space<vmem>>, vector<16xi32>,
    %get3A_722 = vector.shape_cast %get3A_721 : vector<16xi32> to vector<16xi32>
    %swap3A_723 = arith.constant 16 : index
    %swap3A_724 = tpu.vector_load %arg15[%swap3A_723] {strides = array<i32>} : memref<80xi32, #tpu.memory_space<vmem>>, vector<16xi32>,
    %swap3A_725 = vector.shape_cast %swap3A_724 : vector<16xi32> to vector<16xi32>
    %swap3A_726 = vector.shape_cast %get3A_722 : vector<16xi32> to vector<16xi32>
    tpu.vector_store %arg15[%swap3A_723], %swap3A_726 {strides = array<i32>} : memref<80xi32, #tpu.memory_space<vmem>>, vector<16xi32>,
    %get3A_727 = arith.constant 176 : index
    %get3A_728 = tpu.vector_load %arg11[%get3A_727] {strides = array<i32>} : memref<2640xf32, #tpu.memory_space<vmem>>, vector<16xf32>,
    %get3A_729 = vector.shape_cast %get3A_728 : vector<16xf32> to vector<16xf32>
    %swap3A_730 = arith.constant 16 : index
    %swap3A_731 = tpu.vector_load %arg18[%swap3A_730] {strides = array<i32>} : memref<80xf32, #tpu.memory_space<vmem>>, vector<16xf32>,
    %swap3A_732 = vector.shape_cast %swap3A_731 : vector<16xf32> to vector<16xf32>
    %swap3A_733 = vector.shape_cast %get3A_729 : vector<16xf32> to vector<16xf32>
    tpu.vector_store %arg18[%swap3A_730], %swap3A_733 {strides = array<i32>} : memref<80xf32, #tpu.memory_space<vmem>>, vector<16xf32>,
    %get3A_734 = arith.constant 192 : index
    %get3A_735 = tpu.vector_load %arg9[%get3A_734] {strides = array<i32>} : memref<2640xi32, #tpu.memory_space<vmem>>, vector<16xi32>,
    %get3A_736 = vector.shape_cast %get3A_735 : vector<16xi32> to vector<16xi32>
    %swap3A_737 = arith.constant 32 : index
    %swap3A_738 = tpu.vector_load %arg15[%swap3A_737] {strides = array<i32>} : memref<80xi32, #tpu.memory_space<vmem>>, vector<16xi32>,
    %swap3A_739 = vector.shape_cast %swap3A_738 : vector<16xi32> to vector<16xi32>
    %swap3A_740 = vector.shape_cast %get3A_736 : vector<16xi32> to vector<16xi32>
    tpu.vector_store %arg15[%swap3A_737], %swap3A_740 {strides = array<i32>} : memref<80xi32, #tpu.memory_space<vmem>>, vector<16xi32>,
    %get3A_741 = arith.constant 192 : index
    %get3A_742 = tpu.vector_load %arg11[%get3A_741] {strides = array<i32>} : memref<2640xf32, #tpu.memory_space<vmem>>, vector<16xf32>,
    %get3A_743 = vector.shape_cast %get3A_742 : vector<16xf32> to vector<16xf32>
    %swap3A_744 = arith.constant 32 : index
    %swap3A_745 = tpu.vector_load %arg18[%swap3A_744] {strides = array<i32>} : memref<80xf32, #tpu.memory_space<vmem>>, vector<16xf32>,
    %swap3A_746 = vector.shape_cast %swap3A_745 : vector<16xf32> to vector<16xf32>
    %swap3A_747 = vector.shape_cast %get3A_743 : vector<16xf32> to vector<16xf32>
    tpu.vector_store %arg18[%swap3A_744], %swap3A_747 {strides = array<i32>} : memref<80xf32, #tpu.memory_space<vmem>>, vector<16xf32>,
    %get3A_748 = arith.constant 208 : index
    %get3A_749 = tpu.vector_load %arg9[%get3A_748] {strides = array<i32>} : memref<2640xi32, #tpu.memory_space<vmem>>, vector<16xi32>,
    %get3A_750 = vector.shape_cast %get3A_749 : vector<16xi32> to vector<16xi32>
    %swap3A_751 = arith.constant 48 : index
    %swap3A_752 = tpu.vector_load %arg15[%swap3A_751] {strides = array<i32>} : memref<80xi32, #tpu.memory_space<vmem>>, vector<16xi32>,
    %swap3A_753 = vector.shape_cast %swap3A_752 : vector<16xi32> to vector<16xi32>
    %swap3A_754 = vector.shape_cast %get3A_750 : vector<16xi32> to vector<16xi32>
    tpu.vector_store %arg15[%swap3A_751], %swap3A_754 {strides = array<i32>} : memref<80xi32, #tpu.memory_space<vmem>>, vector<16xi32>,
    %get3A_755 = arith.constant 208 : index
    %get3A_756 = tpu.vector_load %arg11[%get3A_755] {strides = array<i32>} : memref<2640xf32, #tpu.memory_space<vmem>>, vector<16xf32>,
    %get3A_757 = vector.shape_cast %get3A_756 : vector<16xf32> to vector<16xf32>
    %swap3A_758 = arith.constant 48 : index
    %swap3A_759 = tpu.vector_load %arg18[%swap3A_758] {strides = array<i32>} : memref<80xf32, #tpu.memory_space<vmem>>, vector<16xf32>,
    %swap3A_760 = vector.shape_cast %swap3A_759 : vector<16xf32> to vector<16xf32>
    %swap3A_761 = vector.shape_cast %get3A_757 : vector<16xf32> to vector<16xf32>
    tpu.vector_store %arg18[%swap3A_758], %swap3A_761 {strides = array<i32>} : memref<80xf32, #tpu.memory_space<vmem>>, vector<16xf32>,
    %get3A_762 = arith.constant 224 : index
    %get3A_763 = tpu.vector_load %arg9[%get3A_762] {strides = array<i32>} : memref<2640xi32, #tpu.memory_space<vmem>>, vector<16xi32>,
    %get3A_764 = vector.shape_cast %get3A_763 : vector<16xi32> to vector<16xi32>
    %swap3A_765 = arith.constant 64 : index
    %swap3A_766 = tpu.vector_load %arg15[%swap3A_765] {strides = array<i32>} : memref<80xi32, #tpu.memory_space<vmem>>, vector<16xi32>,
    %swap3A_767 = vector.shape_cast %swap3A_766 : vector<16xi32> to vector<16xi32>
    %swap3A_768 = vector.shape_cast %get3A_764 : vector<16xi32> to vector<16xi32>
    tpu.vector_store %arg15[%swap3A_765], %swap3A_768 {strides = array<i32>} : memref<80xi32, #tpu.memory_space<vmem>>, vector<16xi32>,
    %get3A_769 = arith.constant 224 : index
    %get3A_770 = tpu.vector_load %arg11[%get3A_769] {strides = array<i32>} : memref<2640xf32, #tpu.memory_space<vmem>>, vector<16xf32>,
    %get3A_771 = vector.shape_cast %get3A_770 : vector<16xf32> to vector<16xf32>
    %swap3A_772 = arith.constant 64 : index
    %swap3A_773 = tpu.vector_load %arg18[%swap3A_772] {strides = array<i32>} : memref<80xf32, #tpu.memory_space<vmem>>, vector<16xf32>,
    %swap3A_774 = vector.shape_cast %swap3A_773 : vector<16xf32> to vector<16xf32>
    %swap3A_775 = vector.shape_cast %get3A_771 : vector<16xf32> to vector<16xf32>
    tpu.vector_store %arg18[%swap3A_772], %swap3A_775 {strides = array<i32>} : memref<80xf32, #tpu.memory_space<vmem>>, vector<16xf32>,
    %parallel_loop3A_776 = arith.constant 0 : i32
    %parallel_loop3A_777 = arith.constant 80 : i32
    %parallel_loop3A_778 = arith.constant 1 : i32
    scf.for %parallel_loop3A_1057 = %parallel_loop3A_776 to %parallel_loop3A_777 step %parallel_loop3A_778  : i32 {
      %parallel_loop3A_1058 = arith.constant 16 : i32
      %parallel_loop3A_1059 = arith.divsi %parallel_loop3A_1057, %parallel_loop3A_1058 : i32
      %parallel_loop3A_1060 = arith.constant 0 : i32
      %parallel_loop3A_1061 = arith.cmpi sgt, %parallel_loop3A_1057, %parallel_loop3A_1060 : i32
      %parallel_loop3A_1062 = arith.extui %parallel_loop3A_1061 : i1 to i32
      %parallel_loop3A_1063 = arith.constant 0 : i32
      %parallel_loop3A_1064 = arith.cmpi slt, %parallel_loop3A_1057, %parallel_loop3A_1063 : i32
      %parallel_loop3A_1065 = arith.extui %parallel_loop3A_1064 : i1 to i32
      %parallel_loop3A_1066 = arith.subi %parallel_loop3A_1062, %parallel_loop3A_1065 : i32
      %parallel_loop3A_1067 = arith.constant 0 : i32
      %parallel_loop3A_1068 = arith.cmpi sgt, %parallel_loop3A_1058, %parallel_loop3A_1067 : i32
      %parallel_loop3A_1069 = arith.extui %parallel_loop3A_1068 : i1 to i32
      %parallel_loop3A_1070 = arith.constant 0 : i32
      %parallel_loop3A_1071 = arith.cmpi slt, %parallel_loop3A_1058, %parallel_loop3A_1070 : i32
      %parallel_loop3A_1072 = arith.extui %parallel_loop3A_1071 : i1 to i32
      %parallel_loop3A_1073 = arith.subi %parallel_loop3A_1069, %parallel_loop3A_1072 : i32
      %parallel_loop3A_1074 = arith.cmpi ne, %parallel_loop3A_1066, %parallel_loop3A_1073 : i32
      %parallel_loop3A_1075 = arith.remsi %parallel_loop3A_1057, %parallel_loop3A_1058 : i32
      %parallel_loop3A_1076 = arith.constant 0 : i32
      %parallel_loop3A_1077 = arith.cmpi ne, %parallel_loop3A_1075, %parallel_loop3A_1076 : i32
      %parallel_loop3A_1078 = arith.andi %parallel_loop3A_1074, %parallel_loop3A_1077 : i1
      %parallel_loop3A_1079 = arith.constant 1 : i32
      %parallel_loop3A_1080 = arith.subi %parallel_loop3A_1059, %parallel_loop3A_1079 : i32
      %parallel_loop3A_1081 = arith.select %parallel_loop3A_1078, %parallel_loop3A_1080, %parallel_loop3A_1059 : i32
      %parallel_loop3A_1082 = arith.constant 16 : i32
      %parallel_loop3A_1083 = arith.muli %parallel_loop3A_1081, %parallel_loop3A_1082 : i32
      %parallel_loop3A_1084 = arith.index_cast %parallel_loop3A_1083 : i32 to index
      %parallel_loop3A_1085 = tpu.vector_load %arg18[%parallel_loop3A_1084] {strides = array<i32>} : memref<80xf32, #tpu.memory_space<vmem>>, vector<16xf32>,
      %parallel_loop3A_1086 = vector.shape_cast %parallel_loop3A_1085 : vector<16xf32> to vector<16xf32>
      %parallel_loop3A_1087 = arith.constant 16 : i32
      %parallel_loop3A_1088 = arith.constant 0 : i32
      %parallel_loop3A_1089 = arith.cmpi eq, %parallel_loop3A_1087, %parallel_loop3A_1088 : i32
      %parallel_loop3A_1090 = arith.constant 1 : i32
      %parallel_loop3A_1091 = arith.select %parallel_loop3A_1089, %parallel_loop3A_1090, %parallel_loop3A_1087 : i32
      %parallel_loop3A_1092 = arith.remsi %parallel_loop3A_1057, %parallel_loop3A_1091 : i32
      %parallel_loop3A_1093 = arith.constant 0 : i32
      %parallel_loop3A_1094 = arith.cmpi ne, %parallel_loop3A_1092, %parallel_loop3A_1093 : i32
      %parallel_loop3A_1095 = arith.constant 0 : i32
      %parallel_loop3A_1096 = arith.cmpi slt, %parallel_loop3A_1092, %parallel_loop3A_1095 : i32
      %parallel_loop3A_1097 = arith.constant 0 : i32
      %parallel_loop3A_1098 = arith.cmpi slt, %parallel_loop3A_1091, %parallel_loop3A_1097 : i32
      %parallel_loop3A_1099 = arith.xori %parallel_loop3A_1096, %parallel_loop3A_1098 : i1
      %parallel_loop3A_1100 = arith.andi %parallel_loop3A_1099, %parallel_loop3A_1094 : i1
      %parallel_loop3A_1101 = arith.addi %parallel_loop3A_1092, %parallel_loop3A_1091 : i32
      %parallel_loop3A_1102 = arith.select %parallel_loop3A_1100, %parallel_loop3A_1101, %parallel_loop3A_1092 : i32
      %parallel_loop3A_1103 = vector.broadcast %parallel_loop3A_1102 : i32 to vector<16x1xi32>
      %parallel_loop3A_1104 = vector.shape_cast %parallel_loop3A_1103 : vector<16x1xi32> to vector<16xi32>
      %parallel_loop3A_1105 = tpu.dynamic_gather %parallel_loop3A_1086[%parallel_loop3A_1104] in [0] : vector<16xf32>, vector<16xi32> -> vector<16xf32>
      %parallel_loop3A_1106 = arith.index_cast %parallel_loop3A_1057 : i32 to index
      %parallel_loop3A_1107 = arith.constant 0 : index
      %parallel_loop3A_1108 = tpu.vector_load %arg21[%parallel_loop3A_1106, %parallel_loop3A_1107] {strides = array<i32>} : memref<80x128xf32, #tpu.memory_space<vmem>>, vector<1x16xf32>,
      %parallel_loop3A_1109 = vector.shape_cast %parallel_loop3A_1108 : vector<1x16xf32> to vector<16xf32>
      %parallel_loop3A_1110 = arith.mulf %parallel_loop3A_1109, %parallel_loop3A_1105 : vector<16xf32>
      %parallel_loop3A_1111 = arith.index_cast %parallel_loop3A_1057 : i32 to index
      %parallel_loop3A_1112 = arith.constant 0 : index
      %parallel_loop3A_1113 = tpu.vector_load %arg21[%parallel_loop3A_1111, %parallel_loop3A_1112] {strides = array<i32>} : memref<80x128xf32, #tpu.memory_space<vmem>>, vector<1x16xf32>,
      %parallel_loop3A_1114 = vector.shape_cast %parallel_loop3A_1113 : vector<1x16xf32> to vector<16xf32>
      %parallel_loop3A_1115 = vector.shape_cast %parallel_loop3A_1110 : vector<16xf32> to vector<1x16xf32>
      tpu.vector_store %arg21[%parallel_loop3A_1111, %parallel_loop3A_1112], %parallel_loop3A_1115 {strides = array<i32>} : memref<80x128xf32, #tpu.memory_space<vmem>>, vector<1x16xf32>,
      %parallel_loop3A_1116 = arith.index_cast %parallel_loop3A_1057 : i32 to index
      %parallel_loop3A_1117 = arith.constant 16 : index
      %parallel_loop3A_1118 = tpu.vector_load %arg21[%parallel_loop3A_1116, %parallel_loop3A_1117] {strides = array<i32>} : memref<80x128xf32, #tpu.memory_space<vmem>>, vector<1x16xf32>,
      %parallel_loop3A_1119 = vector.shape_cast %parallel_loop3A_1118 : vector<1x16xf32> to vector<16xf32>
      %parallel_loop3A_1120 = arith.mulf %parallel_loop3A_1119, %parallel_loop3A_1105 : vector<16xf32>
      %parallel_loop3A_1121 = arith.index_cast %parallel_loop3A_1057 : i32 to index
      %parallel_loop3A_1122 = arith.constant 16 : index
      %parallel_loop3A_1123 = tpu.vector_load %arg21[%parallel_loop3A_1121, %parallel_loop3A_1122] {strides = array<i32>} : memref<80x128xf32, #tpu.memory_space<vmem>>, vector<1x16xf32>,
      %parallel_loop3A_1124 = vector.shape_cast %parallel_loop3A_1123 : vector<1x16xf32> to vector<16xf32>
      %parallel_loop3A_1125 = vector.shape_cast %parallel_loop3A_1120 : vector<16xf32> to vector<1x16xf32>
      tpu.vector_store %arg21[%parallel_loop3A_1121, %parallel_loop3A_1122], %parallel_loop3A_1125 {strides = array<i32>} : memref<80x128xf32, #tpu.memory_space<vmem>>, vector<1x16xf32>,
      %parallel_loop3A_1126 = arith.index_cast %parallel_loop3A_1057 : i32 to index
      %parallel_loop3A_1127 = arith.constant 32 : index
      %parallel_loop3A_1128 = tpu.vector_load %arg21[%parallel_loop3A_1126, %parallel_loop3A_1127] {strides = array<i32>} : memref<80x128xf32, #tpu.memory_space<vmem>>, vector<1x16xf32>,
      %parallel_loop3A_1129 = vector.shape_cast %parallel_loop3A_1128 : vector<1x16xf32> to vector<16xf32>
      %parallel_loop3A_1130 = arith.mulf %parallel_loop3A_1129, %parallel_loop3A_1105 : vector<16xf32>
      %parallel_loop3A_1131 = arith.index_cast %parallel_loop3A_1057 : i32 to index
      %parallel_loop3A_1132 = arith.constant 32 : index
      %parallel_loop3A_1133 = tpu.vector_load %arg21[%parallel_loop3A_1131, %parallel_loop3A_1132] {strides = array<i32>} : memref<80x128xf32, #tpu.memory_space<vmem>>, vector<1x16xf32>,
      %parallel_loop3A_1134 = vector.shape_cast %parallel_loop3A_1133 : vector<1x16xf32> to vector<16xf32>
      %parallel_loop3A_1135 = vector.shape_cast %parallel_loop3A_1130 : vector<16xf32> to vector<1x16xf32>
      tpu.vector_store %arg21[%parallel_loop3A_1131, %parallel_loop3A_1132], %parallel_loop3A_1135 {strides = array<i32>} : memref<80x128xf32, #tpu.memory_space<vmem>>, vector<1x16xf32>,
      %parallel_loop3A_1136 = arith.index_cast %parallel_loop3A_1057 : i32 to index
      %parallel_loop3A_1137 = arith.constant 48 : index
      %parallel_loop3A_1138 = tpu.vector_load %arg21[%parallel_loop3A_1136, %parallel_loop3A_1137] {strides = array<i32>} : memref<80x128xf32, #tpu.memory_space<vmem>>, vector<1x16xf32>,
      %parallel_loop3A_1139 = vector.shape_cast %parallel_loop3A_1138 : vector<1x16xf32> to vector<16xf32>
      %parallel_loop3A_1140 = arith.mulf %parallel_loop3A_1139, %parallel_loop3A_1105 : vector<16xf32>
      %parallel_loop3A_1141 = arith.index_cast %parallel_loop3A_1057 : i32 to index
      %parallel_loop3A_1142 = arith.constant 48 : index
      %parallel_loop3A_1143 = tpu.vector_load %arg21[%parallel_loop3A_1141, %parallel_loop3A_1142] {strides = array<i32>} : memref<80x128xf32, #tpu.memory_space<vmem>>, vector<1x16xf32>,
      %parallel_loop3A_1144 = vector.shape_cast %parallel_loop3A_1143 : vector<1x16xf32> to vector<16xf32>
      %parallel_loop3A_1145 = vector.shape_cast %parallel_loop3A_1140 : vector<16xf32> to vector<1x16xf32>
      tpu.vector_store %arg21[%parallel_loop3A_1141, %parallel_loop3A_1142], %parallel_loop3A_1145 {strides = array<i32>} : memref<80x128xf32, #tpu.memory_space<vmem>>, vector<1x16xf32>,
      %parallel_loop3A_1146 = arith.index_cast %parallel_loop3A_1057 : i32 to index
      %parallel_loop3A_1147 = arith.constant 64 : index
      %parallel_loop3A_1148 = tpu.vector_load %arg21[%parallel_loop3A_1146, %parallel_loop3A_1147] {strides = array<i32>} : memref<80x128xf32, #tpu.memory_space<vmem>>, vector<1x16xf32>,
      %parallel_loop3A_1149 = vector.shape_cast %parallel_loop3A_1148 : vector<1x16xf32> to vector<16xf32>
      %parallel_loop3A_1150 = arith.mulf %parallel_loop3A_1149, %parallel_loop3A_1105 : vector<16xf32>
      %parallel_loop3A_1151 = arith.index_cast %parallel_loop3A_1057 : i32 to index
      %parallel_loop3A_1152 = arith.constant 64 : index
      %parallel_loop3A_1153 = tpu.vector_load %arg21[%parallel_loop3A_1151, %parallel_loop3A_1152] {strides = array<i32>} : memref<80x128xf32, #tpu.memory_space<vmem>>, vector<1x16xf32>,
      %parallel_loop3A_1154 = vector.shape_cast %parallel_loop3A_1153 : vector<1x16xf32> to vector<16xf32>
      %parallel_loop3A_1155 = vector.shape_cast %parallel_loop3A_1150 : vector<16xf32> to vector<1x16xf32>
      tpu.vector_store %arg21[%parallel_loop3A_1151, %parallel_loop3A_1152], %parallel_loop3A_1155 {strides = array<i32>} : memref<80x128xf32, #tpu.memory_space<vmem>>, vector<1x16xf32>,
      %parallel_loop3A_1156 = arith.index_cast %parallel_loop3A_1057 : i32 to index
      %parallel_loop3A_1157 = arith.constant 80 : index
      %parallel_loop3A_1158 = tpu.vector_load %arg21[%parallel_loop3A_1156, %parallel_loop3A_1157] {strides = array<i32>} : memref<80x128xf32, #tpu.memory_space<vmem>>, vector<1x16xf32>,
      %parallel_loop3A_1159 = vector.shape_cast %parallel_loop3A_1158 : vector<1x16xf32> to vector<16xf32>
      %parallel_loop3A_1160 = arith.mulf %parallel_loop3A_1159, %parallel_loop3A_1105 : vector<16xf32>
      %parallel_loop3A_1161 = arith.index_cast %parallel_loop3A_1057 : i32 to index
      %parallel_loop3A_1162 = arith.constant 80 : index
      %parallel_loop3A_1163 = tpu.vector_load %arg21[%parallel_loop3A_1161, %parallel_loop3A_1162] {strides = array<i32>} : memref<80x128xf32, #tpu.memory_space<vmem>>, vector<1x16xf32>,
      %parallel_loop3A_1164 = vector.shape_cast %parallel_loop3A_1163 : vector<1x16xf32> to vector<16xf32>
      %parallel_loop3A_1165 = vector.shape_cast %parallel_loop3A_1160 : vector<16xf32> to vector<1x16xf32>
      tpu.vector_store %arg21[%parallel_loop3A_1161, %parallel_loop3A_1162], %parallel_loop3A_1165 {strides = array<i32>} : memref<80x128xf32, #tpu.memory_space<vmem>>, vector<1x16xf32>,
      %parallel_loop3A_1166 = arith.index_cast %parallel_loop3A_1057 : i32 to index
      %parallel_loop3A_1167 = arith.constant 96 : index
      %parallel_loop3A_1168 = tpu.vector_load %arg21[%parallel_loop3A_1166, %parallel_loop3A_1167] {strides = array<i32>} : memref<80x128xf32, #tpu.memory_space<vmem>>, vector<1x16xf32>,
      %parallel_loop3A_1169 = vector.shape_cast %parallel_loop3A_1168 : vector<1x16xf32> to vector<16xf32>
      %parallel_loop3A_1170 = arith.mulf %parallel_loop3A_1169, %parallel_loop3A_1105 : vector<16xf32>
      %parallel_loop3A_1171 = arith.index_cast %parallel_loop3A_1057 : i32 to index
      %parallel_loop3A_1172 = arith.constant 96 : index
      %parallel_loop3A_1173 = tpu.vector_load %arg21[%parallel_loop3A_1171, %parallel_loop3A_1172] {strides = array<i32>} : memref<80x128xf32, #tpu.memory_space<vmem>>, vector<1x16xf32>,
      %parallel_loop3A_1174 = vector.shape_cast %parallel_loop3A_1173 : vector<1x16xf32> to vector<16xf32>
      %parallel_loop3A_1175 = vector.shape_cast %parallel_loop3A_1170 : vector<16xf32> to vector<1x16xf32>
      tpu.vector_store %arg21[%parallel_loop3A_1171, %parallel_loop3A_1172], %parallel_loop3A_1175 {strides = array<i32>} : memref<80x128xf32, #tpu.memory_space<vmem>>, vector<1x16xf32>,
      %parallel_loop3A_1176 = arith.index_cast %parallel_loop3A_1057 : i32 to index
      %parallel_loop3A_1177 = arith.constant 112 : index
      %parallel_loop3A_1178 = tpu.vector_load %arg21[%parallel_loop3A_1176, %parallel_loop3A_1177] {strides = array<i32>} : memref<80x128xf32, #tpu.memory_space<vmem>>, vector<1x16xf32>,
      %parallel_loop3A_1179 = vector.shape_cast %parallel_loop3A_1178 : vector<1x16xf32> to vector<16xf32>
      %parallel_loop3A_1180 = arith.mulf %parallel_loop3A_1179, %parallel_loop3A_1105 : vector<16xf32>
      %parallel_loop3A_1181 = arith.index_cast %parallel_loop3A_1057 : i32 to index
      %parallel_loop3A_1182 = arith.constant 112 : index
      %parallel_loop3A_1183 = tpu.vector_load %arg21[%parallel_loop3A_1181, %parallel_loop3A_1182] {strides = array<i32>} : memref<80x128xf32, #tpu.memory_space<vmem>>, vector<1x16xf32>,
      %parallel_loop3A_1184 = vector.shape_cast %parallel_loop3A_1183 : vector<1x16xf32> to vector<16xf32>
      %parallel_loop3A_1185 = vector.shape_cast %parallel_loop3A_1180 : vector<16xf32> to vector<1x16xf32>
      tpu.vector_store %arg21[%parallel_loop3A_1181, %parallel_loop3A_1182], %parallel_loop3A_1185 {strides = array<i32>} : memref<80x128xf32, #tpu.memory_space<vmem>>, vector<1x16xf32>,
    } {sc.loop_unroll_factor = 4 : i64, sc.parallel_access}
    %dma_start3A_779 = arith.constant 0 : i32
    %dma_start3A_780 = arith.constant 0 : i32
    %dma_start3A_781 = tpu.memref_slice %arg23[%dma_start3A_779, %dma_start3A_780] : memref<10112x128xf32, #tpu.memory_space<vmem_shared>> -> memref<10112x128xf32, #tpu.memory_space<vmem_shared>>
    tpu.enqueue_indirect_dma source(%arg21 : memref<80x128xf32, #tpu.memory_space<vmem>>) target(%dma_start3A_781 : memref<10112x128xf32, #tpu.memory_space<vmem_shared>>) offsets(%arg15 : memref<80xi32, #tpu.memory_space<vmem>>) semaphore(%arg29 : memref<!tpu.dma_semaphore, #tpu.memory_space<semaphore_mem>>) {add = true}
    %dma_wait3A_782 = arith.constant 0 : i32
    %dma_wait3A_783 = arith.constant 0 : i32
    %dma_wait3A_784 = tpu.memref_slice %arg23[%dma_wait3A_782, %dma_wait3A_783] : memref<10112x128xf32, #tpu.memory_space<vmem_shared>> -> memref<10112x128xf32, #tpu.memory_space<vmem_shared>>
    tpu.wait_indirect_dma semaphore(%arg28 : memref<!tpu.dma_semaphore, #tpu.memory_space<semaphore_mem>>) src(%arg20 : memref<80x128xf32, #tpu.memory_space<vmem>>) dst(%dma_wait3A_784 : memref<10112x128xf32, #tpu.memory_space<vmem_shared>>)
    %dma_start3A_785 = arith.constant 320 : i32
    %dma_start3A_786 = tpu.memref_slice %arg7[%dma_start3A_785] : memref<2640xi32, #tpu.memory_space<vmem>> -> memref<80xi32, #tpu.memory_space<vmem>>
    %dma_start3A_787 = arith.constant 0 : i32
    %dma_start3A_788 = arith.constant 0 : i32
    %dma_start3A_789 = tpu.memref_slice %arg2[%dma_start3A_787, %dma_start3A_788] : memref<10000x128xf32, #tpu.memory_space<hbm>> -> memref<10000x128xf32, #tpu.memory_space<hbm>>
    tpu.enqueue_indirect_dma source(%dma_start3A_789 : memref<10000x128xf32, #tpu.memory_space<hbm>>) target(%arg20 : memref<80x128xf32, #tpu.memory_space<vmem>>) offsets(%dma_start3A_786 : memref<80xi32, #tpu.memory_space<vmem>>) semaphore(%arg25 : memref<!tpu.dma_semaphore, #tpu.memory_space<semaphore_mem>>)
    %scan3A_790 = arith.constant 3 : i32
    %scan3A_791 = arith.constant 0 : i32
    %scan3A_792 = arith.constant 0 : i32
    %scan3A_793 = arith.constant 42 : i32
    %scan3A_794 = arith.addi %scan3A_792, %scan3A_793 : i32
    %scan3A_795 = arith.constant 1 : i32
    %scan3A_796:2 = scf.for %scan3A_1057 = %scan3A_792 to %scan3A_794 step %scan3A_795 iter_args(%scan3A_1058 = %scan3A_790, %scan3A_1059 = %scan3A_791) -> (i32, i32)  : i32 {
      %mul3A_1060 = arith.constant 3 : i32
      %mul3A_1061 = arith.muli %mul3A_1060, %scan3A_1057 : i32
      %add3A_1062 = arith.constant 3 : i32
      %add3A_1063 = arith.addi %mul3A_1061, %add3A_1062 : i32
      %dma_wait3A_1064 = arith.constant 0 : i32
      %dma_wait3A_1065 = arith.constant 0 : i32
      %dma_wait3A_1066 = tpu.memref_slice %arg2[%dma_wait3A_1064, %dma_wait3A_1065] : memref<10000x128xf32, #tpu.memory_space<hbm>> -> memref<10000x128xf32, #tpu.memory_space<hbm>>
      tpu.wait_indirect_dma semaphore(%arg24 : memref<!tpu.dma_semaphore, #tpu.memory_space<semaphore_mem>>) src(%dma_wait3A_1066 : memref<10000x128xf32, #tpu.memory_space<hbm>>) dst(%arg19 : memref<80x128xf32, #tpu.memory_space<vmem>>)
      %eq3A = arith.constant 0 : i32
      %eq3A_1067 = arith.cmpi eq, %scan3A_1059, %eq3A : i32
      %convert_element_type3A = arith.extui %eq3A_1067 : i1 to i32
      %cond3A = arith.constant 0 : i32
      %cond3A_1068 = arith.cmpi ne, %convert_element_type3A, %cond3A : i32
      scf.if %cond3A_1068 {
        %mul3A_1211 = arith.constant 80 : i32
        %mul3A_1212 = arith.muli %scan3A_1058, %mul3A_1211 : i32
        %add3A_1213 = arith.constant 0 : i32
        %add3A_1214 = arith.addi %mul3A_1212, %add3A_1213 : i32
        %get3A_1215 = arith.index_cast %add3A_1214 : i32 to index
        %get3A_1216 = tpu.vector_load %arg9[%get3A_1215] {strides = array<i32>} : memref<2640xi32, #tpu.memory_space<vmem>>, vector<16xi32>,
        %get3A_1217 = vector.shape_cast %get3A_1216 : vector<16xi32> to vector<16xi32>
        %swap3A_1218 = arith.constant 0 : index
        %swap3A_1219 = tpu.vector_load %arg13[%swap3A_1218] {strides = array<i32>} : memref<80xi32, #tpu.memory_space<vmem>>, vector<16xi32>,
        %swap3A_1220 = vector.shape_cast %swap3A_1219 : vector<16xi32> to vector<16xi32>
        %swap3A_1221 = vector.shape_cast %get3A_1217 : vector<16xi32> to vector<16xi32>
        tpu.vector_store %arg13[%swap3A_1218], %swap3A_1221 {strides = array<i32>} : memref<80xi32, #tpu.memory_space<vmem>>, vector<16xi32>,
        %add3A_1222 = arith.constant 0 : i32
        %add3A_1223 = arith.addi %mul3A_1212, %add3A_1222 : i32
        %get3A_1224 = arith.index_cast %add3A_1223 : i32 to index
        %get3A_1225 = tpu.vector_load %arg11[%get3A_1224] {strides = array<i32>} : memref<2640xf32, #tpu.memory_space<vmem>>, vector<16xf32>,
        %get3A_1226 = vector.shape_cast %get3A_1225 : vector<16xf32> to vector<16xf32>
        %swap3A_1227 = arith.constant 0 : index
        %swap3A_1228 = tpu.vector_load %arg16[%swap3A_1227] {strides = array<i32>} : memref<80xf32, #tpu.memory_space<vmem>>, vector<16xf32>,
        %swap3A_1229 = vector.shape_cast %swap3A_1228 : vector<16xf32> to vector<16xf32>
        %swap3A_1230 = vector.shape_cast %get3A_1226 : vector<16xf32> to vector<16xf32>
        tpu.vector_store %arg16[%swap3A_1227], %swap3A_1230 {strides = array<i32>} : memref<80xf32, #tpu.memory_space<vmem>>, vector<16xf32>,
        %add3A_1231 = arith.constant 16 : i32
        %add3A_1232 = arith.addi %mul3A_1212, %add3A_1231 : i32
        %get3A_1233 = arith.index_cast %add3A_1232 : i32 to index
        %get3A_1234 = tpu.vector_load %arg9[%get3A_1233] {strides = array<i32>} : memref<2640xi32, #tpu.memory_space<vmem>>, vector<16xi32>,
        %get3A_1235 = vector.shape_cast %get3A_1234 : vector<16xi32> to vector<16xi32>
        %swap3A_1236 = arith.constant 16 : index
        %swap3A_1237 = tpu.vector_load %arg13[%swap3A_1236] {strides = array<i32>} : memref<80xi32, #tpu.memory_space<vmem>>, vector<16xi32>,
        %swap3A_1238 = vector.shape_cast %swap3A_1237 : vector<16xi32> to vector<16xi32>
        %swap3A_1239 = vector.shape_cast %get3A_1235 : vector<16xi32> to vector<16xi32>
        tpu.vector_store %arg13[%swap3A_1236], %swap3A_1239 {strides = array<i32>} : memref<80xi32, #tpu.memory_space<vmem>>, vector<16xi32>,
        %add3A_1240 = arith.constant 16 : i32
        %add3A_1241 = arith.addi %mul3A_1212, %add3A_1240 : i32
        %get3A_1242 = arith.index_cast %add3A_1241 : i32 to index
        %get3A_1243 = tpu.vector_load %arg11[%get3A_1242] {strides = array<i32>} : memref<2640xf32, #tpu.memory_space<vmem>>, vector<16xf32>,
        %get3A_1244 = vector.shape_cast %get3A_1243 : vector<16xf32> to vector<16xf32>
        %swap3A_1245 = arith.constant 16 : index
        %swap3A_1246 = tpu.vector_load %arg16[%swap3A_1245] {strides = array<i32>} : memref<80xf32, #tpu.memory_space<vmem>>, vector<16xf32>,
        %swap3A_1247 = vector.shape_cast %swap3A_1246 : vector<16xf32> to vector<16xf32>
        %swap3A_1248 = vector.shape_cast %get3A_1244 : vector<16xf32> to vector<16xf32>
        tpu.vector_store %arg16[%swap3A_1245], %swap3A_1248 {strides = array<i32>} : memref<80xf32, #tpu.memory_space<vmem>>, vector<16xf32>,
        %add3A_1249 = arith.constant 32 : i32
        %add3A_1250 = arith.addi %mul3A_1212, %add3A_1249 : i32
        %get3A_1251 = arith.index_cast %add3A_1250 : i32 to index
        %get3A_1252 = tpu.vector_load %arg9[%get3A_1251] {strides = array<i32>} : memref<2640xi32, #tpu.memory_space<vmem>>, vector<16xi32>,
        %get3A_1253 = vector.shape_cast %get3A_1252 : vector<16xi32> to vector<16xi32>
        %swap3A_1254 = arith.constant 32 : index
        %swap3A_1255 = tpu.vector_load %arg13[%swap3A_1254] {strides = array<i32>} : memref<80xi32, #tpu.memory_space<vmem>>, vector<16xi32>,
        %swap3A_1256 = vector.shape_cast %swap3A_1255 : vector<16xi32> to vector<16xi32>
        %swap3A_1257 = vector.shape_cast %get3A_1253 : vector<16xi32> to vector<16xi32>
        tpu.vector_store %arg13[%swap3A_1254], %swap3A_1257 {strides = array<i32>} : memref<80xi32, #tpu.memory_space<vmem>>, vector<16xi32>,
        %add3A_1258 = arith.constant 32 : i32
        %add3A_1259 = arith.addi %mul3A_1212, %add3A_1258 : i32
        %get3A_1260 = arith.index_cast %add3A_1259 : i32 to index
        %get3A_1261 = tpu.vector_load %arg11[%get3A_1260] {strides = array<i32>} : memref<2640xf32, #tpu.memory_space<vmem>>, vector<16xf32>,
        %get3A_1262 = vector.shape_cast %get3A_1261 : vector<16xf32> to vector<16xf32>
        %swap3A_1263 = arith.constant 32 : index
        %swap3A_1264 = tpu.vector_load %arg16[%swap3A_1263] {strides = array<i32>} : memref<80xf32, #tpu.memory_space<vmem>>, vector<16xf32>,
        %swap3A_1265 = vector.shape_cast %swap3A_1264 : vector<16xf32> to vector<16xf32>
        %swap3A_1266 = vector.shape_cast %get3A_1262 : vector<16xf32> to vector<16xf32>
        tpu.vector_store %arg16[%swap3A_1263], %swap3A_1266 {strides = array<i32>} : memref<80xf32, #tpu.memory_space<vmem>>, vector<16xf32>,
        %add3A_1267 = arith.constant 48 : i32
        %add3A_1268 = arith.addi %mul3A_1212, %add3A_1267 : i32
        %get3A_1269 = arith.index_cast %add3A_1268 : i32 to index
        %get3A_1270 = tpu.vector_load %arg9[%get3A_1269] {strides = array<i32>} : memref<2640xi32, #tpu.memory_space<vmem>>, vector<16xi32>,
        %get3A_1271 = vector.shape_cast %get3A_1270 : vector<16xi32> to vector<16xi32>
        %swap3A_1272 = arith.constant 48 : index
        %swap3A_1273 = tpu.vector_load %arg13[%swap3A_1272] {strides = array<i32>} : memref<80xi32, #tpu.memory_space<vmem>>, vector<16xi32>,
        %swap3A_1274 = vector.shape_cast %swap3A_1273 : vector<16xi32> to vector<16xi32>
        %swap3A_1275 = vector.shape_cast %get3A_1271 : vector<16xi32> to vector<16xi32>
        tpu.vector_store %arg13[%swap3A_1272], %swap3A_1275 {strides = array<i32>} : memref<80xi32, #tpu.memory_space<vmem>>, vector<16xi32>,
        %add3A_1276 = arith.constant 48 : i32
        %add3A_1277 = arith.addi %mul3A_1212, %add3A_1276 : i32
        %get3A_1278 = arith.index_cast %add3A_1277 : i32 to index
        %get3A_1279 = tpu.vector_load %arg11[%get3A_1278] {strides = array<i32>} : memref<2640xf32, #tpu.memory_space<vmem>>, vector<16xf32>,
        %get3A_1280 = vector.shape_cast %get3A_1279 : vector<16xf32> to vector<16xf32>
        %swap3A_1281 = arith.constant 48 : index
        %swap3A_1282 = tpu.vector_load %arg16[%swap3A_1281] {strides = array<i32>} : memref<80xf32, #tpu.memory_space<vmem>>, vector<16xf32>,
        %swap3A_1283 = vector.shape_cast %swap3A_1282 : vector<16xf32> to vector<16xf32>
        %swap3A_1284 = vector.shape_cast %get3A_1280 : vector<16xf32> to vector<16xf32>
        tpu.vector_store %arg16[%swap3A_1281], %swap3A_1284 {strides = array<i32>} : memref<80xf32, #tpu.memory_space<vmem>>, vector<16xf32>,
        %add3A_1285 = arith.constant 64 : i32
        %add3A_1286 = arith.addi %mul3A_1212, %add3A_1285 : i32
        %get3A_1287 = arith.index_cast %add3A_1286 : i32 to index
        %get3A_1288 = tpu.vector_load %arg9[%get3A_1287] {strides = array<i32>} : memref<2640xi32, #tpu.memory_space<vmem>>, vector<16xi32>,
        %get3A_1289 = vector.shape_cast %get3A_1288 : vector<16xi32> to vector<16xi32>
        %swap3A_1290 = arith.constant 64 : index
        %swap3A_1291 = tpu.vector_load %arg13[%swap3A_1290] {strides = array<i32>} : memref<80xi32, #tpu.memory_space<vmem>>, vector<16xi32>,
        %swap3A_1292 = vector.shape_cast %swap3A_1291 : vector<16xi32> to vector<16xi32>
        %swap3A_1293 = vector.shape_cast %get3A_1289 : vector<16xi32> to vector<16xi32>
        tpu.vector_store %arg13[%swap3A_1290], %swap3A_1293 {strides = array<i32>} : memref<80xi32, #tpu.memory_space<vmem>>, vector<16xi32>,
        %add3A_1294 = arith.constant 64 : i32
        %add3A_1295 = arith.addi %mul3A_1212, %add3A_1294 : i32
        %get3A_1296 = arith.index_cast %add3A_1295 : i32 to index
        %get3A_1297 = tpu.vector_load %arg11[%get3A_1296] {strides = array<i32>} : memref<2640xf32, #tpu.memory_space<vmem>>, vector<16xf32>,
        %get3A_1298 = vector.shape_cast %get3A_1297 : vector<16xf32> to vector<16xf32>
        %swap3A_1299 = arith.constant 64 : index
        %swap3A_1300 = tpu.vector_load %arg16[%swap3A_1299] {strides = array<i32>} : memref<80xf32, #tpu.memory_space<vmem>>, vector<16xf32>,
        %swap3A_1301 = vector.shape_cast %swap3A_1300 : vector<16xf32> to vector<16xf32>
        %swap3A_1302 = vector.shape_cast %get3A_1298 : vector<16xf32> to vector<16xf32>
        tpu.vector_store %arg16[%swap3A_1299], %swap3A_1302 {strides = array<i32>} : memref<80xf32, #tpu.memory_space<vmem>>, vector<16xf32>,
      } else {
      }
      %eq3A_1069 = arith.constant 1 : i32
      %eq3A_1070 = arith.cmpi eq, %scan3A_1059, %eq3A_1069 : i32
      %convert_element_type3A_1071 = arith.extui %eq3A_1070 : i1 to i32
      %cond3A_1072 = arith.constant 0 : i32
      %cond3A_1073 = arith.cmpi ne, %convert_element_type3A_1071, %cond3A_1072 : i32
      scf.if %cond3A_1073 {
        %mul3A_1211 = arith.constant 80 : i32
        %mul3A_1212 = arith.muli %scan3A_1058, %mul3A_1211 : i32
        %add3A_1213 = arith.constant 0 : i32
        %add3A_1214 = arith.addi %mul3A_1212, %add3A_1213 : i32
        %get3A_1215 = arith.index_cast %add3A_1214 : i32 to index
        %get3A_1216 = tpu.vector_load %arg10[%get3A_1215] {strides = array<i32>} : memref<2640xi32, #tpu.memory_space<vmem>>, vector<16xi32>,
        %get3A_1217 = vector.shape_cast %get3A_1216 : vector<16xi32> to vector<16xi32>
        %swap3A_1218 = arith.constant 0 : index
        %swap3A_1219 = tpu.vector_load %arg13[%swap3A_1218] {strides = array<i32>} : memref<80xi32, #tpu.memory_space<vmem>>, vector<16xi32>,
        %swap3A_1220 = vector.shape_cast %swap3A_1219 : vector<16xi32> to vector<16xi32>
        %swap3A_1221 = vector.shape_cast %get3A_1217 : vector<16xi32> to vector<16xi32>
        tpu.vector_store %arg13[%swap3A_1218], %swap3A_1221 {strides = array<i32>} : memref<80xi32, #tpu.memory_space<vmem>>, vector<16xi32>,
        %add3A_1222 = arith.constant 0 : i32
        %add3A_1223 = arith.addi %mul3A_1212, %add3A_1222 : i32
        %get3A_1224 = arith.index_cast %add3A_1223 : i32 to index
        %get3A_1225 = tpu.vector_load %arg12[%get3A_1224] {strides = array<i32>} : memref<2640xf32, #tpu.memory_space<vmem>>, vector<16xf32>,
        %get3A_1226 = vector.shape_cast %get3A_1225 : vector<16xf32> to vector<16xf32>
        %swap3A_1227 = arith.constant 0 : index
        %swap3A_1228 = tpu.vector_load %arg16[%swap3A_1227] {strides = array<i32>} : memref<80xf32, #tpu.memory_space<vmem>>, vector<16xf32>,
        %swap3A_1229 = vector.shape_cast %swap3A_1228 : vector<16xf32> to vector<16xf32>
        %swap3A_1230 = vector.shape_cast %get3A_1226 : vector<16xf32> to vector<16xf32>
        tpu.vector_store %arg16[%swap3A_1227], %swap3A_1230 {strides = array<i32>} : memref<80xf32, #tpu.memory_space<vmem>>, vector<16xf32>,
        %add3A_1231 = arith.constant 16 : i32
        %add3A_1232 = arith.addi %mul3A_1212, %add3A_1231 : i32
        %get3A_1233 = arith.index_cast %add3A_1232 : i32 to index
        %get3A_1234 = tpu.vector_load %arg10[%get3A_1233] {strides = array<i32>} : memref<2640xi32, #tpu.memory_space<vmem>>, vector<16xi32>,
        %get3A_1235 = vector.shape_cast %get3A_1234 : vector<16xi32> to vector<16xi32>
        %swap3A_1236 = arith.constant 16 : index
        %swap3A_1237 = tpu.vector_load %arg13[%swap3A_1236] {strides = array<i32>} : memref<80xi32, #tpu.memory_space<vmem>>, vector<16xi32>,
        %swap3A_1238 = vector.shape_cast %swap3A_1237 : vector<16xi32> to vector<16xi32>
        %swap3A_1239 = vector.shape_cast %get3A_1235 : vector<16xi32> to vector<16xi32>
        tpu.vector_store %arg13[%swap3A_1236], %swap3A_1239 {strides = array<i32>} : memref<80xi32, #tpu.memory_space<vmem>>, vector<16xi32>,
        %add3A_1240 = arith.constant 16 : i32
        %add3A_1241 = arith.addi %mul3A_1212, %add3A_1240 : i32
        %get3A_1242 = arith.index_cast %add3A_1241 : i32 to index
        %get3A_1243 = tpu.vector_load %arg12[%get3A_1242] {strides = array<i32>} : memref<2640xf32, #tpu.memory_space<vmem>>, vector<16xf32>,
        %get3A_1244 = vector.shape_cast %get3A_1243 : vector<16xf32> to vector<16xf32>
        %swap3A_1245 = arith.constant 16 : index
        %swap3A_1246 = tpu.vector_load %arg16[%swap3A_1245] {strides = array<i32>} : memref<80xf32, #tpu.memory_space<vmem>>, vector<16xf32>,
        %swap3A_1247 = vector.shape_cast %swap3A_1246 : vector<16xf32> to vector<16xf32>
        %swap3A_1248 = vector.shape_cast %get3A_1244 : vector<16xf32> to vector<16xf32>
        tpu.vector_store %arg16[%swap3A_1245], %swap3A_1248 {strides = array<i32>} : memref<80xf32, #tpu.memory_space<vmem>>, vector<16xf32>,
        %add3A_1249 = arith.constant 32 : i32
        %add3A_1250 = arith.addi %mul3A_1212, %add3A_1249 : i32
        %get3A_1251 = arith.index_cast %add3A_1250 : i32 to index
        %get3A_1252 = tpu.vector_load %arg10[%get3A_1251] {strides = array<i32>} : memref<2640xi32, #tpu.memory_space<vmem>>, vector<16xi32>,
        %get3A_1253 = vector.shape_cast %get3A_1252 : vector<16xi32> to vector<16xi32>
        %swap3A_1254 = arith.constant 32 : index
        %swap3A_1255 = tpu.vector_load %arg13[%swap3A_1254] {strides = array<i32>} : memref<80xi32, #tpu.memory_space<vmem>>, vector<16xi32>,
        %swap3A_1256 = vector.shape_cast %swap3A_1255 : vector<16xi32> to vector<16xi32>
        %swap3A_1257 = vector.shape_cast %get3A_1253 : vector<16xi32> to vector<16xi32>
        tpu.vector_store %arg13[%swap3A_1254], %swap3A_1257 {strides = array<i32>} : memref<80xi32, #tpu.memory_space<vmem>>, vector<16xi32>,
        %add3A_1258 = arith.constant 32 : i32
        %add3A_1259 = arith.addi %mul3A_1212, %add3A_1258 : i32
        %get3A_1260 = arith.index_cast %add3A_1259 : i32 to index
        %get3A_1261 = tpu.vector_load %arg12[%get3A_1260] {strides = array<i32>} : memref<2640xf32, #tpu.memory_space<vmem>>, vector<16xf32>,
        %get3A_1262 = vector.shape_cast %get3A_1261 : vector<16xf32> to vector<16xf32>
        %swap3A_1263 = arith.constant 32 : index
        %swap3A_1264 = tpu.vector_load %arg16[%swap3A_1263] {strides = array<i32>} : memref<80xf32, #tpu.memory_space<vmem>>, vector<16xf32>,
        %swap3A_1265 = vector.shape_cast %swap3A_1264 : vector<16xf32> to vector<16xf32>
        %swap3A_1266 = vector.shape_cast %get3A_1262 : vector<16xf32> to vector<16xf32>
        tpu.vector_store %arg16[%swap3A_1263], %swap3A_1266 {strides = array<i32>} : memref<80xf32, #tpu.memory_space<vmem>>, vector<16xf32>,
        %add3A_1267 = arith.constant 48 : i32
        %add3A_1268 = arith.addi %mul3A_1212, %add3A_1267 : i32
        %get3A_1269 = arith.index_cast %add3A_1268 : i32 to index
        %get3A_1270 = tpu.vector_load %arg10[%get3A_1269] {strides = array<i32>} : memref<2640xi32, #tpu.memory_space<vmem>>, vector<16xi32>,
        %get3A_1271 = vector.shape_cast %get3A_1270 : vector<16xi32> to vector<16xi32>
        %swap3A_1272 = arith.constant 48 : index
        %swap3A_1273 = tpu.vector_load %arg13[%swap3A_1272] {strides = array<i32>} : memref<80xi32, #tpu.memory_space<vmem>>, vector<16xi32>,
        %swap3A_1274 = vector.shape_cast %swap3A_1273 : vector<16xi32> to vector<16xi32>
        %swap3A_1275 = vector.shape_cast %get3A_1271 : vector<16xi32> to vector<16xi32>
        tpu.vector_store %arg13[%swap3A_1272], %swap3A_1275 {strides = array<i32>} : memref<80xi32, #tpu.memory_space<vmem>>, vector<16xi32>,
        %add3A_1276 = arith.constant 48 : i32
        %add3A_1277 = arith.addi %mul3A_1212, %add3A_1276 : i32
        %get3A_1278 = arith.index_cast %add3A_1277 : i32 to index
        %get3A_1279 = tpu.vector_load %arg12[%get3A_1278] {strides = array<i32>} : memref<2640xf32, #tpu.memory_space<vmem>>, vector<16xf32>,
        %get3A_1280 = vector.shape_cast %get3A_1279 : vector<16xf32> to vector<16xf32>
        %swap3A_1281 = arith.constant 48 : index
        %swap3A_1282 = tpu.vector_load %arg16[%swap3A_1281] {strides = array<i32>} : memref<80xf32, #tpu.memory_space<vmem>>, vector<16xf32>,
        %swap3A_1283 = vector.shape_cast %swap3A_1282 : vector<16xf32> to vector<16xf32>
        %swap3A_1284 = vector.shape_cast %get3A_1280 : vector<16xf32> to vector<16xf32>
        tpu.vector_store %arg16[%swap3A_1281], %swap3A_1284 {strides = array<i32>} : memref<80xf32, #tpu.memory_space<vmem>>, vector<16xf32>,
        %add3A_1285 = arith.constant 64 : i32
        %add3A_1286 = arith.addi %mul3A_1212, %add3A_1285 : i32
        %get3A_1287 = arith.index_cast %add3A_1286 : i32 to index
        %get3A_1288 = tpu.vector_load %arg10[%get3A_1287] {strides = array<i32>} : memref<2640xi32, #tpu.memory_space<vmem>>, vector<16xi32>,
        %get3A_1289 = vector.shape_cast %get3A_1288 : vector<16xi32> to vector<16xi32>
        %swap3A_1290 = arith.constant 64 : index
        %swap3A_1291 = tpu.vector_load %arg13[%swap3A_1290] {strides = array<i32>} : memref<80xi32, #tpu.memory_space<vmem>>, vector<16xi32>,
        %swap3A_1292 = vector.shape_cast %swap3A_1291 : vector<16xi32> to vector<16xi32>
        %swap3A_1293 = vector.shape_cast %get3A_1289 : vector<16xi32> to vector<16xi32>
        tpu.vector_store %arg13[%swap3A_1290], %swap3A_1293 {strides = array<i32>} : memref<80xi32, #tpu.memory_space<vmem>>, vector<16xi32>,
        %add3A_1294 = arith.constant 64 : i32
        %add3A_1295 = arith.addi %mul3A_1212, %add3A_1294 : i32
        %get3A_1296 = arith.index_cast %add3A_1295 : i32 to index
        %get3A_1297 = tpu.vector_load %arg12[%get3A_1296] {strides = array<i32>} : memref<2640xf32, #tpu.memory_space<vmem>>, vector<16xf32>,
        %get3A_1298 = vector.shape_cast %get3A_1297 : vector<16xf32> to vector<16xf32>
        %swap3A_1299 = arith.constant 64 : index
        %swap3A_1300 = tpu.vector_load %arg16[%swap3A_1299] {strides = array<i32>} : memref<80xf32, #tpu.memory_space<vmem>>, vector<16xf32>,
        %swap3A_1301 = vector.shape_cast %swap3A_1300 : vector<16xf32> to vector<16xf32>
        %swap3A_1302 = vector.shape_cast %get3A_1298 : vector<16xf32> to vector<16xf32>
        tpu.vector_store %arg16[%swap3A_1299], %swap3A_1302 {strides = array<i32>} : memref<80xf32, #tpu.memory_space<vmem>>, vector<16xf32>,
      } else {
      }
      %parallel_loop3A_1074 = arith.constant 0 : i32
      %parallel_loop3A_1075 = arith.constant 80 : i32
      %parallel_loop3A_1076 = arith.constant 1 : i32
      scf.for %parallel_loop3A_1211 = %parallel_loop3A_1074 to %parallel_loop3A_1075 step %parallel_loop3A_1076  : i32 {
        %parallel_loop3A_1212 = arith.constant 16 : i32
        %parallel_loop3A_1213 = arith.divsi %parallel_loop3A_1211, %parallel_loop3A_1212 : i32
        %parallel_loop3A_1214 = arith.constant 0 : i32
        %parallel_loop3A_1215 = arith.cmpi sgt, %parallel_loop3A_1211, %parallel_loop3A_1214 : i32
        %parallel_loop3A_1216 = arith.extui %parallel_loop3A_1215 : i1 to i32
        %parallel_loop3A_1217 = arith.constant 0 : i32
        %parallel_loop3A_1218 = arith.cmpi slt, %parallel_loop3A_1211, %parallel_loop3A_1217 : i32
        %parallel_loop3A_1219 = arith.extui %parallel_loop3A_1218 : i1 to i32
        %parallel_loop3A_1220 = arith.subi %parallel_loop3A_1216, %parallel_loop3A_1219 : i32
        %parallel_loop3A_1221 = arith.constant 0 : i32
        %parallel_loop3A_1222 = arith.cmpi sgt, %parallel_loop3A_1212, %parallel_loop3A_1221 : i32
        %parallel_loop3A_1223 = arith.extui %parallel_loop3A_1222 : i1 to i32
        %parallel_loop3A_1224 = arith.constant 0 : i32
        %parallel_loop3A_1225 = arith.cmpi slt, %parallel_loop3A_1212, %parallel_loop3A_1224 : i32
        %parallel_loop3A_1226 = arith.extui %parallel_loop3A_1225 : i1 to i32
        %parallel_loop3A_1227 = arith.subi %parallel_loop3A_1223, %parallel_loop3A_1226 : i32
        %parallel_loop3A_1228 = arith.cmpi ne, %parallel_loop3A_1220, %parallel_loop3A_1227 : i32
        %parallel_loop3A_1229 = arith.remsi %parallel_loop3A_1211, %parallel_loop3A_1212 : i32
        %parallel_loop3A_1230 = arith.constant 0 : i32
        %parallel_loop3A_1231 = arith.cmpi ne, %parallel_loop3A_1229, %parallel_loop3A_1230 : i32
        %parallel_loop3A_1232 = arith.andi %parallel_loop3A_1228, %parallel_loop3A_1231 : i1
        %parallel_loop3A_1233 = arith.constant 1 : i32
        %parallel_loop3A_1234 = arith.subi %parallel_loop3A_1213, %parallel_loop3A_1233 : i32
        %parallel_loop3A_1235 = arith.select %parallel_loop3A_1232, %parallel_loop3A_1234, %parallel_loop3A_1213 : i32
        %parallel_loop3A_1236 = arith.constant 16 : i32
        %parallel_loop3A_1237 = arith.muli %parallel_loop3A_1235, %parallel_loop3A_1236 : i32
        %parallel_loop3A_1238 = arith.index_cast %parallel_loop3A_1237 : i32 to index
        %parallel_loop3A_1239 = tpu.vector_load %arg16[%parallel_loop3A_1238] {strides = array<i32>} : memref<80xf32, #tpu.memory_space<vmem>>, vector<16xf32>,
        %parallel_loop3A_1240 = vector.shape_cast %parallel_loop3A_1239 : vector<16xf32> to vector<16xf32>
        %parallel_loop3A_1241 = arith.constant 16 : i32
        %parallel_loop3A_1242 = arith.constant 0 : i32
        %parallel_loop3A_1243 = arith.cmpi eq, %parallel_loop3A_1241, %parallel_loop3A_1242 : i32
        %parallel_loop3A_1244 = arith.constant 1 : i32
        %parallel_loop3A_1245 = arith.select %parallel_loop3A_1243, %parallel_loop3A_1244, %parallel_loop3A_1241 : i32
        %parallel_loop3A_1246 = arith.remsi %parallel_loop3A_1211, %parallel_loop3A_1245 : i32
        %parallel_loop3A_1247 = arith.constant 0 : i32
        %parallel_loop3A_1248 = arith.cmpi ne, %parallel_loop3A_1246, %parallel_loop3A_1247 : i32
        %parallel_loop3A_1249 = arith.constant 0 : i32
        %parallel_loop3A_1250 = arith.cmpi slt, %parallel_loop3A_1246, %parallel_loop3A_1249 : i32
        %parallel_loop3A_1251 = arith.constant 0 : i32
        %parallel_loop3A_1252 = arith.cmpi slt, %parallel_loop3A_1245, %parallel_loop3A_1251 : i32
        %parallel_loop3A_1253 = arith.xori %parallel_loop3A_1250, %parallel_loop3A_1252 : i1
        %parallel_loop3A_1254 = arith.andi %parallel_loop3A_1253, %parallel_loop3A_1248 : i1
        %parallel_loop3A_1255 = arith.addi %parallel_loop3A_1246, %parallel_loop3A_1245 : i32
        %parallel_loop3A_1256 = arith.select %parallel_loop3A_1254, %parallel_loop3A_1255, %parallel_loop3A_1246 : i32
        %parallel_loop3A_1257 = vector.broadcast %parallel_loop3A_1256 : i32 to vector<16x1xi32>
        %parallel_loop3A_1258 = vector.shape_cast %parallel_loop3A_1257 : vector<16x1xi32> to vector<16xi32>
        %parallel_loop3A_1259 = tpu.dynamic_gather %parallel_loop3A_1240[%parallel_loop3A_1258] in [0] : vector<16xf32>, vector<16xi32> -> vector<16xf32>
        %parallel_loop3A_1260 = arith.index_cast %parallel_loop3A_1211 : i32 to index
        %parallel_loop3A_1261 = arith.constant 0 : index
        %parallel_loop3A_1262 = tpu.vector_load %arg19[%parallel_loop3A_1260, %parallel_loop3A_1261] {strides = array<i32>} : memref<80x128xf32, #tpu.memory_space<vmem>>, vector<1x16xf32>,
        %parallel_loop3A_1263 = vector.shape_cast %parallel_loop3A_1262 : vector<1x16xf32> to vector<16xf32>
        %parallel_loop3A_1264 = arith.mulf %parallel_loop3A_1263, %parallel_loop3A_1259 : vector<16xf32>
        %parallel_loop3A_1265 = arith.index_cast %parallel_loop3A_1211 : i32 to index
        %parallel_loop3A_1266 = arith.constant 0 : index
        %parallel_loop3A_1267 = tpu.vector_load %arg19[%parallel_loop3A_1265, %parallel_loop3A_1266] {strides = array<i32>} : memref<80x128xf32, #tpu.memory_space<vmem>>, vector<1x16xf32>,
        %parallel_loop3A_1268 = vector.shape_cast %parallel_loop3A_1267 : vector<1x16xf32> to vector<16xf32>
        %parallel_loop3A_1269 = vector.shape_cast %parallel_loop3A_1264 : vector<16xf32> to vector<1x16xf32>
        tpu.vector_store %arg19[%parallel_loop3A_1265, %parallel_loop3A_1266], %parallel_loop3A_1269 {strides = array<i32>} : memref<80x128xf32, #tpu.memory_space<vmem>>, vector<1x16xf32>,
        %parallel_loop3A_1270 = arith.index_cast %parallel_loop3A_1211 : i32 to index
        %parallel_loop3A_1271 = arith.constant 16 : index
        %parallel_loop3A_1272 = tpu.vector_load %arg19[%parallel_loop3A_1270, %parallel_loop3A_1271] {strides = array<i32>} : memref<80x128xf32, #tpu.memory_space<vmem>>, vector<1x16xf32>,
        %parallel_loop3A_1273 = vector.shape_cast %parallel_loop3A_1272 : vector<1x16xf32> to vector<16xf32>
        %parallel_loop3A_1274 = arith.mulf %parallel_loop3A_1273, %parallel_loop3A_1259 : vector<16xf32>
        %parallel_loop3A_1275 = arith.index_cast %parallel_loop3A_1211 : i32 to index
        %parallel_loop3A_1276 = arith.constant 16 : index
        %parallel_loop3A_1277 = tpu.vector_load %arg19[%parallel_loop3A_1275, %parallel_loop3A_1276] {strides = array<i32>} : memref<80x128xf32, #tpu.memory_space<vmem>>, vector<1x16xf32>,
        %parallel_loop3A_1278 = vector.shape_cast %parallel_loop3A_1277 : vector<1x16xf32> to vector<16xf32>
        %parallel_loop3A_1279 = vector.shape_cast %parallel_loop3A_1274 : vector<16xf32> to vector<1x16xf32>
        tpu.vector_store %arg19[%parallel_loop3A_1275, %parallel_loop3A_1276], %parallel_loop3A_1279 {strides = array<i32>} : memref<80x128xf32, #tpu.memory_space<vmem>>, vector<1x16xf32>,
        %parallel_loop3A_1280 = arith.index_cast %parallel_loop3A_1211 : i32 to index
        %parallel_loop3A_1281 = arith.constant 32 : index
        %parallel_loop3A_1282 = tpu.vector_load %arg19[%parallel_loop3A_1280, %parallel_loop3A_1281] {strides = array<i32>} : memref<80x128xf32, #tpu.memory_space<vmem>>, vector<1x16xf32>,
        %parallel_loop3A_1283 = vector.shape_cast %parallel_loop3A_1282 : vector<1x16xf32> to vector<16xf32>
        %parallel_loop3A_1284 = arith.mulf %parallel_loop3A_1283, %parallel_loop3A_1259 : vector<16xf32>
        %parallel_loop3A_1285 = arith.index_cast %parallel_loop3A_1211 : i32 to index
        %parallel_loop3A_1286 = arith.constant 32 : index
        %parallel_loop3A_1287 = tpu.vector_load %arg19[%parallel_loop3A_1285, %parallel_loop3A_1286] {strides = array<i32>} : memref<80x128xf32, #tpu.memory_space<vmem>>, vector<1x16xf32>,
        %parallel_loop3A_1288 = vector.shape_cast %parallel_loop3A_1287 : vector<1x16xf32> to vector<16xf32>
        %parallel_loop3A_1289 = vector.shape_cast %parallel_loop3A_1284 : vector<16xf32> to vector<1x16xf32>
        tpu.vector_store %arg19[%parallel_loop3A_1285, %parallel_loop3A_1286], %parallel_loop3A_1289 {strides = array<i32>} : memref<80x128xf32, #tpu.memory_space<vmem>>, vector<1x16xf32>,
        %parallel_loop3A_1290 = arith.index_cast %parallel_loop3A_1211 : i32 to index
        %parallel_loop3A_1291 = arith.constant 48 : index
        %parallel_loop3A_1292 = tpu.vector_load %arg19[%parallel_loop3A_1290, %parallel_loop3A_1291] {strides = array<i32>} : memref<80x128xf32, #tpu.memory_space<vmem>>, vector<1x16xf32>,
        %parallel_loop3A_1293 = vector.shape_cast %parallel_loop3A_1292 : vector<1x16xf32> to vector<16xf32>
        %parallel_loop3A_1294 = arith.mulf %parallel_loop3A_1293, %parallel_loop3A_1259 : vector<16xf32>
        %parallel_loop3A_1295 = arith.index_cast %parallel_loop3A_1211 : i32 to index
        %parallel_loop3A_1296 = arith.constant 48 : index
        %parallel_loop3A_1297 = tpu.vector_load %arg19[%parallel_loop3A_1295, %parallel_loop3A_1296] {strides = array<i32>} : memref<80x128xf32, #tpu.memory_space<vmem>>, vector<1x16xf32>,
        %parallel_loop3A_1298 = vector.shape_cast %parallel_loop3A_1297 : vector<1x16xf32> to vector<16xf32>
        %parallel_loop3A_1299 = vector.shape_cast %parallel_loop3A_1294 : vector<16xf32> to vector<1x16xf32>
        tpu.vector_store %arg19[%parallel_loop3A_1295, %parallel_loop3A_1296], %parallel_loop3A_1299 {strides = array<i32>} : memref<80x128xf32, #tpu.memory_space<vmem>>, vector<1x16xf32>,
        %parallel_loop3A_1300 = arith.index_cast %parallel_loop3A_1211 : i32 to index
        %parallel_loop3A_1301 = arith.constant 64 : index
        %parallel_loop3A_1302 = tpu.vector_load %arg19[%parallel_loop3A_1300, %parallel_loop3A_1301] {strides = array<i32>} : memref<80x128xf32, #tpu.memory_space<vmem>>, vector<1x16xf32>,
        %parallel_loop3A_1303 = vector.shape_cast %parallel_loop3A_1302 : vector<1x16xf32> to vector<16xf32>
        %parallel_loop3A_1304 = arith.mulf %parallel_loop3A_1303, %parallel_loop3A_1259 : vector<16xf32>
        %parallel_loop3A_1305 = arith.index_cast %parallel_loop3A_1211 : i32 to index
        %parallel_loop3A_1306 = arith.constant 64 : index
        %parallel_loop3A_1307 = tpu.vector_load %arg19[%parallel_loop3A_1305, %parallel_loop3A_1306] {strides = array<i32>} : memref<80x128xf32, #tpu.memory_space<vmem>>, vector<1x16xf32>,
        %parallel_loop3A_1308 = vector.shape_cast %parallel_loop3A_1307 : vector<1x16xf32> to vector<16xf32>
        %parallel_loop3A_1309 = vector.shape_cast %parallel_loop3A_1304 : vector<16xf32> to vector<1x16xf32>
        tpu.vector_store %arg19[%parallel_loop3A_1305, %parallel_loop3A_1306], %parallel_loop3A_1309 {strides = array<i32>} : memref<80x128xf32, #tpu.memory_space<vmem>>, vector<1x16xf32>,
        %parallel_loop3A_1310 = arith.index_cast %parallel_loop3A_1211 : i32 to index
        %parallel_loop3A_1311 = arith.constant 80 : index
        %parallel_loop3A_1312 = tpu.vector_load %arg19[%parallel_loop3A_1310, %parallel_loop3A_1311] {strides = array<i32>} : memref<80x128xf32, #tpu.memory_space<vmem>>, vector<1x16xf32>,
        %parallel_loop3A_1313 = vector.shape_cast %parallel_loop3A_1312 : vector<1x16xf32> to vector<16xf32>
        %parallel_loop3A_1314 = arith.mulf %parallel_loop3A_1313, %parallel_loop3A_1259 : vector<16xf32>
        %parallel_loop3A_1315 = arith.index_cast %parallel_loop3A_1211 : i32 to index
        %parallel_loop3A_1316 = arith.constant 80 : index
        %parallel_loop3A_1317 = tpu.vector_load %arg19[%parallel_loop3A_1315, %parallel_loop3A_1316] {strides = array<i32>} : memref<80x128xf32, #tpu.memory_space<vmem>>, vector<1x16xf32>,
        %parallel_loop3A_1318 = vector.shape_cast %parallel_loop3A_1317 : vector<1x16xf32> to vector<16xf32>
        %parallel_loop3A_1319 = vector.shape_cast %parallel_loop3A_1314 : vector<16xf32> to vector<1x16xf32>
        tpu.vector_store %arg19[%parallel_loop3A_1315, %parallel_loop3A_1316], %parallel_loop3A_1319 {strides = array<i32>} : memref<80x128xf32, #tpu.memory_space<vmem>>, vector<1x16xf32>,
        %parallel_loop3A_1320 = arith.index_cast %parallel_loop3A_1211 : i32 to index
        %parallel_loop3A_1321 = arith.constant 96 : index
        %parallel_loop3A_1322 = tpu.vector_load %arg19[%parallel_loop3A_1320, %parallel_loop3A_1321] {strides = array<i32>} : memref<80x128xf32, #tpu.memory_space<vmem>>, vector<1x16xf32>,
        %parallel_loop3A_1323 = vector.shape_cast %parallel_loop3A_1322 : vector<1x16xf32> to vector<16xf32>
        %parallel_loop3A_1324 = arith.mulf %parallel_loop3A_1323, %parallel_loop3A_1259 : vector<16xf32>
        %parallel_loop3A_1325 = arith.index_cast %parallel_loop3A_1211 : i32 to index
        %parallel_loop3A_1326 = arith.constant 96 : index
        %parallel_loop3A_1327 = tpu.vector_load %arg19[%parallel_loop3A_1325, %parallel_loop3A_1326] {strides = array<i32>} : memref<80x128xf32, #tpu.memory_space<vmem>>, vector<1x16xf32>,
        %parallel_loop3A_1328 = vector.shape_cast %parallel_loop3A_1327 : vector<1x16xf32> to vector<16xf32>
        %parallel_loop3A_1329 = vector.shape_cast %parallel_loop3A_1324 : vector<16xf32> to vector<1x16xf32>
        tpu.vector_store %arg19[%parallel_loop3A_1325, %parallel_loop3A_1326], %parallel_loop3A_1329 {strides = array<i32>} : memref<80x128xf32, #tpu.memory_space<vmem>>, vector<1x16xf32>,
        %parallel_loop3A_1330 = arith.index_cast %parallel_loop3A_1211 : i32 to index
        %parallel_loop3A_1331 = arith.constant 112 : index
        %parallel_loop3A_1332 = tpu.vector_load %arg19[%parallel_loop3A_1330, %parallel_loop3A_1331] {strides = array<i32>} : memref<80x128xf32, #tpu.memory_space<vmem>>, vector<1x16xf32>,
        %parallel_loop3A_1333 = vector.shape_cast %parallel_loop3A_1332 : vector<1x16xf32> to vector<16xf32>
        %parallel_loop3A_1334 = arith.mulf %parallel_loop3A_1333, %parallel_loop3A_1259 : vector<16xf32>
        %parallel_loop3A_1335 = arith.index_cast %parallel_loop3A_1211 : i32 to index
        %parallel_loop3A_1336 = arith.constant 112 : index
        %parallel_loop3A_1337 = tpu.vector_load %arg19[%parallel_loop3A_1335, %parallel_loop3A_1336] {strides = array<i32>} : memref<80x128xf32, #tpu.memory_space<vmem>>, vector<1x16xf32>,
        %parallel_loop3A_1338 = vector.shape_cast %parallel_loop3A_1337 : vector<1x16xf32> to vector<16xf32>
        %parallel_loop3A_1339 = vector.shape_cast %parallel_loop3A_1334 : vector<16xf32> to vector<1x16xf32>
        tpu.vector_store %arg19[%parallel_loop3A_1335, %parallel_loop3A_1336], %parallel_loop3A_1339 {strides = array<i32>} : memref<80x128xf32, #tpu.memory_space<vmem>>, vector<1x16xf32>,
      } {sc.loop_unroll_factor = 4 : i64, sc.parallel_access}
      %dma_start3A_1077 = arith.constant 0 : i32
      %dma_start3A_1078 = arith.constant 0 : i32
      %dma_start3A_1079 = tpu.memref_slice %arg23[%dma_start3A_1077, %dma_start3A_1078] : memref<10112x128xf32, #tpu.memory_space<vmem_shared>> -> memref<10112x128xf32, #tpu.memory_space<vmem_shared>>
      tpu.enqueue_indirect_dma source(%arg19 : memref<80x128xf32, #tpu.memory_space<vmem>>) target(%dma_start3A_1079 : memref<10112x128xf32, #tpu.memory_space<vmem_shared>>) offsets(%arg13 : memref<80xi32, #tpu.memory_space<vmem>>) semaphore(%arg27 : memref<!tpu.dma_semaphore, #tpu.memory_space<semaphore_mem>>) {add = true}
      %dma_wait3A_1080 = arith.constant 0 : i32
      %dma_wait3A_1081 = arith.constant 0 : i32
      %dma_wait3A_1082 = tpu.memref_slice %arg23[%dma_wait3A_1080, %dma_wait3A_1081] : memref<10112x128xf32, #tpu.memory_space<vmem_shared>> -> memref<10112x128xf32, #tpu.memory_space<vmem_shared>>
      tpu.wait_indirect_dma semaphore(%arg29 : memref<!tpu.dma_semaphore, #tpu.memory_space<semaphore_mem>>) src(%arg21 : memref<80x128xf32, #tpu.memory_space<vmem>>) dst(%dma_wait3A_1082 : memref<10112x128xf32, #tpu.memory_space<vmem_shared>>)
      %eq3A_1083 = arith.constant 0 : i32
      %eq3A_1084 = arith.cmpi eq, %scan3A_1058, %eq3A_1083 : i32
      %lt3A = arith.constant 99 : i32
      %lt3A_1085 = arith.cmpi slt, %add3A_1063, %lt3A : i32
      %and3A = arith.andi %eq3A_1084, %lt3A_1085 : i1
      %convert_element_type3A_1086 = arith.extui %and3A : i1 to i32
      %cond3A_1087 = arith.constant 0 : i32
      %cond3A_1088 = arith.cmpi ne, %convert_element_type3A_1086, %cond3A_1087 : i32
      scf.if %cond3A_1088 {
        %eq3A_1211 = arith.constant 0 : i32
        %eq3A_1212 = arith.cmpi eq, %scan3A_1059, %eq3A_1211 : i32
        %convert_element_type3A_1213 = arith.extui %eq3A_1212 : i1 to i32
        %cond3A_1214 = arith.constant 0 : i32
        %cond3A_1215 = arith.cmpi ne, %convert_element_type3A_1213, %cond3A_1214 : i32
        scf.if %cond3A_1215 {
          %jit3A_1221 = arith.constant 33 : i32
          %div3A = arith.divsi %add3A_1063, %jit3A_1221 : i32
          %sign3A = arith.constant 0 : i32
          %sign3A_1222 = arith.cmpi sgt, %add3A_1063, %sign3A : i32
          %sign3A_1223 = arith.extui %sign3A_1222 : i1 to i32
          %sign3A_1224 = arith.constant 0 : i32
          %sign3A_1225 = arith.cmpi slt, %add3A_1063, %sign3A_1224 : i32
          %sign3A_1226 = arith.extui %sign3A_1225 : i1 to i32
          %sign3A_1227 = arith.subi %sign3A_1223, %sign3A_1226 : i32
          %sign3A_1228 = arith.constant 0 : i32
          %sign3A_1229 = arith.cmpi sgt, %jit3A_1221, %sign3A_1228 : i32
          %sign3A_1230 = arith.extui %sign3A_1229 : i1 to i32
          %sign3A_1231 = arith.constant 0 : i32
          %sign3A_1232 = arith.cmpi slt, %jit3A_1221, %sign3A_1231 : i32
          %sign3A_1233 = arith.extui %sign3A_1232 : i1 to i32
          %sign3A_1234 = arith.subi %sign3A_1230, %sign3A_1233 : i32
          %ne3A = arith.cmpi ne, %sign3A_1227, %sign3A_1234 : i32
          %rem3A = arith.remsi %add3A_1063, %jit3A_1221 : i32
          %ne3A_1235 = arith.constant 0 : i32
          %ne3A_1236 = arith.cmpi ne, %rem3A, %ne3A_1235 : i32
          %and3A_1237 = arith.andi %ne3A, %ne3A_1236 : i1
          %sub3A_1238 = arith.constant 1 : i32
          %sub3A_1239 = arith.subi %div3A, %sub3A_1238 : i32
          %select_n3A_1240 = arith.select %and3A_1237, %sub3A_1239, %div3A : i32
          %add3A_1241 = arith.constant 1 : i32
          %add3A_1242 = arith.addi %select_n3A_1240, %add3A_1241 : i32
          %mul3A_1243 = arith.constant 2640 : i32
          %mul3A_1244 = arith.muli %add3A_1242, %mul3A_1243 : i32
          %add3A_1245 = arith.addi %mul3A_517, %mul3A_1244 : i32
          %dma_start3A_1246 = tpu.memref_slice %arg3[%add3A_1245] : memref<337920xi32, #tpu.memory_space<hbm>> -> memref<2640xi32, #tpu.memory_space<hbm>>
          %dma_start3A_1247 = tpu.memref_slice %arg3[%add3A_1245] : memref<337920xi32, #tpu.memory_space<hbm>> -> memref<2640xi32, #tpu.memory_space<hbm>>
          tpu.enqueue_dma source(%dma_start3A_1247 : memref<2640xi32, #tpu.memory_space<hbm>>) target(%arg8 : memref<2640xi32, #tpu.memory_space<vmem>>) target_semaphore(%arg30 : memref<!tpu.dma_semaphore, #tpu.memory_space<semaphore_mem>>)
          %dma_start3A_1248 = tpu.memref_slice %arg4[%add3A_1245] : memref<337920xi32, #tpu.memory_space<hbm>> -> memref<2640xi32, #tpu.memory_space<hbm>>
          %dma_start3A_1249 = tpu.memref_slice %arg4[%add3A_1245] : memref<337920xi32, #tpu.memory_space<hbm>> -> memref<2640xi32, #tpu.memory_space<hbm>>
          tpu.enqueue_dma source(%dma_start3A_1249 : memref<2640xi32, #tpu.memory_space<hbm>>) target(%arg10 : memref<2640xi32, #tpu.memory_space<vmem>>) target_semaphore(%arg30 : memref<!tpu.dma_semaphore, #tpu.memory_space<semaphore_mem>>)
          %dma_start3A_1250 = tpu.memref_slice %arg5[%add3A_1245] : memref<337920xf32, #tpu.memory_space<hbm>> -> memref<2640xf32, #tpu.memory_space<hbm>>
          %dma_start3A_1251 = tpu.memref_slice %arg5[%add3A_1245] : memref<337920xf32, #tpu.memory_space<hbm>> -> memref<2640xf32, #tpu.memory_space<hbm>>
          tpu.enqueue_dma source(%dma_start3A_1251 : memref<2640xf32, #tpu.memory_space<hbm>>) target(%arg12 : memref<2640xf32, #tpu.memory_space<vmem>>) target_semaphore(%arg30 : memref<!tpu.dma_semaphore, #tpu.memory_space<semaphore_mem>>)
        } else {
        }
        %eq3A_1216 = arith.constant 1 : i32
        %eq3A_1217 = arith.cmpi eq, %scan3A_1059, %eq3A_1216 : i32
        %convert_element_type3A_1218 = arith.extui %eq3A_1217 : i1 to i32
        %cond3A_1219 = arith.constant 0 : i32
        %cond3A_1220 = arith.cmpi ne, %convert_element_type3A_1218, %cond3A_1219 : i32
        scf.if %cond3A_1220 {
          %jit3A_1221 = arith.constant 33 : i32
          %div3A = arith.divsi %add3A_1063, %jit3A_1221 : i32
          %sign3A = arith.constant 0 : i32
          %sign3A_1222 = arith.cmpi sgt, %add3A_1063, %sign3A : i32
          %sign3A_1223 = arith.extui %sign3A_1222 : i1 to i32
          %sign3A_1224 = arith.constant 0 : i32
          %sign3A_1225 = arith.cmpi slt, %add3A_1063, %sign3A_1224 : i32
          %sign3A_1226 = arith.extui %sign3A_1225 : i1 to i32
          %sign3A_1227 = arith.subi %sign3A_1223, %sign3A_1226 : i32
          %sign3A_1228 = arith.constant 0 : i32
          %sign3A_1229 = arith.cmpi sgt, %jit3A_1221, %sign3A_1228 : i32
          %sign3A_1230 = arith.extui %sign3A_1229 : i1 to i32
          %sign3A_1231 = arith.constant 0 : i32
          %sign3A_1232 = arith.cmpi slt, %jit3A_1221, %sign3A_1231 : i32
          %sign3A_1233 = arith.extui %sign3A_1232 : i1 to i32
          %sign3A_1234 = arith.subi %sign3A_1230, %sign3A_1233 : i32
          %ne3A = arith.cmpi ne, %sign3A_1227, %sign3A_1234 : i32
          %rem3A = arith.remsi %add3A_1063, %jit3A_1221 : i32
          %ne3A_1235 = arith.constant 0 : i32
          %ne3A_1236 = arith.cmpi ne, %rem3A, %ne3A_1235 : i32
          %and3A_1237 = arith.andi %ne3A, %ne3A_1236 : i1
          %sub3A_1238 = arith.constant 1 : i32
          %sub3A_1239 = arith.subi %div3A, %sub3A_1238 : i32
          %select_n3A_1240 = arith.select %and3A_1237, %sub3A_1239, %div3A : i32
          %add3A_1241 = arith.constant 1 : i32
          %add3A_1242 = arith.addi %select_n3A_1240, %add3A_1241 : i32
          %mul3A_1243 = arith.constant 2640 : i32
          %mul3A_1244 = arith.muli %add3A_1242, %mul3A_1243 : i32
          %add3A_1245 = arith.addi %mul3A_517, %mul3A_1244 : i32
          %dma_start3A_1246 = tpu.memref_slice %arg3[%add3A_1245] : memref<337920xi32, #tpu.memory_space<hbm>> -> memref<2640xi32, #tpu.memory_space<hbm>>
          %dma_start3A_1247 = tpu.memref_slice %arg3[%add3A_1245] : memref<337920xi32, #tpu.memory_space<hbm>> -> memref<2640xi32, #tpu.memory_space<hbm>>
          tpu.enqueue_dma source(%dma_start3A_1247 : memref<2640xi32, #tpu.memory_space<hbm>>) target(%arg7 : memref<2640xi32, #tpu.memory_space<vmem>>) target_semaphore(%arg30 : memref<!tpu.dma_semaphore, #tpu.memory_space<semaphore_mem>>)
          %dma_start3A_1248 = tpu.memref_slice %arg4[%add3A_1245] : memref<337920xi32, #tpu.memory_space<hbm>> -> memref<2640xi32, #tpu.memory_space<hbm>>
          %dma_start3A_1249 = tpu.memref_slice %arg4[%add3A_1245] : memref<337920xi32, #tpu.memory_space<hbm>> -> memref<2640xi32, #tpu.memory_space<hbm>>
          tpu.enqueue_dma source(%dma_start3A_1249 : memref<2640xi32, #tpu.memory_space<hbm>>) target(%arg9 : memref<2640xi32, #tpu.memory_space<vmem>>) target_semaphore(%arg30 : memref<!tpu.dma_semaphore, #tpu.memory_space<semaphore_mem>>)
          %dma_start3A_1250 = tpu.memref_slice %arg5[%add3A_1245] : memref<337920xf32, #tpu.memory_space<hbm>> -> memref<2640xf32, #tpu.memory_space<hbm>>
          %dma_start3A_1251 = tpu.memref_slice %arg5[%add3A_1245] : memref<337920xf32, #tpu.memory_space<hbm>> -> memref<2640xf32, #tpu.memory_space<hbm>>
          tpu.enqueue_dma source(%dma_start3A_1251 : memref<2640xf32, #tpu.memory_space<hbm>>) target(%arg11 : memref<2640xf32, #tpu.memory_space<vmem>>) target_semaphore(%arg30 : memref<!tpu.dma_semaphore, #tpu.memory_space<semaphore_mem>>)
        } else {
        }
      } else {
      }
      %add3A_1089 = arith.constant 2 : i32
      %add3A_1090 = arith.addi %scan3A_1058, %add3A_1089 : i32
      %ge3A = arith.constant 33 : i32
      %ge3A_1091 = arith.cmpi sge, %add3A_1090, %ge3A : i32
      %sub3A = arith.constant 1 : i32
      %sub3A_1092 = arith.subi %sub3A, %scan3A_1059 : i32
      %select_n3A = arith.select %ge3A_1091, %sub3A_1092, %scan3A_1059 : i32
      %sub3A_1093 = arith.constant 33 : i32
      %sub3A_1094 = arith.subi %add3A_1090, %sub3A_1093 : i32
      %select_n3A_1095 = arith.select %ge3A_1091, %sub3A_1094, %add3A_1090 : i32
      %eq3A_1096 = arith.constant 0 : i32
      %eq3A_1097 = arith.cmpi eq, %select_n3A, %eq3A_1096 : i32
      %convert_element_type3A_1098 = arith.extui %eq3A_1097 : i1 to i32
      %cond3A_1099 = arith.constant 0 : i32
      %cond3A_1100 = arith.cmpi ne, %convert_element_type3A_1098, %cond3A_1099 : i32
      scf.if %cond3A_1100 {
        %mul3A_1211 = arith.constant 80 : i32
        %mul3A_1212 = arith.muli %select_n3A_1095, %mul3A_1211 : i32
        %dma_start3A_1213 = tpu.memref_slice %arg7[%mul3A_1212] : memref<2640xi32, #tpu.memory_space<vmem>> -> memref<80xi32, #tpu.memory_space<vmem>>
        %dma_start3A_1214 = arith.constant 0 : i32
        %dma_start3A_1215 = arith.constant 0 : i32
        %dma_start3A_1216 = tpu.memref_slice %arg2[%dma_start3A_1214, %dma_start3A_1215] : memref<10000x128xf32, #tpu.memory_space<hbm>> -> memref<10000x128xf32, #tpu.memory_space<hbm>>
        tpu.enqueue_indirect_dma source(%dma_start3A_1216 : memref<10000x128xf32, #tpu.memory_space<hbm>>) target(%arg21 : memref<80x128xf32, #tpu.memory_space<vmem>>) offsets(%dma_start3A_1213 : memref<80xi32, #tpu.memory_space<vmem>>) semaphore(%arg26 : memref<!tpu.dma_semaphore, #tpu.memory_space<semaphore_mem>>)
      } else {
      }
      %eq3A_1101 = arith.constant 1 : i32
      %eq3A_1102 = arith.cmpi eq, %select_n3A, %eq3A_1101 : i32
      %convert_element_type3A_1103 = arith.extui %eq3A_1102 : i1 to i32
      %cond3A_1104 = arith.constant 0 : i32
      %cond3A_1105 = arith.cmpi ne, %convert_element_type3A_1103, %cond3A_1104 : i32
      scf.if %cond3A_1105 {
        %mul3A_1211 = arith.constant 80 : i32
        %mul3A_1212 = arith.muli %select_n3A_1095, %mul3A_1211 : i32
        %dma_start3A_1213 = tpu.memref_slice %arg8[%mul3A_1212] : memref<2640xi32, #tpu.memory_space<vmem>> -> memref<80xi32, #tpu.memory_space<vmem>>
        %dma_start3A_1214 = arith.constant 0 : i32
        %dma_start3A_1215 = arith.constant 0 : i32
        %dma_start3A_1216 = tpu.memref_slice %arg2[%dma_start3A_1214, %dma_start3A_1215] : memref<10000x128xf32, #tpu.memory_space<hbm>> -> memref<10000x128xf32, #tpu.memory_space<hbm>>
        tpu.enqueue_indirect_dma source(%dma_start3A_1216 : memref<10000x128xf32, #tpu.memory_space<hbm>>) target(%arg21 : memref<80x128xf32, #tpu.memory_space<vmem>>) offsets(%dma_start3A_1213 : memref<80xi32, #tpu.memory_space<vmem>>) semaphore(%arg26 : memref<!tpu.dma_semaphore, #tpu.memory_space<semaphore_mem>>)
      } else {
      }
      %add3A_1106 = arith.constant 1 : i32
      %add3A_1107 = arith.addi %add3A_1063, %add3A_1106 : i32
      %add3A_1108 = arith.constant 1 : i32
      %add3A_1109 = arith.addi %scan3A_1058, %add3A_1108 : i32
      %dma_wait3A_1110 = arith.constant 0 : i32
      %dma_wait3A_1111 = arith.constant 0 : i32
      %dma_wait3A_1112 = tpu.memref_slice %arg2[%dma_wait3A_1110, %dma_wait3A_1111] : memref<10000x128xf32, #tpu.memory_space<hbm>> -> memref<10000x128xf32, #tpu.memory_space<hbm>>
      tpu.wait_indirect_dma semaphore(%arg25 : memref<!tpu.dma_semaphore, #tpu.memory_space<semaphore_mem>>) src(%dma_wait3A_1112 : memref<10000x128xf32, #tpu.memory_space<hbm>>) dst(%arg20 : memref<80x128xf32, #tpu.memory_space<vmem>>)
      %eq3A_1113 = arith.constant 0 : i32
      %eq3A_1114 = arith.cmpi eq, %scan3A_1059, %eq3A_1113 : i32
      %convert_element_type3A_1115 = arith.extui %eq3A_1114 : i1 to i32
      %cond3A_1116 = arith.constant 0 : i32
      %cond3A_1117 = arith.cmpi ne, %convert_element_type3A_1115, %cond3A_1116 : i32
      scf.if %cond3A_1117 {
        %mul3A_1211 = arith.constant 80 : i32
        %mul3A_1212 = arith.muli %add3A_1109, %mul3A_1211 : i32
        %add3A_1213 = arith.constant 0 : i32
        %add3A_1214 = arith.addi %mul3A_1212, %add3A_1213 : i32
        %get3A_1215 = arith.index_cast %add3A_1214 : i32 to index
        %get3A_1216 = tpu.vector_load %arg9[%get3A_1215] {strides = array<i32>} : memref<2640xi32, #tpu.memory_space<vmem>>, vector<16xi32>,
        %get3A_1217 = vector.shape_cast %get3A_1216 : vector<16xi32> to vector<16xi32>
        %swap3A_1218 = arith.constant 0 : index
        %swap3A_1219 = tpu.vector_load %arg14[%swap3A_1218] {strides = array<i32>} : memref<80xi32, #tpu.memory_space<vmem>>, vector<16xi32>,
        %swap3A_1220 = vector.shape_cast %swap3A_1219 : vector<16xi32> to vector<16xi32>
        %swap3A_1221 = vector.shape_cast %get3A_1217 : vector<16xi32> to vector<16xi32>
        tpu.vector_store %arg14[%swap3A_1218], %swap3A_1221 {strides = array<i32>} : memref<80xi32, #tpu.memory_space<vmem>>, vector<16xi32>,
        %add3A_1222 = arith.constant 0 : i32
        %add3A_1223 = arith.addi %mul3A_1212, %add3A_1222 : i32
        %get3A_1224 = arith.index_cast %add3A_1223 : i32 to index
        %get3A_1225 = tpu.vector_load %arg11[%get3A_1224] {strides = array<i32>} : memref<2640xf32, #tpu.memory_space<vmem>>, vector<16xf32>,
        %get3A_1226 = vector.shape_cast %get3A_1225 : vector<16xf32> to vector<16xf32>
        %swap3A_1227 = arith.constant 0 : index
        %swap3A_1228 = tpu.vector_load %arg17[%swap3A_1227] {strides = array<i32>} : memref<80xf32, #tpu.memory_space<vmem>>, vector<16xf32>,
        %swap3A_1229 = vector.shape_cast %swap3A_1228 : vector<16xf32> to vector<16xf32>
        %swap3A_1230 = vector.shape_cast %get3A_1226 : vector<16xf32> to vector<16xf32>
        tpu.vector_store %arg17[%swap3A_1227], %swap3A_1230 {strides = array<i32>} : memref<80xf32, #tpu.memory_space<vmem>>, vector<16xf32>,
        %add3A_1231 = arith.constant 16 : i32
        %add3A_1232 = arith.addi %mul3A_1212, %add3A_1231 : i32
        %get3A_1233 = arith.index_cast %add3A_1232 : i32 to index
        %get3A_1234 = tpu.vector_load %arg9[%get3A_1233] {strides = array<i32>} : memref<2640xi32, #tpu.memory_space<vmem>>, vector<16xi32>,
        %get3A_1235 = vector.shape_cast %get3A_1234 : vector<16xi32> to vector<16xi32>
        %swap3A_1236 = arith.constant 16 : index
        %swap3A_1237 = tpu.vector_load %arg14[%swap3A_1236] {strides = array<i32>} : memref<80xi32, #tpu.memory_space<vmem>>, vector<16xi32>,
        %swap3A_1238 = vector.shape_cast %swap3A_1237 : vector<16xi32> to vector<16xi32>
        %swap3A_1239 = vector.shape_cast %get3A_1235 : vector<16xi32> to vector<16xi32>
        tpu.vector_store %arg14[%swap3A_1236], %swap3A_1239 {strides = array<i32>} : memref<80xi32, #tpu.memory_space<vmem>>, vector<16xi32>,
        %add3A_1240 = arith.constant 16 : i32
        %add3A_1241 = arith.addi %mul3A_1212, %add3A_1240 : i32
        %get3A_1242 = arith.index_cast %add3A_1241 : i32 to index
        %get3A_1243 = tpu.vector_load %arg11[%get3A_1242] {strides = array<i32>} : memref<2640xf32, #tpu.memory_space<vmem>>, vector<16xf32>,
        %get3A_1244 = vector.shape_cast %get3A_1243 : vector<16xf32> to vector<16xf32>
        %swap3A_1245 = arith.constant 16 : index
        %swap3A_1246 = tpu.vector_load %arg17[%swap3A_1245] {strides = array<i32>} : memref<80xf32, #tpu.memory_space<vmem>>, vector<16xf32>,
        %swap3A_1247 = vector.shape_cast %swap3A_1246 : vector<16xf32> to vector<16xf32>
        %swap3A_1248 = vector.shape_cast %get3A_1244 : vector<16xf32> to vector<16xf32>
        tpu.vector_store %arg17[%swap3A_1245], %swap3A_1248 {strides = array<i32>} : memref<80xf32, #tpu.memory_space<vmem>>, vector<16xf32>,
        %add3A_1249 = arith.constant 32 : i32
        %add3A_1250 = arith.addi %mul3A_1212, %add3A_1249 : i32
        %get3A_1251 = arith.index_cast %add3A_1250 : i32 to index
        %get3A_1252 = tpu.vector_load %arg9[%get3A_1251] {strides = array<i32>} : memref<2640xi32, #tpu.memory_space<vmem>>, vector<16xi32>,
        %get3A_1253 = vector.shape_cast %get3A_1252 : vector<16xi32> to vector<16xi32>
        %swap3A_1254 = arith.constant 32 : index
        %swap3A_1255 = tpu.vector_load %arg14[%swap3A_1254] {strides = array<i32>} : memref<80xi32, #tpu.memory_space<vmem>>, vector<16xi32>,
        %swap3A_1256 = vector.shape_cast %swap3A_1255 : vector<16xi32> to vector<16xi32>
        %swap3A_1257 = vector.shape_cast %get3A_1253 : vector<16xi32> to vector<16xi32>
        tpu.vector_store %arg14[%swap3A_1254], %swap3A_1257 {strides = array<i32>} : memref<80xi32, #tpu.memory_space<vmem>>, vector<16xi32>,
        %add3A_1258 = arith.constant 32 : i32
        %add3A_1259 = arith.addi %mul3A_1212, %add3A_1258 : i32
        %get3A_1260 = arith.index_cast %add3A_1259 : i32 to index
        %get3A_1261 = tpu.vector_load %arg11[%get3A_1260] {strides = array<i32>} : memref<2640xf32, #tpu.memory_space<vmem>>, vector<16xf32>,
        %get3A_1262 = vector.shape_cast %get3A_1261 : vector<16xf32> to vector<16xf32>
        %swap3A_1263 = arith.constant 32 : index
        %swap3A_1264 = tpu.vector_load %arg17[%swap3A_1263] {strides = array<i32>} : memref<80xf32, #tpu.memory_space<vmem>>, vector<16xf32>,
        %swap3A_1265 = vector.shape_cast %swap3A_1264 : vector<16xf32> to vector<16xf32>
        %swap3A_1266 = vector.shape_cast %get3A_1262 : vector<16xf32> to vector<16xf32>
        tpu.vector_store %arg17[%swap3A_1263], %swap3A_1266 {strides = array<i32>} : memref<80xf32, #tpu.memory_space<vmem>>, vector<16xf32>,
        %add3A_1267 = arith.constant 48 : i32
        %add3A_1268 = arith.addi %mul3A_1212, %add3A_1267 : i32
        %get3A_1269 = arith.index_cast %add3A_1268 : i32 to index
        %get3A_1270 = tpu.vector_load %arg9[%get3A_1269] {strides = array<i32>} : memref<2640xi32, #tpu.memory_space<vmem>>, vector<16xi32>,
        %get3A_1271 = vector.shape_cast %get3A_1270 : vector<16xi32> to vector<16xi32>
        %swap3A_1272 = arith.constant 48 : index
        %swap3A_1273 = tpu.vector_load %arg14[%swap3A_1272] {strides = array<i32>} : memref<80xi32, #tpu.memory_space<vmem>>, vector<16xi32>,
        %swap3A_1274 = vector.shape_cast %swap3A_1273 : vector<16xi32> to vector<16xi32>
        %swap3A_1275 = vector.shape_cast %get3A_1271 : vector<16xi32> to vector<16xi32>
        tpu.vector_store %arg14[%swap3A_1272], %swap3A_1275 {strides = array<i32>} : memref<80xi32, #tpu.memory_space<vmem>>, vector<16xi32>,
        %add3A_1276 = arith.constant 48 : i32
        %add3A_1277 = arith.addi %mul3A_1212, %add3A_1276 : i32
        %get3A_1278 = arith.index_cast %add3A_1277 : i32 to index
        %get3A_1279 = tpu.vector_load %arg11[%get3A_1278] {strides = array<i32>} : memref<2640xf32, #tpu.memory_space<vmem>>, vector<16xf32>,
        %get3A_1280 = vector.shape_cast %get3A_1279 : vector<16xf32> to vector<16xf32>
        %swap3A_1281 = arith.constant 48 : index
        %swap3A_1282 = tpu.vector_load %arg17[%swap3A_1281] {strides = array<i32>} : memref<80xf32, #tpu.memory_space<vmem>>, vector<16xf32>,
        %swap3A_1283 = vector.shape_cast %swap3A_1282 : vector<16xf32> to vector<16xf32>
        %swap3A_1284 = vector.shape_cast %get3A_1280 : vector<16xf32> to vector<16xf32>
        tpu.vector_store %arg17[%swap3A_1281], %swap3A_1284 {strides = array<i32>} : memref<80xf32, #tpu.memory_space<vmem>>, vector<16xf32>,
        %add3A_1285 = arith.constant 64 : i32
        %add3A_1286 = arith.addi %mul3A_1212, %add3A_1285 : i32
        %get3A_1287 = arith.index_cast %add3A_1286 : i32 to index
        %get3A_1288 = tpu.vector_load %arg9[%get3A_1287] {strides = array<i32>} : memref<2640xi32, #tpu.memory_space<vmem>>, vector<16xi32>,
        %get3A_1289 = vector.shape_cast %get3A_1288 : vector<16xi32> to vector<16xi32>
        %swap3A_1290 = arith.constant 64 : index
        %swap3A_1291 = tpu.vector_load %arg14[%swap3A_1290] {strides = array<i32>} : memref<80xi32, #tpu.memory_space<vmem>>, vector<16xi32>,
        %swap3A_1292 = vector.shape_cast %swap3A_1291 : vector<16xi32> to vector<16xi32>
        %swap3A_1293 = vector.shape_cast %get3A_1289 : vector<16xi32> to vector<16xi32>
        tpu.vector_store %arg14[%swap3A_1290], %swap3A_1293 {strides = array<i32>} : memref<80xi32, #tpu.memory_space<vmem>>, vector<16xi32>,
        %add3A_1294 = arith.constant 64 : i32
        %add3A_1295 = arith.addi %mul3A_1212, %add3A_1294 : i32
        %get3A_1296 = arith.index_cast %add3A_1295 : i32 to index
        %get3A_1297 = tpu.vector_load %arg11[%get3A_1296] {strides = array<i32>} : memref<2640xf32, #tpu.memory_space<vmem>>, vector<16xf32>,
        %get3A_1298 = vector.shape_cast %get3A_1297 : vector<16xf32> to vector<16xf32>
        %swap3A_1299 = arith.constant 64 : index
        %swap3A_1300 = tpu.vector_load %arg17[%swap3A_1299] {strides = array<i32>} : memref<80xf32, #tpu.memory_space<vmem>>, vector<16xf32>,
        %swap3A_1301 = vector.shape_cast %swap3A_1300 : vector<16xf32> to vector<16xf32>
        %swap3A_1302 = vector.shape_cast %get3A_1298 : vector<16xf32> to vector<16xf32>
        tpu.vector_store %arg17[%swap3A_1299], %swap3A_1302 {strides = array<i32>} : memref<80xf32, #tpu.memory_space<vmem>>, vector<16xf32>,
      } else {
      }
      %eq3A_1118 = arith.constant 1 : i32
      %eq3A_1119 = arith.cmpi eq, %scan3A_1059, %eq3A_1118 : i32
      %convert_element_type3A_1120 = arith.extui %eq3A_1119 : i1 to i32
      %cond3A_1121 = arith.constant 0 : i32
      %cond3A_1122 = arith.cmpi ne, %convert_element_type3A_1120, %cond3A_1121 : i32
      scf.if %cond3A_1122 {
        %mul3A_1211 = arith.constant 80 : i32
        %mul3A_1212 = arith.muli %add3A_1109, %mul3A_1211 : i32
        %add3A_1213 = arith.constant 0 : i32
        %add3A_1214 = arith.addi %mul3A_1212, %add3A_1213 : i32
        %get3A_1215 = arith.index_cast %add3A_1214 : i32 to index
        %get3A_1216 = tpu.vector_load %arg10[%get3A_1215] {strides = array<i32>} : memref<2640xi32, #tpu.memory_space<vmem>>, vector<16xi32>,
        %get3A_1217 = vector.shape_cast %get3A_1216 : vector<16xi32> to vector<16xi32>
        %swap3A_1218 = arith.constant 0 : index
        %swap3A_1219 = tpu.vector_load %arg14[%swap3A_1218] {strides = array<i32>} : memref<80xi32, #tpu.memory_space<vmem>>, vector<16xi32>,
        %swap3A_1220 = vector.shape_cast %swap3A_1219 : vector<16xi32> to vector<16xi32>
        %swap3A_1221 = vector.shape_cast %get3A_1217 : vector<16xi32> to vector<16xi32>
        tpu.vector_store %arg14[%swap3A_1218], %swap3A_1221 {strides = array<i32>} : memref<80xi32, #tpu.memory_space<vmem>>, vector<16xi32>,
        %add3A_1222 = arith.constant 0 : i32
        %add3A_1223 = arith.addi %mul3A_1212, %add3A_1222 : i32
        %get3A_1224 = arith.index_cast %add3A_1223 : i32 to index
        %get3A_1225 = tpu.vector_load %arg12[%get3A_1224] {strides = array<i32>} : memref<2640xf32, #tpu.memory_space<vmem>>, vector<16xf32>,
        %get3A_1226 = vector.shape_cast %get3A_1225 : vector<16xf32> to vector<16xf32>
        %swap3A_1227 = arith.constant 0 : index
        %swap3A_1228 = tpu.vector_load %arg17[%swap3A_1227] {strides = array<i32>} : memref<80xf32, #tpu.memory_space<vmem>>, vector<16xf32>,
        %swap3A_1229 = vector.shape_cast %swap3A_1228 : vector<16xf32> to vector<16xf32>
        %swap3A_1230 = vector.shape_cast %get3A_1226 : vector<16xf32> to vector<16xf32>
        tpu.vector_store %arg17[%swap3A_1227], %swap3A_1230 {strides = array<i32>} : memref<80xf32, #tpu.memory_space<vmem>>, vector<16xf32>,
        %add3A_1231 = arith.constant 16 : i32
        %add3A_1232 = arith.addi %mul3A_1212, %add3A_1231 : i32
        %get3A_1233 = arith.index_cast %add3A_1232 : i32 to index
        %get3A_1234 = tpu.vector_load %arg10[%get3A_1233] {strides = array<i32>} : memref<2640xi32, #tpu.memory_space<vmem>>, vector<16xi32>,
        %get3A_1235 = vector.shape_cast %get3A_1234 : vector<16xi32> to vector<16xi32>
        %swap3A_1236 = arith.constant 16 : index
        %swap3A_1237 = tpu.vector_load %arg14[%swap3A_1236] {strides = array<i32>} : memref<80xi32, #tpu.memory_space<vmem>>, vector<16xi32>,
        %swap3A_1238 = vector.shape_cast %swap3A_1237 : vector<16xi32> to vector<16xi32>
        %swap3A_1239 = vector.shape_cast %get3A_1235 : vector<16xi32> to vector<16xi32>
        tpu.vector_store %arg14[%swap3A_1236], %swap3A_1239 {strides = array<i32>} : memref<80xi32, #tpu.memory_space<vmem>>, vector<16xi32>,
        %add3A_1240 = arith.constant 16 : i32
        %add3A_1241 = arith.addi %mul3A_1212, %add3A_1240 : i32
        %get3A_1242 = arith.index_cast %add3A_1241 : i32 to index
        %get3A_1243 = tpu.vector_load %arg12[%get3A_1242] {strides = array<i32>} : memref<2640xf32, #tpu.memory_space<vmem>>, vector<16xf32>,
        %get3A_1244 = vector.shape_cast %get3A_1243 : vector<16xf32> to vector<16xf32>
        %swap3A_1245 = arith.constant 16 : index
        %swap3A_1246 = tpu.vector_load %arg17[%swap3A_1245] {strides = array<i32>} : memref<80xf32, #tpu.memory_space<vmem>>, vector<16xf32>,
        %swap3A_1247 = vector.shape_cast %swap3A_1246 : vector<16xf32> to vector<16xf32>
        %swap3A_1248 = vector.shape_cast %get3A_1244 : vector<16xf32> to vector<16xf32>
        tpu.vector_store %arg17[%swap3A_1245], %swap3A_1248 {strides = array<i32>} : memref<80xf32, #tpu.memory_space<vmem>>, vector<16xf32>,
        %add3A_1249 = arith.constant 32 : i32
        %add3A_1250 = arith.addi %mul3A_1212, %add3A_1249 : i32
        %get3A_1251 = arith.index_cast %add3A_1250 : i32 to index
        %get3A_1252 = tpu.vector_load %arg10[%get3A_1251] {strides = array<i32>} : memref<2640xi32, #tpu.memory_space<vmem>>, vector<16xi32>,
        %get3A_1253 = vector.shape_cast %get3A_1252 : vector<16xi32> to vector<16xi32>
        %swap3A_1254 = arith.constant 32 : index
        %swap3A_1255 = tpu.vector_load %arg14[%swap3A_1254] {strides = array<i32>} : memref<80xi32, #tpu.memory_space<vmem>>, vector<16xi32>,
        %swap3A_1256 = vector.shape_cast %swap3A_1255 : vector<16xi32> to vector<16xi32>
        %swap3A_1257 = vector.shape_cast %get3A_1253 : vector<16xi32> to vector<16xi32>
        tpu.vector_store %arg14[%swap3A_1254], %swap3A_1257 {strides = array<i32>} : memref<80xi32, #tpu.memory_space<vmem>>, vector<16xi32>,
        %add3A_1258 = arith.constant 32 : i32
        %add3A_1259 = arith.addi %mul3A_1212, %add3A_1258 : i32
        %get3A_1260 = arith.index_cast %add3A_1259 : i32 to index
        %get3A_1261 = tpu.vector_load %arg12[%get3A_1260] {strides = array<i32>} : memref<2640xf32, #tpu.memory_space<vmem>>, vector<16xf32>,
        %get3A_1262 = vector.shape_cast %get3A_1261 : vector<16xf32> to vector<16xf32>
        %swap3A_1263 = arith.constant 32 : index
        %swap3A_1264 = tpu.vector_load %arg17[%swap3A_1263] {strides = array<i32>} : memref<80xf32, #tpu.memory_space<vmem>>, vector<16xf32>,
        %swap3A_1265 = vector.shape_cast %swap3A_1264 : vector<16xf32> to vector<16xf32>
        %swap3A_1266 = vector.shape_cast %get3A_1262 : vector<16xf32> to vector<16xf32>
        tpu.vector_store %arg17[%swap3A_1263], %swap3A_1266 {strides = array<i32>} : memref<80xf32, #tpu.memory_space<vmem>>, vector<16xf32>,
        %add3A_1267 = arith.constant 48 : i32
        %add3A_1268 = arith.addi %mul3A_1212, %add3A_1267 : i32
        %get3A_1269 = arith.index_cast %add3A_1268 : i32 to index
        %get3A_1270 = tpu.vector_load %arg10[%get3A_1269] {strides = array<i32>} : memref<2640xi32, #tpu.memory_space<vmem>>, vector<16xi32>,
        %get3A_1271 = vector.shape_cast %get3A_1270 : vector<16xi32> to vector<16xi32>
        %swap3A_1272 = arith.constant 48 : index
        %swap3A_1273 = tpu.vector_load %arg14[%swap3A_1272] {strides = array<i32>} : memref<80xi32, #tpu.memory_space<vmem>>, vector<16xi32>,
        %swap3A_1274 = vector.shape_cast %swap3A_1273 : vector<16xi32> to vector<16xi32>
        %swap3A_1275 = vector.shape_cast %get3A_1271 : vector<16xi32> to vector<16xi32>
        tpu.vector_store %arg14[%swap3A_1272], %swap3A_1275 {strides = array<i32>} : memref<80xi32, #tpu.memory_space<vmem>>, vector<16xi32>,
        %add3A_1276 = arith.constant 48 : i32
        %add3A_1277 = arith.addi %mul3A_1212, %add3A_1276 : i32
        %get3A_1278 = arith.index_cast %add3A_1277 : i32 to index
        %get3A_1279 = tpu.vector_load %arg12[%get3A_1278] {strides = array<i32>} : memref<2640xf32, #tpu.memory_space<vmem>>, vector<16xf32>,
        %get3A_1280 = vector.shape_cast %get3A_1279 : vector<16xf32> to vector<16xf32>
        %swap3A_1281 = arith.constant 48 : index
        %swap3A_1282 = tpu.vector_load %arg17[%swap3A_1281] {strides = array<i32>} : memref<80xf32, #tpu.memory_space<vmem>>, vector<16xf32>,
        %swap3A_1283 = vector.shape_cast %swap3A_1282 : vector<16xf32> to vector<16xf32>
        %swap3A_1284 = vector.shape_cast %get3A_1280 : vector<16xf32> to vector<16xf32>
        tpu.vector_store %arg17[%swap3A_1281], %swap3A_1284 {strides = array<i32>} : memref<80xf32, #tpu.memory_space<vmem>>, vector<16xf32>,
        %add3A_1285 = arith.constant 64 : i32
        %add3A_1286 = arith.addi %mul3A_1212, %add3A_1285 : i32
        %get3A_1287 = arith.index_cast %add3A_1286 : i32 to index
        %get3A_1288 = tpu.vector_load %arg10[%get3A_1287] {strides = array<i32>} : memref<2640xi32, #tpu.memory_space<vmem>>, vector<16xi32>,
        %get3A_1289 = vector.shape_cast %get3A_1288 : vector<16xi32> to vector<16xi32>
        %swap3A_1290 = arith.constant 64 : index
        %swap3A_1291 = tpu.vector_load %arg14[%swap3A_1290] {strides = array<i32>} : memref<80xi32, #tpu.memory_space<vmem>>, vector<16xi32>,
        %swap3A_1292 = vector.shape_cast %swap3A_1291 : vector<16xi32> to vector<16xi32>
        %swap3A_1293 = vector.shape_cast %get3A_1289 : vector<16xi32> to vector<16xi32>
        tpu.vector_store %arg14[%swap3A_1290], %swap3A_1293 {strides = array<i32>} : memref<80xi32, #tpu.memory_space<vmem>>, vector<16xi32>,
        %add3A_1294 = arith.constant 64 : i32
        %add3A_1295 = arith.addi %mul3A_1212, %add3A_1294 : i32
        %get3A_1296 = arith.index_cast %add3A_1295 : i32 to index
        %get3A_1297 = tpu.vector_load %arg12[%get3A_1296] {strides = array<i32>} : memref<2640xf32, #tpu.memory_space<vmem>>, vector<16xf32>,
        %get3A_1298 = vector.shape_cast %get3A_1297 : vector<16xf32> to vector<16xf32>
        %swap3A_1299 = arith.constant 64 : index
        %swap3A_1300 = tpu.vector_load %arg17[%swap3A_1299] {strides = array<i32>} : memref<80xf32, #tpu.memory_space<vmem>>, vector<16xf32>,
        %swap3A_1301 = vector.shape_cast %swap3A_1300 : vector<16xf32> to vector<16xf32>
        %swap3A_1302 = vector.shape_cast %get3A_1298 : vector<16xf32> to vector<16xf32>
        tpu.vector_store %arg17[%swap3A_1299], %swap3A_1302 {strides = array<i32>} : memref<80xf32, #tpu.memory_space<vmem>>, vector<16xf32>,
      } else {
      }
      %parallel_loop3A_1123 = arith.constant 0 : i32
      %parallel_loop3A_1124 = arith.constant 80 : i32
      %parallel_loop3A_1125 = arith.constant 1 : i32
      scf.for %parallel_loop3A_1211 = %parallel_loop3A_1123 to %parallel_loop3A_1124 step %parallel_loop3A_1125  : i32 {
        %parallel_loop3A_1212 = arith.constant 16 : i32
        %parallel_loop3A_1213 = arith.divsi %parallel_loop3A_1211, %parallel_loop3A_1212 : i32
        %parallel_loop3A_1214 = arith.constant 0 : i32
        %parallel_loop3A_1215 = arith.cmpi sgt, %parallel_loop3A_1211, %parallel_loop3A_1214 : i32
        %parallel_loop3A_1216 = arith.extui %parallel_loop3A_1215 : i1 to i32
        %parallel_loop3A_1217 = arith.constant 0 : i32
        %parallel_loop3A_1218 = arith.cmpi slt, %parallel_loop3A_1211, %parallel_loop3A_1217 : i32
        %parallel_loop3A_1219 = arith.extui %parallel_loop3A_1218 : i1 to i32
        %parallel_loop3A_1220 = arith.subi %parallel_loop3A_1216, %parallel_loop3A_1219 : i32
        %parallel_loop3A_1221 = arith.constant 0 : i32
        %parallel_loop3A_1222 = arith.cmpi sgt, %parallel_loop3A_1212, %parallel_loop3A_1221 : i32
        %parallel_loop3A_1223 = arith.extui %parallel_loop3A_1222 : i1 to i32
        %parallel_loop3A_1224 = arith.constant 0 : i32
        %parallel_loop3A_1225 = arith.cmpi slt, %parallel_loop3A_1212, %parallel_loop3A_1224 : i32
        %parallel_loop3A_1226 = arith.extui %parallel_loop3A_1225 : i1 to i32
        %parallel_loop3A_1227 = arith.subi %parallel_loop3A_1223, %parallel_loop3A_1226 : i32
        %parallel_loop3A_1228 = arith.cmpi ne, %parallel_loop3A_1220, %parallel_loop3A_1227 : i32
        %parallel_loop3A_1229 = arith.remsi %parallel_loop3A_1211, %parallel_loop3A_1212 : i32
        %parallel_loop3A_1230 = arith.constant 0 : i32
        %parallel_loop3A_1231 = arith.cmpi ne, %parallel_loop3A_1229, %parallel_loop3A_1230 : i32
        %parallel_loop3A_1232 = arith.andi %parallel_loop3A_1228, %parallel_loop3A_1231 : i1
        %parallel_loop3A_1233 = arith.constant 1 : i32
        %parallel_loop3A_1234 = arith.subi %parallel_loop3A_1213, %parallel_loop3A_1233 : i32
        %parallel_loop3A_1235 = arith.select %parallel_loop3A_1232, %parallel_loop3A_1234, %parallel_loop3A_1213 : i32
        %parallel_loop3A_1236 = arith.constant 16 : i32
        %parallel_loop3A_1237 = arith.muli %parallel_loop3A_1235, %parallel_loop3A_1236 : i32
        %parallel_loop3A_1238 = arith.index_cast %parallel_loop3A_1237 : i32 to index
        %parallel_loop3A_1239 = tpu.vector_load %arg17[%parallel_loop3A_1238] {strides = array<i32>} : memref<80xf32, #tpu.memory_space<vmem>>, vector<16xf32>,
        %parallel_loop3A_1240 = vector.shape_cast %parallel_loop3A_1239 : vector<16xf32> to vector<16xf32>
        %parallel_loop3A_1241 = arith.constant 16 : i32
        %parallel_loop3A_1242 = arith.constant 0 : i32
        %parallel_loop3A_1243 = arith.cmpi eq, %parallel_loop3A_1241, %parallel_loop3A_1242 : i32
        %parallel_loop3A_1244 = arith.constant 1 : i32
        %parallel_loop3A_1245 = arith.select %parallel_loop3A_1243, %parallel_loop3A_1244, %parallel_loop3A_1241 : i32
        %parallel_loop3A_1246 = arith.remsi %parallel_loop3A_1211, %parallel_loop3A_1245 : i32
        %parallel_loop3A_1247 = arith.constant 0 : i32
        %parallel_loop3A_1248 = arith.cmpi ne, %parallel_loop3A_1246, %parallel_loop3A_1247 : i32
        %parallel_loop3A_1249 = arith.constant 0 : i32
        %parallel_loop3A_1250 = arith.cmpi slt, %parallel_loop3A_1246, %parallel_loop3A_1249 : i32
        %parallel_loop3A_1251 = arith.constant 0 : i32
        %parallel_loop3A_1252 = arith.cmpi slt, %parallel_loop3A_1245, %parallel_loop3A_1251 : i32
        %parallel_loop3A_1253 = arith.xori %parallel_loop3A_1250, %parallel_loop3A_1252 : i1
        %parallel_loop3A_1254 = arith.andi %parallel_loop3A_1253, %parallel_loop3A_1248 : i1
        %parallel_loop3A_1255 = arith.addi %parallel_loop3A_1246, %parallel_loop3A_1245 : i32
        %parallel_loop3A_1256 = arith.select %parallel_loop3A_1254, %parallel_loop3A_1255, %parallel_loop3A_1246 : i32
        %parallel_loop3A_1257 = vector.broadcast %parallel_loop3A_1256 : i32 to vector<16x1xi32>
        %parallel_loop3A_1258 = vector.shape_cast %parallel_loop3A_1257 : vector<16x1xi32> to vector<16xi32>
        %parallel_loop3A_1259 = tpu.dynamic_gather %parallel_loop3A_1240[%parallel_loop3A_1258] in [0] : vector<16xf32>, vector<16xi32> -> vector<16xf32>
        %parallel_loop3A_1260 = arith.index_cast %parallel_loop3A_1211 : i32 to index
        %parallel_loop3A_1261 = arith.constant 0 : index
        %parallel_loop3A_1262 = tpu.vector_load %arg20[%parallel_loop3A_1260, %parallel_loop3A_1261] {strides = array<i32>} : memref<80x128xf32, #tpu.memory_space<vmem>>, vector<1x16xf32>,
        %parallel_loop3A_1263 = vector.shape_cast %parallel_loop3A_1262 : vector<1x16xf32> to vector<16xf32>
        %parallel_loop3A_1264 = arith.mulf %parallel_loop3A_1263, %parallel_loop3A_1259 : vector<16xf32>
        %parallel_loop3A_1265 = arith.index_cast %parallel_loop3A_1211 : i32 to index
        %parallel_loop3A_1266 = arith.constant 0 : index
        %parallel_loop3A_1267 = tpu.vector_load %arg20[%parallel_loop3A_1265, %parallel_loop3A_1266] {strides = array<i32>} : memref<80x128xf32, #tpu.memory_space<vmem>>, vector<1x16xf32>,
        %parallel_loop3A_1268 = vector.shape_cast %parallel_loop3A_1267 : vector<1x16xf32> to vector<16xf32>
        %parallel_loop3A_1269 = vector.shape_cast %parallel_loop3A_1264 : vector<16xf32> to vector<1x16xf32>
        tpu.vector_store %arg20[%parallel_loop3A_1265, %parallel_loop3A_1266], %parallel_loop3A_1269 {strides = array<i32>} : memref<80x128xf32, #tpu.memory_space<vmem>>, vector<1x16xf32>,
        %parallel_loop3A_1270 = arith.index_cast %parallel_loop3A_1211 : i32 to index
        %parallel_loop3A_1271 = arith.constant 16 : index
        %parallel_loop3A_1272 = tpu.vector_load %arg20[%parallel_loop3A_1270, %parallel_loop3A_1271] {strides = array<i32>} : memref<80x128xf32, #tpu.memory_space<vmem>>, vector<1x16xf32>,
        %parallel_loop3A_1273 = vector.shape_cast %parallel_loop3A_1272 : vector<1x16xf32> to vector<16xf32>
        %parallel_loop3A_1274 = arith.mulf %parallel_loop3A_1273, %parallel_loop3A_1259 : vector<16xf32>
        %parallel_loop3A_1275 = arith.index_cast %parallel_loop3A_1211 : i32 to index
        %parallel_loop3A_1276 = arith.constant 16 : index
        %parallel_loop3A_1277 = tpu.vector_load %arg20[%parallel_loop3A_1275, %parallel_loop3A_1276] {strides = array<i32>} : memref<80x128xf32, #tpu.memory_space<vmem>>, vector<1x16xf32>,
        %parallel_loop3A_1278 = vector.shape_cast %parallel_loop3A_1277 : vector<1x16xf32> to vector<16xf32>
        %parallel_loop3A_1279 = vector.shape_cast %parallel_loop3A_1274 : vector<16xf32> to vector<1x16xf32>
        tpu.vector_store %arg20[%parallel_loop3A_1275, %parallel_loop3A_1276], %parallel_loop3A_1279 {strides = array<i32>} : memref<80x128xf32, #tpu.memory_space<vmem>>, vector<1x16xf32>,
        %parallel_loop3A_1280 = arith.index_cast %parallel_loop3A_1211 : i32 to index
        %parallel_loop3A_1281 = arith.constant 32 : index
        %parallel_loop3A_1282 = tpu.vector_load %arg20[%parallel_loop3A_1280, %parallel_loop3A_1281] {strides = array<i32>} : memref<80x128xf32, #tpu.memory_space<vmem>>, vector<1x16xf32>,
        %parallel_loop3A_1283 = vector.shape_cast %parallel_loop3A_1282 : vector<1x16xf32> to vector<16xf32>
        %parallel_loop3A_1284 = arith.mulf %parallel_loop3A_1283, %parallel_loop3A_1259 : vector<16xf32>
        %parallel_loop3A_1285 = arith.index_cast %parallel_loop3A_1211 : i32 to index
        %parallel_loop3A_1286 = arith.constant 32 : index
        %parallel_loop3A_1287 = tpu.vector_load %arg20[%parallel_loop3A_1285, %parallel_loop3A_1286] {strides = array<i32>} : memref<80x128xf32, #tpu.memory_space<vmem>>, vector<1x16xf32>,
        %parallel_loop3A_1288 = vector.shape_cast %parallel_loop3A_1287 : vector<1x16xf32> to vector<16xf32>
        %parallel_loop3A_1289 = vector.shape_cast %parallel_loop3A_1284 : vector<16xf32> to vector<1x16xf32>
        tpu.vector_store %arg20[%parallel_loop3A_1285, %parallel_loop3A_1286], %parallel_loop3A_1289 {strides = array<i32>} : memref<80x128xf32, #tpu.memory_space<vmem>>, vector<1x16xf32>,
        %parallel_loop3A_1290 = arith.index_cast %parallel_loop3A_1211 : i32 to index
        %parallel_loop3A_1291 = arith.constant 48 : index
        %parallel_loop3A_1292 = tpu.vector_load %arg20[%parallel_loop3A_1290, %parallel_loop3A_1291] {strides = array<i32>} : memref<80x128xf32, #tpu.memory_space<vmem>>, vector<1x16xf32>,
        %parallel_loop3A_1293 = vector.shape_cast %parallel_loop3A_1292 : vector<1x16xf32> to vector<16xf32>
        %parallel_loop3A_1294 = arith.mulf %parallel_loop3A_1293, %parallel_loop3A_1259 : vector<16xf32>
        %parallel_loop3A_1295 = arith.index_cast %parallel_loop3A_1211 : i32 to index
        %parallel_loop3A_1296 = arith.constant 48 : index
        %parallel_loop3A_1297 = tpu.vector_load %arg20[%parallel_loop3A_1295, %parallel_loop3A_1296] {strides = array<i32>} : memref<80x128xf32, #tpu.memory_space<vmem>>, vector<1x16xf32>,
        %parallel_loop3A_1298 = vector.shape_cast %parallel_loop3A_1297 : vector<1x16xf32> to vector<16xf32>
        %parallel_loop3A_1299 = vector.shape_cast %parallel_loop3A_1294 : vector<16xf32> to vector<1x16xf32>
        tpu.vector_store %arg20[%parallel_loop3A_1295, %parallel_loop3A_1296], %parallel_loop3A_1299 {strides = array<i32>} : memref<80x128xf32, #tpu.memory_space<vmem>>, vector<1x16xf32>,
        %parallel_loop3A_1300 = arith.index_cast %parallel_loop3A_1211 : i32 to index
        %parallel_loop3A_1301 = arith.constant 64 : index
        %parallel_loop3A_1302 = tpu.vector_load %arg20[%parallel_loop3A_1300, %parallel_loop3A_1301] {strides = array<i32>} : memref<80x128xf32, #tpu.memory_space<vmem>>, vector<1x16xf32>,
        %parallel_loop3A_1303 = vector.shape_cast %parallel_loop3A_1302 : vector<1x16xf32> to vector<16xf32>
        %parallel_loop3A_1304 = arith.mulf %parallel_loop3A_1303, %parallel_loop3A_1259 : vector<16xf32>
        %parallel_loop3A_1305 = arith.index_cast %parallel_loop3A_1211 : i32 to index
        %parallel_loop3A_1306 = arith.constant 64 : index
        %parallel_loop3A_1307 = tpu.vector_load %arg20[%parallel_loop3A_1305, %parallel_loop3A_1306] {strides = array<i32>} : memref<80x128xf32, #tpu.memory_space<vmem>>, vector<1x16xf32>,
        %parallel_loop3A_1308 = vector.shape_cast %parallel_loop3A_1307 : vector<1x16xf32> to vector<16xf32>
        %parallel_loop3A_1309 = vector.shape_cast %parallel_loop3A_1304 : vector<16xf32> to vector<1x16xf32>
        tpu.vector_store %arg20[%parallel_loop3A_1305, %parallel_loop3A_1306], %parallel_loop3A_1309 {strides = array<i32>} : memref<80x128xf32, #tpu.memory_space<vmem>>, vector<1x16xf32>,
        %parallel_loop3A_1310 = arith.index_cast %parallel_loop3A_1211 : i32 to index
        %parallel_loop3A_1311 = arith.constant 80 : index
        %parallel_loop3A_1312 = tpu.vector_load %arg20[%parallel_loop3A_1310, %parallel_loop3A_1311] {strides = array<i32>} : memref<80x128xf32, #tpu.memory_space<vmem>>, vector<1x16xf32>,
        %parallel_loop3A_1313 = vector.shape_cast %parallel_loop3A_1312 : vector<1x16xf32> to vector<16xf32>
        %parallel_loop3A_1314 = arith.mulf %parallel_loop3A_1313, %parallel_loop3A_1259 : vector<16xf32>
        %parallel_loop3A_1315 = arith.index_cast %parallel_loop3A_1211 : i32 to index
        %parallel_loop3A_1316 = arith.constant 80 : index
        %parallel_loop3A_1317 = tpu.vector_load %arg20[%parallel_loop3A_1315, %parallel_loop3A_1316] {strides = array<i32>} : memref<80x128xf32, #tpu.memory_space<vmem>>, vector<1x16xf32>,
        %parallel_loop3A_1318 = vector.shape_cast %parallel_loop3A_1317 : vector<1x16xf32> to vector<16xf32>
        %parallel_loop3A_1319 = vector.shape_cast %parallel_loop3A_1314 : vector<16xf32> to vector<1x16xf32>
        tpu.vector_store %arg20[%parallel_loop3A_1315, %parallel_loop3A_1316], %parallel_loop3A_1319 {strides = array<i32>} : memref<80x128xf32, #tpu.memory_space<vmem>>, vector<1x16xf32>,
        %parallel_loop3A_1320 = arith.index_cast %parallel_loop3A_1211 : i32 to index
        %parallel_loop3A_1321 = arith.constant 96 : index
        %parallel_loop3A_1322 = tpu.vector_load %arg20[%parallel_loop3A_1320, %parallel_loop3A_1321] {strides = array<i32>} : memref<80x128xf32, #tpu.memory_space<vmem>>, vector<1x16xf32>,
        %parallel_loop3A_1323 = vector.shape_cast %parallel_loop3A_1322 : vector<1x16xf32> to vector<16xf32>
        %parallel_loop3A_1324 = arith.mulf %parallel_loop3A_1323, %parallel_loop3A_1259 : vector<16xf32>
        %parallel_loop3A_1325 = arith.index_cast %parallel_loop3A_1211 : i32 to index
        %parallel_loop3A_1326 = arith.constant 96 : index
        %parallel_loop3A_1327 = tpu.vector_load %arg20[%parallel_loop3A_1325, %parallel_loop3A_1326] {strides = array<i32>} : memref<80x128xf32, #tpu.memory_space<vmem>>, vector<1x16xf32>,
        %parallel_loop3A_1328 = vector.shape_cast %parallel_loop3A_1327 : vector<1x16xf32> to vector<16xf32>
        %parallel_loop3A_1329 = vector.shape_cast %parallel_loop3A_1324 : vector<16xf32> to vector<1x16xf32>
        tpu.vector_store %arg20[%parallel_loop3A_1325, %parallel_loop3A_1326], %parallel_loop3A_1329 {strides = array<i32>} : memref<80x128xf32, #tpu.memory_space<vmem>>, vector<1x16xf32>,
        %parallel_loop3A_1330 = arith.index_cast %parallel_loop3A_1211 : i32 to index
        %parallel_loop3A_1331 = arith.constant 112 : index
        %parallel_loop3A_1332 = tpu.vector_load %arg20[%parallel_loop3A_1330, %parallel_loop3A_1331] {strides = array<i32>} : memref<80x128xf32, #tpu.memory_space<vmem>>, vector<1x16xf32>,
        %parallel_loop3A_1333 = vector.shape_cast %parallel_loop3A_1332 : vector<1x16xf32> to vector<16xf32>
        %parallel_loop3A_1334 = arith.mulf %parallel_loop3A_1333, %parallel_loop3A_1259 : vector<16xf32>
        %parallel_loop3A_1335 = arith.index_cast %parallel_loop3A_1211 : i32 to index
        %parallel_loop3A_1336 = arith.constant 112 : index
        %parallel_loop3A_1337 = tpu.vector_load %arg20[%parallel_loop3A_1335, %parallel_loop3A_1336] {strides = array<i32>} : memref<80x128xf32, #tpu.memory_space<vmem>>, vector<1x16xf32>,
        %parallel_loop3A_1338 = vector.shape_cast %parallel_loop3A_1337 : vector<1x16xf32> to vector<16xf32>
        %parallel_loop3A_1339 = vector.shape_cast %parallel_loop3A_1334 : vector<16xf32> to vector<1x16xf32>
        tpu.vector_store %arg20[%parallel_loop3A_1335, %parallel_loop3A_1336], %parallel_loop3A_1339 {strides = array<i32>} : memref<80x128xf32, #tpu.memory_space<vmem>>, vector<1x16xf32>,
      } {sc.loop_unroll_factor = 4 : i64, sc.parallel_access}
      %dma_start3A_1126 = arith.constant 0 : i32
      %dma_start3A_1127 = arith.constant 0 : i32
      %dma_start3A_1128 = tpu.memref_slice %arg23[%dma_start3A_1126, %dma_start3A_1127] : memref<10112x128xf32, #tpu.memory_space<vmem_shared>> -> memref<10112x128xf32, #tpu.memory_space<vmem_shared>>
      tpu.enqueue_indirect_dma source(%arg20 : memref<80x128xf32, #tpu.memory_space<vmem>>) target(%dma_start3A_1128 : memref<10112x128xf32, #tpu.memory_space<vmem_shared>>) offsets(%arg14 : memref<80xi32, #tpu.memory_space<vmem>>) semaphore(%arg28 : memref<!tpu.dma_semaphore, #tpu.memory_space<semaphore_mem>>) {add = true}
      %dma_wait3A_1129 = arith.constant 0 : i32
      %dma_wait3A_1130 = arith.constant 0 : i32
      %dma_wait3A_1131 = tpu.memref_slice %arg23[%dma_wait3A_1129, %dma_wait3A_1130] : memref<10112x128xf32, #tpu.memory_space<vmem_shared>> -> memref<10112x128xf32, #tpu.memory_space<vmem_shared>>
      tpu.wait_indirect_dma semaphore(%arg27 : memref<!tpu.dma_semaphore, #tpu.memory_space<semaphore_mem>>) src(%arg19 : memref<80x128xf32, #tpu.memory_space<vmem>>) dst(%dma_wait3A_1131 : memref<10112x128xf32, #tpu.memory_space<vmem_shared>>)
      %eq3A_1132 = arith.constant 31 : i32
      %eq3A_1133 = arith.cmpi eq, %add3A_1109, %eq3A_1132 : i32
      %convert_element_type3A_1134 = arith.extui %eq3A_1133 : i1 to i32
      %cond3A_1135 = arith.constant 0 : i32
      %cond3A_1136 = arith.cmpi ne, %convert_element_type3A_1134, %cond3A_1135 : i32
      scf.if %cond3A_1136 {
        %dma_wait3A_1211 = tpu.memref_slice %arg3[%mul3A_517] : memref<337920xi32, #tpu.memory_space<hbm>> -> memref<2640xi32, #tpu.memory_space<hbm>>
        %dma_wait3A_1212 = tpu.memref_slice %arg3[%mul3A_517] : memref<337920xi32, #tpu.memory_space<hbm>> -> memref<2640xi32, #tpu.memory_space<hbm>>
        tpu.wait_dma2 semaphore(%arg30 : memref<!tpu.dma_semaphore, #tpu.memory_space<semaphore_mem>>) src(%dma_wait3A_1212 : memref<2640xi32, #tpu.memory_space<hbm>>) dst(%arg7 : memref<2640xi32, #tpu.memory_space<vmem>>)
        %dma_wait3A_1213 = tpu.memref_slice %arg4[%mul3A_517] : memref<337920xi32, #tpu.memory_space<hbm>> -> memref<2640xi32, #tpu.memory_space<hbm>>
        %dma_wait3A_1214 = tpu.memref_slice %arg4[%mul3A_517] : memref<337920xi32, #tpu.memory_space<hbm>> -> memref<2640xi32, #tpu.memory_space<hbm>>
        tpu.wait_dma2 semaphore(%arg30 : memref<!tpu.dma_semaphore, #tpu.memory_space<semaphore_mem>>) src(%dma_wait3A_1214 : memref<2640xi32, #tpu.memory_space<hbm>>) dst(%arg9 : memref<2640xi32, #tpu.memory_space<vmem>>)
        %dma_wait3A_1215 = tpu.memref_slice %arg5[%mul3A_517] : memref<337920xf32, #tpu.memory_space<hbm>> -> memref<2640xf32, #tpu.memory_space<hbm>>
        %dma_wait3A_1216 = tpu.memref_slice %arg5[%mul3A_517] : memref<337920xf32, #tpu.memory_space<hbm>> -> memref<2640xf32, #tpu.memory_space<hbm>>
        tpu.wait_dma2 semaphore(%arg30 : memref<!tpu.dma_semaphore, #tpu.memory_space<semaphore_mem>>) src(%dma_wait3A_1216 : memref<2640xf32, #tpu.memory_space<hbm>>) dst(%arg11 : memref<2640xf32, #tpu.memory_space<vmem>>)
      } else {
      }
      %add3A_1137 = arith.constant 2 : i32
      %add3A_1138 = arith.addi %add3A_1109, %add3A_1137 : i32
      %ge3A_1139 = arith.constant 33 : i32
      %ge3A_1140 = arith.cmpi sge, %add3A_1138, %ge3A_1139 : i32
      %sub3A_1141 = arith.constant 1 : i32
      %sub3A_1142 = arith.subi %sub3A_1141, %scan3A_1059 : i32
      %select_n3A_1143 = arith.select %ge3A_1140, %sub3A_1142, %scan3A_1059 : i32
      %sub3A_1144 = arith.constant 33 : i32
      %sub3A_1145 = arith.subi %add3A_1138, %sub3A_1144 : i32
      %select_n3A_1146 = arith.select %ge3A_1140, %sub3A_1145, %add3A_1138 : i32
      %eq3A_1147 = arith.constant 0 : i32
      %eq3A_1148 = arith.cmpi eq, %select_n3A_1143, %eq3A_1147 : i32
      %convert_element_type3A_1149 = arith.extui %eq3A_1148 : i1 to i32
      %cond3A_1150 = arith.constant 0 : i32
      %cond3A_1151 = arith.cmpi ne, %convert_element_type3A_1149, %cond3A_1150 : i32
      scf.if %cond3A_1151 {
        %mul3A_1211 = arith.constant 80 : i32
        %mul3A_1212 = arith.muli %select_n3A_1146, %mul3A_1211 : i32
        %dma_start3A_1213 = tpu.memref_slice %arg7[%mul3A_1212] : memref<2640xi32, #tpu.memory_space<vmem>> -> memref<80xi32, #tpu.memory_space<vmem>>
        %dma_start3A_1214 = arith.constant 0 : i32
        %dma_start3A_1215 = arith.constant 0 : i32
        %dma_start3A_1216 = tpu.memref_slice %arg2[%dma_start3A_1214, %dma_start3A_1215] : memref<10000x128xf32, #tpu.memory_space<hbm>> -> memref<10000x128xf32, #tpu.memory_space<hbm>>
        tpu.enqueue_indirect_dma source(%dma_start3A_1216 : memref<10000x128xf32, #tpu.memory_space<hbm>>) target(%arg19 : memref<80x128xf32, #tpu.memory_space<vmem>>) offsets(%dma_start3A_1213 : memref<80xi32, #tpu.memory_space<vmem>>) semaphore(%arg24 : memref<!tpu.dma_semaphore, #tpu.memory_space<semaphore_mem>>)
      } else {
      }
      %eq3A_1152 = arith.constant 1 : i32
      %eq3A_1153 = arith.cmpi eq, %select_n3A_1143, %eq3A_1152 : i32
      %convert_element_type3A_1154 = arith.extui %eq3A_1153 : i1 to i32
      %cond3A_1155 = arith.constant 0 : i32
      %cond3A_1156 = arith.cmpi ne, %convert_element_type3A_1154, %cond3A_1155 : i32
      scf.if %cond3A_1156 {
        %mul3A_1211 = arith.constant 80 : i32
        %mul3A_1212 = arith.muli %select_n3A_1146, %mul3A_1211 : i32
        %dma_start3A_1213 = tpu.memref_slice %arg8[%mul3A_1212] : memref<2640xi32, #tpu.memory_space<vmem>> -> memref<80xi32, #tpu.memory_space<vmem>>
        %dma_start3A_1214 = arith.constant 0 : i32
        %dma_start3A_1215 = arith.constant 0 : i32
        %dma_start3A_1216 = tpu.memref_slice %arg2[%dma_start3A_1214, %dma_start3A_1215] : memref<10000x128xf32, #tpu.memory_space<hbm>> -> memref<10000x128xf32, #tpu.memory_space<hbm>>
        tpu.enqueue_indirect_dma source(%dma_start3A_1216 : memref<10000x128xf32, #tpu.memory_space<hbm>>) target(%arg19 : memref<80x128xf32, #tpu.memory_space<vmem>>) offsets(%dma_start3A_1213 : memref<80xi32, #tpu.memory_space<vmem>>) semaphore(%arg24 : memref<!tpu.dma_semaphore, #tpu.memory_space<semaphore_mem>>)
      } else {
      }
      %add3A_1157 = arith.constant 2 : i32
      %add3A_1158 = arith.addi %add3A_1063, %add3A_1157 : i32
      %add3A_1159 = arith.constant 2 : i32
      %add3A_1160 = arith.addi %scan3A_1058, %add3A_1159 : i32
      %dma_wait3A_1161 = arith.constant 0 : i32
      %dma_wait3A_1162 = arith.constant 0 : i32
      %dma_wait3A_1163 = tpu.memref_slice %arg2[%dma_wait3A_1161, %dma_wait3A_1162] : memref<10000x128xf32, #tpu.memory_space<hbm>> -> memref<10000x128xf32, #tpu.memory_space<hbm>>
      tpu.wait_indirect_dma semaphore(%arg26 : memref<!tpu.dma_semaphore, #tpu.memory_space<semaphore_mem>>) src(%dma_wait3A_1163 : memref<10000x128xf32, #tpu.memory_space<hbm>>) dst(%arg21 : memref<80x128xf32, #tpu.memory_space<vmem>>)
      %eq3A_1164 = arith.constant 0 : i32
      %eq3A_1165 = arith.cmpi eq, %scan3A_1059, %eq3A_1164 : i32
      %convert_element_type3A_1166 = arith.extui %eq3A_1165 : i1 to i32
      %cond3A_1167 = arith.constant 0 : i32
      %cond3A_1168 = arith.cmpi ne, %convert_element_type3A_1166, %cond3A_1167 : i32
      scf.if %cond3A_1168 {
        %mul3A_1211 = arith.constant 80 : i32
        %mul3A_1212 = arith.muli %add3A_1160, %mul3A_1211 : i32
        %add3A_1213 = arith.constant 0 : i32
        %add3A_1214 = arith.addi %mul3A_1212, %add3A_1213 : i32
        %get3A_1215 = arith.index_cast %add3A_1214 : i32 to index
        %get3A_1216 = tpu.vector_load %arg9[%get3A_1215] {strides = array<i32>} : memref<2640xi32, #tpu.memory_space<vmem>>, vector<16xi32>,
        %get3A_1217 = vector.shape_cast %get3A_1216 : vector<16xi32> to vector<16xi32>
        %swap3A_1218 = arith.constant 0 : index
        %swap3A_1219 = tpu.vector_load %arg15[%swap3A_1218] {strides = array<i32>} : memref<80xi32, #tpu.memory_space<vmem>>, vector<16xi32>,
        %swap3A_1220 = vector.shape_cast %swap3A_1219 : vector<16xi32> to vector<16xi32>
        %swap3A_1221 = vector.shape_cast %get3A_1217 : vector<16xi32> to vector<16xi32>
        tpu.vector_store %arg15[%swap3A_1218], %swap3A_1221 {strides = array<i32>} : memref<80xi32, #tpu.memory_space<vmem>>, vector<16xi32>,
        %add3A_1222 = arith.constant 0 : i32
        %add3A_1223 = arith.addi %mul3A_1212, %add3A_1222 : i32
        %get3A_1224 = arith.index_cast %add3A_1223 : i32 to index
        %get3A_1225 = tpu.vector_load %arg11[%get3A_1224] {strides = array<i32>} : memref<2640xf32, #tpu.memory_space<vmem>>, vector<16xf32>,
        %get3A_1226 = vector.shape_cast %get3A_1225 : vector<16xf32> to vector<16xf32>
        %swap3A_1227 = arith.constant 0 : index
        %swap3A_1228 = tpu.vector_load %arg18[%swap3A_1227] {strides = array<i32>} : memref<80xf32, #tpu.memory_space<vmem>>, vector<16xf32>,
        %swap3A_1229 = vector.shape_cast %swap3A_1228 : vector<16xf32> to vector<16xf32>
        %swap3A_1230 = vector.shape_cast %get3A_1226 : vector<16xf32> to vector<16xf32>
        tpu.vector_store %arg18[%swap3A_1227], %swap3A_1230 {strides = array<i32>} : memref<80xf32, #tpu.memory_space<vmem>>, vector<16xf32>,
        %add3A_1231 = arith.constant 16 : i32
        %add3A_1232 = arith.addi %mul3A_1212, %add3A_1231 : i32
        %get3A_1233 = arith.index_cast %add3A_1232 : i32 to index
        %get3A_1234 = tpu.vector_load %arg9[%get3A_1233] {strides = array<i32>} : memref<2640xi32, #tpu.memory_space<vmem>>, vector<16xi32>,
        %get3A_1235 = vector.shape_cast %get3A_1234 : vector<16xi32> to vector<16xi32>
        %swap3A_1236 = arith.constant 16 : index
        %swap3A_1237 = tpu.vector_load %arg15[%swap3A_1236] {strides = array<i32>} : memref<80xi32, #tpu.memory_space<vmem>>, vector<16xi32>,
        %swap3A_1238 = vector.shape_cast %swap3A_1237 : vector<16xi32> to vector<16xi32>
        %swap3A_1239 = vector.shape_cast %get3A_1235 : vector<16xi32> to vector<16xi32>
        tpu.vector_store %arg15[%swap3A_1236], %swap3A_1239 {strides = array<i32>} : memref<80xi32, #tpu.memory_space<vmem>>, vector<16xi32>,
        %add3A_1240 = arith.constant 16 : i32
        %add3A_1241 = arith.addi %mul3A_1212, %add3A_1240 : i32
        %get3A_1242 = arith.index_cast %add3A_1241 : i32 to index
        %get3A_1243 = tpu.vector_load %arg11[%get3A_1242] {strides = array<i32>} : memref<2640xf32, #tpu.memory_space<vmem>>, vector<16xf32>,
        %get3A_1244 = vector.shape_cast %get3A_1243 : vector<16xf32> to vector<16xf32>
        %swap3A_1245 = arith.constant 16 : index
        %swap3A_1246 = tpu.vector_load %arg18[%swap3A_1245] {strides = array<i32>} : memref<80xf32, #tpu.memory_space<vmem>>, vector<16xf32>,
        %swap3A_1247 = vector.shape_cast %swap3A_1246 : vector<16xf32> to vector<16xf32>
        %swap3A_1248 = vector.shape_cast %get3A_1244 : vector<16xf32> to vector<16xf32>
        tpu.vector_store %arg18[%swap3A_1245], %swap3A_1248 {strides = array<i32>} : memref<80xf32, #tpu.memory_space<vmem>>, vector<16xf32>,
        %add3A_1249 = arith.constant 32 : i32
        %add3A_1250 = arith.addi %mul3A_1212, %add3A_1249 : i32
        %get3A_1251 = arith.index_cast %add3A_1250 : i32 to index
        %get3A_1252 = tpu.vector_load %arg9[%get3A_1251] {strides = array<i32>} : memref<2640xi32, #tpu.memory_space<vmem>>, vector<16xi32>,
        %get3A_1253 = vector.shape_cast %get3A_1252 : vector<16xi32> to vector<16xi32>
        %swap3A_1254 = arith.constant 32 : index
        %swap3A_1255 = tpu.vector_load %arg15[%swap3A_1254] {strides = array<i32>} : memref<80xi32, #tpu.memory_space<vmem>>, vector<16xi32>,
        %swap3A_1256 = vector.shape_cast %swap3A_1255 : vector<16xi32> to vector<16xi32>
        %swap3A_1257 = vector.shape_cast %get3A_1253 : vector<16xi32> to vector<16xi32>
        tpu.vector_store %arg15[%swap3A_1254], %swap3A_1257 {strides = array<i32>} : memref<80xi32, #tpu.memory_space<vmem>>, vector<16xi32>,
        %add3A_1258 = arith.constant 32 : i32
        %add3A_1259 = arith.addi %mul3A_1212, %add3A_1258 : i32
        %get3A_1260 = arith.index_cast %add3A_1259 : i32 to index
        %get3A_1261 = tpu.vector_load %arg11[%get3A_1260] {strides = array<i32>} : memref<2640xf32, #tpu.memory_space<vmem>>, vector<16xf32>,
        %get3A_1262 = vector.shape_cast %get3A_1261 : vector<16xf32> to vector<16xf32>
        %swap3A_1263 = arith.constant 32 : index
        %swap3A_1264 = tpu.vector_load %arg18[%swap3A_1263] {strides = array<i32>} : memref<80xf32, #tpu.memory_space<vmem>>, vector<16xf32>,
        %swap3A_1265 = vector.shape_cast %swap3A_1264 : vector<16xf32> to vector<16xf32>
        %swap3A_1266 = vector.shape_cast %get3A_1262 : vector<16xf32> to vector<16xf32>
        tpu.vector_store %arg18[%swap3A_1263], %swap3A_1266 {strides = array<i32>} : memref<80xf32, #tpu.memory_space<vmem>>, vector<16xf32>,
        %add3A_1267 = arith.constant 48 : i32
        %add3A_1268 = arith.addi %mul3A_1212, %add3A_1267 : i32
        %get3A_1269 = arith.index_cast %add3A_1268 : i32 to index
        %get3A_1270 = tpu.vector_load %arg9[%get3A_1269] {strides = array<i32>} : memref<2640xi32, #tpu.memory_space<vmem>>, vector<16xi32>,
        %get3A_1271 = vector.shape_cast %get3A_1270 : vector<16xi32> to vector<16xi32>
        %swap3A_1272 = arith.constant 48 : index
        %swap3A_1273 = tpu.vector_load %arg15[%swap3A_1272] {strides = array<i32>} : memref<80xi32, #tpu.memory_space<vmem>>, vector<16xi32>,
        %swap3A_1274 = vector.shape_cast %swap3A_1273 : vector<16xi32> to vector<16xi32>
        %swap3A_1275 = vector.shape_cast %get3A_1271 : vector<16xi32> to vector<16xi32>
        tpu.vector_store %arg15[%swap3A_1272], %swap3A_1275 {strides = array<i32>} : memref<80xi32, #tpu.memory_space<vmem>>, vector<16xi32>,
        %add3A_1276 = arith.constant 48 : i32
        %add3A_1277 = arith.addi %mul3A_1212, %add3A_1276 : i32
        %get3A_1278 = arith.index_cast %add3A_1277 : i32 to index
        %get3A_1279 = tpu.vector_load %arg11[%get3A_1278] {strides = array<i32>} : memref<2640xf32, #tpu.memory_space<vmem>>, vector<16xf32>,
        %get3A_1280 = vector.shape_cast %get3A_1279 : vector<16xf32> to vector<16xf32>
        %swap3A_1281 = arith.constant 48 : index
        %swap3A_1282 = tpu.vector_load %arg18[%swap3A_1281] {strides = array<i32>} : memref<80xf32, #tpu.memory_space<vmem>>, vector<16xf32>,
        %swap3A_1283 = vector.shape_cast %swap3A_1282 : vector<16xf32> to vector<16xf32>
        %swap3A_1284 = vector.shape_cast %get3A_1280 : vector<16xf32> to vector<16xf32>
        tpu.vector_store %arg18[%swap3A_1281], %swap3A_1284 {strides = array<i32>} : memref<80xf32, #tpu.memory_space<vmem>>, vector<16xf32>,
        %add3A_1285 = arith.constant 64 : i32
        %add3A_1286 = arith.addi %mul3A_1212, %add3A_1285 : i32
        %get3A_1287 = arith.index_cast %add3A_1286 : i32 to index
        %get3A_1288 = tpu.vector_load %arg9[%get3A_1287] {strides = array<i32>} : memref<2640xi32, #tpu.memory_space<vmem>>, vector<16xi32>,
        %get3A_1289 = vector.shape_cast %get3A_1288 : vector<16xi32> to vector<16xi32>
        %swap3A_1290 = arith.constant 64 : index
        %swap3A_1291 = tpu.vector_load %arg15[%swap3A_1290] {strides = array<i32>} : memref<80xi32, #tpu.memory_space<vmem>>, vector<16xi32>,
        %swap3A_1292 = vector.shape_cast %swap3A_1291 : vector<16xi32> to vector<16xi32>
        %swap3A_1293 = vector.shape_cast %get3A_1289 : vector<16xi32> to vector<16xi32>
        tpu.vector_store %arg15[%swap3A_1290], %swap3A_1293 {strides = array<i32>} : memref<80xi32, #tpu.memory_space<vmem>>, vector<16xi32>,
        %add3A_1294 = arith.constant 64 : i32
        %add3A_1295 = arith.addi %mul3A_1212, %add3A_1294 : i32
        %get3A_1296 = arith.index_cast %add3A_1295 : i32 to index
        %get3A_1297 = tpu.vector_load %arg11[%get3A_1296] {strides = array<i32>} : memref<2640xf32, #tpu.memory_space<vmem>>, vector<16xf32>,
        %get3A_1298 = vector.shape_cast %get3A_1297 : vector<16xf32> to vector<16xf32>
        %swap3A_1299 = arith.constant 64 : index
        %swap3A_1300 = tpu.vector_load %arg18[%swap3A_1299] {strides = array<i32>} : memref<80xf32, #tpu.memory_space<vmem>>, vector<16xf32>,
        %swap3A_1301 = vector.shape_cast %swap3A_1300 : vector<16xf32> to vector<16xf32>
        %swap3A_1302 = vector.shape_cast %get3A_1298 : vector<16xf32> to vector<16xf32>
        tpu.vector_store %arg18[%swap3A_1299], %swap3A_1302 {strides = array<i32>} : memref<80xf32, #tpu.memory_space<vmem>>, vector<16xf32>,
      } else {
      }
      %eq3A_1169 = arith.constant 1 : i32
      %eq3A_1170 = arith.cmpi eq, %scan3A_1059, %eq3A_1169 : i32
      %convert_element_type3A_1171 = arith.extui %eq3A_1170 : i1 to i32
      %cond3A_1172 = arith.constant 0 : i32
      %cond3A_1173 = arith.cmpi ne, %convert_element_type3A_1171, %cond3A_1172 : i32
      scf.if %cond3A_1173 {
        %mul3A_1211 = arith.constant 80 : i32
        %mul3A_1212 = arith.muli %add3A_1160, %mul3A_1211 : i32
        %add3A_1213 = arith.constant 0 : i32
        %add3A_1214 = arith.addi %mul3A_1212, %add3A_1213 : i32
        %get3A_1215 = arith.index_cast %add3A_1214 : i32 to index
        %get3A_1216 = tpu.vector_load %arg10[%get3A_1215] {strides = array<i32>} : memref<2640xi32, #tpu.memory_space<vmem>>, vector<16xi32>,
        %get3A_1217 = vector.shape_cast %get3A_1216 : vector<16xi32> to vector<16xi32>
        %swap3A_1218 = arith.constant 0 : index
        %swap3A_1219 = tpu.vector_load %arg15[%swap3A_1218] {strides = array<i32>} : memref<80xi32, #tpu.memory_space<vmem>>, vector<16xi32>,
        %swap3A_1220 = vector.shape_cast %swap3A_1219 : vector<16xi32> to vector<16xi32>
        %swap3A_1221 = vector.shape_cast %get3A_1217 : vector<16xi32> to vector<16xi32>
        tpu.vector_store %arg15[%swap3A_1218], %swap3A_1221 {strides = array<i32>} : memref<80xi32, #tpu.memory_space<vmem>>, vector<16xi32>,
        %add3A_1222 = arith.constant 0 : i32
        %add3A_1223 = arith.addi %mul3A_1212, %add3A_1222 : i32
        %get3A_1224 = arith.index_cast %add3A_1223 : i32 to index
        %get3A_1225 = tpu.vector_load %arg12[%get3A_1224] {strides = array<i32>} : memref<2640xf32, #tpu.memory_space<vmem>>, vector<16xf32>,
        %get3A_1226 = vector.shape_cast %get3A_1225 : vector<16xf32> to vector<16xf32>
        %swap3A_1227 = arith.constant 0 : index
        %swap3A_1228 = tpu.vector_load %arg18[%swap3A_1227] {strides = array<i32>} : memref<80xf32, #tpu.memory_space<vmem>>, vector<16xf32>,
        %swap3A_1229 = vector.shape_cast %swap3A_1228 : vector<16xf32> to vector<16xf32>
        %swap3A_1230 = vector.shape_cast %get3A_1226 : vector<16xf32> to vector<16xf32>
        tpu.vector_store %arg18[%swap3A_1227], %swap3A_1230 {strides = array<i32>} : memref<80xf32, #tpu.memory_space<vmem>>, vector<16xf32>,
        %add3A_1231 = arith.constant 16 : i32
        %add3A_1232 = arith.addi %mul3A_1212, %add3A_1231 : i32
        %get3A_1233 = arith.index_cast %add3A_1232 : i32 to index
        %get3A_1234 = tpu.vector_load %arg10[%get3A_1233] {strides = array<i32>} : memref<2640xi32, #tpu.memory_space<vmem>>, vector<16xi32>,
        %get3A_1235 = vector.shape_cast %get3A_1234 : vector<16xi32> to vector<16xi32>
        %swap3A_1236 = arith.constant 16 : index
        %swap3A_1237 = tpu.vector_load %arg15[%swap3A_1236] {strides = array<i32>} : memref<80xi32, #tpu.memory_space<vmem>>, vector<16xi32>,
        %swap3A_1238 = vector.shape_cast %swap3A_1237 : vector<16xi32> to vector<16xi32>
        %swap3A_1239 = vector.shape_cast %get3A_1235 : vector<16xi32> to vector<16xi32>
        tpu.vector_store %arg15[%swap3A_1236], %swap3A_1239 {strides = array<i32>} : memref<80xi32, #tpu.memory_space<vmem>>, vector<16xi32>,
        %add3A_1240 = arith.constant 16 : i32
        %add3A_1241 = arith.addi %mul3A_1212, %add3A_1240 : i32
        %get3A_1242 = arith.index_cast %add3A_1241 : i32 to index
        %get3A_1243 = tpu.vector_load %arg12[%get3A_1242] {strides = array<i32>} : memref<2640xf32, #tpu.memory_space<vmem>>, vector<16xf32>,
        %get3A_1244 = vector.shape_cast %get3A_1243 : vector<16xf32> to vector<16xf32>
        %swap3A_1245 = arith.constant 16 : index
        %swap3A_1246 = tpu.vector_load %arg18[%swap3A_1245] {strides = array<i32>} : memref<80xf32, #tpu.memory_space<vmem>>, vector<16xf32>,
        %swap3A_1247 = vector.shape_cast %swap3A_1246 : vector<16xf32> to vector<16xf32>
        %swap3A_1248 = vector.shape_cast %get3A_1244 : vector<16xf32> to vector<16xf32>
        tpu.vector_store %arg18[%swap3A_1245], %swap3A_1248 {strides = array<i32>} : memref<80xf32, #tpu.memory_space<vmem>>, vector<16xf32>,
        %add3A_1249 = arith.constant 32 : i32
        %add3A_1250 = arith.addi %mul3A_1212, %add3A_1249 : i32
        %get3A_1251 = arith.index_cast %add3A_1250 : i32 to index
        %get3A_1252 = tpu.vector_load %arg10[%get3A_1251] {strides = array<i32>} : memref<2640xi32, #tpu.memory_space<vmem>>, vector<16xi32>,
        %get3A_1253 = vector.shape_cast %get3A_1252 : vector<16xi32> to vector<16xi32>
        %swap3A_1254 = arith.constant 32 : index
        %swap3A_1255 = tpu.vector_load %arg15[%swap3A_1254] {strides = array<i32>} : memref<80xi32, #tpu.memory_space<vmem>>, vector<16xi32>,
        %swap3A_1256 = vector.shape_cast %swap3A_1255 : vector<16xi32> to vector<16xi32>
        %swap3A_1257 = vector.shape_cast %get3A_1253 : vector<16xi32> to vector<16xi32>
        tpu.vector_store %arg15[%swap3A_1254], %swap3A_1257 {strides = array<i32>} : memref<80xi32, #tpu.memory_space<vmem>>, vector<16xi32>,
        %add3A_1258 = arith.constant 32 : i32
        %add3A_1259 = arith.addi %mul3A_1212, %add3A_1258 : i32
        %get3A_1260 = arith.index_cast %add3A_1259 : i32 to index
        %get3A_1261 = tpu.vector_load %arg12[%get3A_1260] {strides = array<i32>} : memref<2640xf32, #tpu.memory_space<vmem>>, vector<16xf32>,
        %get3A_1262 = vector.shape_cast %get3A_1261 : vector<16xf32> to vector<16xf32>
        %swap3A_1263 = arith.constant 32 : index
        %swap3A_1264 = tpu.vector_load %arg18[%swap3A_1263] {strides = array<i32>} : memref<80xf32, #tpu.memory_space<vmem>>, vector<16xf32>,
        %swap3A_1265 = vector.shape_cast %swap3A_1264 : vector<16xf32> to vector<16xf32>
        %swap3A_1266 = vector.shape_cast %get3A_1262 : vector<16xf32> to vector<16xf32>
        tpu.vector_store %arg18[%swap3A_1263], %swap3A_1266 {strides = array<i32>} : memref<80xf32, #tpu.memory_space<vmem>>, vector<16xf32>,
        %add3A_1267 = arith.constant 48 : i32
        %add3A_1268 = arith.addi %mul3A_1212, %add3A_1267 : i32
        %get3A_1269 = arith.index_cast %add3A_1268 : i32 to index
        %get3A_1270 = tpu.vector_load %arg10[%get3A_1269] {strides = array<i32>} : memref<2640xi32, #tpu.memory_space<vmem>>, vector<16xi32>,
        %get3A_1271 = vector.shape_cast %get3A_1270 : vector<16xi32> to vector<16xi32>
        %swap3A_1272 = arith.constant 48 : index
        %swap3A_1273 = tpu.vector_load %arg15[%swap3A_1272] {strides = array<i32>} : memref<80xi32, #tpu.memory_space<vmem>>, vector<16xi32>,
        %swap3A_1274 = vector.shape_cast %swap3A_1273 : vector<16xi32> to vector<16xi32>
        %swap3A_1275 = vector.shape_cast %get3A_1271 : vector<16xi32> to vector<16xi32>
        tpu.vector_store %arg15[%swap3A_1272], %swap3A_1275 {strides = array<i32>} : memref<80xi32, #tpu.memory_space<vmem>>, vector<16xi32>,
        %add3A_1276 = arith.constant 48 : i32
        %add3A_1277 = arith.addi %mul3A_1212, %add3A_1276 : i32
        %get3A_1278 = arith.index_cast %add3A_1277 : i32 to index
        %get3A_1279 = tpu.vector_load %arg12[%get3A_1278] {strides = array<i32>} : memref<2640xf32, #tpu.memory_space<vmem>>, vector<16xf32>,
        %get3A_1280 = vector.shape_cast %get3A_1279 : vector<16xf32> to vector<16xf32>
        %swap3A_1281 = arith.constant 48 : index
        %swap3A_1282 = tpu.vector_load %arg18[%swap3A_1281] {strides = array<i32>} : memref<80xf32, #tpu.memory_space<vmem>>, vector<16xf32>,
        %swap3A_1283 = vector.shape_cast %swap3A_1282 : vector<16xf32> to vector<16xf32>
        %swap3A_1284 = vector.shape_cast %get3A_1280 : vector<16xf32> to vector<16xf32>
        tpu.vector_store %arg18[%swap3A_1281], %swap3A_1284 {strides = array<i32>} : memref<80xf32, #tpu.memory_space<vmem>>, vector<16xf32>,
        %add3A_1285 = arith.constant 64 : i32
        %add3A_1286 = arith.addi %mul3A_1212, %add3A_1285 : i32
        %get3A_1287 = arith.index_cast %add3A_1286 : i32 to index
        %get3A_1288 = tpu.vector_load %arg10[%get3A_1287] {strides = array<i32>} : memref<2640xi32, #tpu.memory_space<vmem>>, vector<16xi32>,
        %get3A_1289 = vector.shape_cast %get3A_1288 : vector<16xi32> to vector<16xi32>
        %swap3A_1290 = arith.constant 64 : index
        %swap3A_1291 = tpu.vector_load %arg15[%swap3A_1290] {strides = array<i32>} : memref<80xi32, #tpu.memory_space<vmem>>, vector<16xi32>,
        %swap3A_1292 = vector.shape_cast %swap3A_1291 : vector<16xi32> to vector<16xi32>
        %swap3A_1293 = vector.shape_cast %get3A_1289 : vector<16xi32> to vector<16xi32>
        tpu.vector_store %arg15[%swap3A_1290], %swap3A_1293 {strides = array<i32>} : memref<80xi32, #tpu.memory_space<vmem>>, vector<16xi32>,
        %add3A_1294 = arith.constant 64 : i32
        %add3A_1295 = arith.addi %mul3A_1212, %add3A_1294 : i32
        %get3A_1296 = arith.index_cast %add3A_1295 : i32 to index
        %get3A_1297 = tpu.vector_load %arg12[%get3A_1296] {strides = array<i32>} : memref<2640xf32, #tpu.memory_space<vmem>>, vector<16xf32>,
        %get3A_1298 = vector.shape_cast %get3A_1297 : vector<16xf32> to vector<16xf32>
        %swap3A_1299 = arith.constant 64 : index
        %swap3A_1300 = tpu.vector_load %arg18[%swap3A_1299] {strides = array<i32>} : memref<80xf32, #tpu.memory_space<vmem>>, vector<16xf32>,
        %swap3A_1301 = vector.shape_cast %swap3A_1300 : vector<16xf32> to vector<16xf32>
        %swap3A_1302 = vector.shape_cast %get3A_1298 : vector<16xf32> to vector<16xf32>
        tpu.vector_store %arg18[%swap3A_1299], %swap3A_1302 {strides = array<i32>} : memref<80xf32, #tpu.memory_space<vmem>>, vector<16xf32>,
      } else {
      }
      %parallel_loop3A_1174 = arith.constant 0 : i32
      %parallel_loop3A_1175 = arith.constant 80 : i32
      %parallel_loop3A_1176 = arith.constant 1 : i32
      scf.for %parallel_loop3A_1211 = %parallel_loop3A_1174 to %parallel_loop3A_1175 step %parallel_loop3A_1176  : i32 {
        %parallel_loop3A_1212 = arith.constant 16 : i32
        %parallel_loop3A_1213 = arith.divsi %parallel_loop3A_1211, %parallel_loop3A_1212 : i32
        %parallel_loop3A_1214 = arith.constant 0 : i32
        %parallel_loop3A_1215 = arith.cmpi sgt, %parallel_loop3A_1211, %parallel_loop3A_1214 : i32
        %parallel_loop3A_1216 = arith.extui %parallel_loop3A_1215 : i1 to i32
        %parallel_loop3A_1217 = arith.constant 0 : i32
        %parallel_loop3A_1218 = arith.cmpi slt, %parallel_loop3A_1211, %parallel_loop3A_1217 : i32
        %parallel_loop3A_1219 = arith.extui %parallel_loop3A_1218 : i1 to i32
        %parallel_loop3A_1220 = arith.subi %parallel_loop3A_1216, %parallel_loop3A_1219 : i32
        %parallel_loop3A_1221 = arith.constant 0 : i32
        %parallel_loop3A_1222 = arith.cmpi sgt, %parallel_loop3A_1212, %parallel_loop3A_1221 : i32
        %parallel_loop3A_1223 = arith.extui %parallel_loop3A_1222 : i1 to i32
        %parallel_loop3A_1224 = arith.constant 0 : i32
        %parallel_loop3A_1225 = arith.cmpi slt, %parallel_loop3A_1212, %parallel_loop3A_1224 : i32
        %parallel_loop3A_1226 = arith.extui %parallel_loop3A_1225 : i1 to i32
        %parallel_loop3A_1227 = arith.subi %parallel_loop3A_1223, %parallel_loop3A_1226 : i32
        %parallel_loop3A_1228 = arith.cmpi ne, %parallel_loop3A_1220, %parallel_loop3A_1227 : i32
        %parallel_loop3A_1229 = arith.remsi %parallel_loop3A_1211, %parallel_loop3A_1212 : i32
        %parallel_loop3A_1230 = arith.constant 0 : i32
        %parallel_loop3A_1231 = arith.cmpi ne, %parallel_loop3A_1229, %parallel_loop3A_1230 : i32
        %parallel_loop3A_1232 = arith.andi %parallel_loop3A_1228, %parallel_loop3A_1231 : i1
        %parallel_loop3A_1233 = arith.constant 1 : i32
        %parallel_loop3A_1234 = arith.subi %parallel_loop3A_1213, %parallel_loop3A_1233 : i32
        %parallel_loop3A_1235 = arith.select %parallel_loop3A_1232, %parallel_loop3A_1234, %parallel_loop3A_1213 : i32
        %parallel_loop3A_1236 = arith.constant 16 : i32
        %parallel_loop3A_1237 = arith.muli %parallel_loop3A_1235, %parallel_loop3A_1236 : i32
        %parallel_loop3A_1238 = arith.index_cast %parallel_loop3A_1237 : i32 to index
        %parallel_loop3A_1239 = tpu.vector_load %arg18[%parallel_loop3A_1238] {strides = array<i32>} : memref<80xf32, #tpu.memory_space<vmem>>, vector<16xf32>,
        %parallel_loop3A_1240 = vector.shape_cast %parallel_loop3A_1239 : vector<16xf32> to vector<16xf32>
        %parallel_loop3A_1241 = arith.constant 16 : i32
        %parallel_loop3A_1242 = arith.constant 0 : i32
        %parallel_loop3A_1243 = arith.cmpi eq, %parallel_loop3A_1241, %parallel_loop3A_1242 : i32
        %parallel_loop3A_1244 = arith.constant 1 : i32
        %parallel_loop3A_1245 = arith.select %parallel_loop3A_1243, %parallel_loop3A_1244, %parallel_loop3A_1241 : i32
        %parallel_loop3A_1246 = arith.remsi %parallel_loop3A_1211, %parallel_loop3A_1245 : i32
        %parallel_loop3A_1247 = arith.constant 0 : i32
        %parallel_loop3A_1248 = arith.cmpi ne, %parallel_loop3A_1246, %parallel_loop3A_1247 : i32
        %parallel_loop3A_1249 = arith.constant 0 : i32
        %parallel_loop3A_1250 = arith.cmpi slt, %parallel_loop3A_1246, %parallel_loop3A_1249 : i32
        %parallel_loop3A_1251 = arith.constant 0 : i32
        %parallel_loop3A_1252 = arith.cmpi slt, %parallel_loop3A_1245, %parallel_loop3A_1251 : i32
        %parallel_loop3A_1253 = arith.xori %parallel_loop3A_1250, %parallel_loop3A_1252 : i1
        %parallel_loop3A_1254 = arith.andi %parallel_loop3A_1253, %parallel_loop3A_1248 : i1
        %parallel_loop3A_1255 = arith.addi %parallel_loop3A_1246, %parallel_loop3A_1245 : i32
        %parallel_loop3A_1256 = arith.select %parallel_loop3A_1254, %parallel_loop3A_1255, %parallel_loop3A_1246 : i32
        %parallel_loop3A_1257 = vector.broadcast %parallel_loop3A_1256 : i32 to vector<16x1xi32>
        %parallel_loop3A_1258 = vector.shape_cast %parallel_loop3A_1257 : vector<16x1xi32> to vector<16xi32>
        %parallel_loop3A_1259 = tpu.dynamic_gather %parallel_loop3A_1240[%parallel_loop3A_1258] in [0] : vector<16xf32>, vector<16xi32> -> vector<16xf32>
        %parallel_loop3A_1260 = arith.index_cast %parallel_loop3A_1211 : i32 to index
        %parallel_loop3A_1261 = arith.constant 0 : index
        %parallel_loop3A_1262 = tpu.vector_load %arg21[%parallel_loop3A_1260, %parallel_loop3A_1261] {strides = array<i32>} : memref<80x128xf32, #tpu.memory_space<vmem>>, vector<1x16xf32>,
        %parallel_loop3A_1263 = vector.shape_cast %parallel_loop3A_1262 : vector<1x16xf32> to vector<16xf32>
        %parallel_loop3A_1264 = arith.mulf %parallel_loop3A_1263, %parallel_loop3A_1259 : vector<16xf32>
        %parallel_loop3A_1265 = arith.index_cast %parallel_loop3A_1211 : i32 to index
        %parallel_loop3A_1266 = arith.constant 0 : index
        %parallel_loop3A_1267 = tpu.vector_load %arg21[%parallel_loop3A_1265, %parallel_loop3A_1266] {strides = array<i32>} : memref<80x128xf32, #tpu.memory_space<vmem>>, vector<1x16xf32>,
        %parallel_loop3A_1268 = vector.shape_cast %parallel_loop3A_1267 : vector<1x16xf32> to vector<16xf32>
        %parallel_loop3A_1269 = vector.shape_cast %parallel_loop3A_1264 : vector<16xf32> to vector<1x16xf32>
        tpu.vector_store %arg21[%parallel_loop3A_1265, %parallel_loop3A_1266], %parallel_loop3A_1269 {strides = array<i32>} : memref<80x128xf32, #tpu.memory_space<vmem>>, vector<1x16xf32>,
        %parallel_loop3A_1270 = arith.index_cast %parallel_loop3A_1211 : i32 to index
        %parallel_loop3A_1271 = arith.constant 16 : index
        %parallel_loop3A_1272 = tpu.vector_load %arg21[%parallel_loop3A_1270, %parallel_loop3A_1271] {strides = array<i32>} : memref<80x128xf32, #tpu.memory_space<vmem>>, vector<1x16xf32>,
        %parallel_loop3A_1273 = vector.shape_cast %parallel_loop3A_1272 : vector<1x16xf32> to vector<16xf32>
        %parallel_loop3A_1274 = arith.mulf %parallel_loop3A_1273, %parallel_loop3A_1259 : vector<16xf32>
        %parallel_loop3A_1275 = arith.index_cast %parallel_loop3A_1211 : i32 to index
        %parallel_loop3A_1276 = arith.constant 16 : index
        %parallel_loop3A_1277 = tpu.vector_load %arg21[%parallel_loop3A_1275, %parallel_loop3A_1276] {strides = array<i32>} : memref<80x128xf32, #tpu.memory_space<vmem>>, vector<1x16xf32>,
        %parallel_loop3A_1278 = vector.shape_cast %parallel_loop3A_1277 : vector<1x16xf32> to vector<16xf32>
        %parallel_loop3A_1279 = vector.shape_cast %parallel_loop3A_1274 : vector<16xf32> to vector<1x16xf32>
        tpu.vector_store %arg21[%parallel_loop3A_1275, %parallel_loop3A_1276], %parallel_loop3A_1279 {strides = array<i32>} : memref<80x128xf32, #tpu.memory_space<vmem>>, vector<1x16xf32>,
        %parallel_loop3A_1280 = arith.index_cast %parallel_loop3A_1211 : i32 to index
        %parallel_loop3A_1281 = arith.constant 32 : index
        %parallel_loop3A_1282 = tpu.vector_load %arg21[%parallel_loop3A_1280, %parallel_loop3A_1281] {strides = array<i32>} : memref<80x128xf32, #tpu.memory_space<vmem>>, vector<1x16xf32>,
        %parallel_loop3A_1283 = vector.shape_cast %parallel_loop3A_1282 : vector<1x16xf32> to vector<16xf32>
        %parallel_loop3A_1284 = arith.mulf %parallel_loop3A_1283, %parallel_loop3A_1259 : vector<16xf32>
        %parallel_loop3A_1285 = arith.index_cast %parallel_loop3A_1211 : i32 to index
        %parallel_loop3A_1286 = arith.constant 32 : index
        %parallel_loop3A_1287 = tpu.vector_load %arg21[%parallel_loop3A_1285, %parallel_loop3A_1286] {strides = array<i32>} : memref<80x128xf32, #tpu.memory_space<vmem>>, vector<1x16xf32>,
        %parallel_loop3A_1288 = vector.shape_cast %parallel_loop3A_1287 : vector<1x16xf32> to vector<16xf32>
        %parallel_loop3A_1289 = vector.shape_cast %parallel_loop3A_1284 : vector<16xf32> to vector<1x16xf32>
        tpu.vector_store %arg21[%parallel_loop3A_1285, %parallel_loop3A_1286], %parallel_loop3A_1289 {strides = array<i32>} : memref<80x128xf32, #tpu.memory_space<vmem>>, vector<1x16xf32>,
        %parallel_loop3A_1290 = arith.index_cast %parallel_loop3A_1211 : i32 to index
        %parallel_loop3A_1291 = arith.constant 48 : index
        %parallel_loop3A_1292 = tpu.vector_load %arg21[%parallel_loop3A_1290, %parallel_loop3A_1291] {strides = array<i32>} : memref<80x128xf32, #tpu.memory_space<vmem>>, vector<1x16xf32>,
        %parallel_loop3A_1293 = vector.shape_cast %parallel_loop3A_1292 : vector<1x16xf32> to vector<16xf32>
        %parallel_loop3A_1294 = arith.mulf %parallel_loop3A_1293, %parallel_loop3A_1259 : vector<16xf32>
        %parallel_loop3A_1295 = arith.index_cast %parallel_loop3A_1211 : i32 to index
        %parallel_loop3A_1296 = arith.constant 48 : index
        %parallel_loop3A_1297 = tpu.vector_load %arg21[%parallel_loop3A_1295, %parallel_loop3A_1296] {strides = array<i32>} : memref<80x128xf32, #tpu.memory_space<vmem>>, vector<1x16xf32>,
        %parallel_loop3A_1298 = vector.shape_cast %parallel_loop3A_1297 : vector<1x16xf32> to vector<16xf32>
        %parallel_loop3A_1299 = vector.shape_cast %parallel_loop3A_1294 : vector<16xf32> to vector<1x16xf32>
        tpu.vector_store %arg21[%parallel_loop3A_1295, %parallel_loop3A_1296], %parallel_loop3A_1299 {strides = array<i32>} : memref<80x128xf32, #tpu.memory_space<vmem>>, vector<1x16xf32>,
        %parallel_loop3A_1300 = arith.index_cast %parallel_loop3A_1211 : i32 to index
        %parallel_loop3A_1301 = arith.constant 64 : index
        %parallel_loop3A_1302 = tpu.vector_load %arg21[%parallel_loop3A_1300, %parallel_loop3A_1301] {strides = array<i32>} : memref<80x128xf32, #tpu.memory_space<vmem>>, vector<1x16xf32>,
        %parallel_loop3A_1303 = vector.shape_cast %parallel_loop3A_1302 : vector<1x16xf32> to vector<16xf32>
        %parallel_loop3A_1304 = arith.mulf %parallel_loop3A_1303, %parallel_loop3A_1259 : vector<16xf32>
        %parallel_loop3A_1305 = arith.index_cast %parallel_loop3A_1211 : i32 to index
        %parallel_loop3A_1306 = arith.constant 64 : index
        %parallel_loop3A_1307 = tpu.vector_load %arg21[%parallel_loop3A_1305, %parallel_loop3A_1306] {strides = array<i32>} : memref<80x128xf32, #tpu.memory_space<vmem>>, vector<1x16xf32>,
        %parallel_loop3A_1308 = vector.shape_cast %parallel_loop3A_1307 : vector<1x16xf32> to vector<16xf32>
        %parallel_loop3A_1309 = vector.shape_cast %parallel_loop3A_1304 : vector<16xf32> to vector<1x16xf32>
        tpu.vector_store %arg21[%parallel_loop3A_1305, %parallel_loop3A_1306], %parallel_loop3A_1309 {strides = array<i32>} : memref<80x128xf32, #tpu.memory_space<vmem>>, vector<1x16xf32>,
        %parallel_loop3A_1310 = arith.index_cast %parallel_loop3A_1211 : i32 to index
        %parallel_loop3A_1311 = arith.constant 80 : index
        %parallel_loop3A_1312 = tpu.vector_load %arg21[%parallel_loop3A_1310, %parallel_loop3A_1311] {strides = array<i32>} : memref<80x128xf32, #tpu.memory_space<vmem>>, vector<1x16xf32>,
        %parallel_loop3A_1313 = vector.shape_cast %parallel_loop3A_1312 : vector<1x16xf32> to vector<16xf32>
        %parallel_loop3A_1314 = arith.mulf %parallel_loop3A_1313, %parallel_loop3A_1259 : vector<16xf32>
        %parallel_loop3A_1315 = arith.index_cast %parallel_loop3A_1211 : i32 to index
        %parallel_loop3A_1316 = arith.constant 80 : index
        %parallel_loop3A_1317 = tpu.vector_load %arg21[%parallel_loop3A_1315, %parallel_loop3A_1316] {strides = array<i32>} : memref<80x128xf32, #tpu.memory_space<vmem>>, vector<1x16xf32>,
        %parallel_loop3A_1318 = vector.shape_cast %parallel_loop3A_1317 : vector<1x16xf32> to vector<16xf32>
        %parallel_loop3A_1319 = vector.shape_cast %parallel_loop3A_1314 : vector<16xf32> to vector<1x16xf32>
        tpu.vector_store %arg21[%parallel_loop3A_1315, %parallel_loop3A_1316], %parallel_loop3A_1319 {strides = array<i32>} : memref<80x128xf32, #tpu.memory_space<vmem>>, vector<1x16xf32>,
        %parallel_loop3A_1320 = arith.index_cast %parallel_loop3A_1211 : i32 to index
        %parallel_loop3A_1321 = arith.constant 96 : index
        %parallel_loop3A_1322 = tpu.vector_load %arg21[%parallel_loop3A_1320, %parallel_loop3A_1321] {strides = array<i32>} : memref<80x128xf32, #tpu.memory_space<vmem>>, vector<1x16xf32>,
        %parallel_loop3A_1323 = vector.shape_cast %parallel_loop3A_1322 : vector<1x16xf32> to vector<16xf32>
        %parallel_loop3A_1324 = arith.mulf %parallel_loop3A_1323, %parallel_loop3A_1259 : vector<16xf32>
        %parallel_loop3A_1325 = arith.index_cast %parallel_loop3A_1211 : i32 to index
        %parallel_loop3A_1326 = arith.constant 96 : index
        %parallel_loop3A_1327 = tpu.vector_load %arg21[%parallel_loop3A_1325, %parallel_loop3A_1326] {strides = array<i32>} : memref<80x128xf32, #tpu.memory_space<vmem>>, vector<1x16xf32>,
        %parallel_loop3A_1328 = vector.shape_cast %parallel_loop3A_1327 : vector<1x16xf32> to vector<16xf32>
        %parallel_loop3A_1329 = vector.shape_cast %parallel_loop3A_1324 : vector<16xf32> to vector<1x16xf32>
        tpu.vector_store %arg21[%parallel_loop3A_1325, %parallel_loop3A_1326], %parallel_loop3A_1329 {strides = array<i32>} : memref<80x128xf32, #tpu.memory_space<vmem>>, vector<1x16xf32>,
        %parallel_loop3A_1330 = arith.index_cast %parallel_loop3A_1211 : i32 to index
        %parallel_loop3A_1331 = arith.constant 112 : index
        %parallel_loop3A_1332 = tpu.vector_load %arg21[%parallel_loop3A_1330, %parallel_loop3A_1331] {strides = array<i32>} : memref<80x128xf32, #tpu.memory_space<vmem>>, vector<1x16xf32>,
        %parallel_loop3A_1333 = vector.shape_cast %parallel_loop3A_1332 : vector<1x16xf32> to vector<16xf32>
        %parallel_loop3A_1334 = arith.mulf %parallel_loop3A_1333, %parallel_loop3A_1259 : vector<16xf32>
        %parallel_loop3A_1335 = arith.index_cast %parallel_loop3A_1211 : i32 to index
        %parallel_loop3A_1336 = arith.constant 112 : index
        %parallel_loop3A_1337 = tpu.vector_load %arg21[%parallel_loop3A_1335, %parallel_loop3A_1336] {strides = array<i32>} : memref<80x128xf32, #tpu.memory_space<vmem>>, vector<1x16xf32>,
        %parallel_loop3A_1338 = vector.shape_cast %parallel_loop3A_1337 : vector<1x16xf32> to vector<16xf32>
        %parallel_loop3A_1339 = vector.shape_cast %parallel_loop3A_1334 : vector<16xf32> to vector<1x16xf32>
        tpu.vector_store %arg21[%parallel_loop3A_1335, %parallel_loop3A_1336], %parallel_loop3A_1339 {strides = array<i32>} : memref<80x128xf32, #tpu.memory_space<vmem>>, vector<1x16xf32>,
      } {sc.loop_unroll_factor = 4 : i64, sc.parallel_access}
      %dma_start3A_1177 = arith.constant 0 : i32
      %dma_start3A_1178 = arith.constant 0 : i32
      %dma_start3A_1179 = tpu.memref_slice %arg23[%dma_start3A_1177, %dma_start3A_1178] : memref<10112x128xf32, #tpu.memory_space<vmem_shared>> -> memref<10112x128xf32, #tpu.memory_space<vmem_shared>>
      tpu.enqueue_indirect_dma source(%arg21 : memref<80x128xf32, #tpu.memory_space<vmem>>) target(%dma_start3A_1179 : memref<10112x128xf32, #tpu.memory_space<vmem_shared>>) offsets(%arg15 : memref<80xi32, #tpu.memory_space<vmem>>) semaphore(%arg29 : memref<!tpu.dma_semaphore, #tpu.memory_space<semaphore_mem>>) {add = true}
      %dma_wait3A_1180 = arith.constant 0 : i32
      %dma_wait3A_1181 = arith.constant 0 : i32
      %dma_wait3A_1182 = tpu.memref_slice %arg23[%dma_wait3A_1180, %dma_wait3A_1181] : memref<10112x128xf32, #tpu.memory_space<vmem_shared>> -> memref<10112x128xf32, #tpu.memory_space<vmem_shared>>
      tpu.wait_indirect_dma semaphore(%arg28 : memref<!tpu.dma_semaphore, #tpu.memory_space<semaphore_mem>>) src(%arg20 : memref<80x128xf32, #tpu.memory_space<vmem>>) dst(%dma_wait3A_1182 : memref<10112x128xf32, #tpu.memory_space<vmem_shared>>)
      %add3A_1183 = arith.constant 2 : i32
      %add3A_1184 = arith.addi %add3A_1160, %add3A_1183 : i32
      %ge3A_1185 = arith.constant 33 : i32
      %ge3A_1186 = arith.cmpi sge, %add3A_1184, %ge3A_1185 : i32
      %sub3A_1187 = arith.constant 1 : i32
      %sub3A_1188 = arith.subi %sub3A_1187, %scan3A_1059 : i32
      %select_n3A_1189 = arith.select %ge3A_1186, %sub3A_1188, %scan3A_1059 : i32
      %sub3A_1190 = arith.constant 33 : i32
      %sub3A_1191 = arith.subi %add3A_1184, %sub3A_1190 : i32
      %select_n3A_1192 = arith.select %ge3A_1186, %sub3A_1191, %add3A_1184 : i32
      %eq3A_1193 = arith.constant 0 : i32
      %eq3A_1194 = arith.cmpi eq, %select_n3A_1189, %eq3A_1193 : i32
      %convert_element_type3A_1195 = arith.extui %eq3A_1194 : i1 to i32
      %cond3A_1196 = arith.constant 0 : i32
      %cond3A_1197 = arith.cmpi ne, %convert_element_type3A_1195, %cond3A_1196 : i32
      scf.if %cond3A_1197 {
        %mul3A_1211 = arith.constant 80 : i32
        %mul3A_1212 = arith.muli %select_n3A_1192, %mul3A_1211 : i32
        %dma_start3A_1213 = tpu.memref_slice %arg7[%mul3A_1212] : memref<2640xi32, #tpu.memory_space<vmem>> -> memref<80xi32, #tpu.memory_space<vmem>>
        %dma_start3A_1214 = arith.constant 0 : i32
        %dma_start3A_1215 = arith.constant 0 : i32
        %dma_start3A_1216 = tpu.memref_slice %arg2[%dma_start3A_1214, %dma_start3A_1215] : memref<10000x128xf32, #tpu.memory_space<hbm>> -> memref<10000x128xf32, #tpu.memory_space<hbm>>
        tpu.enqueue_indirect_dma source(%dma_start3A_1216 : memref<10000x128xf32, #tpu.memory_space<hbm>>) target(%arg20 : memref<80x128xf32, #tpu.memory_space<vmem>>) offsets(%dma_start3A_1213 : memref<80xi32, #tpu.memory_space<vmem>>) semaphore(%arg25 : memref<!tpu.dma_semaphore, #tpu.memory_space<semaphore_mem>>)
      } else {
      }
      %eq3A_1198 = arith.constant 1 : i32
      %eq3A_1199 = arith.cmpi eq, %select_n3A_1189, %eq3A_1198 : i32
      %convert_element_type3A_1200 = arith.extui %eq3A_1199 : i1 to i32
      %cond3A_1201 = arith.constant 0 : i32
      %cond3A_1202 = arith.cmpi ne, %convert_element_type3A_1200, %cond3A_1201 : i32
      scf.if %cond3A_1202 {
        %mul3A_1211 = arith.constant 80 : i32
        %mul3A_1212 = arith.muli %select_n3A_1192, %mul3A_1211 : i32
        %dma_start3A_1213 = tpu.memref_slice %arg8[%mul3A_1212] : memref<2640xi32, #tpu.memory_space<vmem>> -> memref<80xi32, #tpu.memory_space<vmem>>
        %dma_start3A_1214 = arith.constant 0 : i32
        %dma_start3A_1215 = arith.constant 0 : i32
        %dma_start3A_1216 = tpu.memref_slice %arg2[%dma_start3A_1214, %dma_start3A_1215] : memref<10000x128xf32, #tpu.memory_space<hbm>> -> memref<10000x128xf32, #tpu.memory_space<hbm>>
        tpu.enqueue_indirect_dma source(%dma_start3A_1216 : memref<10000x128xf32, #tpu.memory_space<hbm>>) target(%arg20 : memref<80x128xf32, #tpu.memory_space<vmem>>) offsets(%dma_start3A_1213 : memref<80xi32, #tpu.memory_space<vmem>>) semaphore(%arg25 : memref<!tpu.dma_semaphore, #tpu.memory_space<semaphore_mem>>)
      } else {
      }
      %add3A_1203 = arith.constant 3 : i32
      %add3A_1204 = arith.addi %scan3A_1058, %add3A_1203 : i32
      %ge3A_1205 = arith.constant 33 : i32
      %ge3A_1206 = arith.cmpi sge, %add3A_1204, %ge3A_1205 : i32
      %jit3A = arith.constant 0 : i32
      %select_n3A_1207 = arith.select %ge3A_1206, %jit3A, %add3A_1204 : i32
      %sub3A_1208 = arith.constant 1 : i32
      %sub3A_1209 = arith.subi %sub3A_1208, %scan3A_1059 : i32
      %select_n3A_1210 = arith.select %ge3A_1206, %sub3A_1209, %scan3A_1059 : i32
      scf.yield %select_n3A_1207, %select_n3A_1210 : i32, i32
    }
    %scan3A_797 = arith.constant 42 : i32
    %dma_wait3A_798 = arith.constant 0 : i32
    %dma_wait3A_799 = arith.constant 0 : i32
    %dma_wait3A_800 = tpu.memref_slice %arg2[%dma_wait3A_798, %dma_wait3A_799] : memref<10000x128xf32, #tpu.memory_space<hbm>> -> memref<10000x128xf32, #tpu.memory_space<hbm>>
    tpu.wait_indirect_dma semaphore(%arg24 : memref<!tpu.dma_semaphore, #tpu.memory_space<semaphore_mem>>) src(%dma_wait3A_800 : memref<10000x128xf32, #tpu.memory_space<hbm>>) dst(%arg19 : memref<80x128xf32, #tpu.memory_space<vmem>>)
    %get3A_801 = arith.constant 2400 : index
    %get3A_802 = tpu.vector_load %arg10[%get3A_801] {strides = array<i32>} : memref<2640xi32, #tpu.memory_space<vmem>>, vector<16xi32>,
    %get3A_803 = vector.shape_cast %get3A_802 : vector<16xi32> to vector<16xi32>
    %swap3A_804 = arith.constant 0 : index
    %swap3A_805 = tpu.vector_load %arg13[%swap3A_804] {strides = array<i32>} : memref<80xi32, #tpu.memory_space<vmem>>, vector<16xi32>,
    %swap3A_806 = vector.shape_cast %swap3A_805 : vector<16xi32> to vector<16xi32>
    %swap3A_807 = vector.shape_cast %get3A_803 : vector<16xi32> to vector<16xi32>
    tpu.vector_store %arg13[%swap3A_804], %swap3A_807 {strides = array<i32>} : memref<80xi32, #tpu.memory_space<vmem>>, vector<16xi32>,
    %get3A_808 = arith.constant 2400 : index
    %get3A_809 = tpu.vector_load %arg12[%get3A_808] {strides = array<i32>} : memref<2640xf32, #tpu.memory_space<vmem>>, vector<16xf32>,
    %get3A_810 = vector.shape_cast %get3A_809 : vector<16xf32> to vector<16xf32>
    %swap3A_811 = arith.constant 0 : index
    %swap3A_812 = tpu.vector_load %arg16[%swap3A_811] {strides = array<i32>} : memref<80xf32, #tpu.memory_space<vmem>>, vector<16xf32>,
    %swap3A_813 = vector.shape_cast %swap3A_812 : vector<16xf32> to vector<16xf32>
    %swap3A_814 = vector.shape_cast %get3A_810 : vector<16xf32> to vector<16xf32>
    tpu.vector_store %arg16[%swap3A_811], %swap3A_814 {strides = array<i32>} : memref<80xf32, #tpu.memory_space<vmem>>, vector<16xf32>,
    %get3A_815 = arith.constant 2416 : index
    %get3A_816 = tpu.vector_load %arg10[%get3A_815] {strides = array<i32>} : memref<2640xi32, #tpu.memory_space<vmem>>, vector<16xi32>,
    %get3A_817 = vector.shape_cast %get3A_816 : vector<16xi32> to vector<16xi32>
    %swap3A_818 = arith.constant 16 : index
    %swap3A_819 = tpu.vector_load %arg13[%swap3A_818] {strides = array<i32>} : memref<80xi32, #tpu.memory_space<vmem>>, vector<16xi32>,
    %swap3A_820 = vector.shape_cast %swap3A_819 : vector<16xi32> to vector<16xi32>
    %swap3A_821 = vector.shape_cast %get3A_817 : vector<16xi32> to vector<16xi32>
    tpu.vector_store %arg13[%swap3A_818], %swap3A_821 {strides = array<i32>} : memref<80xi32, #tpu.memory_space<vmem>>, vector<16xi32>,
    %get3A_822 = arith.constant 2416 : index
    %get3A_823 = tpu.vector_load %arg12[%get3A_822] {strides = array<i32>} : memref<2640xf32, #tpu.memory_space<vmem>>, vector<16xf32>,
    %get3A_824 = vector.shape_cast %get3A_823 : vector<16xf32> to vector<16xf32>
    %swap3A_825 = arith.constant 16 : index
    %swap3A_826 = tpu.vector_load %arg16[%swap3A_825] {strides = array<i32>} : memref<80xf32, #tpu.memory_space<vmem>>, vector<16xf32>,
    %swap3A_827 = vector.shape_cast %swap3A_826 : vector<16xf32> to vector<16xf32>
    %swap3A_828 = vector.shape_cast %get3A_824 : vector<16xf32> to vector<16xf32>
    tpu.vector_store %arg16[%swap3A_825], %swap3A_828 {strides = array<i32>} : memref<80xf32, #tpu.memory_space<vmem>>, vector<16xf32>,
    %get3A_829 = arith.constant 2432 : index
    %get3A_830 = tpu.vector_load %arg10[%get3A_829] {strides = array<i32>} : memref<2640xi32, #tpu.memory_space<vmem>>, vector<16xi32>,
    %get3A_831 = vector.shape_cast %get3A_830 : vector<16xi32> to vector<16xi32>
    %swap3A_832 = arith.constant 32 : index
    %swap3A_833 = tpu.vector_load %arg13[%swap3A_832] {strides = array<i32>} : memref<80xi32, #tpu.memory_space<vmem>>, vector<16xi32>,
    %swap3A_834 = vector.shape_cast %swap3A_833 : vector<16xi32> to vector<16xi32>
    %swap3A_835 = vector.shape_cast %get3A_831 : vector<16xi32> to vector<16xi32>
    tpu.vector_store %arg13[%swap3A_832], %swap3A_835 {strides = array<i32>} : memref<80xi32, #tpu.memory_space<vmem>>, vector<16xi32>,
    %get3A_836 = arith.constant 2432 : index
    %get3A_837 = tpu.vector_load %arg12[%get3A_836] {strides = array<i32>} : memref<2640xf32, #tpu.memory_space<vmem>>, vector<16xf32>,
    %get3A_838 = vector.shape_cast %get3A_837 : vector<16xf32> to vector<16xf32>
    %swap3A_839 = arith.constant 32 : index
    %swap3A_840 = tpu.vector_load %arg16[%swap3A_839] {strides = array<i32>} : memref<80xf32, #tpu.memory_space<vmem>>, vector<16xf32>,
    %swap3A_841 = vector.shape_cast %swap3A_840 : vector<16xf32> to vector<16xf32>
    %swap3A_842 = vector.shape_cast %get3A_838 : vector<16xf32> to vector<16xf32>
    tpu.vector_store %arg16[%swap3A_839], %swap3A_842 {strides = array<i32>} : memref<80xf32, #tpu.memory_space<vmem>>, vector<16xf32>,
    %get3A_843 = arith.constant 2448 : index
    %get3A_844 = tpu.vector_load %arg10[%get3A_843] {strides = array<i32>} : memref<2640xi32, #tpu.memory_space<vmem>>, vector<16xi32>,
    %get3A_845 = vector.shape_cast %get3A_844 : vector<16xi32> to vector<16xi32>
    %swap3A_846 = arith.constant 48 : index
    %swap3A_847 = tpu.vector_load %arg13[%swap3A_846] {strides = array<i32>} : memref<80xi32, #tpu.memory_space<vmem>>, vector<16xi32>,
    %swap3A_848 = vector.shape_cast %swap3A_847 : vector<16xi32> to vector<16xi32>
    %swap3A_849 = vector.shape_cast %get3A_845 : vector<16xi32> to vector<16xi32>
    tpu.vector_store %arg13[%swap3A_846], %swap3A_849 {strides = array<i32>} : memref<80xi32, #tpu.memory_space<vmem>>, vector<16xi32>,
    %get3A_850 = arith.constant 2448 : index
    %get3A_851 = tpu.vector_load %arg12[%get3A_850] {strides = array<i32>} : memref<2640xf32, #tpu.memory_space<vmem>>, vector<16xf32>,
    %get3A_852 = vector.shape_cast %get3A_851 : vector<16xf32> to vector<16xf32>
    %swap3A_853 = arith.constant 48 : index
    %swap3A_854 = tpu.vector_load %arg16[%swap3A_853] {strides = array<i32>} : memref<80xf32, #tpu.memory_space<vmem>>, vector<16xf32>,
    %swap3A_855 = vector.shape_cast %swap3A_854 : vector<16xf32> to vector<16xf32>
    %swap3A_856 = vector.shape_cast %get3A_852 : vector<16xf32> to vector<16xf32>
    tpu.vector_store %arg16[%swap3A_853], %swap3A_856 {strides = array<i32>} : memref<80xf32, #tpu.memory_space<vmem>>, vector<16xf32>,
    %get3A_857 = arith.constant 2464 : index
    %get3A_858 = tpu.vector_load %arg10[%get3A_857] {strides = array<i32>} : memref<2640xi32, #tpu.memory_space<vmem>>, vector<16xi32>,
    %get3A_859 = vector.shape_cast %get3A_858 : vector<16xi32> to vector<16xi32>
    %swap3A_860 = arith.constant 64 : index
    %swap3A_861 = tpu.vector_load %arg13[%swap3A_860] {strides = array<i32>} : memref<80xi32, #tpu.memory_space<vmem>>, vector<16xi32>,
    %swap3A_862 = vector.shape_cast %swap3A_861 : vector<16xi32> to vector<16xi32>
    %swap3A_863 = vector.shape_cast %get3A_859 : vector<16xi32> to vector<16xi32>
    tpu.vector_store %arg13[%swap3A_860], %swap3A_863 {strides = array<i32>} : memref<80xi32, #tpu.memory_space<vmem>>, vector<16xi32>,
    %get3A_864 = arith.constant 2464 : index
    %get3A_865 = tpu.vector_load %arg12[%get3A_864] {strides = array<i32>} : memref<2640xf32, #tpu.memory_space<vmem>>, vector<16xf32>,
    %get3A_866 = vector.shape_cast %get3A_865 : vector<16xf32> to vector<16xf32>
    %swap3A_867 = arith.constant 64 : index
    %swap3A_868 = tpu.vector_load %arg16[%swap3A_867] {strides = array<i32>} : memref<80xf32, #tpu.memory_space<vmem>>, vector<16xf32>,
    %swap3A_869 = vector.shape_cast %swap3A_868 : vector<16xf32> to vector<16xf32>
    %swap3A_870 = vector.shape_cast %get3A_866 : vector<16xf32> to vector<16xf32>
    tpu.vector_store %arg16[%swap3A_867], %swap3A_870 {strides = array<i32>} : memref<80xf32, #tpu.memory_space<vmem>>, vector<16xf32>,
    %parallel_loop3A_871 = arith.constant 0 : i32
    %parallel_loop3A_872 = arith.constant 80 : i32
    %parallel_loop3A_873 = arith.constant 1 : i32
    scf.for %parallel_loop3A_1057 = %parallel_loop3A_871 to %parallel_loop3A_872 step %parallel_loop3A_873  : i32 {
      %parallel_loop3A_1058 = arith.constant 16 : i32
      %parallel_loop3A_1059 = arith.divsi %parallel_loop3A_1057, %parallel_loop3A_1058 : i32
      %parallel_loop3A_1060 = arith.constant 0 : i32
      %parallel_loop3A_1061 = arith.cmpi sgt, %parallel_loop3A_1057, %parallel_loop3A_1060 : i32
      %parallel_loop3A_1062 = arith.extui %parallel_loop3A_1061 : i1 to i32
      %parallel_loop3A_1063 = arith.constant 0 : i32
      %parallel_loop3A_1064 = arith.cmpi slt, %parallel_loop3A_1057, %parallel_loop3A_1063 : i32
      %parallel_loop3A_1065 = arith.extui %parallel_loop3A_1064 : i1 to i32
      %parallel_loop3A_1066 = arith.subi %parallel_loop3A_1062, %parallel_loop3A_1065 : i32
      %parallel_loop3A_1067 = arith.constant 0 : i32
      %parallel_loop3A_1068 = arith.cmpi sgt, %parallel_loop3A_1058, %parallel_loop3A_1067 : i32
      %parallel_loop3A_1069 = arith.extui %parallel_loop3A_1068 : i1 to i32
      %parallel_loop3A_1070 = arith.constant 0 : i32
      %parallel_loop3A_1071 = arith.cmpi slt, %parallel_loop3A_1058, %parallel_loop3A_1070 : i32
      %parallel_loop3A_1072 = arith.extui %parallel_loop3A_1071 : i1 to i32
      %parallel_loop3A_1073 = arith.subi %parallel_loop3A_1069, %parallel_loop3A_1072 : i32
      %parallel_loop3A_1074 = arith.cmpi ne, %parallel_loop3A_1066, %parallel_loop3A_1073 : i32
      %parallel_loop3A_1075 = arith.remsi %parallel_loop3A_1057, %parallel_loop3A_1058 : i32
      %parallel_loop3A_1076 = arith.constant 0 : i32
      %parallel_loop3A_1077 = arith.cmpi ne, %parallel_loop3A_1075, %parallel_loop3A_1076 : i32
      %parallel_loop3A_1078 = arith.andi %parallel_loop3A_1074, %parallel_loop3A_1077 : i1
      %parallel_loop3A_1079 = arith.constant 1 : i32
      %parallel_loop3A_1080 = arith.subi %parallel_loop3A_1059, %parallel_loop3A_1079 : i32
      %parallel_loop3A_1081 = arith.select %parallel_loop3A_1078, %parallel_loop3A_1080, %parallel_loop3A_1059 : i32
      %parallel_loop3A_1082 = arith.constant 16 : i32
      %parallel_loop3A_1083 = arith.muli %parallel_loop3A_1081, %parallel_loop3A_1082 : i32
      %parallel_loop3A_1084 = arith.index_cast %parallel_loop3A_1083 : i32 to index
      %parallel_loop3A_1085 = tpu.vector_load %arg16[%parallel_loop3A_1084] {strides = array<i32>} : memref<80xf32, #tpu.memory_space<vmem>>, vector<16xf32>,
      %parallel_loop3A_1086 = vector.shape_cast %parallel_loop3A_1085 : vector<16xf32> to vector<16xf32>
      %parallel_loop3A_1087 = arith.constant 16 : i32
      %parallel_loop3A_1088 = arith.constant 0 : i32
      %parallel_loop3A_1089 = arith.cmpi eq, %parallel_loop3A_1087, %parallel_loop3A_1088 : i32
      %parallel_loop3A_1090 = arith.constant 1 : i32
      %parallel_loop3A_1091 = arith.select %parallel_loop3A_1089, %parallel_loop3A_1090, %parallel_loop3A_1087 : i32
      %parallel_loop3A_1092 = arith.remsi %parallel_loop3A_1057, %parallel_loop3A_1091 : i32
      %parallel_loop3A_1093 = arith.constant 0 : i32
      %parallel_loop3A_1094 = arith.cmpi ne, %parallel_loop3A_1092, %parallel_loop3A_1093 : i32
      %parallel_loop3A_1095 = arith.constant 0 : i32
      %parallel_loop3A_1096 = arith.cmpi slt, %parallel_loop3A_1092, %parallel_loop3A_1095 : i32
      %parallel_loop3A_1097 = arith.constant 0 : i32
      %parallel_loop3A_1098 = arith.cmpi slt, %parallel_loop3A_1091, %parallel_loop3A_1097 : i32
      %parallel_loop3A_1099 = arith.xori %parallel_loop3A_1096, %parallel_loop3A_1098 : i1
      %parallel_loop3A_1100 = arith.andi %parallel_loop3A_1099, %parallel_loop3A_1094 : i1
      %parallel_loop3A_1101 = arith.addi %parallel_loop3A_1092, %parallel_loop3A_1091 : i32
      %parallel_loop3A_1102 = arith.select %parallel_loop3A_1100, %parallel_loop3A_1101, %parallel_loop3A_1092 : i32
      %parallel_loop3A_1103 = vector.broadcast %parallel_loop3A_1102 : i32 to vector<16x1xi32>
      %parallel_loop3A_1104 = vector.shape_cast %parallel_loop3A_1103 : vector<16x1xi32> to vector<16xi32>
      %parallel_loop3A_1105 = tpu.dynamic_gather %parallel_loop3A_1086[%parallel_loop3A_1104] in [0] : vector<16xf32>, vector<16xi32> -> vector<16xf32>
      %parallel_loop3A_1106 = arith.index_cast %parallel_loop3A_1057 : i32 to index
      %parallel_loop3A_1107 = arith.constant 0 : index
      %parallel_loop3A_1108 = tpu.vector_load %arg19[%parallel_loop3A_1106, %parallel_loop3A_1107] {strides = array<i32>} : memref<80x128xf32, #tpu.memory_space<vmem>>, vector<1x16xf32>,
      %parallel_loop3A_1109 = vector.shape_cast %parallel_loop3A_1108 : vector<1x16xf32> to vector<16xf32>
      %parallel_loop3A_1110 = arith.mulf %parallel_loop3A_1109, %parallel_loop3A_1105 : vector<16xf32>
      %parallel_loop3A_1111 = arith.index_cast %parallel_loop3A_1057 : i32 to index
      %parallel_loop3A_1112 = arith.constant 0 : index
      %parallel_loop3A_1113 = tpu.vector_load %arg19[%parallel_loop3A_1111, %parallel_loop3A_1112] {strides = array<i32>} : memref<80x128xf32, #tpu.memory_space<vmem>>, vector<1x16xf32>,
      %parallel_loop3A_1114 = vector.shape_cast %parallel_loop3A_1113 : vector<1x16xf32> to vector<16xf32>
      %parallel_loop3A_1115 = vector.shape_cast %parallel_loop3A_1110 : vector<16xf32> to vector<1x16xf32>
      tpu.vector_store %arg19[%parallel_loop3A_1111, %parallel_loop3A_1112], %parallel_loop3A_1115 {strides = array<i32>} : memref<80x128xf32, #tpu.memory_space<vmem>>, vector<1x16xf32>,
      %parallel_loop3A_1116 = arith.index_cast %parallel_loop3A_1057 : i32 to index
      %parallel_loop3A_1117 = arith.constant 16 : index
      %parallel_loop3A_1118 = tpu.vector_load %arg19[%parallel_loop3A_1116, %parallel_loop3A_1117] {strides = array<i32>} : memref<80x128xf32, #tpu.memory_space<vmem>>, vector<1x16xf32>,
      %parallel_loop3A_1119 = vector.shape_cast %parallel_loop3A_1118 : vector<1x16xf32> to vector<16xf32>
      %parallel_loop3A_1120 = arith.mulf %parallel_loop3A_1119, %parallel_loop3A_1105 : vector<16xf32>
      %parallel_loop3A_1121 = arith.index_cast %parallel_loop3A_1057 : i32 to index
      %parallel_loop3A_1122 = arith.constant 16 : index
      %parallel_loop3A_1123 = tpu.vector_load %arg19[%parallel_loop3A_1121, %parallel_loop3A_1122] {strides = array<i32>} : memref<80x128xf32, #tpu.memory_space<vmem>>, vector<1x16xf32>,
      %parallel_loop3A_1124 = vector.shape_cast %parallel_loop3A_1123 : vector<1x16xf32> to vector<16xf32>
      %parallel_loop3A_1125 = vector.shape_cast %parallel_loop3A_1120 : vector<16xf32> to vector<1x16xf32>
      tpu.vector_store %arg19[%parallel_loop3A_1121, %parallel_loop3A_1122], %parallel_loop3A_1125 {strides = array<i32>} : memref<80x128xf32, #tpu.memory_space<vmem>>, vector<1x16xf32>,
      %parallel_loop3A_1126 = arith.index_cast %parallel_loop3A_1057 : i32 to index
      %parallel_loop3A_1127 = arith.constant 32 : index
      %parallel_loop3A_1128 = tpu.vector_load %arg19[%parallel_loop3A_1126, %parallel_loop3A_1127] {strides = array<i32>} : memref<80x128xf32, #tpu.memory_space<vmem>>, vector<1x16xf32>,
      %parallel_loop3A_1129 = vector.shape_cast %parallel_loop3A_1128 : vector<1x16xf32> to vector<16xf32>
      %parallel_loop3A_1130 = arith.mulf %parallel_loop3A_1129, %parallel_loop3A_1105 : vector<16xf32>
      %parallel_loop3A_1131 = arith.index_cast %parallel_loop3A_1057 : i32 to index
      %parallel_loop3A_1132 = arith.constant 32 : index
      %parallel_loop3A_1133 = tpu.vector_load %arg19[%parallel_loop3A_1131, %parallel_loop3A_1132] {strides = array<i32>} : memref<80x128xf32, #tpu.memory_space<vmem>>, vector<1x16xf32>,
      %parallel_loop3A_1134 = vector.shape_cast %parallel_loop3A_1133 : vector<1x16xf32> to vector<16xf32>
      %parallel_loop3A_1135 = vector.shape_cast %parallel_loop3A_1130 : vector<16xf32> to vector<1x16xf32>
      tpu.vector_store %arg19[%parallel_loop3A_1131, %parallel_loop3A_1132], %parallel_loop3A_1135 {strides = array<i32>} : memref<80x128xf32, #tpu.memory_space<vmem>>, vector<1x16xf32>,
      %parallel_loop3A_1136 = arith.index_cast %parallel_loop3A_1057 : i32 to index
      %parallel_loop3A_1137 = arith.constant 48 : index
      %parallel_loop3A_1138 = tpu.vector_load %arg19[%parallel_loop3A_1136, %parallel_loop3A_1137] {strides = array<i32>} : memref<80x128xf32, #tpu.memory_space<vmem>>, vector<1x16xf32>,
      %parallel_loop3A_1139 = vector.shape_cast %parallel_loop3A_1138 : vector<1x16xf32> to vector<16xf32>
      %parallel_loop3A_1140 = arith.mulf %parallel_loop3A_1139, %parallel_loop3A_1105 : vector<16xf32>
      %parallel_loop3A_1141 = arith.index_cast %parallel_loop3A_1057 : i32 to index
      %parallel_loop3A_1142 = arith.constant 48 : index
      %parallel_loop3A_1143 = tpu.vector_load %arg19[%parallel_loop3A_1141, %parallel_loop3A_1142] {strides = array<i32>} : memref<80x128xf32, #tpu.memory_space<vmem>>, vector<1x16xf32>,
      %parallel_loop3A_1144 = vector.shape_cast %parallel_loop3A_1143 : vector<1x16xf32> to vector<16xf32>
      %parallel_loop3A_1145 = vector.shape_cast %parallel_loop3A_1140 : vector<16xf32> to vector<1x16xf32>
      tpu.vector_store %arg19[%parallel_loop3A_1141, %parallel_loop3A_1142], %parallel_loop3A_1145 {strides = array<i32>} : memref<80x128xf32, #tpu.memory_space<vmem>>, vector<1x16xf32>,
      %parallel_loop3A_1146 = arith.index_cast %parallel_loop3A_1057 : i32 to index
      %parallel_loop3A_1147 = arith.constant 64 : index
      %parallel_loop3A_1148 = tpu.vector_load %arg19[%parallel_loop3A_1146, %parallel_loop3A_1147] {strides = array<i32>} : memref<80x128xf32, #tpu.memory_space<vmem>>, vector<1x16xf32>,
      %parallel_loop3A_1149 = vector.shape_cast %parallel_loop3A_1148 : vector<1x16xf32> to vector<16xf32>
      %parallel_loop3A_1150 = arith.mulf %parallel_loop3A_1149, %parallel_loop3A_1105 : vector<16xf32>
      %parallel_loop3A_1151 = arith.index_cast %parallel_loop3A_1057 : i32 to index
      %parallel_loop3A_1152 = arith.constant 64 : index
      %parallel_loop3A_1153 = tpu.vector_load %arg19[%parallel_loop3A_1151, %parallel_loop3A_1152] {strides = array<i32>} : memref<80x128xf32, #tpu.memory_space<vmem>>, vector<1x16xf32>,
      %parallel_loop3A_1154 = vector.shape_cast %parallel_loop3A_1153 : vector<1x16xf32> to vector<16xf32>
      %parallel_loop3A_1155 = vector.shape_cast %parallel_loop3A_1150 : vector<16xf32> to vector<1x16xf32>
      tpu.vector_store %arg19[%parallel_loop3A_1151, %parallel_loop3A_1152], %parallel_loop3A_1155 {strides = array<i32>} : memref<80x128xf32, #tpu.memory_space<vmem>>, vector<1x16xf32>,
      %parallel_loop3A_1156 = arith.index_cast %parallel_loop3A_1057 : i32 to index
      %parallel_loop3A_1157 = arith.constant 80 : index
      %parallel_loop3A_1158 = tpu.vector_load %arg19[%parallel_loop3A_1156, %parallel_loop3A_1157] {strides = array<i32>} : memref<80x128xf32, #tpu.memory_space<vmem>>, vector<1x16xf32>,
      %parallel_loop3A_1159 = vector.shape_cast %parallel_loop3A_1158 : vector<1x16xf32> to vector<16xf32>
      %parallel_loop3A_1160 = arith.mulf %parallel_loop3A_1159, %parallel_loop3A_1105 : vector<16xf32>
      %parallel_loop3A_1161 = arith.index_cast %parallel_loop3A_1057 : i32 to index
      %parallel_loop3A_1162 = arith.constant 80 : index
      %parallel_loop3A_1163 = tpu.vector_load %arg19[%parallel_loop3A_1161, %parallel_loop3A_1162] {strides = array<i32>} : memref<80x128xf32, #tpu.memory_space<vmem>>, vector<1x16xf32>,
      %parallel_loop3A_1164 = vector.shape_cast %parallel_loop3A_1163 : vector<1x16xf32> to vector<16xf32>
      %parallel_loop3A_1165 = vector.shape_cast %parallel_loop3A_1160 : vector<16xf32> to vector<1x16xf32>
      tpu.vector_store %arg19[%parallel_loop3A_1161, %parallel_loop3A_1162], %parallel_loop3A_1165 {strides = array<i32>} : memref<80x128xf32, #tpu.memory_space<vmem>>, vector<1x16xf32>,
      %parallel_loop3A_1166 = arith.index_cast %parallel_loop3A_1057 : i32 to index
      %parallel_loop3A_1167 = arith.constant 96 : index
      %parallel_loop3A_1168 = tpu.vector_load %arg19[%parallel_loop3A_1166, %parallel_loop3A_1167] {strides = array<i32>} : memref<80x128xf32, #tpu.memory_space<vmem>>, vector<1x16xf32>,
      %parallel_loop3A_1169 = vector.shape_cast %parallel_loop3A_1168 : vector<1x16xf32> to vector<16xf32>
      %parallel_loop3A_1170 = arith.mulf %parallel_loop3A_1169, %parallel_loop3A_1105 : vector<16xf32>
      %parallel_loop3A_1171 = arith.index_cast %parallel_loop3A_1057 : i32 to index
      %parallel_loop3A_1172 = arith.constant 96 : index
      %parallel_loop3A_1173 = tpu.vector_load %arg19[%parallel_loop3A_1171, %parallel_loop3A_1172] {strides = array<i32>} : memref<80x128xf32, #tpu.memory_space<vmem>>, vector<1x16xf32>,
      %parallel_loop3A_1174 = vector.shape_cast %parallel_loop3A_1173 : vector<1x16xf32> to vector<16xf32>
      %parallel_loop3A_1175 = vector.shape_cast %parallel_loop3A_1170 : vector<16xf32> to vector<1x16xf32>
      tpu.vector_store %arg19[%parallel_loop3A_1171, %parallel_loop3A_1172], %parallel_loop3A_1175 {strides = array<i32>} : memref<80x128xf32, #tpu.memory_space<vmem>>, vector<1x16xf32>,
      %parallel_loop3A_1176 = arith.index_cast %parallel_loop3A_1057 : i32 to index
      %parallel_loop3A_1177 = arith.constant 112 : index
      %parallel_loop3A_1178 = tpu.vector_load %arg19[%parallel_loop3A_1176, %parallel_loop3A_1177] {strides = array<i32>} : memref<80x128xf32, #tpu.memory_space<vmem>>, vector<1x16xf32>,
      %parallel_loop3A_1179 = vector.shape_cast %parallel_loop3A_1178 : vector<1x16xf32> to vector<16xf32>
      %parallel_loop3A_1180 = arith.mulf %parallel_loop3A_1179, %parallel_loop3A_1105 : vector<16xf32>
      %parallel_loop3A_1181 = arith.index_cast %parallel_loop3A_1057 : i32 to index
      %parallel_loop3A_1182 = arith.constant 112 : index
      %parallel_loop3A_1183 = tpu.vector_load %arg19[%parallel_loop3A_1181, %parallel_loop3A_1182] {strides = array<i32>} : memref<80x128xf32, #tpu.memory_space<vmem>>, vector<1x16xf32>,
      %parallel_loop3A_1184 = vector.shape_cast %parallel_loop3A_1183 : vector<1x16xf32> to vector<16xf32>
      %parallel_loop3A_1185 = vector.shape_cast %parallel_loop3A_1180 : vector<16xf32> to vector<1x16xf32>
      tpu.vector_store %arg19[%parallel_loop3A_1181, %parallel_loop3A_1182], %parallel_loop3A_1185 {strides = array<i32>} : memref<80x128xf32, #tpu.memory_space<vmem>>, vector<1x16xf32>,
    } {sc.loop_unroll_factor = 4 : i64, sc.parallel_access}
    %dma_start3A_874 = arith.constant 0 : i32
    %dma_start3A_875 = arith.constant 0 : i32
    %dma_start3A_876 = tpu.memref_slice %arg23[%dma_start3A_874, %dma_start3A_875] : memref<10112x128xf32, #tpu.memory_space<vmem_shared>> -> memref<10112x128xf32, #tpu.memory_space<vmem_shared>>
    tpu.enqueue_indirect_dma source(%arg19 : memref<80x128xf32, #tpu.memory_space<vmem>>) target(%dma_start3A_876 : memref<10112x128xf32, #tpu.memory_space<vmem_shared>>) offsets(%arg13 : memref<80xi32, #tpu.memory_space<vmem>>) semaphore(%arg27 : memref<!tpu.dma_semaphore, #tpu.memory_space<semaphore_mem>>) {add = true}
    %dma_wait3A_877 = arith.constant 0 : i32
    %dma_wait3A_878 = arith.constant 0 : i32
    %dma_wait3A_879 = tpu.memref_slice %arg23[%dma_wait3A_877, %dma_wait3A_878] : memref<10112x128xf32, #tpu.memory_space<vmem_shared>> -> memref<10112x128xf32, #tpu.memory_space<vmem_shared>>
    tpu.wait_indirect_dma semaphore(%arg29 : memref<!tpu.dma_semaphore, #tpu.memory_space<semaphore_mem>>) src(%arg21 : memref<80x128xf32, #tpu.memory_space<vmem>>) dst(%dma_wait3A_879 : memref<10112x128xf32, #tpu.memory_space<vmem_shared>>)
    %dma_start3A_880 = arith.constant 2560 : i32
    %dma_start3A_881 = tpu.memref_slice %arg8[%dma_start3A_880] : memref<2640xi32, #tpu.memory_space<vmem>> -> memref<80xi32, #tpu.memory_space<vmem>>
    %dma_start3A_882 = arith.constant 0 : i32
    %dma_start3A_883 = arith.constant 0 : i32
    %dma_start3A_884 = tpu.memref_slice %arg2[%dma_start3A_882, %dma_start3A_883] : memref<10000x128xf32, #tpu.memory_space<hbm>> -> memref<10000x128xf32, #tpu.memory_space<hbm>>
    tpu.enqueue_indirect_dma source(%dma_start3A_884 : memref<10000x128xf32, #tpu.memory_space<hbm>>) target(%arg21 : memref<80x128xf32, #tpu.memory_space<vmem>>) offsets(%dma_start3A_881 : memref<80xi32, #tpu.memory_space<vmem>>) semaphore(%arg26 : memref<!tpu.dma_semaphore, #tpu.memory_space<semaphore_mem>>)
    %dma_wait3A_885 = arith.constant 0 : i32
    %dma_wait3A_886 = arith.constant 0 : i32
    %dma_wait3A_887 = tpu.memref_slice %arg2[%dma_wait3A_885, %dma_wait3A_886] : memref<10000x128xf32, #tpu.memory_space<hbm>> -> memref<10000x128xf32, #tpu.memory_space<hbm>>
    tpu.wait_indirect_dma semaphore(%arg25 : memref<!tpu.dma_semaphore, #tpu.memory_space<semaphore_mem>>) src(%dma_wait3A_887 : memref<10000x128xf32, #tpu.memory_space<hbm>>) dst(%arg20 : memref<80x128xf32, #tpu.memory_space<vmem>>)
    %get3A_888 = arith.constant 2480 : index
    %get3A_889 = tpu.vector_load %arg10[%get3A_888] {strides = array<i32>} : memref<2640xi32, #tpu.memory_space<vmem>>, vector<16xi32>,
    %get3A_890 = vector.shape_cast %get3A_889 : vector<16xi32> to vector<16xi32>
    %swap3A_891 = arith.constant 0 : index
    %swap3A_892 = tpu.vector_load %arg14[%swap3A_891] {strides = array<i32>} : memref<80xi32, #tpu.memory_space<vmem>>, vector<16xi32>,
    %swap3A_893 = vector.shape_cast %swap3A_892 : vector<16xi32> to vector<16xi32>
    %swap3A_894 = vector.shape_cast %get3A_890 : vector<16xi32> to vector<16xi32>
    tpu.vector_store %arg14[%swap3A_891], %swap3A_894 {strides = array<i32>} : memref<80xi32, #tpu.memory_space<vmem>>, vector<16xi32>,
    %get3A_895 = arith.constant 2480 : index
    %get3A_896 = tpu.vector_load %arg12[%get3A_895] {strides = array<i32>} : memref<2640xf32, #tpu.memory_space<vmem>>, vector<16xf32>,
    %get3A_897 = vector.shape_cast %get3A_896 : vector<16xf32> to vector<16xf32>
    %swap3A_898 = arith.constant 0 : index
    %swap3A_899 = tpu.vector_load %arg17[%swap3A_898] {strides = array<i32>} : memref<80xf32, #tpu.memory_space<vmem>>, vector<16xf32>,
    %swap3A_900 = vector.shape_cast %swap3A_899 : vector<16xf32> to vector<16xf32>
    %swap3A_901 = vector.shape_cast %get3A_897 : vector<16xf32> to vector<16xf32>
    tpu.vector_store %arg17[%swap3A_898], %swap3A_901 {strides = array<i32>} : memref<80xf32, #tpu.memory_space<vmem>>, vector<16xf32>,
    %get3A_902 = arith.constant 2496 : index
    %get3A_903 = tpu.vector_load %arg10[%get3A_902] {strides = array<i32>} : memref<2640xi32, #tpu.memory_space<vmem>>, vector<16xi32>,
    %get3A_904 = vector.shape_cast %get3A_903 : vector<16xi32> to vector<16xi32>
    %swap3A_905 = arith.constant 16 : index
    %swap3A_906 = tpu.vector_load %arg14[%swap3A_905] {strides = array<i32>} : memref<80xi32, #tpu.memory_space<vmem>>, vector<16xi32>,
    %swap3A_907 = vector.shape_cast %swap3A_906 : vector<16xi32> to vector<16xi32>
    %swap3A_908 = vector.shape_cast %get3A_904 : vector<16xi32> to vector<16xi32>
    tpu.vector_store %arg14[%swap3A_905], %swap3A_908 {strides = array<i32>} : memref<80xi32, #tpu.memory_space<vmem>>, vector<16xi32>,
    %get3A_909 = arith.constant 2496 : index
    %get3A_910 = tpu.vector_load %arg12[%get3A_909] {strides = array<i32>} : memref<2640xf32, #tpu.memory_space<vmem>>, vector<16xf32>,
    %get3A_911 = vector.shape_cast %get3A_910 : vector<16xf32> to vector<16xf32>
    %swap3A_912 = arith.constant 16 : index
    %swap3A_913 = tpu.vector_load %arg17[%swap3A_912] {strides = array<i32>} : memref<80xf32, #tpu.memory_space<vmem>>, vector<16xf32>,
    %swap3A_914 = vector.shape_cast %swap3A_913 : vector<16xf32> to vector<16xf32>
    %swap3A_915 = vector.shape_cast %get3A_911 : vector<16xf32> to vector<16xf32>
    tpu.vector_store %arg17[%swap3A_912], %swap3A_915 {strides = array<i32>} : memref<80xf32, #tpu.memory_space<vmem>>, vector<16xf32>,
    %get3A_916 = arith.constant 2512 : index
    %get3A_917 = tpu.vector_load %arg10[%get3A_916] {strides = array<i32>} : memref<2640xi32, #tpu.memory_space<vmem>>, vector<16xi32>,
    %get3A_918 = vector.shape_cast %get3A_917 : vector<16xi32> to vector<16xi32>
    %swap3A_919 = arith.constant 32 : index
    %swap3A_920 = tpu.vector_load %arg14[%swap3A_919] {strides = array<i32>} : memref<80xi32, #tpu.memory_space<vmem>>, vector<16xi32>,
    %swap3A_921 = vector.shape_cast %swap3A_920 : vector<16xi32> to vector<16xi32>
    %swap3A_922 = vector.shape_cast %get3A_918 : vector<16xi32> to vector<16xi32>
    tpu.vector_store %arg14[%swap3A_919], %swap3A_922 {strides = array<i32>} : memref<80xi32, #tpu.memory_space<vmem>>, vector<16xi32>,
    %get3A_923 = arith.constant 2512 : index
    %get3A_924 = tpu.vector_load %arg12[%get3A_923] {strides = array<i32>} : memref<2640xf32, #tpu.memory_space<vmem>>, vector<16xf32>,
    %get3A_925 = vector.shape_cast %get3A_924 : vector<16xf32> to vector<16xf32>
    %swap3A_926 = arith.constant 32 : index
    %swap3A_927 = tpu.vector_load %arg17[%swap3A_926] {strides = array<i32>} : memref<80xf32, #tpu.memory_space<vmem>>, vector<16xf32>,
    %swap3A_928 = vector.shape_cast %swap3A_927 : vector<16xf32> to vector<16xf32>
    %swap3A_929 = vector.shape_cast %get3A_925 : vector<16xf32> to vector<16xf32>
    tpu.vector_store %arg17[%swap3A_926], %swap3A_929 {strides = array<i32>} : memref<80xf32, #tpu.memory_space<vmem>>, vector<16xf32>,
    %get3A_930 = arith.constant 2528 : index
    %get3A_931 = tpu.vector_load %arg10[%get3A_930] {strides = array<i32>} : memref<2640xi32, #tpu.memory_space<vmem>>, vector<16xi32>,
    %get3A_932 = vector.shape_cast %get3A_931 : vector<16xi32> to vector<16xi32>
    %swap3A_933 = arith.constant 48 : index
    %swap3A_934 = tpu.vector_load %arg14[%swap3A_933] {strides = array<i32>} : memref<80xi32, #tpu.memory_space<vmem>>, vector<16xi32>,
    %swap3A_935 = vector.shape_cast %swap3A_934 : vector<16xi32> to vector<16xi32>
    %swap3A_936 = vector.shape_cast %get3A_932 : vector<16xi32> to vector<16xi32>
    tpu.vector_store %arg14[%swap3A_933], %swap3A_936 {strides = array<i32>} : memref<80xi32, #tpu.memory_space<vmem>>, vector<16xi32>,
    %get3A_937 = arith.constant 2528 : index
    %get3A_938 = tpu.vector_load %arg12[%get3A_937] {strides = array<i32>} : memref<2640xf32, #tpu.memory_space<vmem>>, vector<16xf32>,
    %get3A_939 = vector.shape_cast %get3A_938 : vector<16xf32> to vector<16xf32>
    %swap3A_940 = arith.constant 48 : index
    %swap3A_941 = tpu.vector_load %arg17[%swap3A_940] {strides = array<i32>} : memref<80xf32, #tpu.memory_space<vmem>>, vector<16xf32>,
    %swap3A_942 = vector.shape_cast %swap3A_941 : vector<16xf32> to vector<16xf32>
    %swap3A_943 = vector.shape_cast %get3A_939 : vector<16xf32> to vector<16xf32>
    tpu.vector_store %arg17[%swap3A_940], %swap3A_943 {strides = array<i32>} : memref<80xf32, #tpu.memory_space<vmem>>, vector<16xf32>,
    %get3A_944 = arith.constant 2544 : index
    %get3A_945 = tpu.vector_load %arg10[%get3A_944] {strides = array<i32>} : memref<2640xi32, #tpu.memory_space<vmem>>, vector<16xi32>,
    %get3A_946 = vector.shape_cast %get3A_945 : vector<16xi32> to vector<16xi32>
    %swap3A_947 = arith.constant 64 : index
    %swap3A_948 = tpu.vector_load %arg14[%swap3A_947] {strides = array<i32>} : memref<80xi32, #tpu.memory_space<vmem>>, vector<16xi32>,
    %swap3A_949 = vector.shape_cast %swap3A_948 : vector<16xi32> to vector<16xi32>
    %swap3A_950 = vector.shape_cast %get3A_946 : vector<16xi32> to vector<16xi32>
    tpu.vector_store %arg14[%swap3A_947], %swap3A_950 {strides = array<i32>} : memref<80xi32, #tpu.memory_space<vmem>>, vector<16xi32>,
    %get3A_951 = arith.constant 2544 : index
    %get3A_952 = tpu.vector_load %arg12[%get3A_951] {strides = array<i32>} : memref<2640xf32, #tpu.memory_space<vmem>>, vector<16xf32>,
    %get3A_953 = vector.shape_cast %get3A_952 : vector<16xf32> to vector<16xf32>
    %swap3A_954 = arith.constant 64 : index
    %swap3A_955 = tpu.vector_load %arg17[%swap3A_954] {strides = array<i32>} : memref<80xf32, #tpu.memory_space<vmem>>, vector<16xf32>,
    %swap3A_956 = vector.shape_cast %swap3A_955 : vector<16xf32> to vector<16xf32>
    %swap3A_957 = vector.shape_cast %get3A_953 : vector<16xf32> to vector<16xf32>
    tpu.vector_store %arg17[%swap3A_954], %swap3A_957 {strides = array<i32>} : memref<80xf32, #tpu.memory_space<vmem>>, vector<16xf32>,
    %parallel_loop3A_958 = arith.constant 0 : i32
    %parallel_loop3A_959 = arith.constant 80 : i32
    %parallel_loop3A_960 = arith.constant 1 : i32
    scf.for %parallel_loop3A_1057 = %parallel_loop3A_958 to %parallel_loop3A_959 step %parallel_loop3A_960  : i32 {
      %parallel_loop3A_1058 = arith.constant 16 : i32
      %parallel_loop3A_1059 = arith.divsi %parallel_loop3A_1057, %parallel_loop3A_1058 : i32
      %parallel_loop3A_1060 = arith.constant 0 : i32
      %parallel_loop3A_1061 = arith.cmpi sgt, %parallel_loop3A_1057, %parallel_loop3A_1060 : i32
      %parallel_loop3A_1062 = arith.extui %parallel_loop3A_1061 : i1 to i32
      %parallel_loop3A_1063 = arith.constant 0 : i32
      %parallel_loop3A_1064 = arith.cmpi slt, %parallel_loop3A_1057, %parallel_loop3A_1063 : i32
      %parallel_loop3A_1065 = arith.extui %parallel_loop3A_1064 : i1 to i32
      %parallel_loop3A_1066 = arith.subi %parallel_loop3A_1062, %parallel_loop3A_1065 : i32
      %parallel_loop3A_1067 = arith.constant 0 : i32
      %parallel_loop3A_1068 = arith.cmpi sgt, %parallel_loop3A_1058, %parallel_loop3A_1067 : i32
      %parallel_loop3A_1069 = arith.extui %parallel_loop3A_1068 : i1 to i32
      %parallel_loop3A_1070 = arith.constant 0 : i32
      %parallel_loop3A_1071 = arith.cmpi slt, %parallel_loop3A_1058, %parallel_loop3A_1070 : i32
      %parallel_loop3A_1072 = arith.extui %parallel_loop3A_1071 : i1 to i32
      %parallel_loop3A_1073 = arith.subi %parallel_loop3A_1069, %parallel_loop3A_1072 : i32
      %parallel_loop3A_1074 = arith.cmpi ne, %parallel_loop3A_1066, %parallel_loop3A_1073 : i32
      %parallel_loop3A_1075 = arith.remsi %parallel_loop3A_1057, %parallel_loop3A_1058 : i32
      %parallel_loop3A_1076 = arith.constant 0 : i32
      %parallel_loop3A_1077 = arith.cmpi ne, %parallel_loop3A_1075, %parallel_loop3A_1076 : i32
      %parallel_loop3A_1078 = arith.andi %parallel_loop3A_1074, %parallel_loop3A_1077 : i1
      %parallel_loop3A_1079 = arith.constant 1 : i32
      %parallel_loop3A_1080 = arith.subi %parallel_loop3A_1059, %parallel_loop3A_1079 : i32
      %parallel_loop3A_1081 = arith.select %parallel_loop3A_1078, %parallel_loop3A_1080, %parallel_loop3A_1059 : i32
      %parallel_loop3A_1082 = arith.constant 16 : i32
      %parallel_loop3A_1083 = arith.muli %parallel_loop3A_1081, %parallel_loop3A_1082 : i32
      %parallel_loop3A_1084 = arith.index_cast %parallel_loop3A_1083 : i32 to index
      %parallel_loop3A_1085 = tpu.vector_load %arg17[%parallel_loop3A_1084] {strides = array<i32>} : memref<80xf32, #tpu.memory_space<vmem>>, vector<16xf32>,
      %parallel_loop3A_1086 = vector.shape_cast %parallel_loop3A_1085 : vector<16xf32> to vector<16xf32>
      %parallel_loop3A_1087 = arith.constant 16 : i32
      %parallel_loop3A_1088 = arith.constant 0 : i32
      %parallel_loop3A_1089 = arith.cmpi eq, %parallel_loop3A_1087, %parallel_loop3A_1088 : i32
      %parallel_loop3A_1090 = arith.constant 1 : i32
      %parallel_loop3A_1091 = arith.select %parallel_loop3A_1089, %parallel_loop3A_1090, %parallel_loop3A_1087 : i32
      %parallel_loop3A_1092 = arith.remsi %parallel_loop3A_1057, %parallel_loop3A_1091 : i32
      %parallel_loop3A_1093 = arith.constant 0 : i32
      %parallel_loop3A_1094 = arith.cmpi ne, %parallel_loop3A_1092, %parallel_loop3A_1093 : i32
      %parallel_loop3A_1095 = arith.constant 0 : i32
      %parallel_loop3A_1096 = arith.cmpi slt, %parallel_loop3A_1092, %parallel_loop3A_1095 : i32
      %parallel_loop3A_1097 = arith.constant 0 : i32
      %parallel_loop3A_1098 = arith.cmpi slt, %parallel_loop3A_1091, %parallel_loop3A_1097 : i32
      %parallel_loop3A_1099 = arith.xori %parallel_loop3A_1096, %parallel_loop3A_1098 : i1
      %parallel_loop3A_1100 = arith.andi %parallel_loop3A_1099, %parallel_loop3A_1094 : i1
      %parallel_loop3A_1101 = arith.addi %parallel_loop3A_1092, %parallel_loop3A_1091 : i32
      %parallel_loop3A_1102 = arith.select %parallel_loop3A_1100, %parallel_loop3A_1101, %parallel_loop3A_1092 : i32
      %parallel_loop3A_1103 = vector.broadcast %parallel_loop3A_1102 : i32 to vector<16x1xi32>
      %parallel_loop3A_1104 = vector.shape_cast %parallel_loop3A_1103 : vector<16x1xi32> to vector<16xi32>
      %parallel_loop3A_1105 = tpu.dynamic_gather %parallel_loop3A_1086[%parallel_loop3A_1104] in [0] : vector<16xf32>, vector<16xi32> -> vector<16xf32>
      %parallel_loop3A_1106 = arith.index_cast %parallel_loop3A_1057 : i32 to index
      %parallel_loop3A_1107 = arith.constant 0 : index
      %parallel_loop3A_1108 = tpu.vector_load %arg20[%parallel_loop3A_1106, %parallel_loop3A_1107] {strides = array<i32>} : memref<80x128xf32, #tpu.memory_space<vmem>>, vector<1x16xf32>,
      %parallel_loop3A_1109 = vector.shape_cast %parallel_loop3A_1108 : vector<1x16xf32> to vector<16xf32>
      %parallel_loop3A_1110 = arith.mulf %parallel_loop3A_1109, %parallel_loop3A_1105 : vector<16xf32>
      %parallel_loop3A_1111 = arith.index_cast %parallel_loop3A_1057 : i32 to index
      %parallel_loop3A_1112 = arith.constant 0 : index
      %parallel_loop3A_1113 = tpu.vector_load %arg20[%parallel_loop3A_1111, %parallel_loop3A_1112] {strides = array<i32>} : memref<80x128xf32, #tpu.memory_space<vmem>>, vector<1x16xf32>,
      %parallel_loop3A_1114 = vector.shape_cast %parallel_loop3A_1113 : vector<1x16xf32> to vector<16xf32>
      %parallel_loop3A_1115 = vector.shape_cast %parallel_loop3A_1110 : vector<16xf32> to vector<1x16xf32>
      tpu.vector_store %arg20[%parallel_loop3A_1111, %parallel_loop3A_1112], %parallel_loop3A_1115 {strides = array<i32>} : memref<80x128xf32, #tpu.memory_space<vmem>>, vector<1x16xf32>,
      %parallel_loop3A_1116 = arith.index_cast %parallel_loop3A_1057 : i32 to index
      %parallel_loop3A_1117 = arith.constant 16 : index
      %parallel_loop3A_1118 = tpu.vector_load %arg20[%parallel_loop3A_1116, %parallel_loop3A_1117] {strides = array<i32>} : memref<80x128xf32, #tpu.memory_space<vmem>>, vector<1x16xf32>,
      %parallel_loop3A_1119 = vector.shape_cast %parallel_loop3A_1118 : vector<1x16xf32> to vector<16xf32>
      %parallel_loop3A_1120 = arith.mulf %parallel_loop3A_1119, %parallel_loop3A_1105 : vector<16xf32>
      %parallel_loop3A_1121 = arith.index_cast %parallel_loop3A_1057 : i32 to index
      %parallel_loop3A_1122 = arith.constant 16 : index
      %parallel_loop3A_1123 = tpu.vector_load %arg20[%parallel_loop3A_1121, %parallel_loop3A_1122] {strides = array<i32>} : memref<80x128xf32, #tpu.memory_space<vmem>>, vector<1x16xf32>,
      %parallel_loop3A_1124 = vector.shape_cast %parallel_loop3A_1123 : vector<1x16xf32> to vector<16xf32>
      %parallel_loop3A_1125 = vector.shape_cast %parallel_loop3A_1120 : vector<16xf32> to vector<1x16xf32>
      tpu.vector_store %arg20[%parallel_loop3A_1121, %parallel_loop3A_1122], %parallel_loop3A_1125 {strides = array<i32>} : memref<80x128xf32, #tpu.memory_space<vmem>>, vector<1x16xf32>,
      %parallel_loop3A_1126 = arith.index_cast %parallel_loop3A_1057 : i32 to index
      %parallel_loop3A_1127 = arith.constant 32 : index
      %parallel_loop3A_1128 = tpu.vector_load %arg20[%parallel_loop3A_1126, %parallel_loop3A_1127] {strides = array<i32>} : memref<80x128xf32, #tpu.memory_space<vmem>>, vector<1x16xf32>,
      %parallel_loop3A_1129 = vector.shape_cast %parallel_loop3A_1128 : vector<1x16xf32> to vector<16xf32>
      %parallel_loop3A_1130 = arith.mulf %parallel_loop3A_1129, %parallel_loop3A_1105 : vector<16xf32>
      %parallel_loop3A_1131 = arith.index_cast %parallel_loop3A_1057 : i32 to index
      %parallel_loop3A_1132 = arith.constant 32 : index
      %parallel_loop3A_1133 = tpu.vector_load %arg20[%parallel_loop3A_1131, %parallel_loop3A_1132] {strides = array<i32>} : memref<80x128xf32, #tpu.memory_space<vmem>>, vector<1x16xf32>,
      %parallel_loop3A_1134 = vector.shape_cast %parallel_loop3A_1133 : vector<1x16xf32> to vector<16xf32>
      %parallel_loop3A_1135 = vector.shape_cast %parallel_loop3A_1130 : vector<16xf32> to vector<1x16xf32>
      tpu.vector_store %arg20[%parallel_loop3A_1131, %parallel_loop3A_1132], %parallel_loop3A_1135 {strides = array<i32>} : memref<80x128xf32, #tpu.memory_space<vmem>>, vector<1x16xf32>,
      %parallel_loop3A_1136 = arith.index_cast %parallel_loop3A_1057 : i32 to index
      %parallel_loop3A_1137 = arith.constant 48 : index
      %parallel_loop3A_1138 = tpu.vector_load %arg20[%parallel_loop3A_1136, %parallel_loop3A_1137] {strides = array<i32>} : memref<80x128xf32, #tpu.memory_space<vmem>>, vector<1x16xf32>,
      %parallel_loop3A_1139 = vector.shape_cast %parallel_loop3A_1138 : vector<1x16xf32> to vector<16xf32>
      %parallel_loop3A_1140 = arith.mulf %parallel_loop3A_1139, %parallel_loop3A_1105 : vector<16xf32>
      %parallel_loop3A_1141 = arith.index_cast %parallel_loop3A_1057 : i32 to index
      %parallel_loop3A_1142 = arith.constant 48 : index
      %parallel_loop3A_1143 = tpu.vector_load %arg20[%parallel_loop3A_1141, %parallel_loop3A_1142] {strides = array<i32>} : memref<80x128xf32, #tpu.memory_space<vmem>>, vector<1x16xf32>,
      %parallel_loop3A_1144 = vector.shape_cast %parallel_loop3A_1143 : vector<1x16xf32> to vector<16xf32>
      %parallel_loop3A_1145 = vector.shape_cast %parallel_loop3A_1140 : vector<16xf32> to vector<1x16xf32>
      tpu.vector_store %arg20[%parallel_loop3A_1141, %parallel_loop3A_1142], %parallel_loop3A_1145 {strides = array<i32>} : memref<80x128xf32, #tpu.memory_space<vmem>>, vector<1x16xf32>,
      %parallel_loop3A_1146 = arith.index_cast %parallel_loop3A_1057 : i32 to index
      %parallel_loop3A_1147 = arith.constant 64 : index
      %parallel_loop3A_1148 = tpu.vector_load %arg20[%parallel_loop3A_1146, %parallel_loop3A_1147] {strides = array<i32>} : memref<80x128xf32, #tpu.memory_space<vmem>>, vector<1x16xf32>,
      %parallel_loop3A_1149 = vector.shape_cast %parallel_loop3A_1148 : vector<1x16xf32> to vector<16xf32>
      %parallel_loop3A_1150 = arith.mulf %parallel_loop3A_1149, %parallel_loop3A_1105 : vector<16xf32>
      %parallel_loop3A_1151 = arith.index_cast %parallel_loop3A_1057 : i32 to index
      %parallel_loop3A_1152 = arith.constant 64 : index
      %parallel_loop3A_1153 = tpu.vector_load %arg20[%parallel_loop3A_1151, %parallel_loop3A_1152] {strides = array<i32>} : memref<80x128xf32, #tpu.memory_space<vmem>>, vector<1x16xf32>,
      %parallel_loop3A_1154 = vector.shape_cast %parallel_loop3A_1153 : vector<1x16xf32> to vector<16xf32>
      %parallel_loop3A_1155 = vector.shape_cast %parallel_loop3A_1150 : vector<16xf32> to vector<1x16xf32>
      tpu.vector_store %arg20[%parallel_loop3A_1151, %parallel_loop3A_1152], %parallel_loop3A_1155 {strides = array<i32>} : memref<80x128xf32, #tpu.memory_space<vmem>>, vector<1x16xf32>,
      %parallel_loop3A_1156 = arith.index_cast %parallel_loop3A_1057 : i32 to index
      %parallel_loop3A_1157 = arith.constant 80 : index
      %parallel_loop3A_1158 = tpu.vector_load %arg20[%parallel_loop3A_1156, %parallel_loop3A_1157] {strides = array<i32>} : memref<80x128xf32, #tpu.memory_space<vmem>>, vector<1x16xf32>,
      %parallel_loop3A_1159 = vector.shape_cast %parallel_loop3A_1158 : vector<1x16xf32> to vector<16xf32>
      %parallel_loop3A_1160 = arith.mulf %parallel_loop3A_1159, %parallel_loop3A_1105 : vector<16xf32>
      %parallel_loop3A_1161 = arith.index_cast %parallel_loop3A_1057 : i32 to index
      %parallel_loop3A_1162 = arith.constant 80 : index
      %parallel_loop3A_1163 = tpu.vector_load %arg20[%parallel_loop3A_1161, %parallel_loop3A_1162] {strides = array<i32>} : memref<80x128xf32, #tpu.memory_space<vmem>>, vector<1x16xf32>,
      %parallel_loop3A_1164 = vector.shape_cast %parallel_loop3A_1163 : vector<1x16xf32> to vector<16xf32>
      %parallel_loop3A_1165 = vector.shape_cast %parallel_loop3A_1160 : vector<16xf32> to vector<1x16xf32>
      tpu.vector_store %arg20[%parallel_loop3A_1161, %parallel_loop3A_1162], %parallel_loop3A_1165 {strides = array<i32>} : memref<80x128xf32, #tpu.memory_space<vmem>>, vector<1x16xf32>,
      %parallel_loop3A_1166 = arith.index_cast %parallel_loop3A_1057 : i32 to index
      %parallel_loop3A_1167 = arith.constant 96 : index
      %parallel_loop3A_1168 = tpu.vector_load %arg20[%parallel_loop3A_1166, %parallel_loop3A_1167] {strides = array<i32>} : memref<80x128xf32, #tpu.memory_space<vmem>>, vector<1x16xf32>,
      %parallel_loop3A_1169 = vector.shape_cast %parallel_loop3A_1168 : vector<1x16xf32> to vector<16xf32>
      %parallel_loop3A_1170 = arith.mulf %parallel_loop3A_1169, %parallel_loop3A_1105 : vector<16xf32>
      %parallel_loop3A_1171 = arith.index_cast %parallel_loop3A_1057 : i32 to index
      %parallel_loop3A_1172 = arith.constant 96 : index
      %parallel_loop3A_1173 = tpu.vector_load %arg20[%parallel_loop3A_1171, %parallel_loop3A_1172] {strides = array<i32>} : memref<80x128xf32, #tpu.memory_space<vmem>>, vector<1x16xf32>,
      %parallel_loop3A_1174 = vector.shape_cast %parallel_loop3A_1173 : vector<1x16xf32> to vector<16xf32>
      %parallel_loop3A_1175 = vector.shape_cast %parallel_loop3A_1170 : vector<16xf32> to vector<1x16xf32>
      tpu.vector_store %arg20[%parallel_loop3A_1171, %parallel_loop3A_1172], %parallel_loop3A_1175 {strides = array<i32>} : memref<80x128xf32, #tpu.memory_space<vmem>>, vector<1x16xf32>,
      %parallel_loop3A_1176 = arith.index_cast %parallel_loop3A_1057 : i32 to index
      %parallel_loop3A_1177 = arith.constant 112 : index
      %parallel_loop3A_1178 = tpu.vector_load %arg20[%parallel_loop3A_1176, %parallel_loop3A_1177] {strides = array<i32>} : memref<80x128xf32, #tpu.memory_space<vmem>>, vector<1x16xf32>,
      %parallel_loop3A_1179 = vector.shape_cast %parallel_loop3A_1178 : vector<1x16xf32> to vector<16xf32>
      %parallel_loop3A_1180 = arith.mulf %parallel_loop3A_1179, %parallel_loop3A_1105 : vector<16xf32>
      %parallel_loop3A_1181 = arith.index_cast %parallel_loop3A_1057 : i32 to index
      %parallel_loop3A_1182 = arith.constant 112 : index
      %parallel_loop3A_1183 = tpu.vector_load %arg20[%parallel_loop3A_1181, %parallel_loop3A_1182] {strides = array<i32>} : memref<80x128xf32, #tpu.memory_space<vmem>>, vector<1x16xf32>,
      %parallel_loop3A_1184 = vector.shape_cast %parallel_loop3A_1183 : vector<1x16xf32> to vector<16xf32>
      %parallel_loop3A_1185 = vector.shape_cast %parallel_loop3A_1180 : vector<16xf32> to vector<1x16xf32>
      tpu.vector_store %arg20[%parallel_loop3A_1181, %parallel_loop3A_1182], %parallel_loop3A_1185 {strides = array<i32>} : memref<80x128xf32, #tpu.memory_space<vmem>>, vector<1x16xf32>,
    } {sc.loop_unroll_factor = 4 : i64, sc.parallel_access}
    %dma_start3A_961 = arith.constant 0 : i32
    %dma_start3A_962 = arith.constant 0 : i32
    %dma_start3A_963 = tpu.memref_slice %arg23[%dma_start3A_961, %dma_start3A_962] : memref<10112x128xf32, #tpu.memory_space<vmem_shared>> -> memref<10112x128xf32, #tpu.memory_space<vmem_shared>>
    tpu.enqueue_indirect_dma source(%arg20 : memref<80x128xf32, #tpu.memory_space<vmem>>) target(%dma_start3A_963 : memref<10112x128xf32, #tpu.memory_space<vmem_shared>>) offsets(%arg14 : memref<80xi32, #tpu.memory_space<vmem>>) semaphore(%arg28 : memref<!tpu.dma_semaphore, #tpu.memory_space<semaphore_mem>>) {add = true}
    %dma_wait3A_964 = arith.constant 0 : i32
    %dma_wait3A_965 = arith.constant 0 : i32
    %dma_wait3A_966 = tpu.memref_slice %arg23[%dma_wait3A_964, %dma_wait3A_965] : memref<10112x128xf32, #tpu.memory_space<vmem_shared>> -> memref<10112x128xf32, #tpu.memory_space<vmem_shared>>
    tpu.wait_indirect_dma semaphore(%arg27 : memref<!tpu.dma_semaphore, #tpu.memory_space<semaphore_mem>>) src(%arg19 : memref<80x128xf32, #tpu.memory_space<vmem>>) dst(%dma_wait3A_966 : memref<10112x128xf32, #tpu.memory_space<vmem_shared>>)
    %dma_wait3A_967 = arith.constant 0 : i32
    %dma_wait3A_968 = arith.constant 0 : i32
    %dma_wait3A_969 = tpu.memref_slice %arg2[%dma_wait3A_967, %dma_wait3A_968] : memref<10000x128xf32, #tpu.memory_space<hbm>> -> memref<10000x128xf32, #tpu.memory_space<hbm>>
    tpu.wait_indirect_dma semaphore(%arg26 : memref<!tpu.dma_semaphore, #tpu.memory_space<semaphore_mem>>) src(%dma_wait3A_969 : memref<10000x128xf32, #tpu.memory_space<hbm>>) dst(%arg21 : memref<80x128xf32, #tpu.memory_space<vmem>>)
    %get3A_970 = arith.constant 2560 : index
    %get3A_971 = tpu.vector_load %arg10[%get3A_970] {strides = array<i32>} : memref<2640xi32, #tpu.memory_space<vmem>>, vector<16xi32>,
    %get3A_972 = vector.shape_cast %get3A_971 : vector<16xi32> to vector<16xi32>
    %swap3A_973 = arith.constant 0 : index
    %swap3A_974 = tpu.vector_load %arg15[%swap3A_973] {strides = array<i32>} : memref<80xi32, #tpu.memory_space<vmem>>, vector<16xi32>,
    %swap3A_975 = vector.shape_cast %swap3A_974 : vector<16xi32> to vector<16xi32>
    %swap3A_976 = vector.shape_cast %get3A_972 : vector<16xi32> to vector<16xi32>
    tpu.vector_store %arg15[%swap3A_973], %swap3A_976 {strides = array<i32>} : memref<80xi32, #tpu.memory_space<vmem>>, vector<16xi32>,
    %get3A_977 = arith.constant 2560 : index
    %get3A_978 = tpu.vector_load %arg12[%get3A_977] {strides = array<i32>} : memref<2640xf32, #tpu.memory_space<vmem>>, vector<16xf32>,
    %get3A_979 = vector.shape_cast %get3A_978 : vector<16xf32> to vector<16xf32>
    %swap3A_980 = arith.constant 0 : index
    %swap3A_981 = tpu.vector_load %arg18[%swap3A_980] {strides = array<i32>} : memref<80xf32, #tpu.memory_space<vmem>>, vector<16xf32>,
    %swap3A_982 = vector.shape_cast %swap3A_981 : vector<16xf32> to vector<16xf32>
    %swap3A_983 = vector.shape_cast %get3A_979 : vector<16xf32> to vector<16xf32>
    tpu.vector_store %arg18[%swap3A_980], %swap3A_983 {strides = array<i32>} : memref<80xf32, #tpu.memory_space<vmem>>, vector<16xf32>,
    %get3A_984 = arith.constant 2576 : index
    %get3A_985 = tpu.vector_load %arg10[%get3A_984] {strides = array<i32>} : memref<2640xi32, #tpu.memory_space<vmem>>, vector<16xi32>,
    %get3A_986 = vector.shape_cast %get3A_985 : vector<16xi32> to vector<16xi32>
    %swap3A_987 = arith.constant 16 : index
    %swap3A_988 = tpu.vector_load %arg15[%swap3A_987] {strides = array<i32>} : memref<80xi32, #tpu.memory_space<vmem>>, vector<16xi32>,
    %swap3A_989 = vector.shape_cast %swap3A_988 : vector<16xi32> to vector<16xi32>
    %swap3A_990 = vector.shape_cast %get3A_986 : vector<16xi32> to vector<16xi32>
    tpu.vector_store %arg15[%swap3A_987], %swap3A_990 {strides = array<i32>} : memref<80xi32, #tpu.memory_space<vmem>>, vector<16xi32>,
    %get3A_991 = arith.constant 2576 : index
    %get3A_992 = tpu.vector_load %arg12[%get3A_991] {strides = array<i32>} : memref<2640xf32, #tpu.memory_space<vmem>>, vector<16xf32>,
    %get3A_993 = vector.shape_cast %get3A_992 : vector<16xf32> to vector<16xf32>
    %swap3A_994 = arith.constant 16 : index
    %swap3A_995 = tpu.vector_load %arg18[%swap3A_994] {strides = array<i32>} : memref<80xf32, #tpu.memory_space<vmem>>, vector<16xf32>,
    %swap3A_996 = vector.shape_cast %swap3A_995 : vector<16xf32> to vector<16xf32>
    %swap3A_997 = vector.shape_cast %get3A_993 : vector<16xf32> to vector<16xf32>
    tpu.vector_store %arg18[%swap3A_994], %swap3A_997 {strides = array<i32>} : memref<80xf32, #tpu.memory_space<vmem>>, vector<16xf32>,
    %get3A_998 = arith.constant 2592 : index
    %get3A_999 = tpu.vector_load %arg10[%get3A_998] {strides = array<i32>} : memref<2640xi32, #tpu.memory_space<vmem>>, vector<16xi32>,
    %get3A_1000 = vector.shape_cast %get3A_999 : vector<16xi32> to vector<16xi32>
    %swap3A_1001 = arith.constant 32 : index
    %swap3A_1002 = tpu.vector_load %arg15[%swap3A_1001] {strides = array<i32>} : memref<80xi32, #tpu.memory_space<vmem>>, vector<16xi32>,
    %swap3A_1003 = vector.shape_cast %swap3A_1002 : vector<16xi32> to vector<16xi32>
    %swap3A_1004 = vector.shape_cast %get3A_1000 : vector<16xi32> to vector<16xi32>
    tpu.vector_store %arg15[%swap3A_1001], %swap3A_1004 {strides = array<i32>} : memref<80xi32, #tpu.memory_space<vmem>>, vector<16xi32>,
    %get3A_1005 = arith.constant 2592 : index
    %get3A_1006 = tpu.vector_load %arg12[%get3A_1005] {strides = array<i32>} : memref<2640xf32, #tpu.memory_space<vmem>>, vector<16xf32>,
    %get3A_1007 = vector.shape_cast %get3A_1006 : vector<16xf32> to vector<16xf32>
    %swap3A_1008 = arith.constant 32 : index
    %swap3A_1009 = tpu.vector_load %arg18[%swap3A_1008] {strides = array<i32>} : memref<80xf32, #tpu.memory_space<vmem>>, vector<16xf32>,
    %swap3A_1010 = vector.shape_cast %swap3A_1009 : vector<16xf32> to vector<16xf32>
    %swap3A_1011 = vector.shape_cast %get3A_1007 : vector<16xf32> to vector<16xf32>
    tpu.vector_store %arg18[%swap3A_1008], %swap3A_1011 {strides = array<i32>} : memref<80xf32, #tpu.memory_space<vmem>>, vector<16xf32>,
    %get3A_1012 = arith.constant 2608 : index
    %get3A_1013 = tpu.vector_load %arg10[%get3A_1012] {strides = array<i32>} : memref<2640xi32, #tpu.memory_space<vmem>>, vector<16xi32>,
    %get3A_1014 = vector.shape_cast %get3A_1013 : vector<16xi32> to vector<16xi32>
    %swap3A_1015 = arith.constant 48 : index
    %swap3A_1016 = tpu.vector_load %arg15[%swap3A_1015] {strides = array<i32>} : memref<80xi32, #tpu.memory_space<vmem>>, vector<16xi32>,
    %swap3A_1017 = vector.shape_cast %swap3A_1016 : vector<16xi32> to vector<16xi32>
    %swap3A_1018 = vector.shape_cast %get3A_1014 : vector<16xi32> to vector<16xi32>
    tpu.vector_store %arg15[%swap3A_1015], %swap3A_1018 {strides = array<i32>} : memref<80xi32, #tpu.memory_space<vmem>>, vector<16xi32>,
    %get3A_1019 = arith.constant 2608 : index
    %get3A_1020 = tpu.vector_load %arg12[%get3A_1019] {strides = array<i32>} : memref<2640xf32, #tpu.memory_space<vmem>>, vector<16xf32>,
    %get3A_1021 = vector.shape_cast %get3A_1020 : vector<16xf32> to vector<16xf32>
    %swap3A_1022 = arith.constant 48 : index
    %swap3A_1023 = tpu.vector_load %arg18[%swap3A_1022] {strides = array<i32>} : memref<80xf32, #tpu.memory_space<vmem>>, vector<16xf32>,
    %swap3A_1024 = vector.shape_cast %swap3A_1023 : vector<16xf32> to vector<16xf32>
    %swap3A_1025 = vector.shape_cast %get3A_1021 : vector<16xf32> to vector<16xf32>
    tpu.vector_store %arg18[%swap3A_1022], %swap3A_1025 {strides = array<i32>} : memref<80xf32, #tpu.memory_space<vmem>>, vector<16xf32>,
    %get3A_1026 = arith.constant 2624 : index
    %get3A_1027 = tpu.vector_load %arg10[%get3A_1026] {strides = array<i32>} : memref<2640xi32, #tpu.memory_space<vmem>>, vector<16xi32>,
    %get3A_1028 = vector.shape_cast %get3A_1027 : vector<16xi32> to vector<16xi32>
    %swap3A_1029 = arith.constant 64 : index
    %swap3A_1030 = tpu.vector_load %arg15[%swap3A_1029] {strides = array<i32>} : memref<80xi32, #tpu.memory_space<vmem>>, vector<16xi32>,
    %swap3A_1031 = vector.shape_cast %swap3A_1030 : vector<16xi32> to vector<16xi32>
    %swap3A_1032 = vector.shape_cast %get3A_1028 : vector<16xi32> to vector<16xi32>
    tpu.vector_store %arg15[%swap3A_1029], %swap3A_1032 {strides = array<i32>} : memref<80xi32, #tpu.memory_space<vmem>>, vector<16xi32>,
    %get3A_1033 = arith.constant 2624 : index
    %get3A_1034 = tpu.vector_load %arg12[%get3A_1033] {strides = array<i32>} : memref<2640xf32, #tpu.memory_space<vmem>>, vector<16xf32>,
    %get3A_1035 = vector.shape_cast %get3A_1034 : vector<16xf32> to vector<16xf32>
    %swap3A_1036 = arith.constant 64 : index
    %swap3A_1037 = tpu.vector_load %arg18[%swap3A_1036] {strides = array<i32>} : memref<80xf32, #tpu.memory_space<vmem>>, vector<16xf32>,
    %swap3A_1038 = vector.shape_cast %swap3A_1037 : vector<16xf32> to vector<16xf32>
    %swap3A_1039 = vector.shape_cast %get3A_1035 : vector<16xf32> to vector<16xf32>
    tpu.vector_store %arg18[%swap3A_1036], %swap3A_1039 {strides = array<i32>} : memref<80xf32, #tpu.memory_space<vmem>>, vector<16xf32>,
    %parallel_loop3A_1040 = arith.constant 0 : i32
    %parallel_loop3A_1041 = arith.constant 80 : i32
    %parallel_loop3A_1042 = arith.constant 1 : i32
    scf.for %parallel_loop3A_1057 = %parallel_loop3A_1040 to %parallel_loop3A_1041 step %parallel_loop3A_1042  : i32 {
      %parallel_loop3A_1058 = arith.constant 16 : i32
      %parallel_loop3A_1059 = arith.divsi %parallel_loop3A_1057, %parallel_loop3A_1058 : i32
      %parallel_loop3A_1060 = arith.constant 0 : i32
      %parallel_loop3A_1061 = arith.cmpi sgt, %parallel_loop3A_1057, %parallel_loop3A_1060 : i32
      %parallel_loop3A_1062 = arith.extui %parallel_loop3A_1061 : i1 to i32
      %parallel_loop3A_1063 = arith.constant 0 : i32
      %parallel_loop3A_1064 = arith.cmpi slt, %parallel_loop3A_1057, %parallel_loop3A_1063 : i32
      %parallel_loop3A_1065 = arith.extui %parallel_loop3A_1064 : i1 to i32
      %parallel_loop3A_1066 = arith.subi %parallel_loop3A_1062, %parallel_loop3A_1065 : i32
      %parallel_loop3A_1067 = arith.constant 0 : i32
      %parallel_loop3A_1068 = arith.cmpi sgt, %parallel_loop3A_1058, %parallel_loop3A_1067 : i32
      %parallel_loop3A_1069 = arith.extui %parallel_loop3A_1068 : i1 to i32
      %parallel_loop3A_1070 = arith.constant 0 : i32
      %parallel_loop3A_1071 = arith.cmpi slt, %parallel_loop3A_1058, %parallel_loop3A_1070 : i32
      %parallel_loop3A_1072 = arith.extui %parallel_loop3A_1071 : i1 to i32
      %parallel_loop3A_1073 = arith.subi %parallel_loop3A_1069, %parallel_loop3A_1072 : i32
      %parallel_loop3A_1074 = arith.cmpi ne, %parallel_loop3A_1066, %parallel_loop3A_1073 : i32
      %parallel_loop3A_1075 = arith.remsi %parallel_loop3A_1057, %parallel_loop3A_1058 : i32
      %parallel_loop3A_1076 = arith.constant 0 : i32
      %parallel_loop3A_1077 = arith.cmpi ne, %parallel_loop3A_1075, %parallel_loop3A_1076 : i32
      %parallel_loop3A_1078 = arith.andi %parallel_loop3A_1074, %parallel_loop3A_1077 : i1
      %parallel_loop3A_1079 = arith.constant 1 : i32
      %parallel_loop3A_1080 = arith.subi %parallel_loop3A_1059, %parallel_loop3A_1079 : i32
      %parallel_loop3A_1081 = arith.select %parallel_loop3A_1078, %parallel_loop3A_1080, %parallel_loop3A_1059 : i32
      %parallel_loop3A_1082 = arith.constant 16 : i32
      %parallel_loop3A_1083 = arith.muli %parallel_loop3A_1081, %parallel_loop3A_1082 : i32
      %parallel_loop3A_1084 = arith.index_cast %parallel_loop3A_1083 : i32 to index
      %parallel_loop3A_1085 = tpu.vector_load %arg18[%parallel_loop3A_1084] {strides = array<i32>} : memref<80xf32, #tpu.memory_space<vmem>>, vector<16xf32>,
      %parallel_loop3A_1086 = vector.shape_cast %parallel_loop3A_1085 : vector<16xf32> to vector<16xf32>
      %parallel_loop3A_1087 = arith.constant 16 : i32
      %parallel_loop3A_1088 = arith.constant 0 : i32
      %parallel_loop3A_1089 = arith.cmpi eq, %parallel_loop3A_1087, %parallel_loop3A_1088 : i32
      %parallel_loop3A_1090 = arith.constant 1 : i32
      %parallel_loop3A_1091 = arith.select %parallel_loop3A_1089, %parallel_loop3A_1090, %parallel_loop3A_1087 : i32
      %parallel_loop3A_1092 = arith.remsi %parallel_loop3A_1057, %parallel_loop3A_1091 : i32
      %parallel_loop3A_1093 = arith.constant 0 : i32
      %parallel_loop3A_1094 = arith.cmpi ne, %parallel_loop3A_1092, %parallel_loop3A_1093 : i32
      %parallel_loop3A_1095 = arith.constant 0 : i32
      %parallel_loop3A_1096 = arith.cmpi slt, %parallel_loop3A_1092, %parallel_loop3A_1095 : i32
      %parallel_loop3A_1097 = arith.constant 0 : i32
      %parallel_loop3A_1098 = arith.cmpi slt, %parallel_loop3A_1091, %parallel_loop3A_1097 : i32
      %parallel_loop3A_1099 = arith.xori %parallel_loop3A_1096, %parallel_loop3A_1098 : i1
      %parallel_loop3A_1100 = arith.andi %parallel_loop3A_1099, %parallel_loop3A_1094 : i1
      %parallel_loop3A_1101 = arith.addi %parallel_loop3A_1092, %parallel_loop3A_1091 : i32
      %parallel_loop3A_1102 = arith.select %parallel_loop3A_1100, %parallel_loop3A_1101, %parallel_loop3A_1092 : i32
      %parallel_loop3A_1103 = vector.broadcast %parallel_loop3A_1102 : i32 to vector<16x1xi32>
      %parallel_loop3A_1104 = vector.shape_cast %parallel_loop3A_1103 : vector<16x1xi32> to vector<16xi32>
      %parallel_loop3A_1105 = tpu.dynamic_gather %parallel_loop3A_1086[%parallel_loop3A_1104] in [0] : vector<16xf32>, vector<16xi32> -> vector<16xf32>
      %parallel_loop3A_1106 = arith.index_cast %parallel_loop3A_1057 : i32 to index
      %parallel_loop3A_1107 = arith.constant 0 : index
      %parallel_loop3A_1108 = tpu.vector_load %arg21[%parallel_loop3A_1106, %parallel_loop3A_1107] {strides = array<i32>} : memref<80x128xf32, #tpu.memory_space<vmem>>, vector<1x16xf32>,
      %parallel_loop3A_1109 = vector.shape_cast %parallel_loop3A_1108 : vector<1x16xf32> to vector<16xf32>
      %parallel_loop3A_1110 = arith.mulf %parallel_loop3A_1109, %parallel_loop3A_1105 : vector<16xf32>
      %parallel_loop3A_1111 = arith.index_cast %parallel_loop3A_1057 : i32 to index
      %parallel_loop3A_1112 = arith.constant 0 : index
      %parallel_loop3A_1113 = tpu.vector_load %arg21[%parallel_loop3A_1111, %parallel_loop3A_1112] {strides = array<i32>} : memref<80x128xf32, #tpu.memory_space<vmem>>, vector<1x16xf32>,
      %parallel_loop3A_1114 = vector.shape_cast %parallel_loop3A_1113 : vector<1x16xf32> to vector<16xf32>
      %parallel_loop3A_1115 = vector.shape_cast %parallel_loop3A_1110 : vector<16xf32> to vector<1x16xf32>
      tpu.vector_store %arg21[%parallel_loop3A_1111, %parallel_loop3A_1112], %parallel_loop3A_1115 {strides = array<i32>} : memref<80x128xf32, #tpu.memory_space<vmem>>, vector<1x16xf32>,
      %parallel_loop3A_1116 = arith.index_cast %parallel_loop3A_1057 : i32 to index
      %parallel_loop3A_1117 = arith.constant 16 : index
      %parallel_loop3A_1118 = tpu.vector_load %arg21[%parallel_loop3A_1116, %parallel_loop3A_1117] {strides = array<i32>} : memref<80x128xf32, #tpu.memory_space<vmem>>, vector<1x16xf32>,
      %parallel_loop3A_1119 = vector.shape_cast %parallel_loop3A_1118 : vector<1x16xf32> to vector<16xf32>
      %parallel_loop3A_1120 = arith.mulf %parallel_loop3A_1119, %parallel_loop3A_1105 : vector<16xf32>
      %parallel_loop3A_1121 = arith.index_cast %parallel_loop3A_1057 : i32 to index
      %parallel_loop3A_1122 = arith.constant 16 : index
      %parallel_loop3A_1123 = tpu.vector_load %arg21[%parallel_loop3A_1121, %parallel_loop3A_1122] {strides = array<i32>} : memref<80x128xf32, #tpu.memory_space<vmem>>, vector<1x16xf32>,
      %parallel_loop3A_1124 = vector.shape_cast %parallel_loop3A_1123 : vector<1x16xf32> to vector<16xf32>
      %parallel_loop3A_1125 = vector.shape_cast %parallel_loop3A_1120 : vector<16xf32> to vector<1x16xf32>
      tpu.vector_store %arg21[%parallel_loop3A_1121, %parallel_loop3A_1122], %parallel_loop3A_1125 {strides = array<i32>} : memref<80x128xf32, #tpu.memory_space<vmem>>, vector<1x16xf32>,
      %parallel_loop3A_1126 = arith.index_cast %parallel_loop3A_1057 : i32 to index
      %parallel_loop3A_1127 = arith.constant 32 : index
      %parallel_loop3A_1128 = tpu.vector_load %arg21[%parallel_loop3A_1126, %parallel_loop3A_1127] {strides = array<i32>} : memref<80x128xf32, #tpu.memory_space<vmem>>, vector<1x16xf32>,
      %parallel_loop3A_1129 = vector.shape_cast %parallel_loop3A_1128 : vector<1x16xf32> to vector<16xf32>
      %parallel_loop3A_1130 = arith.mulf %parallel_loop3A_1129, %parallel_loop3A_1105 : vector<16xf32>
      %parallel_loop3A_1131 = arith.index_cast %parallel_loop3A_1057 : i32 to index
      %parallel_loop3A_1132 = arith.constant 32 : index
      %parallel_loop3A_1133 = tpu.vector_load %arg21[%parallel_loop3A_1131, %parallel_loop3A_1132] {strides = array<i32>} : memref<80x128xf32, #tpu.memory_space<vmem>>, vector<1x16xf32>,
      %parallel_loop3A_1134 = vector.shape_cast %parallel_loop3A_1133 : vector<1x16xf32> to vector<16xf32>
      %parallel_loop3A_1135 = vector.shape_cast %parallel_loop3A_1130 : vector<16xf32> to vector<1x16xf32>
      tpu.vector_store %arg21[%parallel_loop3A_1131, %parallel_loop3A_1132], %parallel_loop3A_1135 {strides = array<i32>} : memref<80x128xf32, #tpu.memory_space<vmem>>, vector<1x16xf32>,
      %parallel_loop3A_1136 = arith.index_cast %parallel_loop3A_1057 : i32 to index
      %parallel_loop3A_1137 = arith.constant 48 : index
      %parallel_loop3A_1138 = tpu.vector_load %arg21[%parallel_loop3A_1136, %parallel_loop3A_1137] {strides = array<i32>} : memref<80x128xf32, #tpu.memory_space<vmem>>, vector<1x16xf32>,
      %parallel_loop3A_1139 = vector.shape_cast %parallel_loop3A_1138 : vector<1x16xf32> to vector<16xf32>
      %parallel_loop3A_1140 = arith.mulf %parallel_loop3A_1139, %parallel_loop3A_1105 : vector<16xf32>
      %parallel_loop3A_1141 = arith.index_cast %parallel_loop3A_1057 : i32 to index
      %parallel_loop3A_1142 = arith.constant 48 : index
      %parallel_loop3A_1143 = tpu.vector_load %arg21[%parallel_loop3A_1141, %parallel_loop3A_1142] {strides = array<i32>} : memref<80x128xf32, #tpu.memory_space<vmem>>, vector<1x16xf32>,
      %parallel_loop3A_1144 = vector.shape_cast %parallel_loop3A_1143 : vector<1x16xf32> to vector<16xf32>
      %parallel_loop3A_1145 = vector.shape_cast %parallel_loop3A_1140 : vector<16xf32> to vector<1x16xf32>
      tpu.vector_store %arg21[%parallel_loop3A_1141, %parallel_loop3A_1142], %parallel_loop3A_1145 {strides = array<i32>} : memref<80x128xf32, #tpu.memory_space<vmem>>, vector<1x16xf32>,
      %parallel_loop3A_1146 = arith.index_cast %parallel_loop3A_1057 : i32 to index
      %parallel_loop3A_1147 = arith.constant 64 : index
      %parallel_loop3A_1148 = tpu.vector_load %arg21[%parallel_loop3A_1146, %parallel_loop3A_1147] {strides = array<i32>} : memref<80x128xf32, #tpu.memory_space<vmem>>, vector<1x16xf32>,
      %parallel_loop3A_1149 = vector.shape_cast %parallel_loop3A_1148 : vector<1x16xf32> to vector<16xf32>
      %parallel_loop3A_1150 = arith.mulf %parallel_loop3A_1149, %parallel_loop3A_1105 : vector<16xf32>
      %parallel_loop3A_1151 = arith.index_cast %parallel_loop3A_1057 : i32 to index
      %parallel_loop3A_1152 = arith.constant 64 : index
      %parallel_loop3A_1153 = tpu.vector_load %arg21[%parallel_loop3A_1151, %parallel_loop3A_1152] {strides = array<i32>} : memref<80x128xf32, #tpu.memory_space<vmem>>, vector<1x16xf32>,
      %parallel_loop3A_1154 = vector.shape_cast %parallel_loop3A_1153 : vector<1x16xf32> to vector<16xf32>
      %parallel_loop3A_1155 = vector.shape_cast %parallel_loop3A_1150 : vector<16xf32> to vector<1x16xf32>
      tpu.vector_store %arg21[%parallel_loop3A_1151, %parallel_loop3A_1152], %parallel_loop3A_1155 {strides = array<i32>} : memref<80x128xf32, #tpu.memory_space<vmem>>, vector<1x16xf32>,
      %parallel_loop3A_1156 = arith.index_cast %parallel_loop3A_1057 : i32 to index
      %parallel_loop3A_1157 = arith.constant 80 : index
      %parallel_loop3A_1158 = tpu.vector_load %arg21[%parallel_loop3A_1156, %parallel_loop3A_1157] {strides = array<i32>} : memref<80x128xf32, #tpu.memory_space<vmem>>, vector<1x16xf32>,
      %parallel_loop3A_1159 = vector.shape_cast %parallel_loop3A_1158 : vector<1x16xf32> to vector<16xf32>
      %parallel_loop3A_1160 = arith.mulf %parallel_loop3A_1159, %parallel_loop3A_1105 : vector<16xf32>
      %parallel_loop3A_1161 = arith.index_cast %parallel_loop3A_1057 : i32 to index
      %parallel_loop3A_1162 = arith.constant 80 : index
      %parallel_loop3A_1163 = tpu.vector_load %arg21[%parallel_loop3A_1161, %parallel_loop3A_1162] {strides = array<i32>} : memref<80x128xf32, #tpu.memory_space<vmem>>, vector<1x16xf32>,
      %parallel_loop3A_1164 = vector.shape_cast %parallel_loop3A_1163 : vector<1x16xf32> to vector<16xf32>
      %parallel_loop3A_1165 = vector.shape_cast %parallel_loop3A_1160 : vector<16xf32> to vector<1x16xf32>
      tpu.vector_store %arg21[%parallel_loop3A_1161, %parallel_loop3A_1162], %parallel_loop3A_1165 {strides = array<i32>} : memref<80x128xf32, #tpu.memory_space<vmem>>, vector<1x16xf32>,
      %parallel_loop3A_1166 = arith.index_cast %parallel_loop3A_1057 : i32 to index
      %parallel_loop3A_1167 = arith.constant 96 : index
      %parallel_loop3A_1168 = tpu.vector_load %arg21[%parallel_loop3A_1166, %parallel_loop3A_1167] {strides = array<i32>} : memref<80x128xf32, #tpu.memory_space<vmem>>, vector<1x16xf32>,
      %parallel_loop3A_1169 = vector.shape_cast %parallel_loop3A_1168 : vector<1x16xf32> to vector<16xf32>
      %parallel_loop3A_1170 = arith.mulf %parallel_loop3A_1169, %parallel_loop3A_1105 : vector<16xf32>
      %parallel_loop3A_1171 = arith.index_cast %parallel_loop3A_1057 : i32 to index
      %parallel_loop3A_1172 = arith.constant 96 : index
      %parallel_loop3A_1173 = tpu.vector_load %arg21[%parallel_loop3A_1171, %parallel_loop3A_1172] {strides = array<i32>} : memref<80x128xf32, #tpu.memory_space<vmem>>, vector<1x16xf32>,
      %parallel_loop3A_1174 = vector.shape_cast %parallel_loop3A_1173 : vector<1x16xf32> to vector<16xf32>
      %parallel_loop3A_1175 = vector.shape_cast %parallel_loop3A_1170 : vector<16xf32> to vector<1x16xf32>
      tpu.vector_store %arg21[%parallel_loop3A_1171, %parallel_loop3A_1172], %parallel_loop3A_1175 {strides = array<i32>} : memref<80x128xf32, #tpu.memory_space<vmem>>, vector<1x16xf32>,
      %parallel_loop3A_1176 = arith.index_cast %parallel_loop3A_1057 : i32 to index
      %parallel_loop3A_1177 = arith.constant 112 : index
      %parallel_loop3A_1178 = tpu.vector_load %arg21[%parallel_loop3A_1176, %parallel_loop3A_1177] {strides = array<i32>} : memref<80x128xf32, #tpu.memory_space<vmem>>, vector<1x16xf32>,
      %parallel_loop3A_1179 = vector.shape_cast %parallel_loop3A_1178 : vector<1x16xf32> to vector<16xf32>
      %parallel_loop3A_1180 = arith.mulf %parallel_loop3A_1179, %parallel_loop3A_1105 : vector<16xf32>
      %parallel_loop3A_1181 = arith.index_cast %parallel_loop3A_1057 : i32 to index
      %parallel_loop3A_1182 = arith.constant 112 : index
      %parallel_loop3A_1183 = tpu.vector_load %arg21[%parallel_loop3A_1181, %parallel_loop3A_1182] {strides = array<i32>} : memref<80x128xf32, #tpu.memory_space<vmem>>, vector<1x16xf32>,
      %parallel_loop3A_1184 = vector.shape_cast %parallel_loop3A_1183 : vector<1x16xf32> to vector<16xf32>
      %parallel_loop3A_1185 = vector.shape_cast %parallel_loop3A_1180 : vector<16xf32> to vector<1x16xf32>
      tpu.vector_store %arg21[%parallel_loop3A_1181, %parallel_loop3A_1182], %parallel_loop3A_1185 {strides = array<i32>} : memref<80x128xf32, #tpu.memory_space<vmem>>, vector<1x16xf32>,
    } {sc.loop_unroll_factor = 4 : i64, sc.parallel_access}
    %dma_start3A_1043 = arith.constant 0 : i32
    %dma_start3A_1044 = arith.constant 0 : i32
    %dma_start3A_1045 = tpu.memref_slice %arg23[%dma_start3A_1043, %dma_start3A_1044] : memref<10112x128xf32, #tpu.memory_space<vmem_shared>> -> memref<10112x128xf32, #tpu.memory_space<vmem_shared>>
    tpu.enqueue_indirect_dma source(%arg21 : memref<80x128xf32, #tpu.memory_space<vmem>>) target(%dma_start3A_1045 : memref<10112x128xf32, #tpu.memory_space<vmem_shared>>) offsets(%arg15 : memref<80xi32, #tpu.memory_space<vmem>>) semaphore(%arg29 : memref<!tpu.dma_semaphore, #tpu.memory_space<semaphore_mem>>) {add = true}
    %dma_wait3A_1046 = arith.constant 0 : i32
    %dma_wait3A_1047 = arith.constant 0 : i32
    %dma_wait3A_1048 = tpu.memref_slice %arg23[%dma_wait3A_1046, %dma_wait3A_1047] : memref<10112x128xf32, #tpu.memory_space<vmem_shared>> -> memref<10112x128xf32, #tpu.memory_space<vmem_shared>>
    tpu.wait_indirect_dma semaphore(%arg28 : memref<!tpu.dma_semaphore, #tpu.memory_space<semaphore_mem>>) src(%arg20 : memref<80x128xf32, #tpu.memory_space<vmem>>) dst(%dma_wait3A_1048 : memref<10112x128xf32, #tpu.memory_space<vmem_shared>>)
    %dma_wait3A_1049 = arith.constant 0 : i32
    %dma_wait3A_1050 = arith.constant 0 : i32
    %dma_wait3A_1051 = tpu.memref_slice %arg23[%dma_wait3A_1049, %dma_wait3A_1050] : memref<10112x128xf32, #tpu.memory_space<vmem_shared>> -> memref<10112x128xf32, #tpu.memory_space<vmem_shared>>
    tpu.wait_indirect_dma semaphore(%arg29 : memref<!tpu.dma_semaphore, #tpu.memory_space<semaphore_mem>>) src(%arg21 : memref<80x128xf32, #tpu.memory_space<vmem>>) dst(%dma_wait3A_1051 : memref<10112x128xf32, #tpu.memory_space<vmem_shared>>)
    %barrier3A_1052 = arith.constant 0 : index
    tpu.barrier barrier_id(%barrier3A_1052)
    %mul3A_1053 = arith.constant 632 : i32
    %mul3A_1054 = arith.muli %arg1, %mul3A_1053 : i32
    %mul3A_1055 = arith.constant 632 : i32
    %mul3A_1056 = arith.muli %arg1, %mul3A_1055 : i32
    "tpu.region"() ({
      %run_scoped3A = tpu.sem_alloc : memref<!tpu.dma_semaphore, #tpu.memory_space<semaphore_mem>>
      %dma_start3A_1057 = arith.constant 0 : i32
      %dma_start3A_1058 = tpu.memref_slice %arg6[%arg0, %mul3A_1056, %dma_start3A_1057] : memref<2x10112x128xf32, #tpu.memory_space<hbm>> -> memref<1x632x128xf32, #tpu.memory_space<hbm>>
      %dma_start3A_1059 = tpu.memref_squeeze %dma_start3A_1058 : memref<1x632x128xf32, #tpu.memory_space<hbm>> -> memref<632x128xf32, #tpu.memory_space<hbm>>
      %dma_start3A_1060 = arith.constant 0 : i32
      %dma_start3A_1061 = tpu.memref_slice %arg23[%mul3A_1054, %dma_start3A_1060] : memref<10112x128xf32, #tpu.memory_space<vmem_shared>> -> memref<632x128xf32, #tpu.memory_space<vmem_shared>>
      tpu.enqueue_dma source(%dma_start3A_1061 : memref<632x128xf32, #tpu.memory_space<vmem_shared>>) target(%dma_start3A_1059 : memref<632x128xf32, #tpu.memory_space<hbm>>) target_semaphore(%run_scoped3A : memref<!tpu.dma_semaphore, #tpu.memory_space<semaphore_mem>>)
      %dma_wait3A_1062 = arith.constant 0 : i32
      %dma_wait3A_1063 = tpu.memref_slice %arg6[%arg0, %mul3A_1056, %dma_wait3A_1062] : memref<2x10112x128xf32, #tpu.memory_space<hbm>> -> memref<1x632x128xf32, #tpu.memory_space<hbm>>
      %dma_wait3A_1064 = tpu.memref_squeeze %dma_wait3A_1063 : memref<1x632x128xf32, #tpu.memory_space<hbm>> -> memref<632x128xf32, #tpu.memory_space<hbm>>
      %dma_wait3A_1065 = arith.constant 0 : i32
      %dma_wait3A_1066 = tpu.memref_slice %arg23[%mul3A_1054, %dma_wait3A_1065] : memref<10112x128xf32, #tpu.memory_space<vmem_shared>> -> memref<632x128xf32, #tpu.memory_space<vmem_shared>>
      tpu.wait_dma2 semaphore(%run_scoped3A : memref<!tpu.dma_semaphore, #tpu.memory_space<semaphore_mem>>) src(%dma_wait3A_1066 : memref<632x128xf32, #tpu.memory_space<vmem_shared>>) dst(%dma_wait3A_1064 : memref<632x128xf32, #tpu.memory_space<hbm>>)
      tpu.yield
    }) : () -> ()
    return
  }
}

module attributes {stable_mosaic.version = 14 : i64} {
  func.func @_mm_body(%arg0: i32, %arg1: memref<1000x128xf32, #tpu.memory_space<vmem>>, %arg2: memref<128x128xf32, #tpu.memory_space<vmem>>, %arg3: memref<1x128xf32, #tpu.memory_space<vmem>>, %arg4: memref<1000x128xf32, #tpu.memory_space<vmem>>) attributes {dimension_semantics = [#tpu.dimension_semantics<arbitrary>], iteration_bounds = array<i64: 10>, scalar_prefetch = 0 : i64, scratch_operands = 0 : i64, tpu.core_type = #tpu.core_type<tc>, window_params = [{transform_indices = @transform_0, window_bounds = array<i64: 1000, 128>}, {pipeline_mode = #tpu.pipeline_mode<synchronous>, transform_indices = @transform_1, window_bounds = array<i64: 128, 128>}, {pipeline_mode = #tpu.pipeline_mode<synchronous>, transform_indices = @transform_2, window_bounds = array<i64: 1, 128>}, {transform_indices = @transform_3, window_bounds = array<i64: 1000, 128>}]} {
    %get3A = arith.constant 0 : index
    %get3A_0 = arith.constant 0 : index
    %get3A_1 = vector.load %arg1[%get3A, %get3A_0] : memref<1000x128xf32, #tpu.memory_space<vmem>>, vector<1000x128xf32>
    %get3A_2 = arith.constant 0 : index
    %get3A_3 = arith.constant 0 : index
    %get3A_4 = vector.load %arg2[%get3A_2, %get3A_3] : memref<128x128xf32, #tpu.memory_space<vmem>>, vector<128x128xf32>
    %dot_general3A = arith.constant dense<0.000000e+00> : vector<1000x128xf32>
    %dot_general3A_5 = tpu.matmul %get3A_1, %get3A_4, %dot_general3A {dimension_numbers = #tpu.dot_dimension_numbers<[1], [1], [0], [0], [0, 0, 1, 0], [], []>, transpose_lhs_hint = false} : vector<1000x128xf32>, vector<128x128xf32>, vector<1000x128xf32> -> vector<1000x128xf32>
    %get3A_6 = arith.constant 0 : index
    %get3A_7 = arith.constant 0 : index
    %get3A_8 = vector.load %arg3[%get3A_6, %get3A_7] : memref<1x128xf32, #tpu.memory_space<vmem>>, vector<1x128xf32>
    %add3A = vector.broadcast %get3A_8 : vector<1x128xf32> to vector<1000x128xf32>
    %add3A_9 = arith.addf %dot_general3A_5, %add3A : vector<1000x128xf32>
    %swap3A = arith.constant 0 : index
    %swap3A_10 = arith.constant 0 : index
    %swap3A_11 = vector.load %arg4[%swap3A, %swap3A_10] : memref<1000x128xf32, #tpu.memory_space<vmem>>, vector<1000x128xf32>
    tpu.vector_store %arg4[%swap3A, %swap3A_10], %add3A_9 {strides = array<i32>} : memref<1000x128xf32, #tpu.memory_space<vmem>>, vector<1000x128xf32>,
    return
  }
  func.func @transform_0(%arg0: i32) -> (i32, i32) {
    %c0_i32 = arith.constant 0 : i32
    %c0_i32_0 = arith.constant 0 : i32
    return %arg0, %c0_i32 : i32, i32
  }
  func.func @transform_1(%arg0: i32) -> (i32, i32) {
    %c0_i32 = arith.constant 0 : i32
    %c0_i32_0 = arith.constant 0 : i32
    %c0_i32_1 = arith.constant 0 : i32
    return %c0_i32, %c0_i32_0 : i32, i32
  }
  func.func @transform_2(%arg0: i32) -> (i32, i32) {
    %c0_i32 = arith.constant 0 : i32
    %c0_i32_0 = arith.constant 0 : i32
    %c0_i32_1 = arith.constant 0 : i32
    return %c0_i32, %c0_i32_0 : i32, i32
  }
  func.func @transform_3(%arg0: i32) -> (i32, i32) {
    %c0_i32 = arith.constant 0 : i32
    %c0_i32_0 = arith.constant 0 : i32
    return %arg0, %c0_i32 : i32, i32
  }
}

module attributes {stable_mosaic.version = 14 : i64} {
  func.func @_comb_body(%arg0: i32, %arg1: memref<2x1000x128xf32, #tpu.memory_space<vmem>>, %arg2: memref<1000x128xf32, #tpu.memory_space<vmem>>) attributes {dimension_semantics = [#tpu.dimension_semantics<arbitrary>], iteration_bounds = array<i64: 10>, scalar_prefetch = 0 : i64, scratch_operands = 0 : i64, tpu.core_type = #tpu.core_type<tc>, window_params = [{transform_indices = @transform_0, window_bounds = array<i64: 2, 1000, 128>}, {transform_indices = @transform_1, window_bounds = array<i64: 1000, 128>}]} {
    %get3A = arith.constant 0 : index
    %get3A_0 = arith.constant 0 : index
    %get3A_1 = arith.constant 0 : index
    %get3A_2 = vector.load %arg1[%get3A, %get3A_0, %get3A_1] : memref<2x1000x128xf32, #tpu.memory_space<vmem>>, vector<1x1000x128xf32>
    %get3A_3 = vector.shape_cast %get3A_2 : vector<1x1000x128xf32> to vector<1000x128xf32>
    %get3A_4 = arith.constant 1 : index
    %get3A_5 = arith.constant 0 : index
    %get3A_6 = arith.constant 0 : index
    %get3A_7 = vector.load %arg1[%get3A_4, %get3A_5, %get3A_6] : memref<2x1000x128xf32, #tpu.memory_space<vmem>>, vector<1x1000x128xf32>
    %get3A_8 = vector.shape_cast %get3A_7 : vector<1x1000x128xf32> to vector<1000x128xf32>
    %add3A = arith.addf %get3A_3, %get3A_8 : vector<1000x128xf32>
    %tanh3A = math.tanh %add3A : vector<1000x128xf32>
    %swap3A = arith.constant 0 : index
    %swap3A_9 = arith.constant 0 : index
    %swap3A_10 = vector.load %arg2[%swap3A, %swap3A_9] : memref<1000x128xf32, #tpu.memory_space<vmem>>, vector<1000x128xf32>
    tpu.vector_store %arg2[%swap3A, %swap3A_9], %tanh3A {strides = array<i32>} : memref<1000x128xf32, #tpu.memory_space<vmem>>, vector<1000x128xf32>,
    return
  }
  func.func @transform_0(%arg0: i32) -> (i32, i32, i32) {
    %c0_i32 = arith.constant 0 : i32
    %c0_i32_0 = arith.constant 0 : i32
    %c0_i32_1 = arith.constant 0 : i32
    return %c0_i32, %arg0, %c0_i32_0 : i32, i32, i32
  }
  func.func @transform_1(%arg0: i32) -> (i32, i32) {
    %c0_i32 = arith.constant 0 : i32
    %c0_i32_0 = arith.constant 0 : i32
    return %arg0, %c0_i32 : i32, i32
  }
}

</mosaic_0001>

<sc_bundles>
// kernel: kernel.5.cloned.1.call-start
scs
__scs_entry_jumppad:
0x0: {  	(pc) =	sbr.rel $0x88, $3  }
0x1: {  	(tag) =	ssettag $0x0;
	lr =	simm.s32 $0x1  }
0x2: {  	[smem:$0x3F9C] =	sst lr;
	_ =	strace $0xD0000000  }
0x3: {  	_ = 	snop  }
0x4: {  	_ = 	snop  }
0x5: {  	_ = 	snop  }
0x6: {  	_ = 	snop  }
0x7: {  	_ = 	snop  }
__scs_overlays_trampoline_lowered:
0x8: {  	[smem:$0x3FAB] =	sst s0  }
0x9: {  	[smem:$0x3FAC] =	sst s1  }
0xa: {  	[smem:$0x3FAD] =	sst s2  }
0xb: {  	[smem:$0x3FAE] =	sst s3  }
0xc: {  	[smem:$0x3FAF] =	sst s4  }
0xd: {  	[smem:$0x3FB0] =	sst s5  }
0xe: {  	[smem:$0x3FB1] =	sst s6  }
0xf: {  	[smem:$0x3FB2] =	sst s7  }
0x10: {  	[smem:$0x3FB3] =	sst s8  }
0x11: {  	[smem:$0x3FB4] =	sst s9;
	s0 =	simm.s32 @!p0 $0x0  }
0x12: {  	s1 =	sld [smem:$0x3F9A];
	s0 =	simm.s32 @p0 $0x1  }
0x13: {  	[smem:$0x3FB5] =	sst s0;
	s0 =	simm.s32 @!p1 $0x0  }
0x14: {  	s2 =	sld [smem:$0x3F99];
	s0 =	simm.s32 @p1 $0x1  }
0x15: {  	[smem:$0x3FB6] =	sst s0;
	s0 =	simm.s32 @!p2 $0x0  }
0x16: {  	s3 =	sld [smem:$0x3FDB];
	s0 =	simm.s32 @p2 $0x1  }
0x17: {  	s4 =	simm.s32 $0x1BF5;
	[smem:$0x3FB8] =	sst s0  }
0x18: {  	s0 =	sld [smem:$0x3F9B];
	_ =	swait.ge [sflag:s4], $0x0  }
0x19: {  	s7 =	sld [smem:$0x3F9C]  }
0x1a: {  	s8 =	sadd.s32 $0xFFFFE003, lr  }
0x1b: {  	s9 =	sadd.s32 $0xFFFFFEF7, lr;
	s5 =	simm.s32 $0xFFFFFFFF;
	p2 =	slt.u32 s8, $0xFFFFF086  }
0x1c: {  	p1 =	slt.u32 s9, $0xF7A;
	s5 =	simm.s32 @!p2 $0x0  }
0x1d: {  	s5 =	simm.s32 @p1 $0x1;
	p0 =	seq.s32 s7, s2  }
0x1e: {  	s7 =	smul.u32 @!p0 $0xF7A, s2;
	p2 =	seq.s32 @!p0 s5, $0x0  }
0x1f: {  	s9 =	smul.u32 $0xF7A, s1;
	s8 =	simm.s32 @!p0 $0x1BF5;
	p2 =	por !p2, p0  }
0x20: {  	[sflag:s8] =	ssyncset.s32 @!p0 $0xFFFFF086;
	s6 =	sadd.s32 @!p0 s3, s7;
	s7 =	simm.s32 @!p0 $0x108  }
0x21: {  	s3 =	sadd.s32 s3, s9;
	s6 =	sadd.s32 @!p0 $0x88, s6;
	s7 =	simm.s32 @p2 $0x1082  }
0x22: {  	[simem:s7], [sflag:s8] =	dma.local @!p0 [hbm:s6], $0xF7A  }
0x23: {  	s9 =	sor.u32 $0xD0000000, s2;
	s6 =	simm.s32 $0x108;
	_ =	swait.ge @!p0 [sflag:s8], $0x0  }
0x24: {  	s3 =	sadd.s32 $0x88, s3;
	s6 =	simm.s32 @!p1 $0x1082;
	[sflag:s4] =	ssyncset.s32 $0xFFFFF086  }
0x25: {  	[simem:s6], [sflag:s4] =	dma.local [hbm:s3], $0xF7A  }
0x26: {  	[smem:$0x3F9C] =	sst s1;
	(tag) =	ssettag s2;
	_ =	strace s9  }
0x27: {  	s1 =	sld [smem:$0x3FAC]  }
0x28: {  	s2 =	sld [smem:$0x3FAD]  }
0x29: {  	s4 =	sld [smem:$0x3FAF]  }
0x2a: {  	p0 =	seq.s32 s5, $0x0;
	s5 =	sld [smem:$0x3FB0]  }
0x2b: {  	s6 =	sld [smem:$0x3FB1]  }
0x2c: {  	s7 =	sld [smem:$0x3FB2]  }
0x2d: {  	s3 =	simm.s32 $0x108;
	s8 =	sld [smem:$0x3FB3]  }
0x2e: {  	s3 =	simm.s32 @!p0 $0x1082;
	s9 =	sld [smem:$0x3FB4]  }
0x2f: {  	lr =	sadd.s32 s0, s3;
	s0 =	sld [smem:$0x3FAB]  }
0x30: {  	s3 =	sld [smem:$0x3FAE]  }
0x31: {  	[smem:$0x3FB7] =	sst s10  }
0x32: {  	s10 =	sld [smem:$0x3FB5];
	_ =	sdelay $0x3  }
0x33: {  	p0 =	seq.s32 s10, $0x1;
	s10 =	sld [smem:$0x3FB7];
	_ =	sdelay $0x3  }
0x34: {  	[smem:$0x3FB7] =	sst s10  }
0x35: {  	s10 =	sld [smem:$0x3FB6];
	_ =	sdelay $0x3  }
0x36: {  	p1 =	seq.s32 s10, $0x1;
	s10 =	sld [smem:$0x3FB7];
	_ =	sdelay $0x3  }
0x37: {  	[smem:$0x3FB7] =	sst s10  }
0x38: {  	s10 =	sld [smem:$0x3FB8]  }
0x39: {  	_ = 	snop;
	(pc) =	sbr.ind lr, $3  }
0x3a: {  	_ = 	snop  }
0x3b: {  	_ = 	snop  }
0x3c: {  	p2 =	seq.s32 s10, $0x1;
	s10 =	sld [smem:$0x3FB7]  }
0x3d: {  	_ =	shalt  }
0x3e: {  	_ =	shalt  }
0x3f: {  	_ =	shalt  }
0x40: {  	_ =	shalt  }
0x41: {  	_ =	shalt  }
0x42: {  	_ =	shalt  }
0x43: {  	_ =	shalt  }
0x44: {  	_ =	shalt  }
0x45: {  	_ =	shalt  }
0x46: {  	_ =	shalt  }
0x47: {  	_ =	shalt  }
0x48: {  	_ =	shalt  }
0x49: {  	_ =	shalt  }
0x4a: {  	_ =	shalt  }
0x4b: {  	_ =	shalt  }
0x4c: {  	_ =	shalt  }
0x4d: {  	_ =	shalt  }
0x4e: {  	_ =	shalt  }
0x4f: {  	_ =	shalt  }
0x50: {  	_ =	shalt  }
0x51: {  	_ =	shalt  }
0x52: {  	_ =	shalt  }
0x53: {  	_ =	shalt  }
0x54: {  	_ =	shalt  }
0x55: {  	_ =	shalt  }
0x56: {  	_ =	shalt  }
0x57: {  	_ =	shalt  }
0x58: {  	_ =	shalt  }
0x59: {  	_ =	shalt  }
0x5a: {  	_ =	shalt  }
0x5b: {  	_ =	shalt  }
0x5c: {  	_ =	shalt  }
0x5d: {  	_ =	shalt  }
0x5e: {  	_ =	shalt  }
0x5f: {  	_ =	shalt  }
0x60: {  	_ =	shalt  }
0x61: {  	_ =	shalt  }
0x62: {  	_ =	shalt  }
0x63: {  	_ =	shalt  }
0x64: {  	_ =	shalt  }
0x65: {  	_ =	shalt  }
0x66: {  	_ =	shalt  }
0x67: {  	_ =	shalt  }
0x68: {  	_ =	shalt  }
0x69: {  	_ =	shalt  }
0x6a: {  	_ =	shalt  }
0x6b: {  	_ =	shalt  }
0x6c: {  	_ =	shalt  }
0x6d: {  	_ =	shalt  }
0x6e: {  	_ =	shalt  }
0x6f: {  	_ =	shalt  }
0x70: {  	_ =	shalt  }
0x71: {  	_ =	shalt  }
0x72: {  	_ =	shalt  }
0x73: {  	_ =	shalt  }
0x74: {  	_ =	shalt  }
0x75: {  	_ =	shalt  }
0x76: {  	_ =	shalt  }
0x77: {  	_ =	shalt  }
0x78: {  	_ =	shalt  }
0x79: {  	_ =	shalt  }
0x7a: {  	_ =	shalt  }
0x7b: {  	_ =	shalt  }
0x7c: {  	_ =	shalt  }
0x7d: {  	_ =	shalt  }
0x7e: {  	_ =	shalt  }
0x7f: {  	_ =	shalt  }
0x80: {  	_ =	shalt  }
0x81: {  	_ =	shalt  }
0x82: {  	_ =	shalt  }
0x83: {  	_ =	shalt  }
0x84: {  	_ =	shalt  }
0x85: {  	_ =	shalt  }
0x86: {  	_ =	shalt  }
0x87: {  	_ =	shalt  }
.Lfunc_end0:
.L_simem_size_0:
called_computation_lowered:
.L_overlay_start_0:
0x88: {  	s2 =	sld [smem:$0x3FD9]  }
0x89: {  	s3 =	sld [smem:$0x3FFE];
	_ =	sdelay $0x1  }
0x8a: {  	s1 =	srdreg.scid  }
0x8b: {  	s0 =	sand.u32 $0x1, s1  }
0x8c: {  	s17 =	sshll.u32 s0, $0xA;
	s2 =	sadd.s32 s3, s2  }
0x8d: {  	s2 =	sadd.s32 s2, s17  }
0x8e: {  	[smem:$0x3FC3] =	sst s2  }
0x8f: {  	_ = 	snop  }
0x90: {  	s2 =	sld [smem:$0x3FD0];
	(tm) =	ssettm $0x1  }
0x91: {  	s18 =	sld [smem:$0x3FFB];
	_ =	sdelay $0x3  }
0x92: {  	_ =	strace s18  }
0x93: {  	s3 =	sld [smem:$0x3FFC];
	_ =	sdelay $0x3  }
0x94: {  	_ =	strace s3  }
0x95: {  	s3 =	sld [smem:$0x3FFD];
	_ =	sdelay $0x3  }
0x96: {  	_ =	strace s3  }
0x97: {  	_ =	strace $0x8FFFFFFF  }
0x98: {  	s19 =	sld [smem:$0x3FDB];
	_ =	sdelay $0x1  }
0x99: {  	s4 =	simm.s32 $_scs_section_size  }
0x9a: {  	s5 =	simm.s32 $_size__tile_overlayer_lowered;
	s6 =	simm.s32 $_tile_overlayer_lowered  }
0x9b: {  	s22 =	simm.s32 $0x1BFF;
	s21 =	sshll.u32 s6, $0x1;
	s3 =	sadd.s32 s4, s19  }
0x9c: {  	s7 =	simm.s32 $0x0;
	s20 =	sshll.u32 s5, $0x1;
	s5 =	sadd.s32 s21, s3  }
0x9d: {  	[timem:s7], [sflag:s22] =	dma.local [hbm:s5], s20  }
0x9e: {  	_ =	swait.ge [sflag:s22], s20  }
0x9f: {  	s4 =	ssub.s32 $0x0, s20;
	[sflag:s22] =	ssyncset.done $0x0  }
0xa0: {  	[sflag:s22] =	ssyncadd.s32 s4;
	_ =	sdelay $0x1  }
0xa1: {  	s23 =	simm.s32 $0x1B8B  }
0xa2: {  	_ =	swait.ge [sflag:s23], $0x1  }
0xa3: {  	[sflag:s23] =	ssyncset.done $0x0  }
0xa4: {  	s25 =	simm.s32 $0x1B8E;
	s24 =	sld [smem:$0x3FFE];
	[sflag:s23] =	ssyncadd.s32 $0xFFFFFFFF  }
0xa5: {  	s26 =	simm.s32 $execute0_lowered;
	[smem:$0x3FD2] =	sst s25  }
0xa6: {  	s5 =	sshll.u32 s26, $0x1;
	_ =	strace $0x80000046;
	[dreg:$0x1] =	wrdreg $0xFFFFFFFF  }
0xa7: {  	s28 =	simm.s32 $_size_execute0_lowered;
	s3 =	sadd.s32 s3, s5;
	[dreg:$0x0] =	wrdreg $0x0  }
0xa8: {  	s5 =	sshll.u32 s28, $0x1;
	[dreg:$0x2] =	wrdreg s3  }
0xa9: {  	[dreg:$0x3] =	wrdreg s5  }
0xaa: {  	[dreg:$0x4] =	wrdreg $0xC0  }
0xab: {  	_ =	task [dreg:s7], $0x5FFFF  }
0xac: {  	[dreg:$0x1] =	wrdreg $0xFFFFFFFF  }
0xad: {  	[dreg:$0x0] =	wrdreg $0x60  }
0xae: {  	[dreg:$0x2] =	wrdreg s2  }
0xaf: {  	[dreg:$0x3] =	wrdreg s24  }
0xb0: {  	[dreg:$0x4] =	wrdreg $0xBE000  }
0xb1: {  	[dreg:$0x5] =	wrdreg $0x9  }
0xb2: {  	_ =	task.clear_ibuf [dreg:s7], $0x6FFFF;
	_ =	strace $0x90000046  }
0xb3: {  	s29 =	simm.s32 $0x9;
	_ =	strace $0x80000048  }
0xb4: {  	_ =	swait.ge [sflag:s29], $0x1  }
0xb5: {  	[sflag:s29] =	ssyncadd.s32 $0xFFFFFFFF  }
0xb6: {  	_ =	strace $0x90000048  }
0xb7: {  	_ =	sfence  }
0xb8: {  	s30 =	sld [smem:$0x0];
	_ =	sdelay $0x2  }
0xb9: {  	s31 =	sshll.u32 s1, $0xD;
	s1 =	sshrl.u32 s1, $0x2  }
0xba: {  	s3 =	sand.u32 $0x4000, s31;
	s1 =	sadd.s32 s1, s30  }
0xbb: {  	s0 =	sor.u32 s3, s0;
	s1 =	sshll.u32 s1, $0x11  }
0xbc: {  	s0 =	sor.u32 s1, s0  }
0xbd: {  	s0 =	sadd.s32 $0x8F2B, s0  }
0xbe: {  	[sflag:s0] =	ssyncadd.remote.s32 $0x1  }
0xbf: {  	_ =	sfence.sel $0xFFFF  }
0xc0: {  	[dreg:$0x0] =	wrdreg $0xFFFFFFFF;
	(pc) =	sbr.abs _section_cstart, $3  }
0xc1: {  	[dreg:$0x1] =	wrdreg $0xFFFFFFFF  }
0xc2: {  	_ =	task.clear_ibuf [dreg:s7], $0x2FFFF;
	_ =	strace $0x9FFFFFFF  }
0xc3: {  	(tm) =	ssettm $0x7FFFFFFF  }
tec
execute0_lowered:
.L_overlay_start_1:
0x0: {  	(tag) =	ssettag $0x1  }
0x1: {  	s1 =	rddreg [dreg:$0x0]  }
0x2: {  	s0 =	rddreg [dreg:$0x1]  }
0x3: {  	s2 =	rddreg [dreg:$0x2];
	s3 =	srdreg.scid  }
0x4: {  	s9 =	simm.s32 $0x0;
	s7 =	stileid.u32;
	s18 =	simm.s32 $0xBA00  }
0x5: {  	s19 =	simm.s32 $0x8;
	s28 =	simm.s32 $0x6A00;
	s29 =	simm.s32 $0x1  }
0x6: {  	s3 =	sand.u32 $0x1, s3;
	[smem:$0x7FF] =	sst s9;
	s5 =	smul.u32 $0x13C00, s7  }
0x7: {  	s10 =	sadd.s32 $0x15A00, s0;
	s11 =	sadd.s32 $0xB400, s0;
	s21 =	smul.u32 $0x4F000, s7  }
0x8: {  	s20 =	sshll.u32 s7, $0x1;
	s4 =	smul.u32 $0x13C000, s3;
	_ =	strace $0x80000047  }
0x9: {  	s6 =	ssub.s32 $0x2, s3;
	s3 =	sor.u32 s3, s20;
	[dreg:$0x5] =	wrdreg s10  }
0xa: {  	s12 =	sadd.s32 $0xE00, s0;
	[dreg:$0x6] =	wrdreg s11;
	s3 =	smul.u32 $0x2940, s3  }
0xb: {  	[dreg:$0x7] =	wrdreg s12;
	s20 =	simm.s32 $0x2;
	s8 =	sshrl.u32 s6, $0x1  }
0xc: {  	s22 =	ssub.s32 s6, s8;
	s23 =	sshrl.u32 s3, $0x3;
	s3 =	sadd.s32 $0xA50, s3  }
0xd: {  	s4 =	sadd.s32 s5, s4;
	s31 =	smax.u32 s22, $0x1;
	[dreg:$0x8] =	wrdreg s3  }
0xe: {  	s5 =	sshrl.u32 s21, $0x2;
	s24 =	sadd.s32 s10, s23;
	[dreg:$0x10] =	wrdreg s31  }
0xf: {  	s8 =	sadd.s32 s5, s2;
	s25 =	sadd.s32 s11, s23;
	[dreg:$0x9] =	wrdreg s24  }
0x10: {  	s3 =	sshrl.u32 s3, $0x3;
	s5 =	sadd.s32 s12, s23;
	[dreg:$0xa] =	wrdreg s25  }
0x11: {  	s4 =	sshrl.u32 s4, $0x3;
	[dreg:$0xb] =	wrdreg s5;
	s26 =	sadd.s32 s10, s3  }
0x12: {  	s22 =	simm.s32 $0x4;
	s30 =	sadd.s32 s11, s3;
	[dreg:$0xc] =	wrdreg s26  }
0x13: {  	s0 =	sadd.s32 s4, s0;
	s3 =	sadd.s32 s12, s3;
	[dreg:$0xd] =	wrdreg s30  }
0x14: {  	s23 =	simm.s32 $0x5;
	s0 =	sadd.s32 $0x20000, s0;
	[dreg:$0xe] =	wrdreg s3  }
0x15: {  	s25 =	simm.s32 $0x50;
	s24 =	simm.s32 $0x3;
	[dreg:$0xf] =	wrdreg s0  }
0x16: {  	v0 =	vimm.f32 $0.0e+00;
	s26 =	simm.s32 $0x4200;
	s0 =	simm.s32 $0x9200;
	s3 =	simm.s32 $0x6  }
.LBB2_1:
0x17: {  	[tilespmem:$0xBA00] =	vst v0  }
0x18: {  	[tilespmem:$0xBA10] =	vst v0  }
0x19: {  	[tilespmem:$0xBA20] =	vst v0  }
0x1a: {  	[tilespmem:$0xBA30] =	vst v0  }
0x1b: {  	[tilespmem:$0xBA40] =	vst v0  }
0x1c: {  	[tilespmem:$0xBA50] =	vst v0  }
0x1d: {  	[tilespmem:$0xBA60] =	vst v0  }
0x1e: {  	[tilespmem:$0xBA70] =	vst v0  }
0x1f: {  	[tilespmem:$0xBA80] =	vst v0  }
0x20: {  	[tilespmem:$0xBA90] =	vst v0  }
0x21: {  	[tilespmem:$0xBAA0] =	vst v0  }
0x22: {  	[tilespmem:$0xBAB0] =	vst v0  }
0x23: {  	[tilespmem:$0xBAC0] =	vst v0  }
0x24: {  	[tilespmem:$0xBAD0] =	vst v0  }
0x25: {  	[tilespmem:$0xBAE0] =	vst v0  }
0x26: {  	[tilespmem:$0xBAF0] =	vst v0  }
0x27: {  	[tilespmem:$0xBB00] =	vst v0  }
0x28: {  	[tilespmem:$0xBB10] =	vst v0  }
0x29: {  	[tilespmem:$0xBB20] =	vst v0  }
0x2a: {  	[tilespmem:$0xBB30] =	vst v0  }
0x2b: {  	[tilespmem:$0xBB40] =	vst v0  }
0x2c: {  	[tilespmem:$0xBB50] =	vst v0  }
0x2d: {  	[tilespmem:$0xBB60] =	vst v0  }
0x2e: {  	[tilespmem:$0xBB70] =	vst v0  }
0x2f: {  	[tilespmem:$0xBB80] =	vst v0  }
0x30: {  	[tilespmem:$0xBB90] =	vst v0  }
0x31: {  	[tilespmem:$0xBBA0] =	vst v0  }
0x32: {  	[tilespmem:$0xBBB0] =	vst v0  }
0x33: {  	[tilespmem:$0xBBC0] =	vst v0  }
0x34: {  	[tilespmem:$0xBBD0] =	vst v0  }
0x35: {  	[tilespmem:$0xBBE0] =	vst v0  }
0x36: {  	[tilespmem:$0xBBF0] =	vst v0  }
0x37: {  	[tilespmem:$0xBC00] =	vst v0  }
0x38: {  	[tilespmem:$0xBC10] =	vst v0  }
0x39: {  	[tilespmem:$0xBC20] =	vst v0  }
0x3a: {  	[tilespmem:$0xBC30] =	vst v0  }
0x3b: {  	[tilespmem:$0xBC40] =	vst v0  }
0x3c: {  	[tilespmem:$0xBC50] =	vst v0  }
0x3d: {  	[tilespmem:$0xBC60] =	vst v0  }
0x3e: {  	[tilespmem:$0xBC70] =	vst v0  }
0x3f: {  	[tilespmem:$0xBC80] =	vst v0  }
0x40: {  	[tilespmem:$0xBC90] =	vst v0  }
0x41: {  	[tilespmem:$0xBCA0] =	vst v0  }
0x42: {  	[tilespmem:$0xBCB0] =	vst v0  }
0x43: {  	[tilespmem:$0xBCC0] =	vst v0  }
0x44: {  	[tilespmem:$0xBCD0] =	vst v0  }
0x45: {  	[tilespmem:$0xBCE0] =	vst v0  }
0x46: {  	[tilespmem:$0xBCF0] =	vst v0  }
0x47: {  	[tilespmem:$0xBD00] =	vst v0  }
0x48: {  	[tilespmem:$0xBD10] =	vst v0  }
0x49: {  	[tilespmem:$0xBD20] =	vst v0  }
0x4a: {  	[tilespmem:$0xBD30] =	vst v0  }
0x4b: {  	[tilespmem:$0xBD40] =	vst v0  }
0x4c: {  	[tilespmem:$0xBD50] =	vst v0  }
0x4d: {  	[tilespmem:$0xBD60] =	vst v0  }
0x4e: {  	[tilespmem:$0xBD70] =	vst v0  }
0x4f: {  	[tilespmem:$0xBD80] =	vst v0  }
0x50: {  	[tilespmem:$0xBD90] =	vst v0  }
0x51: {  	[tilespmem:$0xBDA0] =	vst v0  }
0x52: {  	[tilespmem:$0xBDB0] =	vst v0  }
0x53: {  	[tilespmem:$0xBDC0] =	vst v0  }
0x54: {  	[tilespmem:$0xBDD0] =	vst v0  }
0x55: {  	[tilespmem:$0xBDE0] =	vst v0  }
0x56: {  	[dreg:$0x4] =	wrdreg s9;
	[tilespmem:$0xBDF0] =	vst v0;
	s4 =	sadd.s32 $0x0, s8  }
0x57: {  	[spmem:s4] =	stream.linear.scatter [tilespmem:s18], [sflag:$0x8], $0x400, $0x38;
	[tilespmem:$0x1FA00] =	vst v63  }
0x58: {  	s4 =	simm.s32 $0x1000;
	_ =	swait.ge [sflag:s19], $0x400  }
.LBB2_2:
0x59: {  	s5 =	sshra.s32 s4, $0x2;
	[sflag:s19] =	ssyncset.done $0x0;
	p0 =	sne.s32 s4, $0x4E000  }
.Ltmp0:
0x5a: {  	s5 =	sadd.s32 s5, s8;
	[sflag:s19] =	ssyncadd.s32 $0xFFFFFC00;
	(pc) =	sbr.rel @p0 .LBB2_2-.Ltmp0, $3  }
0x5b: {  	[spmem:s5] =	stream.linear.scatter [tilespmem:s18], [sflag:$0x8], $0x400, $0x38;
	[tilespmem:$0x1FA00] =	vst v63  }
0x5c: {  	s4 =	sadd.s32 $0x1000, s4;
	_ =	sdelay $0x1  }
0x5d: {  	_ =	swait.ge [sflag:s19], $0x400  }
0x5e: {  	[sflag:s19] =	ssyncset.done $0x0  }
0x5f: {  	[sflag:s19] =	ssyncadd.s32 $0xFFFFFC00  }
0x60: {  	[bflag:$0x0] =	sbarrier.arrive $0xFFFF  }
0x61: {  	s4 =	simm.s32 $0x0;
	s5 =	rddreg [dreg:$0x9]  }
0x62: {  	[tilespmem:s4], [sflag:$0x8] =	stream.linear.gather [hbm4b:s5+s4], $0xA50, $0x38;
	[tilespmem:$0x1FA00] =	vst v63  }
0x63: {  	_ =	swait.ge [sflag:s19], $0xA50  }
0x64: {  	[sflag:s19] =	ssyncset.done $0x0  }
0x65: {  	s6 =	simm.s32 $0x1500;
	s16 =	rddreg [dreg:$0xa];
	[sflag:s19] =	ssyncadd.s32 $0xFFFFF5B0  }
0x66: {  	[tilespmem:s6], [sflag:$0x8] =	stream.linear.gather [hbm4b:s16+s4], $0xA50, $0x38;
	[tilespmem:$0x1FA00] =	vst v63  }
0x67: {  	_ =	swait.ge [sflag:s19], $0xA50  }
0x68: {  	[sflag:s19] =	ssyncset.done $0x0  }
0x69: {  	s21 =	simm.s32 $0x2A00;
	s17 =	rddreg [dreg:$0xb];
	[sflag:s19] =	ssyncadd.s32 $0xFFFFF5B0  }
0x6a: {  	[tilespmem:s21], [sflag:$0x8] =	stream.linear.gather [hbm4b:s17+s4], $0xA50, $0x38;
	[tilespmem:$0x1FA00] =	vst v63  }
0x6b: {  	_ =	swait.ge [sflag:s19], $0xA50  }
0x6c: {  	[sflag:s19] =	ssyncset.done $0x0  }
0x6d: {  	s31 =	simm.s32 $0xA80;
	s30 =	rddreg [dreg:$0xc];
	[sflag:s19] =	ssyncadd.s32 $0xFFFFF5B0  }
0x6e: {  	[tilespmem:s31], [sflag:$0x7] =	stream.linear.gather [hbm4b:s30+s4], $0xA50, $0x38;
	[tilespmem:$0x1FA00] =	vst v63  }
0x6f: {  	s7 =	simm.s32 $0x1F80;
	s6 =	rddreg [dreg:$0xd]  }
0x70: {  	[tilespmem:s7], [sflag:$0x7] =	stream.linear.gather [hbm4b:s6+s4], $0xA50, $0x38;
	[tilespmem:$0x1FA00] =	vst v63  }
0x71: {  	s10 =	simm.s32 $0x3480;
	s9 =	rddreg [dreg:$0xe]  }
0x72: {  	[tilespmem:s10], [sflag:$0x7] =	stream.linear.gather [hbm4b:s9+s4], $0xA50, $0x38;
	[tilespmem:$0x1FA00] =	vst v63  }
0x73: {  	_ = 	snop  }
0x74: {  	[tilespmem:s26], [sflag:$0x1] =	stream.indirect.gather [hbm4b:s1+s25], $0x80, s4, s25, $0xb8;
	[tilespmem:$0x1FA00] =	vst v63  }
0x75: {  	_ = 	snop  }
0x76: {  	[tilespmem:s28], [sflag:$0x2] =	stream.indirect.gather [hbm4b:s1+s25], $0x80, s25, s25, $0xb8;
	[tilespmem:$0x1FA00] =	vst v63  }
0x77: {  	_ =	swait.ge [sflag:s29], $0x2800  }
0x78: {  	[sflag:s29] =	ssyncset.done $0x0  }
0x79: {  	[sflag:s29] =	ssyncadd.s32 $0xFFFFD800  }
0x7a: {  	v1 =	vld [tilespmem:$0x1500]  }
0x7b: {  	v2 =	vld [tilespmem:$0x2A00]  }
0x7c: {  	v3 =	vld [tilespmem:$0x1510]  }
0x7d: {  	v4 =	vld [tilespmem:$0x2A10]  }
0x7e: {  	v5 =	vld [tilespmem:$0x1520]  }
0x7f: {  	[tilespmem:$0x3F00] =	vst v1;
	v1 =	vld [tilespmem:$0x2A20]  }
0x80: {  	[tilespmem:$0x4080] =	vst v2;
	v2 =	vld [tilespmem:$0x1530]  }
0x81: {  	[tilespmem:$0x3F10] =	vst v3;
	v3 =	vld [tilespmem:$0x2A30]  }
0x82: {  	[tilespmem:$0x4090] =	vst v4;
	v4 =	vld [tilespmem:$0x1540]  }
0x83: {  	[tilespmem:$0x3F20] =	vst v5;
	v5 =	vld [tilespmem:$0x2A40]  }
0x84: {  	[tilespmem:$0x40A0] =	vst v1  }
0x85: {  	[tilespmem:$0x3F30] =	vst v2  }
0x86: {  	[tilespmem:$0x40B0] =	vst v3  }
0x87: {  	s4 =	sand.u32 $0x1C0, s4;
	[tilespmem:$0x3F40] =	vst v4  }
0x88: {  	s4 =	sshrl.u32 s4, $0x2;
	[tilespmem:$0x40C0] =	vst v5  }
0x89: {  	s10 =	simm.s32 $0x4500;
	v1 =	vld [tilespmem:s4+$0x4080]  }
0x8a: {  	s4 =	simm.s32 $0x4300;
	v55 =	vld [tilespmem:s10+$0xFFFFFF20]  }
0x8b: {  	v2 =	vld [tilespmem:s4+$0xFFFFFF00]  }
0x8c: {  	s11 =	simm.s32 $0x0;
	v3 =	vld [tilespmem:s4+$0xFFFFFF10]  }
0x8d: {  	s5 =	sand.u32 $0xC, s11;
	v5 =	vld [tilespmem:s4+$0xFFFFFF20]  }
0x8e: {  	v4 =	vmov s5;
	v6 =	vld [tilespmem:s4+$0xFFFFFF30]  }
0x8f: {  	v7 =	vld [tilespmem:s4+$0xFFFFFF40];
	v4 =	vperm.xlane v1, v4  }
0x90: {  	s13 =	simm.s32 $0x1;
	v16 =	vld [tilespmem:s4+$0xFFFFFFB0]  }
0x91: {  	s14 =	sand.u32 $0xD, s13;
	v17 =	vld [tilespmem:s4+$0xFFFFFFC0];
	v2 =	vmul.f32 v2, v4  }
0x92: {  	v14 =	vmov s14;
	v8 =	vld [tilespmem:s4+$0xFFFFFF50];
	v3 =	vmul.f32 v3, v4  }
0x93: {  	v9 =	vld [tilespmem:s4+$0xFFFFFF60];
	v14 =	vperm.xlane v1, v14;
	v5 =	vmul.f32 v5, v4;
	[tilespmem:s4+$0xFFFFFF00] =	vst v2  }
0x94: {  	v10 =	vld [tilespmem:s4+$0xF0];
	v6 =	vmul.f32 v6, v4;
	[tilespmem:s4+$0xFFFFFF10] =	vst v3  }
0x95: {  	v11 =	vld [tilespmem:s4+$0xFFFFFF70];
	v49 =	vmul.f32 v16, v14;
	[tilespmem:s4+$0xFFFFFF20] =	vst v5  }
0x96: {  	v12 =	vld [tilespmem:s4+$0xFFFFFF80];
	v50 =	vmul.f32 v17, v14;
	[tilespmem:s4+$0xFFFFFF30] =	vst v6  }
0x97: {  	s12 =	simm.s32 $0x3;
	v13 =	vld [tilespmem:s4+$0xFFFFFF90];
	v5 =	vmul.f32 v7, v4;
	[tilespmem:s4+$0xFFFFFFB0] =	vst v49  }
0x98: {  	v15 =	vld [tilespmem:s4+$0xFFFFFFA0];
	v2 =	vmov s12;
	v6 =	vmul.f32 v8, v4;
	[tilespmem:s4+$0xFFFFFFC0] =	vst v50  }
0x99: {  	v48 =	vld [tilespmem:s4+$0xFFFFFFD0];
	v2 =	vperm.xlane v1, v2;
	[tilespmem:s4+$0xFFFFFF40] =	vst v5;
	v5 =	vmul.f32 v9, v4  }
0x9a: {  	v3 =	vld [tilespmem:s4+$0xFFFFFFE0];
	[tilespmem:s4+$0xFFFFFF50] =	vst v6;
	v4 =	vmul.f32 v11, v4  }
0x9b: {  	s15 =	simm.s32 $0x2;
	v8 =	vld [tilespmem:s4+$0x0];
	v10 =	vmul.f32 v10, v2;
	[tilespmem:s4+$0xFFFFFF60] =	vst v5  }
0x9c: {  	s5 =	sand.u32 $0xE, s15;
	v51 =	vld [tilespmem:s4+$0x70];
	v5 =	vmul.f32 v13, v14;
	[tilespmem:s4+$0xFFFFFF70] =	vst v4  }
0x9d: {  	v7 =	vld [tilespmem:s4+$0xFFFFFFF0];
	v6 =	vmov s5;
	v4 =	vmul.f32 v15, v14;
	[tilespmem:s4+$0xF0] =	vst v10  }
0x9e: {  	v1 =	vperm.xlane v1, v6;
	v6 =	vld [tilespmem:s4+$0x30];
	v10 =	vmul.f32 v12, v14;
	[tilespmem:s4+$0xFFFFFF90] =	vst v5  }
0x9f: {  	v9 =	vld [tilespmem:s4+$0x10];
	v12 =	vmul.f32 v48, v14;
	[tilespmem:s4+$0xFFFFFFA0] =	vst v4  }
0xa0: {  	v3 =	vmul.f32 v3, v14;
	v5 =	vmul.f32 v8, v1;
	v8 =	vld [tilespmem:s4+$0x50];
	[tilespmem:s4+$0xFFFFFF80] =	vst v10  }
0xa1: {  	v4 =	vld [tilespmem:s4+$0x60];
	[tilespmem:s4+$0xFFFFFFD0] =	vst v12  }
0xa2: {  	v7 =	vmul.f32 v7, v14;
	v10 =	vld [tilespmem:s4+$0x20];
	[tilespmem:s4+$0xFFFFFFE0] =	vst v3  }
0xa3: {  	[tilespmem:s4+$0x0] =	vst v5;
	v5 =	vld [tilespmem:s4+$0x80];
	v6 =	vmul.f32 v6, v1  }
0xa4: {  	v3 =	vmul.f32 v9, v1;
	[tilespmem:s4+$0xFFFFFFF0] =	vst v7;
	v7 =	vld [tilespmem:s4+$0xC0]  }
0xa5: {  	v11 =	vld [tilespmem:s4+$0x40];
	[tilespmem:s4+$0x30] =	vst v6;
	v6 =	vmul.f32 v8, v1  }
0xa6: {  	s16 =	simm.s32 $0x10;
	v52 =	vld [tilespmem:s4+$0x90];
	[tilespmem:s4+$0x10] =	vst v3;
	v4 =	vmul.f32 v4, v1  }
0xa7: {  	v53 =	vld [tilespmem:s4+$0xA0];
	s5 =	sand.u32 $0x1C0, s16;
	v10 =	vmul.f32 v10, v1;
	[tilespmem:s4+$0x50] =	vst v6  }
0xa8: {  	s5 =	sshrl.u32 s5, $0x2;
	v3 =	vld [tilespmem:s4+$0xD0];
	v5 =	vmul.f32 v5, v2;
	[tilespmem:s4+$0x60] =	vst v4  }
0xa9: {  	v54 =	vld [tilespmem:s5+$0x4080];
	v7 =	vmul.f32 v7, v2;
	[tilespmem:s4+$0x20] =	vst v10  }
0xaa: {  	v9 =	vld [tilespmem:s4+$0xB0];
	[tilespmem:s4+$0x80] =	vst v5;
	v5 =	vmul.f32 v11, v1  }
0xab: {  	s11 =	simm.s32 $0x4;
	v6 =	vld [tilespmem:s10+$0xFFFFFF10];
	v4 =	vmul.f32 v52, v2;
	[tilespmem:s4+$0xC0] =	vst v7  }
0xac: {  	s17 =	sand.u32 $0xC, s11;
	v1 =	vmul.f32 v51, v1;
	[tilespmem:s4+$0x40] =	vst v5;
	v5 =	vld [tilespmem:s10+$0xFFFFFF00]  }
0xad: {  	v56 =	vld [tilespmem:s10+$0xFFFFFF30];
	v3 =	vmul.f32 v3, v2;
	v11 =	vmov s17;
	[tilespmem:s4+$0x90] =	vst v4  }
0xae: {  	v8 =	vld [tilespmem:s10+$0xF0];
	v11 =	vperm.xlane v54, v11;
	[tilespmem:s4+$0x70] =	vst v1;
	v1 =	vmul.f32 v53, v2  }
0xaf: {  	s21 =	simm.s32 $0x7;
	v57 =	vld [tilespmem:s10+$0xFFFFFF50];
	v4 =	vmul.f32 v9, v2;
	[tilespmem:s4+$0xD0] =	vst v3  }
0xb0: {  	v7 =	vld [tilespmem:s10+$0xFFFFFF70];
	v3 =	vmul.f32 v6, v11;
	[tilespmem:s4+$0xA0] =	vst v1;
	v1 =	vmov s21  }
0xb1: {  	[tilespmem:s4+$0xB0] =	vst v4;
	v4 =	vld [tilespmem:s10+$0xFFFFFF60];
	v1 =	vperm.xlane v54, v1;
	v5 =	vmul.f32 v5, v11  }
0xb2: {  	v9 =	vld [tilespmem:s10+$0xFFFFFF40];
	[tilespmem:s10+$0xFFFFFF10] =	vst v3;
	v3 =	vmul.f32 v56, v11  }
0xb3: {  	v6 =	vld [tilespmem:s10+$0xFFFFFF80];
	[tilespmem:s10+$0xFFFFFF00] =	vst v5;
	v5 =	vmul.f32 v8, v1  }
0xb4: {  	s30 =	simm.s32 $0x5;
	[tilespmem:s10+$0xFFFFFF30] =	vst v3;
	v3 =	vmul.f32 v57, v11;
	v8 =	vld [tilespmem:s10+$0xFFFFFF90]  }
0xb5: {  	v59 =	vld [tilespmem:s10+$0xFFFFFFA0];
	s5 =	sand.u32 $0xD, s30;
	[tilespmem:s10+$0xF0] =	vst v5;
	v5 =	vmul.f32 v55, v11  }
0xb6: {  	v60 =	vld [tilespmem:s10+$0xFFFFFFC0];
	v58 =	vmov s5;
	v4 =	vmul.f32 v4, v11;
	[tilespmem:s10+$0xFFFFFF50] =	vst v3  }
0xb7: {  	v13 =	vperm.xlane v54, v58;
	[tilespmem:s10+$0xFFFFFF20] =	vst v5;
	v5 =	vmul.f32 v9, v11;
	v9 =	vld [tilespmem:s10+$0xFFFFFFB0]  }
0xb8: {  	v61 =	vld [tilespmem:s10+$0xFFFFFFE0];
	v3 =	vmul.f32 v7, v11;
	[tilespmem:s10+$0xFFFFFF60] =	vst v4  }
0xb9: {  	v4 =	vmul.f32 v8, v13;
	[tilespmem:s10+$0xFFFFFF40] =	vst v5;
	v5 =	vmul.f32 v6, v13;
	v6 =	vld [tilespmem:s10+$0xFFFFFFD0]  }
0xba: {  	v62 =	vld [tilespmem:s10+$0x20];
	[tilespmem:s10+$0xFFFFFF70] =	vst v3  }
0xbb: {  	s31 =	simm.s32 $0x6;
	v7 =	vld [tilespmem:s10+$0x0];
	v3 =	vmul.f32 v59, v13;
	[tilespmem:s10+$0xFFFFFF90] =	vst v4  }
0xbc: {  	s5 =	sand.u32 $0xE, s31;
	[tilespmem:s10+$0xFFFFFF80] =	vst v5;
	v5 =	vld [tilespmem:s10+$0xFFFFFFF0];
	v4 =	vmul.f32 v9, v13  }
0xbd: {  	[tilespmem:s10+$0xFFFFFFA0] =	vst v3;
	v11 =	vmul.f32 v60, v13;
	v8 =	vld [tilespmem:s10+$0x10];
	v9 =	vmov s5  }
0xbe: {  	v63 =	vld [tilespmem:s10+$0x50];
	v3 =	vperm.xlane v54, v9;
	[tilespmem:s10+$0xFFFFFFB0] =	vst v4;
	v4 =	vmul.f32 v6, v13  }
0xbf: {  	[tilespmem:s10+$0xFFFFFFC0] =	vst v11;
	v9 =	vmul.f32 v61, v13;
	v6 =	vld [tilespmem:s10+$0x30]  }
0xc0: {  	v11 =	vld [tilespmem:s10+$0x40];
	[tilespmem:s10+$0xFFFFFFD0] =	vst v4;
	v4 =	vmul.f32 v7, v3  }
0xc1: {  	v10 =	vld [tilespmem:s4+$0xE0];
	[tilespmem:s10+$0xFFFFFFE0] =	vst v9;
	v5 =	vmul.f32 v5, v13  }
0xc2: {  	v9 =	vld [tilespmem:s10+$0x60];
	v7 =	vmul.f32 v8, v3;
	[tilespmem:s10+$0x0] =	vst v4  }
0xc3: {  	[tilespmem:s10+$0xFFFFFFF0] =	vst v5;
	v4 =	vmul.f32 v62, v3;
	v5 =	vld [tilespmem:s10+$0x70]  }
0xc4: {  	v8 =	vld [tilespmem:s10+$0x80];
	[tilespmem:s10+$0x10] =	vst v7;
	v7 =	vmul.f32 v6, v3  }
0xc5: {  	v6 =	vld [tilespmem:s10+$0x90];
	[tilespmem:s10+$0x20] =	vst v4;
	v4 =	vmul.f32 v11, v3  }
0xc6: {  	v2 =	vmul.f32 v10, v2;
	v10 =	vmul.f32 v63, v3;
	[tilespmem:s10+$0x30] =	vst v7;
	v7 =	vld [tilespmem:s10+$0xA0]  }
0xc7: {  	s12 =	simm.s32 $0x4500;
	s5 =	simm.s32 $0x20;
	v9 =	vmul.f32 v9, v3;
	[tilespmem:s10+$0x40] =	vst v4;
	v4 =	vld [tilespmem:s10+$0xB0]  }
.LBB2_4:
0xc8: {  	s6 =	sand.u32 $0x1C0, s5;
	[tilespmem:s10+$0x50] =	vst v10;
	v3 =	vmul.f32 v5, v3;
	v5 =	vld [tilespmem:s10+$0xC0];
	s13 =	smov.u32 s11  }
0xc9: {  	s6 =	sshrl.u32 s6, $0x2;
	[tilespmem:s10+$0x60] =	vst v9;
	v8 =	vmul.f32 v8, v1;
	v9 =	vld [tilespmem:s10+$0xD0]  }
0xca: {  	v10 =	vld [tilespmem:s6+$0x4080];
	[tilespmem:s10+$0x70] =	vst v3;
	v3 =	vmul.f32 v6, v1  }
0xcb: {  	s11 =	sadd.s32 $0x4, s11;
	s10 =	sadd.s32 $0x200, s10;
	[tilespmem:s12+$0x80] =	vst v8;
	v6 =	vmul.f32 v7, v1;
	v7 =	vld [tilespmem:s12+$0xE0]  }
0xcc: {  	s14 =	sadd.s32 $0x5, s13;
	p0 =	slt.u32 s11, $0x4C;
	s6 =	sand.u32 $0xC, s11;
	v8 =	vld [tilespmem:s10+$0xF0];
	[tilespmem:s12+$0x90] =	vst v3;
	v3 =	vmul.f32 v4, v1  }
0xcd: {  	v4 =	vmov s6;
	s6 =	sand.u32 $0xD, s14;
	s14 =	sadd.s32 $0x6, s13;
	s13 =	sadd.s32 $0x7, s13;
	v11 =	vld [tilespmem:s10+$0xFFFFFF00];
	[tilespmem:s12+$0xA0] =	vst v6;
	v5 =	vmul.f32 v5, v1  }
0xce: {  	v12 =	vmov s6;
	s6 =	sand.u32 $0xE, s14;
	v13 =	vmov s13;
	v6 =	vld [tilespmem:s10+$0xFFFFFF10];
	[tilespmem:s12+$0xB0] =	vst v3;
	v9 =	vmul.f32 v9, v1  }
0xcf: {  	v3 =	vmov s6;
	v4 =	vperm.xlane v10, v4;
	v14 =	vld [tilespmem:s10+$0xFFFFFF20];
	v13 =	vperm.xlane v10, v13;
	[tilespmem:s12+$0xC0] =	vst v5  }
0xd0: {  	v12 =	vperm.xlane v10, v12;
	v3 =	vperm.xlane v10, v3;
	v5 =	vld [tilespmem:s10+$0xFFFFFF30];
	[tilespmem:s12+$0xD0] =	vst v9  }
0xd1: {  	v9 =	vld [tilespmem:s10+$0xFFFFFF40];
	v8 =	vmul.f32 v8, v13;
	[tilespmem:s4+$0xE0] =	vst v2;
	v2 =	vmul.f32 v7, v1;
	v1 =	vmov v13;
	s4 =	smov.u32 s12;
	s12 =	smov.u32 s10  }
0xd2: {  	v7 =	vmul.f32 v11, v4;
	v10 =	vld [tilespmem:s10+$0xFFFFFF50]  }
0xd3: {  	v6 =	vmul.f32 v6, v4;
	v11 =	vld [tilespmem:s10+$0xFFFFFF60];
	[tilespmem:s10+$0xF0] =	vst v8  }
0xd4: {  	[tilespmem:s10+$0xFFFFFF00] =	vst v7;
	v7 =	vmul.f32 v14, v4;
	v8 =	vld [tilespmem:s10+$0xFFFFFF70]  }
0xd5: {  	[tilespmem:s10+$0xFFFFFF10] =	vst v6;
	v5 =	vmul.f32 v5, v4;
	v6 =	vld [tilespmem:s10+$0xFFFFFF80]  }
0xd6: {  	[tilespmem:s10+$0xFFFFFF20] =	vst v7;
	v7 =	vmul.f32 v9, v4;
	v9 =	vld [tilespmem:s10+$0xFFFFFF90]  }
0xd7: {  	[tilespmem:s10+$0xFFFFFF30] =	vst v5;
	v5 =	vmul.f32 v10, v4;
	v10 =	vld [tilespmem:s10+$0xFFFFFFA0]  }
0xd8: {  	[tilespmem:s10+$0xFFFFFF40] =	vst v7;
	v7 =	vmul.f32 v11, v4;
	v11 =	vld [tilespmem:s10+$0xFFFFFFB0]  }
0xd9: {  	[tilespmem:s10+$0xFFFFFF50] =	vst v5;
	v4 =	vmul.f32 v8, v4;
	v5 =	vld [tilespmem:s10+$0xFFFFFFC0]  }
0xda: {  	[tilespmem:s10+$0xFFFFFF60] =	vst v7;
	v6 =	vmul.f32 v6, v12;
	v7 =	vld [tilespmem:s10+$0xFFFFFFD0]  }
0xdb: {  	[tilespmem:s10+$0xFFFFFF70] =	vst v4;
	v4 =	vmul.f32 v9, v12;
	v8 =	vld [tilespmem:s10+$0xFFFFFFE0]  }
0xdc: {  	[tilespmem:s10+$0xFFFFFF80] =	vst v6;
	v6 =	vmul.f32 v10, v12;
	v9 =	vld [tilespmem:s10+$0xFFFFFFF0]  }
0xdd: {  	[tilespmem:s10+$0xFFFFFF90] =	vst v4;
	v4 =	vmul.f32 v11, v12;
	v10 =	vld [tilespmem:s10+$0x0]  }
0xde: {  	[tilespmem:s10+$0xFFFFFFA0] =	vst v6;
	v5 =	vmul.f32 v5, v12;
	v6 =	vld [tilespmem:s10+$0x10]  }
0xdf: {  	[tilespmem:s10+$0xFFFFFFB0] =	vst v4;
	v4 =	vmul.f32 v7, v12;
	v7 =	vld [tilespmem:s10+$0x20]  }
0xe0: {  	[tilespmem:s10+$0xFFFFFFC0] =	vst v5;
	v5 =	vmul.f32 v8, v12;
	v8 =	vld [tilespmem:s10+$0x30]  }
0xe1: {  	[tilespmem:s10+$0xFFFFFFD0] =	vst v4;
	v4 =	vmul.f32 v9, v12;
	v9 =	vld [tilespmem:s10+$0x40]  }
0xe2: {  	[tilespmem:s10+$0xFFFFFFE0] =	vst v5;
	v5 =	vmul.f32 v10, v3;
	v10 =	vld [tilespmem:s10+$0x50]  }
0xe3: {  	[tilespmem:s10+$0xFFFFFFF0] =	vst v4;
	v4 =	vmul.f32 v6, v3;
	v11 =	vld [tilespmem:s10+$0x60]  }
.Ltmp1:
0xe4: {  	[tilespmem:s10+$0x0] =	vst v5;
	v6 =	vmul.f32 v7, v3;
	v5 =	vld [tilespmem:s10+$0x70];
	(pc) =	sbr.rel @p0 .LBB2_4-.Ltmp1, $4  }
0xe5: {  	[tilespmem:s10+$0x10] =	vst v4;
	v4 =	vmul.f32 v8, v3;
	v8 =	vld [tilespmem:s10+$0x80]  }
0xe6: {  	[tilespmem:s10+$0x20] =	vst v6;
	v9 =	vmul.f32 v9, v3;
	v6 =	vld [tilespmem:s10+$0x90]  }
0xe7: {  	[tilespmem:s10+$0x30] =	vst v4;
	v10 =	vmul.f32 v10, v3;
	v7 =	vld [tilespmem:s10+$0xA0]  }
0xe8: {  	s5 =	sadd.s32 $0x10, s5;
	[tilespmem:s10+$0x40] =	vst v9;
	v9 =	vmul.f32 v11, v3;
	v4 =	vld [tilespmem:s10+$0xB0]  }
0xe9: {  	[tilespmem:s10+$0x50] =	vst v10  }
0xea: {  	v10 =	vld [tilespmem:s10+$0xC0];
	v3 =	vmul.f32 v5, v3;
	[tilespmem:s4+$0xE0] =	vst v2  }
0xeb: {  	v5 =	vld [tilespmem:s10+$0xD0];
	v8 =	vmul.f32 v8, v1;
	[tilespmem:s10+$0x60] =	vst v9  }
0xec: {  	v6 =	vmul.f32 v6, v1;
	[tilespmem:s10+$0x70] =	vst v3;
	v3 =	vmul.f32 v7, v1;
	v7 =	vld [tilespmem:s12+$0xE0]  }
0xed: {  	[tilespmem:s12+$0x80] =	vst v8  }
0xee: {  	[tilespmem:s12+$0x90] =	vst v6;
	v4 =	vmul.f32 v4, v1  }
0xef: {  	[tilespmem:s12+$0xA0] =	vst v3;
	v3 =	vmul.f32 v10, v1  }
0xf0: {  	[tilespmem:s12+$0xB0] =	vst v4;
	v4 =	vmul.f32 v5, v1  }
0xf1: {  	[tilespmem:s12+$0xC0] =	vst v3;
	v1 =	vmul.f32 v7, v1  }
0xf2: {  	[tilespmem:s12+$0xD0] =	vst v4  }
0xf3: {  	s10 =	simm.s32 $0x3F00;
	[tilespmem:s12+$0xE0] =	vst v1  }
0xf4: {  	[spmem:s2] =	stream.indirect.scatter.add.f32 [tilespmem:s26], [sflag:$0x4], $0x80, s10, s25, $0xb8;
	[tilespmem:$0x1FA00] =	vst v63  }
0xf5: {  	s11 =	simm.s32 $0xA0  }
0xf6: {  	[tilespmem:s0], [sflag:$0x3] =	stream.indirect.gather [hbm4b:s1+s25], $0x80, s11, s25, $0xb8;
	[tilespmem:$0x1FA00] =	vst v63  }
0xf7: {  	_ =	swait.ge [sflag:s20], $0x2800  }
0xf8: {  	[sflag:s20] =	ssyncset.done $0x0  }
0xf9: {  	[sflag:s20] =	ssyncadd.s32 $0xFFFFD800  }
0xfa: {  	v1 =	vld [tilespmem:$0x1550]  }
0xfb: {  	v2 =	vld [tilespmem:$0x2A50]  }
0xfc: {  	v3 =	vld [tilespmem:$0x1560]  }
0xfd: {  	v4 =	vld [tilespmem:$0x2A60]  }
0xfe: {  	v5 =	vld [tilespmem:$0x1570]  }
0xff: {  	[tilespmem:$0x3F80] =	vst v1;
	v1 =	vld [tilespmem:$0x2A70]  }
0x100: {  	[tilespmem:$0x4100] =	vst v2;
	v2 =	vld [tilespmem:$0x1580]  }
0x101: {  	[tilespmem:$0x3F90] =	vst v3;
	v3 =	vld [tilespmem:$0x2A80]  }
0x102: {  	[tilespmem:$0x4110] =	vst v4;
	v4 =	vld [tilespmem:$0x1590]  }
0x103: {  	[tilespmem:$0x3FA0] =	vst v5;
	v5 =	vld [tilespmem:$0x2A90]  }
0x104: {  	[tilespmem:$0x4120] =	vst v1  }
0x105: {  	[tilespmem:$0x3FB0] =	vst v2  }
0x106: {  	s12 =	simm.s32 $0x0;
	[tilespmem:$0x4130] =	vst v3  }
0x107: {  	s4 =	sand.u32 $0x1C0, s12;
	[tilespmem:$0x3FC0] =	vst v4  }
0x108: {  	s4 =	sshrl.u32 s4, $0x2;
	[tilespmem:$0x4140] =	vst v5  }
0x109: {  	s10 =	simm.s32 $0x6D00;
	v1 =	vld [tilespmem:s4+$0x4100]  }
0x10a: {  	s4 =	simm.s32 $0x6B00;
	v55 =	vld [tilespmem:s10+$0xFFFFFF20]  }
0x10b: {  	v2 =	vld [tilespmem:s4+$0xFFFFFF00]  }
0x10c: {  	s5 =	simm.s32 $0x0;
	v3 =	vld [tilespmem:s4+$0xFFFFFF10]  }
0x10d: {  	s5 =	sand.u32 $0xC, s5;
	v5 =	vld [tilespmem:s4+$0xFFFFFF20]  }
0x10e: {  	v4 =	vmov s5;
	v6 =	vld [tilespmem:s4+$0xFFFFFF30]  }
0x10f: {  	v7 =	vld [tilespmem:s4+$0xFFFFFF40];
	v4 =	vperm.xlane v1, v4  }
0x110: {  	s6 =	simm.s32 $0x1;
	v16 =	vld [tilespmem:s4+$0xFFFFFFB0]  }
0x111: {  	s14 =	sand.u32 $0xD, s6;
	v17 =	vld [tilespmem:s4+$0xFFFFFFC0];
	v2 =	vmul.f32 v2, v4  }
0x112: {  	v14 =	vmov s14;
	v8 =	vld [tilespmem:s4+$0xFFFFFF50];
	v3 =	vmul.f32 v3, v4  }
0x113: {  	v9 =	vld [tilespmem:s4+$0xFFFFFF60];
	v14 =	vperm.xlane v1, v14;
	v5 =	vmul.f32 v5, v4;
	[tilespmem:s4+$0xFFFFFF00] =	vst v2  }
0x114: {  	v10 =	vld [tilespmem:s4+$0xF0];
	v6 =	vmul.f32 v6, v4;
	[tilespmem:s4+$0xFFFFFF10] =	vst v3  }
0x115: {  	v11 =	vld [tilespmem:s4+$0xFFFFFF70];
	v49 =	vmul.f32 v16, v14;
	[tilespmem:s4+$0xFFFFFF20] =	vst v5  }
0x116: {  	v12 =	vld [tilespmem:s4+$0xFFFFFF80];
	v50 =	vmul.f32 v17, v14;
	[tilespmem:s4+$0xFFFFFF30] =	vst v6  }
0x117: {  	s13 =	simm.s32 $0x3;
	v13 =	vld [tilespmem:s4+$0xFFFFFF90];
	v5 =	vmul.f32 v7, v4;
	[tilespmem:s4+$0xFFFFFFB0] =	vst v49  }
0x118: {  	v15 =	vld [tilespmem:s4+$0xFFFFFFA0];
	v2 =	vmov s13;
	v6 =	vmul.f32 v8, v4;
	[tilespmem:s4+$0xFFFFFFC0] =	vst v50  }
0x119: {  	v48 =	vld [tilespmem:s4+$0xFFFFFFD0];
	v2 =	vperm.xlane v1, v2;
	[tilespmem:s4+$0xFFFFFF40] =	vst v5;
	v5 =	vmul.f32 v9, v4  }
0x11a: {  	v3 =	vld [tilespmem:s4+$0xFFFFFFE0];
	[tilespmem:s4+$0xFFFFFF50] =	vst v6;
	v4 =	vmul.f32 v11, v4  }
0x11b: {  	s15 =	simm.s32 $0x2;
	v8 =	vld [tilespmem:s4+$0x0];
	v10 =	vmul.f32 v10, v2;
	[tilespmem:s4+$0xFFFFFF60] =	vst v5  }
0x11c: {  	s5 =	sand.u32 $0xE, s15;
	v51 =	vld [tilespmem:s4+$0x70];
	v5 =	vmul.f32 v13, v14;
	[tilespmem:s4+$0xFFFFFF70] =	vst v4  }
0x11d: {  	v7 =	vld [tilespmem:s4+$0xFFFFFFF0];
	v6 =	vmov s5;
	v4 =	vmul.f32 v15, v14;
	[tilespmem:s4+$0xF0] =	vst v10  }
0x11e: {  	v1 =	vperm.xlane v1, v6;
	v6 =	vld [tilespmem:s4+$0x30];
	v10 =	vmul.f32 v12, v14;
	[tilespmem:s4+$0xFFFFFF90] =	vst v5  }
0x11f: {  	v9 =	vld [tilespmem:s4+$0x10];
	v12 =	vmul.f32 v48, v14;
	[tilespmem:s4+$0xFFFFFFA0] =	vst v4  }
0x120: {  	v3 =	vmul.f32 v3, v14;
	v5 =	vmul.f32 v8, v1;
	v8 =	vld [tilespmem:s4+$0x50];
	[tilespmem:s4+$0xFFFFFF80] =	vst v10  }
0x121: {  	v4 =	vld [tilespmem:s4+$0x60];
	[tilespmem:s4+$0xFFFFFFD0] =	vst v12  }
0x122: {  	v7 =	vmul.f32 v7, v14;
	v10 =	vld [tilespmem:s4+$0x20];
	[tilespmem:s4+$0xFFFFFFE0] =	vst v3  }
0x123: {  	[tilespmem:s4+$0x0] =	vst v5;
	v5 =	vld [tilespmem:s4+$0x80];
	v6 =	vmul.f32 v6, v1  }
0x124: {  	v3 =	vmul.f32 v9, v1;
	[tilespmem:s4+$0xFFFFFFF0] =	vst v7;
	v7 =	vld [tilespmem:s4+$0xC0]  }
0x125: {  	v11 =	vld [tilespmem:s4+$0x40];
	[tilespmem:s4+$0x30] =	vst v6;
	v6 =	vmul.f32 v8, v1  }
0x126: {  	s16 =	simm.s32 $0x10;
	v52 =	vld [tilespmem:s4+$0x90];
	[tilespmem:s4+$0x10] =	vst v3;
	v4 =	vmul.f32 v4, v1  }
0x127: {  	v53 =	vld [tilespmem:s4+$0xA0];
	s5 =	sand.u32 $0x1C0, s16;
	v10 =	vmul.f32 v10, v1;
	[tilespmem:s4+$0x50] =	vst v6  }
0x128: {  	s5 =	sshrl.u32 s5, $0x2;
	v3 =	vld [tilespmem:s4+$0xD0];
	v5 =	vmul.f32 v5, v2;
	[tilespmem:s4+$0x60] =	vst v4  }
0x129: {  	v54 =	vld [tilespmem:s5+$0x4100];
	v7 =	vmul.f32 v7, v2;
	[tilespmem:s4+$0x20] =	vst v10  }
0x12a: {  	v9 =	vld [tilespmem:s4+$0xB0];
	[tilespmem:s4+$0x80] =	vst v5;
	v5 =	vmul.f32 v11, v1  }
0x12b: {  	s11 =	simm.s32 $0x4;
	v6 =	vld [tilespmem:s10+$0xFFFFFF10];
	v4 =	vmul.f32 v52, v2;
	[tilespmem:s4+$0xC0] =	vst v7  }
0x12c: {  	s17 =	sand.u32 $0xC, s11;
	v1 =	vmul.f32 v51, v1;
	[tilespmem:s4+$0x40] =	vst v5;
	v5 =	vld [tilespmem:s10+$0xFFFFFF00]  }
0x12d: {  	v56 =	vld [tilespmem:s10+$0xFFFFFF30];
	v3 =	vmul.f32 v3, v2;
	v11 =	vmov s17;
	[tilespmem:s4+$0x90] =	vst v4  }
0x12e: {  	v8 =	vld [tilespmem:s10+$0xF0];
	v11 =	vperm.xlane v54, v11;
	[tilespmem:s4+$0x70] =	vst v1;
	v1 =	vmul.f32 v53, v2  }
0x12f: {  	s21 =	simm.s32 $0x7;
	v57 =	vld [tilespmem:s10+$0xFFFFFF50];
	v4 =	vmul.f32 v9, v2;
	[tilespmem:s4+$0xD0] =	vst v3  }
0x130: {  	v7 =	vld [tilespmem:s10+$0xFFFFFF70];
	v3 =	vmul.f32 v6, v11;
	[tilespmem:s4+$0xA0] =	vst v1;
	v1 =	vmov s21  }
0x131: {  	[tilespmem:s4+$0xB0] =	vst v4;
	v4 =	vld [tilespmem:s10+$0xFFFFFF60];
	v1 =	vperm.xlane v54, v1;
	v5 =	vmul.f32 v5, v11  }
0x132: {  	v9 =	vld [tilespmem:s10+$0xFFFFFF40];
	[tilespmem:s10+$0xFFFFFF10] =	vst v3;
	v3 =	vmul.f32 v56, v11  }
0x133: {  	v6 =	vld [tilespmem:s10+$0xFFFFFF80];
	[tilespmem:s10+$0xFFFFFF00] =	vst v5;
	v5 =	vmul.f32 v8, v1  }
0x134: {  	s30 =	simm.s32 $0x5;
	[tilespmem:s10+$0xFFFFFF30] =	vst v3;
	v3 =	vmul.f32 v57, v11;
	v8 =	vld [tilespmem:s10+$0xFFFFFF90]  }
0x135: {  	v59 =	vld [tilespmem:s10+$0xFFFFFFA0];
	s5 =	sand.u32 $0xD, s30;
	[tilespmem:s10+$0xF0] =	vst v5;
	v5 =	vmul.f32 v55, v11  }
0x136: {  	v60 =	vld [tilespmem:s10+$0xFFFFFFC0];
	v58 =	vmov s5;
	v4 =	vmul.f32 v4, v11;
	[tilespmem:s10+$0xFFFFFF50] =	vst v3  }
0x137: {  	v13 =	vperm.xlane v54, v58;
	[tilespmem:s10+$0xFFFFFF20] =	vst v5;
	v5 =	vmul.f32 v9, v11;
	v9 =	vld [tilespmem:s10+$0xFFFFFFB0]  }
0x138: {  	v61 =	vld [tilespmem:s10+$0xFFFFFFE0];
	v3 =	vmul.f32 v7, v11;
	[tilespmem:s10+$0xFFFFFF60] =	vst v4  }
0x139: {  	v4 =	vmul.f32 v8, v13;
	[tilespmem:s10+$0xFFFFFF40] =	vst v5;
	v5 =	vmul.f32 v6, v13;
	v6 =	vld [tilespmem:s10+$0xFFFFFFD0]  }
0x13a: {  	v62 =	vld [tilespmem:s10+$0x20];
	[tilespmem:s10+$0xFFFFFF70] =	vst v3  }
0x13b: {  	s31 =	simm.s32 $0x6;
	v7 =	vld [tilespmem:s10+$0x0];
	v3 =	vmul.f32 v59, v13;
	[tilespmem:s10+$0xFFFFFF90] =	vst v4  }
0x13c: {  	s5 =	sand.u32 $0xE, s31;
	[tilespmem:s10+$0xFFFFFF80] =	vst v5;
	v5 =	vld [tilespmem:s10+$0xFFFFFFF0];
	v4 =	vmul.f32 v9, v13  }
0x13d: {  	[tilespmem:s10+$0xFFFFFFA0] =	vst v3;
	v11 =	vmul.f32 v60, v13;
	v8 =	vld [tilespmem:s10+$0x10];
	v9 =	vmov s5  }
0x13e: {  	v63 =	vld [tilespmem:s10+$0x50];
	v3 =	vperm.xlane v54, v9;
	[tilespmem:s10+$0xFFFFFFB0] =	vst v4;
	v4 =	vmul.f32 v6, v13  }
0x13f: {  	[tilespmem:s10+$0xFFFFFFC0] =	vst v11;
	v9 =	vmul.f32 v61, v13;
	v6 =	vld [tilespmem:s10+$0x30]  }
0x140: {  	v11 =	vld [tilespmem:s10+$0x40];
	[tilespmem:s10+$0xFFFFFFD0] =	vst v4;
	v4 =	vmul.f32 v7, v3  }
0x141: {  	v10 =	vld [tilespmem:s4+$0xE0];
	[tilespmem:s10+$0xFFFFFFE0] =	vst v9;
	v5 =	vmul.f32 v5, v13  }
0x142: {  	v9 =	vld [tilespmem:s10+$0x60];
	v7 =	vmul.f32 v8, v3;
	[tilespmem:s10+$0x0] =	vst v4  }
0x143: {  	[tilespmem:s10+$0xFFFFFFF0] =	vst v5;
	v4 =	vmul.f32 v62, v3;
	v5 =	vld [tilespmem:s10+$0x70]  }
0x144: {  	v8 =	vld [tilespmem:s10+$0x80];
	[tilespmem:s10+$0x10] =	vst v7;
	v7 =	vmul.f32 v6, v3  }
0x145: {  	v6 =	vld [tilespmem:s10+$0x90];
	[tilespmem:s10+$0x20] =	vst v4;
	v4 =	vmul.f32 v11, v3  }
0x146: {  	v2 =	vmul.f32 v10, v2;
	v10 =	vmul.f32 v63, v3;
	[tilespmem:s10+$0x30] =	vst v7;
	v7 =	vld [tilespmem:s10+$0xA0]  }
0x147: {  	s12 =	simm.s32 $0x6D00;
	s5 =	simm.s32 $0x20;
	v9 =	vmul.f32 v9, v3;
	[tilespmem:s10+$0x40] =	vst v4;
	v4 =	vld [tilespmem:s10+$0xB0]  }
.LBB2_6:
0x148: {  	s6 =	sand.u32 $0x1C0, s5;
	[tilespmem:s10+$0x50] =	vst v10;
	v3 =	vmul.f32 v5, v3;
	v5 =	vld [tilespmem:s10+$0xC0];
	s13 =	smov.u32 s11  }
0x149: {  	s6 =	sshrl.u32 s6, $0x2;
	[tilespmem:s10+$0x60] =	vst v9;
	v8 =	vmul.f32 v8, v1;
	v9 =	vld [tilespmem:s10+$0xD0]  }
0x14a: {  	v10 =	vld [tilespmem:s6+$0x4100];
	[tilespmem:s10+$0x70] =	vst v3;
	v3 =	vmul.f32 v6, v1  }
0x14b: {  	s11 =	sadd.s32 $0x4, s11;
	s10 =	sadd.s32 $0x200, s10;
	[tilespmem:s12+$0x80] =	vst v8;
	v6 =	vmul.f32 v7, v1;
	v7 =	vld [tilespmem:s12+$0xE0]  }
0x14c: {  	s14 =	sadd.s32 $0x5, s13;
	p0 =	slt.u32 s11, $0x4C;
	s6 =	sand.u32 $0xC, s11;
	v8 =	vld [tilespmem:s10+$0xF0];
	[tilespmem:s12+$0x90] =	vst v3;
	v3 =	vmul.f32 v4, v1  }
0x14d: {  	v4 =	vmov s6;
	s6 =	sand.u32 $0xD, s14;
	s14 =	sadd.s32 $0x6, s13;
	s13 =	sadd.s32 $0x7, s13;
	v11 =	vld [tilespmem:s10+$0xFFFFFF00];
	[tilespmem:s12+$0xA0] =	vst v6;
	v5 =	vmul.f32 v5, v1  }
0x14e: {  	v12 =	vmov s6;
	s6 =	sand.u32 $0xE, s14;
	v13 =	vmov s13;
	v6 =	vld [tilespmem:s10+$0xFFFFFF10];
	[tilespmem:s12+$0xB0] =	vst v3;
	v9 =	vmul.f32 v9, v1  }
0x14f: {  	v3 =	vmov s6;
	v4 =	vperm.xlane v10, v4;
	v14 =	vld [tilespmem:s10+$0xFFFFFF20];
	v13 =	vperm.xlane v10, v13;
	[tilespmem:s12+$0xC0] =	vst v5  }
0x150: {  	v12 =	vperm.xlane v10, v12;
	v3 =	vperm.xlane v10, v3;
	v5 =	vld [tilespmem:s10+$0xFFFFFF30];
	[tilespmem:s12+$0xD0] =	vst v9  }
0x151: {  	v9 =	vld [tilespmem:s10+$0xFFFFFF40];
	v8 =	vmul.f32 v8, v13;
	[tilespmem:s4+$0xE0] =	vst v2;
	v2 =	vmul.f32 v7, v1;
	v1 =	vmov v13;
	s4 =	smov.u32 s12;
	s12 =	smov.u32 s10  }
0x152: {  	v7 =	vmul.f32 v11, v4;
	v10 =	vld [tilespmem:s10+$0xFFFFFF50]  }
0x153: {  	v6 =	vmul.f32 v6, v4;
	v11 =	vld [tilespmem:s10+$0xFFFFFF60];
	[tilespmem:s10+$0xF0] =	vst v8  }
0x154: {  	[tilespmem:s10+$0xFFFFFF00] =	vst v7;
	v7 =	vmul.f32 v14, v4;
	v8 =	vld [tilespmem:s10+$0xFFFFFF70]  }
0x155: {  	[tilespmem:s10+$0xFFFFFF10] =	vst v6;
	v5 =	vmul.f32 v5, v4;
	v6 =	vld [tilespmem:s10+$0xFFFFFF80]  }
0x156: {  	[tilespmem:s10+$0xFFFFFF20] =	vst v7;
	v7 =	vmul.f32 v9, v4;
	v9 =	vld [tilespmem:s10+$0xFFFFFF90]  }
0x157: {  	[tilespmem:s10+$0xFFFFFF30] =	vst v5;
	v5 =	vmul.f32 v10, v4;
	v10 =	vld [tilespmem:s10+$0xFFFFFFA0]  }
0x158: {  	[tilespmem:s10+$0xFFFFFF40] =	vst v7;
	v7 =	vmul.f32 v11, v4;
	v11 =	vld [tilespmem:s10+$0xFFFFFFB0]  }
0x159: {  	[tilespmem:s10+$0xFFFFFF50] =	vst v5;
	v4 =	vmul.f32 v8, v4;
	v5 =	vld [tilespmem:s10+$0xFFFFFFC0]  }
0x15a: {  	[tilespmem:s10+$0xFFFFFF60] =	vst v7;
	v6 =	vmul.f32 v6, v12;
	v7 =	vld [tilespmem:s10+$0xFFFFFFD0]  }
0x15b: {  	[tilespmem:s10+$0xFFFFFF70] =	vst v4;
	v4 =	vmul.f32 v9, v12;
	v8 =	vld [tilespmem:s10+$0xFFFFFFE0]  }
0x15c: {  	[tilespmem:s10+$0xFFFFFF80] =	vst v6;
	v6 =	vmul.f32 v10, v12;
	v9 =	vld [tilespmem:s10+$0xFFFFFFF0]  }
0x15d: {  	[tilespmem:s10+$0xFFFFFF90] =	vst v4;
	v4 =	vmul.f32 v11, v12;
	v10 =	vld [tilespmem:s10+$0x0]  }
0x15e: {  	[tilespmem:s10+$0xFFFFFFA0] =	vst v6;
	v5 =	vmul.f32 v5, v12;
	v6 =	vld [tilespmem:s10+$0x10]  }
0x15f: {  	[tilespmem:s10+$0xFFFFFFB0] =	vst v4;
	v4 =	vmul.f32 v7, v12;
	v7 =	vld [tilespmem:s10+$0x20]  }
0x160: {  	[tilespmem:s10+$0xFFFFFFC0] =	vst v5;
	v5 =	vmul.f32 v8, v12;
	v8 =	vld [tilespmem:s10+$0x30]  }
0x161: {  	[tilespmem:s10+$0xFFFFFFD0] =	vst v4;
	v4 =	vmul.f32 v9, v12;
	v9 =	vld [tilespmem:s10+$0x40]  }
0x162: {  	[tilespmem:s10+$0xFFFFFFE0] =	vst v5;
	v5 =	vmul.f32 v10, v3;
	v10 =	vld [tilespmem:s10+$0x50]  }
0x163: {  	[tilespmem:s10+$0xFFFFFFF0] =	vst v4;
	v4 =	vmul.f32 v6, v3;
	v11 =	vld [tilespmem:s10+$0x60]  }
.Ltmp2:
0x164: {  	[tilespmem:s10+$0x0] =	vst v5;
	v6 =	vmul.f32 v7, v3;
	v5 =	vld [tilespmem:s10+$0x70];
	(pc) =	sbr.rel @p0 .LBB2_6-.Ltmp2, $4  }
0x165: {  	[tilespmem:s10+$0x10] =	vst v4;
	v4 =	vmul.f32 v8, v3;
	v8 =	vld [tilespmem:s10+$0x80]  }
0x166: {  	[tilespmem:s10+$0x20] =	vst v6;
	v9 =	vmul.f32 v9, v3;
	v6 =	vld [tilespmem:s10+$0x90]  }
0x167: {  	[tilespmem:s10+$0x30] =	vst v4;
	v10 =	vmul.f32 v10, v3;
	v7 =	vld [tilespmem:s10+$0xA0]  }
0x168: {  	s5 =	sadd.s32 $0x10, s5;
	[tilespmem:s10+$0x40] =	vst v9;
	v9 =	vmul.f32 v11, v3;
	v4 =	vld [tilespmem:s10+$0xB0]  }
0x169: {  	[tilespmem:s10+$0x50] =	vst v10  }
0x16a: {  	v10 =	vld [tilespmem:s10+$0xC0];
	v3 =	vmul.f32 v5, v3;
	[tilespmem:s4+$0xE0] =	vst v2  }
0x16b: {  	v5 =	vld [tilespmem:s10+$0xD0];
	v8 =	vmul.f32 v8, v1;
	[tilespmem:s10+$0x60] =	vst v9  }
0x16c: {  	v6 =	vmul.f32 v6, v1;
	[tilespmem:s10+$0x70] =	vst v3;
	v3 =	vmul.f32 v7, v1;
	v7 =	vld [tilespmem:s12+$0xE0]  }
0x16d: {  	[tilespmem:s12+$0x80] =	vst v8  }
0x16e: {  	[tilespmem:s12+$0x90] =	vst v6;
	v4 =	vmul.f32 v4, v1  }
0x16f: {  	[tilespmem:s12+$0xA0] =	vst v3;
	v3 =	vmul.f32 v10, v1  }
0x170: {  	[tilespmem:s12+$0xB0] =	vst v4;
	v4 =	vmul.f32 v5, v1  }
0x171: {  	[tilespmem:s12+$0xC0] =	vst v3;
	v1 =	vmul.f32 v7, v1  }
0x172: {  	[tilespmem:s12+$0xD0] =	vst v4  }
0x173: {  	s10 =	simm.s32 $0x3F80;
	[tilespmem:s12+$0xE0] =	vst v1  }
0x174: {  	[spmem:s2] =	stream.indirect.scatter.add.f32 [tilespmem:s28], [sflag:$0x5], $0x80, s10, s25, $0xb8;
	[tilespmem:$0x1FA00] =	vst v63  }
0x175: {  	_ =	swait.ge [sflag:s22], $0x2800  }
0x176: {  	[sflag:s22] =	ssyncset.done $0x0  }
0x177: {  	s11 =	simm.s32 $0xF0;
	[sflag:s22] =	ssyncadd.s32 $0xFFFFD800  }
0x178: {  	[tilespmem:s26], [sflag:$0x1] =	stream.indirect.gather [hbm4b:s1+s25], $0x80, s11, s25, $0xb8;
	[tilespmem:$0x1FA00] =	vst v63  }
0x179: {  	_ =	swait.ge [sflag:s24], $0x2800  }
0x17a: {  	[sflag:s24] =	ssyncset.done $0x0  }
0x17b: {  	[sflag:s24] =	ssyncadd.s32 $0xFFFFD800  }
0x17c: {  	v1 =	vld [tilespmem:$0x15A0]  }
0x17d: {  	v2 =	vld [tilespmem:$0x2AA0]  }
0x17e: {  	v3 =	vld [tilespmem:$0x15B0]  }
0x17f: {  	v4 =	vld [tilespmem:$0x2AB0]  }
0x180: {  	v5 =	vld [tilespmem:$0x15C0]  }
0x181: {  	[tilespmem:$0x4000] =	vst v1;
	v1 =	vld [tilespmem:$0x2AC0]  }
0x182: {  	[tilespmem:$0x4180] =	vst v2;
	v2 =	vld [tilespmem:$0x15D0]  }
0x183: {  	[tilespmem:$0x4010] =	vst v3;
	v3 =	vld [tilespmem:$0x2AD0]  }
0x184: {  	[tilespmem:$0x4190] =	vst v4;
	v4 =	vld [tilespmem:$0x15E0]  }
0x185: {  	[tilespmem:$0x4020] =	vst v5;
	v5 =	vld [tilespmem:$0x2AE0]  }
0x186: {  	[tilespmem:$0x41A0] =	vst v1  }
0x187: {  	[tilespmem:$0x4030] =	vst v2  }
0x188: {  	s12 =	simm.s32 $0x0;
	[tilespmem:$0x41B0] =	vst v3  }
0x189: {  	s4 =	sand.u32 $0x1C0, s12;
	[tilespmem:$0x4040] =	vst v4  }
0x18a: {  	s4 =	sshrl.u32 s4, $0x2;
	[tilespmem:$0x41C0] =	vst v5  }
0x18b: {  	s10 =	simm.s32 $0x9500;
	v1 =	vld [tilespmem:s4+$0x4180]  }
0x18c: {  	s4 =	simm.s32 $0x9300;
	v55 =	vld [tilespmem:s10+$0xFFFFFF20]  }
0x18d: {  	v2 =	vld [tilespmem:s4+$0xFFFFFF00]  }
0x18e: {  	s5 =	simm.s32 $0x0;
	v3 =	vld [tilespmem:s4+$0xFFFFFF10]  }
0x18f: {  	s5 =	sand.u32 $0xC, s5;
	v5 =	vld [tilespmem:s4+$0xFFFFFF20]  }
0x190: {  	v4 =	vmov s5;
	v6 =	vld [tilespmem:s4+$0xFFFFFF30]  }
0x191: {  	v7 =	vld [tilespmem:s4+$0xFFFFFF40];
	v4 =	vperm.xlane v1, v4  }
0x192: {  	s6 =	simm.s32 $0x1;
	v16 =	vld [tilespmem:s4+$0xFFFFFFB0]  }
0x193: {  	s14 =	sand.u32 $0xD, s6;
	v17 =	vld [tilespmem:s4+$0xFFFFFFC0];
	v2 =	vmul.f32 v2, v4  }
0x194: {  	v14 =	vmov s14;
	v8 =	vld [tilespmem:s4+$0xFFFFFF50];
	v3 =	vmul.f32 v3, v4  }
0x195: {  	v9 =	vld [tilespmem:s4+$0xFFFFFF60];
	v14 =	vperm.xlane v1, v14;
	v5 =	vmul.f32 v5, v4;
	[tilespmem:s4+$0xFFFFFF00] =	vst v2  }
0x196: {  	v10 =	vld [tilespmem:s4+$0xF0];
	v6 =	vmul.f32 v6, v4;
	[tilespmem:s4+$0xFFFFFF10] =	vst v3  }
0x197: {  	v11 =	vld [tilespmem:s4+$0xFFFFFF70];
	v49 =	vmul.f32 v16, v14;
	[tilespmem:s4+$0xFFFFFF20] =	vst v5  }
0x198: {  	v12 =	vld [tilespmem:s4+$0xFFFFFF80];
	v50 =	vmul.f32 v17, v14;
	[tilespmem:s4+$0xFFFFFF30] =	vst v6  }
0x199: {  	s13 =	simm.s32 $0x3;
	v13 =	vld [tilespmem:s4+$0xFFFFFF90];
	v5 =	vmul.f32 v7, v4;
	[tilespmem:s4+$0xFFFFFFB0] =	vst v49  }
0x19a: {  	v15 =	vld [tilespmem:s4+$0xFFFFFFA0];
	v2 =	vmov s13;
	v6 =	vmul.f32 v8, v4;
	[tilespmem:s4+$0xFFFFFFC0] =	vst v50  }
0x19b: {  	v48 =	vld [tilespmem:s4+$0xFFFFFFD0];
	v2 =	vperm.xlane v1, v2;
	[tilespmem:s4+$0xFFFFFF40] =	vst v5;
	v5 =	vmul.f32 v9, v4  }
0x19c: {  	v3 =	vld [tilespmem:s4+$0xFFFFFFE0];
	[tilespmem:s4+$0xFFFFFF50] =	vst v6;
	v4 =	vmul.f32 v11, v4  }
0x19d: {  	s15 =	simm.s32 $0x2;
	v8 =	vld [tilespmem:s4+$0x0];
	v10 =	vmul.f32 v10, v2;
	[tilespmem:s4+$0xFFFFFF60] =	vst v5  }
0x19e: {  	s5 =	sand.u32 $0xE, s15;
	v51 =	vld [tilespmem:s4+$0x70];
	v5 =	vmul.f32 v13, v14;
	[tilespmem:s4+$0xFFFFFF70] =	vst v4  }
0x19f: {  	v7 =	vld [tilespmem:s4+$0xFFFFFFF0];
	v6 =	vmov s5;
	v4 =	vmul.f32 v15, v14;
	[tilespmem:s4+$0xF0] =	vst v10  }
0x1a0: {  	v1 =	vperm.xlane v1, v6;
	v6 =	vld [tilespmem:s4+$0x30];
	v10 =	vmul.f32 v12, v14;
	[tilespmem:s4+$0xFFFFFF90] =	vst v5  }
0x1a1: {  	v9 =	vld [tilespmem:s4+$0x10];
	v12 =	vmul.f32 v48, v14;
	[tilespmem:s4+$0xFFFFFFA0] =	vst v4  }
0x1a2: {  	v3 =	vmul.f32 v3, v14;
	v5 =	vmul.f32 v8, v1;
	v8 =	vld [tilespmem:s4+$0x50];
	[tilespmem:s4+$0xFFFFFF80] =	vst v10  }
0x1a3: {  	v4 =	vld [tilespmem:s4+$0x60];
	[tilespmem:s4+$0xFFFFFFD0] =	vst v12  }
0x1a4: {  	v7 =	vmul.f32 v7, v14;
	v10 =	vld [tilespmem:s4+$0x20];
	[tilespmem:s4+$0xFFFFFFE0] =	vst v3  }
0x1a5: {  	[tilespmem:s4+$0x0] =	vst v5;
	v5 =	vld [tilespmem:s4+$0x80];
	v6 =	vmul.f32 v6, v1  }
0x1a6: {  	v3 =	vmul.f32 v9, v1;
	[tilespmem:s4+$0xFFFFFFF0] =	vst v7;
	v7 =	vld [tilespmem:s4+$0xC0]  }
0x1a7: {  	v11 =	vld [tilespmem:s4+$0x40];
	[tilespmem:s4+$0x30] =	vst v6;
	v6 =	vmul.f32 v8, v1  }
0x1a8: {  	s16 =	simm.s32 $0x10;
	v52 =	vld [tilespmem:s4+$0x90];
	[tilespmem:s4+$0x10] =	vst v3;
	v4 =	vmul.f32 v4, v1  }
0x1a9: {  	v53 =	vld [tilespmem:s4+$0xA0];
	s5 =	sand.u32 $0x1C0, s16;
	v10 =	vmul.f32 v10, v1;
	[tilespmem:s4+$0x50] =	vst v6  }
0x1aa: {  	s5 =	sshrl.u32 s5, $0x2;
	v3 =	vld [tilespmem:s4+$0xD0];
	v5 =	vmul.f32 v5, v2;
	[tilespmem:s4+$0x60] =	vst v4  }
0x1ab: {  	v54 =	vld [tilespmem:s5+$0x4180];
	v7 =	vmul.f32 v7, v2;
	[tilespmem:s4+$0x20] =	vst v10  }
0x1ac: {  	v9 =	vld [tilespmem:s4+$0xB0];
	[tilespmem:s4+$0x80] =	vst v5;
	v5 =	vmul.f32 v11, v1  }
0x1ad: {  	s11 =	simm.s32 $0x4;
	v6 =	vld [tilespmem:s10+$0xFFFFFF10];
	v4 =	vmul.f32 v52, v2;
	[tilespmem:s4+$0xC0] =	vst v7  }
0x1ae: {  	s17 =	sand.u32 $0xC, s11;
	v1 =	vmul.f32 v51, v1;
	[tilespmem:s4+$0x40] =	vst v5;
	v5 =	vld [tilespmem:s10+$0xFFFFFF00]  }
0x1af: {  	v56 =	vld [tilespmem:s10+$0xFFFFFF30];
	v3 =	vmul.f32 v3, v2;
	v11 =	vmov s17;
	[tilespmem:s4+$0x90] =	vst v4  }
0x1b0: {  	v8 =	vld [tilespmem:s10+$0xF0];
	v11 =	vperm.xlane v54, v11;
	[tilespmem:s4+$0x70] =	vst v1;
	v1 =	vmul.f32 v53, v2  }
0x1b1: {  	s21 =	simm.s32 $0x7;
	v57 =	vld [tilespmem:s10+$0xFFFFFF50];
	v4 =	vmul.f32 v9, v2;
	[tilespmem:s4+$0xD0] =	vst v3  }
0x1b2: {  	v7 =	vld [tilespmem:s10+$0xFFFFFF70];
	v3 =	vmul.f32 v6, v11;
	[tilespmem:s4+$0xA0] =	vst v1;
	v1 =	vmov s21  }
0x1b3: {  	[tilespmem:s4+$0xB0] =	vst v4;
	v4 =	vld [tilespmem:s10+$0xFFFFFF60];
	v1 =	vperm.xlane v54, v1;
	v5 =	vmul.f32 v5, v11  }
0x1b4: {  	v9 =	vld [tilespmem:s10+$0xFFFFFF40];
	[tilespmem:s10+$0xFFFFFF10] =	vst v3;
	v3 =	vmul.f32 v56, v11  }
0x1b5: {  	v6 =	vld [tilespmem:s10+$0xFFFFFF80];
	[tilespmem:s10+$0xFFFFFF00] =	vst v5;
	v5 =	vmul.f32 v8, v1  }
0x1b6: {  	s30 =	simm.s32 $0x5;
	[tilespmem:s10+$0xFFFFFF30] =	vst v3;
	v3 =	vmul.f32 v57, v11;
	v8 =	vld [tilespmem:s10+$0xFFFFFF90]  }
0x1b7: {  	v59 =	vld [tilespmem:s10+$0xFFFFFFA0];
	s5 =	sand.u32 $0xD, s30;
	[tilespmem:s10+$0xF0] =	vst v5;
	v5 =	vmul.f32 v55, v11  }
0x1b8: {  	v60 =	vld [tilespmem:s10+$0xFFFFFFC0];
	v58 =	vmov s5;
	v4 =	vmul.f32 v4, v11;
	[tilespmem:s10+$0xFFFFFF50] =	vst v3  }
0x1b9: {  	v13 =	vperm.xlane v54, v58;
	[tilespmem:s10+$0xFFFFFF20] =	vst v5;
	v5 =	vmul.f32 v9, v11;
	v9 =	vld [tilespmem:s10+$0xFFFFFFB0]  }
0x1ba: {  	v61 =	vld [tilespmem:s10+$0xFFFFFFE0];
	v3 =	vmul.f32 v7, v11;
	[tilespmem:s10+$0xFFFFFF60] =	vst v4  }
0x1bb: {  	v4 =	vmul.f32 v8, v13;
	[tilespmem:s10+$0xFFFFFF40] =	vst v5;
	v5 =	vmul.f32 v6, v13;
	v6 =	vld [tilespmem:s10+$0xFFFFFFD0]  }
0x1bc: {  	v62 =	vld [tilespmem:s10+$0x20];
	[tilespmem:s10+$0xFFFFFF70] =	vst v3  }
0x1bd: {  	s31 =	simm.s32 $0x6;
	v7 =	vld [tilespmem:s10+$0x0];
	v3 =	vmul.f32 v59, v13;
	[tilespmem:s10+$0xFFFFFF90] =	vst v4  }
0x1be: {  	s5 =	sand.u32 $0xE, s31;
	[tilespmem:s10+$0xFFFFFF80] =	vst v5;
	v5 =	vld [tilespmem:s10+$0xFFFFFFF0];
	v4 =	vmul.f32 v9, v13  }
0x1bf: {  	[tilespmem:s10+$0xFFFFFFA0] =	vst v3;
	v11 =	vmul.f32 v60, v13;
	v8 =	vld [tilespmem:s10+$0x10];
	v9 =	vmov s5  }
0x1c0: {  	v63 =	vld [tilespmem:s10+$0x50];
	v3 =	vperm.xlane v54, v9;
	[tilespmem:s10+$0xFFFFFFB0] =	vst v4;
	v4 =	vmul.f32 v6, v13  }
0x1c1: {  	[tilespmem:s10+$0xFFFFFFC0] =	vst v11;
	v9 =	vmul.f32 v61, v13;
	v6 =	vld [tilespmem:s10+$0x30]  }
0x1c2: {  	v11 =	vld [tilespmem:s10+$0x40];
	[tilespmem:s10+$0xFFFFFFD0] =	vst v4;
	v4 =	vmul.f32 v7, v3  }
0x1c3: {  	v10 =	vld [tilespmem:s4+$0xE0];
	[tilespmem:s10+$0xFFFFFFE0] =	vst v9;
	v5 =	vmul.f32 v5, v13  }
0x1c4: {  	v9 =	vld [tilespmem:s10+$0x60];
	v7 =	vmul.f32 v8, v3;
	[tilespmem:s10+$0x0] =	vst v4  }
0x1c5: {  	[tilespmem:s10+$0xFFFFFFF0] =	vst v5;
	v4 =	vmul.f32 v62, v3;
	v5 =	vld [tilespmem:s10+$0x70]  }
0x1c6: {  	v8 =	vld [tilespmem:s10+$0x80];
	[tilespmem:s10+$0x10] =	vst v7;
	v7 =	vmul.f32 v6, v3  }
0x1c7: {  	v6 =	vld [tilespmem:s10+$0x90];
	[tilespmem:s10+$0x20] =	vst v4;
	v4 =	vmul.f32 v11, v3  }
0x1c8: {  	v2 =	vmul.f32 v10, v2;
	v10 =	vmul.f32 v63, v3;
	[tilespmem:s10+$0x30] =	vst v7;
	v7 =	vld [tilespmem:s10+$0xA0]  }
0x1c9: {  	s12 =	simm.s32 $0x9500;
	s5 =	simm.s32 $0x20;
	v9 =	vmul.f32 v9, v3;
	[tilespmem:s10+$0x40] =	vst v4;
	v4 =	vld [tilespmem:s10+$0xB0]  }
.LBB2_8:
0x1ca: {  	s6 =	sand.u32 $0x1C0, s5;
	[tilespmem:s10+$0x50] =	vst v10;
	v3 =	vmul.f32 v5, v3;
	v5 =	vld [tilespmem:s10+$0xC0];
	s13 =	smov.u32 s11  }
0x1cb: {  	s6 =	sshrl.u32 s6, $0x2;
	[tilespmem:s10+$0x60] =	vst v9;
	v8 =	vmul.f32 v8, v1;
	v9 =	vld [tilespmem:s10+$0xD0]  }
0x1cc: {  	v10 =	vld [tilespmem:s6+$0x4180];
	[tilespmem:s10+$0x70] =	vst v3;
	v3 =	vmul.f32 v6, v1  }
0x1cd: {  	s11 =	sadd.s32 $0x4, s11;
	s10 =	sadd.s32 $0x200, s10;
	[tilespmem:s12+$0x80] =	vst v8;
	v6 =	vmul.f32 v7, v1;
	v7 =	vld [tilespmem:s12+$0xE0]  }
0x1ce: {  	s14 =	sadd.s32 $0x5, s13;
	p0 =	slt.u32 s11, $0x4C;
	s6 =	sand.u32 $0xC, s11;
	v8 =	vld [tilespmem:s10+$0xF0];
	[tilespmem:s12+$0x90] =	vst v3;
	v3 =	vmul.f32 v4, v1  }
0x1cf: {  	v4 =	vmov s6;
	s6 =	sand.u32 $0xD, s14;
	s14 =	sadd.s32 $0x6, s13;
	s13 =	sadd.s32 $0x7, s13;
	v11 =	vld [tilespmem:s10+$0xFFFFFF00];
	[tilespmem:s12+$0xA0] =	vst v6;
	v5 =	vmul.f32 v5, v1  }
0x1d0: {  	v12 =	vmov s6;
	s6 =	sand.u32 $0xE, s14;
	v13 =	vmov s13;
	v6 =	vld [tilespmem:s10+$0xFFFFFF10];
	[tilespmem:s12+$0xB0] =	vst v3;
	v9 =	vmul.f32 v9, v1  }
0x1d1: {  	v3 =	vmov s6;
	v4 =	vperm.xlane v10, v4;
	v14 =	vld [tilespmem:s10+$0xFFFFFF20];
	v13 =	vperm.xlane v10, v13;
	[tilespmem:s12+$0xC0] =	vst v5  }
0x1d2: {  	v12 =	vperm.xlane v10, v12;
	v3 =	vperm.xlane v10, v3;
	v5 =	vld [tilespmem:s10+$0xFFFFFF30];
	[tilespmem:s12+$0xD0] =	vst v9  }
0x1d3: {  	v9 =	vld [tilespmem:s10+$0xFFFFFF40];
	v8 =	vmul.f32 v8, v13;
	[tilespmem:s4+$0xE0] =	vst v2;
	v2 =	vmul.f32 v7, v1;
	v1 =	vmov v13;
	s4 =	smov.u32 s12;
	s12 =	smov.u32 s10  }
0x1d4: {  	v7 =	vmul.f32 v11, v4;
	v10 =	vld [tilespmem:s10+$0xFFFFFF50]  }
0x1d5: {  	v6 =	vmul.f32 v6, v4;
	v11 =	vld [tilespmem:s10+$0xFFFFFF60];
	[tilespmem:s10+$0xF0] =	vst v8  }
0x1d6: {  	[tilespmem:s10+$0xFFFFFF00] =	vst v7;
	v7 =	vmul.f32 v14, v4;
	v8 =	vld [tilespmem:s10+$0xFFFFFF70]  }
0x1d7: {  	[tilespmem:s10+$0xFFFFFF10] =	vst v6;
	v5 =	vmul.f32 v5, v4;
	v6 =	vld [tilespmem:s10+$0xFFFFFF80]  }
0x1d8: {  	[tilespmem:s10+$0xFFFFFF20] =	vst v7;
	v7 =	vmul.f32 v9, v4;
	v9 =	vld [tilespmem:s10+$0xFFFFFF90]  }
0x1d9: {  	[tilespmem:s10+$0xFFFFFF30] =	vst v5;
	v5 =	vmul.f32 v10, v4;
	v10 =	vld [tilespmem:s10+$0xFFFFFFA0]  }
0x1da: {  	[tilespmem:s10+$0xFFFFFF40] =	vst v7;
	v7 =	vmul.f32 v11, v4;
	v11 =	vld [tilespmem:s10+$0xFFFFFFB0]  }
0x1db: {  	[tilespmem:s10+$0xFFFFFF50] =	vst v5;
	v4 =	vmul.f32 v8, v4;
	v5 =	vld [tilespmem:s10+$0xFFFFFFC0]  }
0x1dc: {  	[tilespmem:s10+$0xFFFFFF60] =	vst v7;
	v6 =	vmul.f32 v6, v12;
	v7 =	vld [tilespmem:s10+$0xFFFFFFD0]  }
0x1dd: {  	[tilespmem:s10+$0xFFFFFF70] =	vst v4;
	v4 =	vmul.f32 v9, v12;
	v8 =	vld [tilespmem:s10+$0xFFFFFFE0]  }
0x1de: {  	[tilespmem:s10+$0xFFFFFF80] =	vst v6;
	v6 =	vmul.f32 v10, v12;
	v9 =	vld [tilespmem:s10+$0xFFFFFFF0]  }
0x1df: {  	[tilespmem:s10+$0xFFFFFF90] =	vst v4;
	v4 =	vmul.f32 v11, v12;
	v10 =	vld [tilespmem:s10+$0x0]  }
0x1e0: {  	[tilespmem:s10+$0xFFFFFFA0] =	vst v6;
	v5 =	vmul.f32 v5, v12;
	v6 =	vld [tilespmem:s10+$0x10]  }
0x1e1: {  	[tilespmem:s10+$0xFFFFFFB0] =	vst v4;
	v4 =	vmul.f32 v7, v12;
	v7 =	vld [tilespmem:s10+$0x20]  }
0x1e2: {  	[tilespmem:s10+$0xFFFFFFC0] =	vst v5;
	v5 =	vmul.f32 v8, v12;
	v8 =	vld [tilespmem:s10+$0x30]  }
0x1e3: {  	[tilespmem:s10+$0xFFFFFFD0] =	vst v4;
	v4 =	vmul.f32 v9, v12;
	v9 =	vld [tilespmem:s10+$0x40]  }
0x1e4: {  	[tilespmem:s10+$0xFFFFFFE0] =	vst v5;
	v5 =	vmul.f32 v10, v3;
	v10 =	vld [tilespmem:s10+$0x50]  }
0x1e5: {  	[tilespmem:s10+$0xFFFFFFF0] =	vst v4;
	v4 =	vmul.f32 v6, v3;
	v11 =	vld [tilespmem:s10+$0x60]  }
.Ltmp3:
0x1e6: {  	[tilespmem:s10+$0x0] =	vst v5;
	v6 =	vmul.f32 v7, v3;
	v5 =	vld [tilespmem:s10+$0x70];
	(pc) =	sbr.rel @p0 .LBB2_8-.Ltmp3, $4  }
0x1e7: {  	[tilespmem:s10+$0x10] =	vst v4;
	v4 =	vmul.f32 v8, v3;
	v8 =	vld [tilespmem:s10+$0x80]  }
0x1e8: {  	[tilespmem:s10+$0x20] =	vst v6;
	v9 =	vmul.f32 v9, v3;
	v6 =	vld [tilespmem:s10+$0x90]  }
0x1e9: {  	[tilespmem:s10+$0x30] =	vst v4;
	v10 =	vmul.f32 v10, v3;
	v7 =	vld [tilespmem:s10+$0xA0]  }
0x1ea: {  	s5 =	sadd.s32 $0x10, s5;
	[tilespmem:s10+$0x40] =	vst v9;
	v9 =	vmul.f32 v11, v3;
	v4 =	vld [tilespmem:s10+$0xB0]  }
0x1eb: {  	[tilespmem:s10+$0x50] =	vst v10  }
0x1ec: {  	v60 =	vld [tilespmem:s10+$0xC0];
	v3 =	vmul.f32 v5, v3;
	[tilespmem:s4+$0xE0] =	vst v2  }
0x1ed: {  	v61 =	vld [tilespmem:s10+$0xD0];
	v8 =	vmul.f32 v8, v1;
	[tilespmem:s10+$0x60] =	vst v9  }
0x1ee: {  	v62 =	vld [tilespmem:s12+$0xE0];
	v6 =	vmul.f32 v6, v1;
	[tilespmem:s10+$0x70] =	vst v3  }
0x1ef: {  	[tilespmem:s12+$0x80] =	vst v8;
	v3 =	vmul.f32 v7, v1  }
0x1f0: {  	[tilespmem:s12+$0x90] =	vst v6;
	v4 =	vmul.f32 v4, v1  }
0x1f1: {  	[tilespmem:s12+$0xA0] =	vst v3;
	v3 =	vmul.f32 v60, v1  }
0x1f2: {  	v63 =	vmul.f32 v61, v1;
	[tilespmem:s12+$0xB0] =	vst v4  }
0x1f3: {  	v1 =	vmul.f32 v62, v1;
	[tilespmem:s12+$0xC0] =	vst v3  }
0x1f4: {  	[tilespmem:s12+$0xD0] =	vst v63  }
0x1f5: {  	s30 =	simm.s32 $0x4000;
	[tilespmem:s12+$0xE0] =	vst v1  }
0x1f6: {  	[spmem:s2] =	stream.indirect.scatter.add.f32 [tilespmem:s0], [sflag:$0x6], $0x80, s30, s25, $0xb8;
	[tilespmem:$0x1FA00] =	vst v63  }
0x1f7: {  	s31 =	simm.s32 $0x140;
	_ =	swait.ge [sflag:s23], $0x2800  }
0x1f8: {  	s4 =	simm.s32 $0x3;
	s11 =	simm.s32 $0x0;
	[sflag:s23] =	ssyncset.done $0x0  }
0x1f9: {  	s10 =	simm.s32 $0x0;
	s12 =	simm.s32 $0x0;
	[sflag:s23] =	ssyncadd.s32 $0xFFFFD800  }
0x1fa: {  	[tilespmem:s28], [sflag:$0x2] =	stream.indirect.gather [hbm4b:s1+s25], $0x80, s31, s25, $0xb8;
	[tilespmem:$0x1FA00] =	vst v63  }
.LBB2_10:
0x1fb: {  	_ =	swait.ge [sflag:s29], $0x2800  }
0x1fc: {  	p0 =	seq.s32 s12, $0x0;
	s5 =	smul.u32 $0x50, s4;
	s14 =	simm.s32 $0x1500  }
0x1fd: {  	[sflag:s29] =	ssyncset.done $0x0;
	s14 =	simm.s32 @!p0 $0x1F80  }
0x1fe: {  	[sflag:s29] =	ssyncadd.s32 $0xFFFFD800;
	s6 =	sadd.s32 s5, s14  }
0x1ff: {  	v1 =	vld [tilespmem:s6+$0x0];
	_ =	sdelay $0x2  }
0x200: {  	s15 =	simm.s32 $0x2A00  }
0x201: {  	s15 =	simm.s32 @!p0 $0x3480  }
0x202: {  	s31 =	sadd.s32 s5, s15;
	[tilespmem:$0x3F00] =	vst v1  }
0x203: {  	v1 =	vld [tilespmem:s31+$0x0];
	_ =	sdelay $0x3  }
0x204: {  	s7 =	sadd.s32 $0x10, s5  }
0x205: {  	s13 =	sadd.s32 s7, s14;
	[tilespmem:$0x4080] =	vst v1  }
0x206: {  	v1 =	vld [tilespmem:s13+$0x0];
	_ =	sdelay $0x4  }
0x207: {  	s6 =	sadd.s32 s7, s15;
	[tilespmem:$0x3F10] =	vst v1  }
0x208: {  	v1 =	vld [tilespmem:s6+$0x0];
	_ =	sdelay $0x3  }
0x209: {  	s9 =	sadd.s32 $0x20, s5  }
0x20a: {  	s16 =	sadd.s32 s9, s14;
	[tilespmem:$0x4090] =	vst v1  }
0x20b: {  	v1 =	vld [tilespmem:s16+$0x0];
	_ =	sdelay $0x4  }
0x20c: {  	s6 =	sadd.s32 s9, s15;
	[tilespmem:$0x3F20] =	vst v1  }
0x20d: {  	v1 =	vld [tilespmem:s6+$0x0];
	_ =	sdelay $0x3  }
0x20e: {  	s17 =	sadd.s32 $0x30, s5  }
0x20f: {  	s21 =	sadd.s32 s17, s14;
	[tilespmem:$0x40A0] =	vst v1  }
0x210: {  	v1 =	vld [tilespmem:s21+$0x0];
	_ =	sdelay $0x4  }
0x211: {  	s6 =	sadd.s32 s17, s15;
	[tilespmem:$0x3F30] =	vst v1  }
0x212: {  	v1 =	vld [tilespmem:s6+$0x0];
	_ =	sdelay $0x3  }
0x213: {  	s5 =	sadd.s32 $0x40, s5  }
0x214: {  	s31 =	sadd.s32 s5, s14;
	[tilespmem:$0x40B0] =	vst v1  }
0x215: {  	v1 =	vld [tilespmem:s31+$0x0];
	_ =	sdelay $0x4  }
0x216: {  	s5 =	sadd.s32 s5, s15;
	[tilespmem:$0x3F40] =	vst v1  }
0x217: {  	v1 =	vld [tilespmem:s5+$0x0];
	_ =	sdelay $0x3  }
0x218: {  	s6 =	sand.u32 $0x1C0, s10  }
0x219: {  	s5 =	sshrl.u32 s6, $0x2;
	[tilespmem:$0x40C0] =	vst v1  }
0x21a: {  	s13 =	simm.s32 $0x4300;
	v1 =	vld [tilespmem:s5+$0x4080]  }
0x21b: {  	v2 =	vld [tilespmem:s13+$0xFFFFFF00]  }
0x21c: {  	v3 =	vld [tilespmem:s13+$0xFFFFFF10]  }
0x21d: {  	s7 =	simm.s32 $0x0;
	v5 =	vld [tilespmem:s13+$0xFFFFFF20]  }
0x21e: {  	s5 =	sand.u32 $0xC, s7;
	v6 =	vld [tilespmem:s13+$0xFFFFFF30]  }
0x21f: {  	v7 =	vld [tilespmem:s13+$0xFFFFFF40];
	v4 =	vmov s5  }
0x220: {  	v8 =	vld [tilespmem:s13+$0xFFFFFF50];
	v4 =	vperm.xlane v1, v4  }
0x221: {  	s16 =	simm.s32 $0x1;
	v16 =	vld [tilespmem:s13+$0xFFFFFFB0]  }
0x222: {  	s17 =	sand.u32 $0xD, s16;
	v17 =	vld [tilespmem:s13+$0xFFFFFFC0];
	v2 =	vmul.f32 v2, v4  }
0x223: {  	v14 =	vmov s17;
	v9 =	vld [tilespmem:s13+$0xFFFFFF60];
	v3 =	vmul.f32 v3, v4  }
0x224: {  	v10 =	vld [tilespmem:s13+$0xF0];
	v14 =	vperm.xlane v1, v14;
	v5 =	vmul.f32 v5, v4;
	[tilespmem:s13+$0xFFFFFF00] =	vst v2  }
0x225: {  	v11 =	vld [tilespmem:s13+$0xFFFFFF70];
	v6 =	vmul.f32 v6, v4;
	[tilespmem:s13+$0xFFFFFF10] =	vst v3  }
0x226: {  	v12 =	vld [tilespmem:s13+$0xFFFFFF80];
	v49 =	vmul.f32 v16, v14;
	[tilespmem:s13+$0xFFFFFF20] =	vst v5  }
0x227: {  	v13 =	vld [tilespmem:s13+$0xFFFFFF90];
	v50 =	vmul.f32 v17, v14;
	[tilespmem:s13+$0xFFFFFF30] =	vst v6  }
0x228: {  	s9 =	simm.s32 $0x3;
	v15 =	vld [tilespmem:s13+$0xFFFFFFA0];
	v5 =	vmul.f32 v7, v4;
	[tilespmem:s13+$0xFFFFFFB0] =	vst v49  }
0x229: {  	v48 =	vld [tilespmem:s13+$0xFFFFFFD0];
	v2 =	vmov s9;
	v6 =	vmul.f32 v8, v4;
	[tilespmem:s13+$0xFFFFFFC0] =	vst v50  }
0x22a: {  	v51 =	vld [tilespmem:s13+$0x70];
	v2 =	vperm.xlane v1, v2;
	[tilespmem:s13+$0xFFFFFF40] =	vst v5;
	v5 =	vmul.f32 v9, v4  }
0x22b: {  	v3 =	vld [tilespmem:s13+$0xFFFFFFE0];
	[tilespmem:s13+$0xFFFFFF50] =	vst v6;
	v4 =	vmul.f32 v11, v4  }
0x22c: {  	s21 =	simm.s32 $0x2;
	v8 =	vld [tilespmem:s13+$0x0];
	v10 =	vmul.f32 v10, v2;
	[tilespmem:s13+$0xFFFFFF60] =	vst v5  }
0x22d: {  	v52 =	vld [tilespmem:s13+$0x90];
	s5 =	sand.u32 $0xE, s21;
	v5 =	vmul.f32 v13, v14;
	[tilespmem:s13+$0xFFFFFF70] =	vst v4  }
0x22e: {  	v7 =	vld [tilespmem:s13+$0xFFFFFFF0];
	v6 =	vmov s5;
	v4 =	vmul.f32 v15, v14;
	[tilespmem:s13+$0xF0] =	vst v10  }
0x22f: {  	v1 =	vperm.xlane v1, v6;
	v6 =	vld [tilespmem:s13+$0x30];
	v10 =	vmul.f32 v12, v14;
	[tilespmem:s13+$0xFFFFFF90] =	vst v5  }
0x230: {  	v9 =	vld [tilespmem:s13+$0x10];
	v12 =	vmul.f32 v48, v14;
	[tilespmem:s13+$0xFFFFFFA0] =	vst v4  }
0x231: {  	v3 =	vmul.f32 v3, v14;
	v5 =	vmul.f32 v8, v1;
	v8 =	vld [tilespmem:s13+$0x50];
	[tilespmem:s13+$0xFFFFFF80] =	vst v10  }
0x232: {  	v4 =	vld [tilespmem:s13+$0x60];
	[tilespmem:s13+$0xFFFFFFD0] =	vst v12  }
0x233: {  	v7 =	vmul.f32 v7, v14;
	v10 =	vld [tilespmem:s13+$0x20];
	[tilespmem:s13+$0xFFFFFFE0] =	vst v3  }
0x234: {  	[tilespmem:s13+$0x0] =	vst v5;
	v5 =	vld [tilespmem:s13+$0x80];
	v6 =	vmul.f32 v6, v1  }
0x235: {  	v3 =	vmul.f32 v9, v1;
	[tilespmem:s13+$0xFFFFFFF0] =	vst v7;
	v7 =	vld [tilespmem:s13+$0xC0]  }
0x236: {  	v11 =	vld [tilespmem:s13+$0x40];
	[tilespmem:s13+$0x30] =	vst v6;
	v6 =	vmul.f32 v8, v1  }
0x237: {  	s16 =	simm.s32 $0x4500;
	s31 =	simm.s32 $0x10;
	v53 =	vld [tilespmem:s13+$0xA0];
	[tilespmem:s13+$0x10] =	vst v3;
	v4 =	vmul.f32 v4, v1  }
0x238: {  	v55 =	vld [tilespmem:s16+$0xFFFFFF20];
	s5 =	sand.u32 $0x1C0, s31;
	v10 =	vmul.f32 v10, v1;
	[tilespmem:s13+$0x50] =	vst v6  }
0x239: {  	s5 =	sshrl.u32 s5, $0x2;
	v3 =	vld [tilespmem:s13+$0xD0];
	v5 =	vmul.f32 v5, v2;
	[tilespmem:s13+$0x60] =	vst v4  }
0x23a: {  	v54 =	vld [tilespmem:s5+$0x4080];
	v7 =	vmul.f32 v7, v2;
	[tilespmem:s13+$0x20] =	vst v10  }
0x23b: {  	v9 =	vld [tilespmem:s13+$0xB0];
	[tilespmem:s13+$0x80] =	vst v5;
	v5 =	vmul.f32 v11, v1  }
0x23c: {  	s17 =	simm.s32 $0x4;
	v6 =	vld [tilespmem:s16+$0xFFFFFF10];
	v4 =	vmul.f32 v52, v2;
	[tilespmem:s13+$0xC0] =	vst v7  }
0x23d: {  	s6 =	sand.u32 $0xC, s17;
	v1 =	vmul.f32 v51, v1;
	[tilespmem:s13+$0x40] =	vst v5;
	v5 =	vld [tilespmem:s16+$0xFFFFFF00]  }
0x23e: {  	v56 =	vld [tilespmem:s16+$0xFFFFFF30];
	v3 =	vmul.f32 v3, v2;
	v11 =	vmov s6;
	[tilespmem:s13+$0x90] =	vst v4  }
0x23f: {  	v8 =	vld [tilespmem:s16+$0xF0];
	v11 =	vperm.xlane v54, v11;
	[tilespmem:s13+$0x70] =	vst v1;
	v1 =	vmul.f32 v53, v2  }
0x240: {  	s7 =	simm.s32 $0x7;
	v57 =	vld [tilespmem:s16+$0xFFFFFF50];
	v4 =	vmul.f32 v9, v2;
	[tilespmem:s13+$0xD0] =	vst v3  }
0x241: {  	v7 =	vld [tilespmem:s16+$0xFFFFFF70];
	v3 =	vmul.f32 v6, v11;
	[tilespmem:s13+$0xA0] =	vst v1;
	v1 =	vmov s7  }
0x242: {  	[tilespmem:s13+$0xB0] =	vst v4;
	v4 =	vld [tilespmem:s16+$0xFFFFFF60];
	v1 =	vperm.xlane v54, v1;
	v5 =	vmul.f32 v5, v11  }
0x243: {  	v9 =	vld [tilespmem:s16+$0xFFFFFF40];
	[tilespmem:s16+$0xFFFFFF10] =	vst v3;
	v3 =	vmul.f32 v56, v11  }
0x244: {  	v6 =	vld [tilespmem:s16+$0xFFFFFF80];
	[tilespmem:s16+$0xFFFFFF00] =	vst v5;
	v5 =	vmul.f32 v8, v1  }
0x245: {  	s9 =	simm.s32 $0x5;
	[tilespmem:s16+$0xFFFFFF30] =	vst v3;
	v3 =	vmul.f32 v57, v11;
	v8 =	vld [tilespmem:s16+$0xFFFFFF90]  }
0x246: {  	v59 =	vld [tilespmem:s16+$0xFFFFFFA0];
	s5 =	sand.u32 $0xD, s9;
	[tilespmem:s16+$0xF0] =	vst v5;
	v5 =	vmul.f32 v55, v11  }
0x247: {  	v60 =	vld [tilespmem:s16+$0xFFFFFFC0];
	v58 =	vmov s5;
	v4 =	vmul.f32 v4, v11;
	[tilespmem:s16+$0xFFFFFF50] =	vst v3  }
0x248: {  	v13 =	vperm.xlane v54, v58;
	[tilespmem:s16+$0xFFFFFF20] =	vst v5;
	v5 =	vmul.f32 v9, v11;
	v9 =	vld [tilespmem:s16+$0xFFFFFFB0]  }
0x249: {  	v61 =	vld [tilespmem:s16+$0xFFFFFFE0];
	v3 =	vmul.f32 v7, v11;
	[tilespmem:s16+$0xFFFFFF60] =	vst v4  }
0x24a: {  	v4 =	vmul.f32 v8, v13;
	[tilespmem:s16+$0xFFFFFF40] =	vst v5;
	v5 =	vmul.f32 v6, v13;
	v6 =	vld [tilespmem:s16+$0xFFFFFFD0]  }
0x24b: {  	v62 =	vld [tilespmem:s16+$0x20];
	[tilespmem:s16+$0xFFFFFF70] =	vst v3  }
0x24c: {  	s21 =	simm.s32 $0x6;
	v7 =	vld [tilespmem:s16+$0x0];
	v3 =	vmul.f32 v59, v13;
	[tilespmem:s16+$0xFFFFFF90] =	vst v4  }
0x24d: {  	s5 =	sand.u32 $0xE, s21;
	[tilespmem:s16+$0xFFFFFF80] =	vst v5;
	v5 =	vld [tilespmem:s16+$0xFFFFFFF0];
	v4 =	vmul.f32 v9, v13  }
0x24e: {  	[tilespmem:s16+$0xFFFFFFA0] =	vst v3;
	v11 =	vmul.f32 v60, v13;
	v8 =	vld [tilespmem:s16+$0x10];
	v9 =	vmov s5  }
0x24f: {  	v63 =	vld [tilespmem:s16+$0x50];
	v3 =	vperm.xlane v54, v9;
	[tilespmem:s16+$0xFFFFFFB0] =	vst v4;
	v4 =	vmul.f32 v6, v13  }
0x250: {  	[tilespmem:s16+$0xFFFFFFC0] =	vst v11;
	v9 =	vmul.f32 v61, v13;
	v6 =	vld [tilespmem:s16+$0x30]  }
0x251: {  	v11 =	vld [tilespmem:s16+$0x40];
	[tilespmem:s16+$0xFFFFFFD0] =	vst v4;
	v4 =	vmul.f32 v7, v3  }
0x252: {  	v10 =	vld [tilespmem:s13+$0xE0];
	[tilespmem:s16+$0xFFFFFFE0] =	vst v9;
	v5 =	vmul.f32 v5, v13  }
0x253: {  	v9 =	vld [tilespmem:s16+$0x60];
	v7 =	vmul.f32 v8, v3;
	[tilespmem:s16+$0x0] =	vst v4  }
0x254: {  	[tilespmem:s16+$0xFFFFFFF0] =	vst v5;
	v4 =	vmul.f32 v62, v3;
	v5 =	vld [tilespmem:s16+$0x70]  }
0x255: {  	v8 =	vld [tilespmem:s16+$0x80];
	[tilespmem:s16+$0x10] =	vst v7;
	v7 =	vmul.f32 v6, v3  }
0x256: {  	s31 =	smul.u32 $0x3, s11;
	v6 =	vld [tilespmem:s16+$0x90];
	[tilespmem:s16+$0x20] =	vst v4;
	v4 =	vmul.f32 v11, v3  }
0x257: {  	v2 =	vmul.f32 v10, v2;
	v10 =	vmul.f32 v63, v3;
	[tilespmem:s16+$0x30] =	vst v7;
	v7 =	vld [tilespmem:s16+$0xA0]  }
0x258: {  	s30 =	simm.s32 $0x4500;
	s21 =	sadd.s32 $0x3, s31;
	s5 =	simm.s32 $0x20;
	v9 =	vmul.f32 v9, v3;
	[tilespmem:s16+$0x40] =	vst v4;
	v4 =	vld [tilespmem:s16+$0xB0]  }
.LBB2_11:
0x259: {  	s6 =	sand.u32 $0x1C0, s5;
	[tilespmem:s16+$0x50] =	vst v10;
	v3 =	vmul.f32 v5, v3;
	v5 =	vld [tilespmem:s16+$0xC0];
	s31 =	smov.u32 s17  }
0x25a: {  	s6 =	sshrl.u32 s6, $0x2;
	[tilespmem:s16+$0x60] =	vst v9;
	v8 =	vmul.f32 v8, v1;
	v9 =	vld [tilespmem:s16+$0xD0]  }
0x25b: {  	v10 =	vld [tilespmem:s6+$0x4080];
	[tilespmem:s16+$0x70] =	vst v3;
	v3 =	vmul.f32 v6, v1  }
0x25c: {  	s17 =	sadd.s32 $0x4, s17;
	s16 =	sadd.s32 $0x200, s16;
	[tilespmem:s30+$0x80] =	vst v8;
	v6 =	vmul.f32 v7, v1;
	v7 =	vld [tilespmem:s30+$0xE0]  }
0x25d: {  	s7 =	sadd.s32 $0x5, s31;
	p0 =	slt.u32 s17, $0x4C;
	s6 =	sand.u32 $0xC, s17;
	v8 =	vld [tilespmem:s16+$0xF0];
	[tilespmem:s30+$0x90] =	vst v3;
	v3 =	vmul.f32 v4, v1  }
0x25e: {  	v4 =	vmov s6;
	s6 =	sand.u32 $0xD, s7;
	s7 =	sadd.s32 $0x6, s31;
	s31 =	sadd.s32 $0x7, s31;
	v11 =	vld [tilespmem:s16+$0xFFFFFF00];
	[tilespmem:s30+$0xA0] =	vst v6;
	v5 =	vmul.f32 v5, v1  }
0x25f: {  	v12 =	vmov s6;
	s6 =	sand.u32 $0xE, s7;
	v13 =	vmov s31;
	v6 =	vld [tilespmem:s16+$0xFFFFFF10];
	[tilespmem:s30+$0xB0] =	vst v3;
	v9 =	vmul.f32 v9, v1  }
0x260: {  	v3 =	vmov s6;
	v4 =	vperm.xlane v10, v4;
	v14 =	vld [tilespmem:s16+$0xFFFFFF20];
	v13 =	vperm.xlane v10, v13;
	[tilespmem:s30+$0xC0] =	vst v5  }
0x261: {  	v12 =	vperm.xlane v10, v12;
	v3 =	vperm.xlane v10, v3;
	v5 =	vld [tilespmem:s16+$0xFFFFFF30];
	[tilespmem:s30+$0xD0] =	vst v9  }
0x262: {  	v9 =	vld [tilespmem:s16+$0xFFFFFF40];
	v8 =	vmul.f32 v8, v13;
	[tilespmem:s13+$0xE0] =	vst v2;
	v2 =	vmul.f32 v7, v1;
	v1 =	vmov v13;
	s13 =	smov.u32 s30;
	s30 =	smov.u32 s16  }
0x263: {  	v7 =	vmul.f32 v11, v4;
	v10 =	vld [tilespmem:s16+$0xFFFFFF50]  }
0x264: {  	v6 =	vmul.f32 v6, v4;
	v11 =	vld [tilespmem:s16+$0xFFFFFF60];
	[tilespmem:s16+$0xF0] =	vst v8  }
0x265: {  	[tilespmem:s16+$0xFFFFFF00] =	vst v7;
	v7 =	vmul.f32 v14, v4;
	v8 =	vld [tilespmem:s16+$0xFFFFFF70]  }
0x266: {  	[tilespmem:s16+$0xFFFFFF10] =	vst v6;
	v5 =	vmul.f32 v5, v4;
	v6 =	vld [tilespmem:s16+$0xFFFFFF80]  }
0x267: {  	[tilespmem:s16+$0xFFFFFF20] =	vst v7;
	v7 =	vmul.f32 v9, v4;
	v9 =	vld [tilespmem:s16+$0xFFFFFF90]  }
0x268: {  	[tilespmem:s16+$0xFFFFFF30] =	vst v5;
	v5 =	vmul.f32 v10, v4;
	v10 =	vld [tilespmem:s16+$0xFFFFFFA0]  }
0x269: {  	[tilespmem:s16+$0xFFFFFF40] =	vst v7;
	v7 =	vmul.f32 v11, v4;
	v11 =	vld [tilespmem:s16+$0xFFFFFFB0]  }
0x26a: {  	[tilespmem:s16+$0xFFFFFF50] =	vst v5;
	v4 =	vmul.f32 v8, v4;
	v5 =	vld [tilespmem:s16+$0xFFFFFFC0]  }
0x26b: {  	[tilespmem:s16+$0xFFFFFF60] =	vst v7;
	v6 =	vmul.f32 v6, v12;
	v7 =	vld [tilespmem:s16+$0xFFFFFFD0]  }
0x26c: {  	[tilespmem:s16+$0xFFFFFF70] =	vst v4;
	v4 =	vmul.f32 v9, v12;
	v8 =	vld [tilespmem:s16+$0xFFFFFFE0]  }
0x26d: {  	[tilespmem:s16+$0xFFFFFF80] =	vst v6;
	v6 =	vmul.f32 v10, v12;
	v9 =	vld [tilespmem:s16+$0xFFFFFFF0]  }
0x26e: {  	[tilespmem:s16+$0xFFFFFF90] =	vst v4;
	v4 =	vmul.f32 v11, v12;
	v10 =	vld [tilespmem:s16+$0x0]  }
0x26f: {  	[tilespmem:s16+$0xFFFFFFA0] =	vst v6;
	v5 =	vmul.f32 v5, v12;
	v6 =	vld [tilespmem:s16+$0x10]  }
0x270: {  	[tilespmem:s16+$0xFFFFFFB0] =	vst v4;
	v4 =	vmul.f32 v7, v12;
	v7 =	vld [tilespmem:s16+$0x20]  }
0x271: {  	[tilespmem:s16+$0xFFFFFFC0] =	vst v5;
	v5 =	vmul.f32 v8, v12;
	v8 =	vld [tilespmem:s16+$0x30]  }
0x272: {  	[tilespmem:s16+$0xFFFFFFD0] =	vst v4;
	v4 =	vmul.f32 v9, v12;
	v9 =	vld [tilespmem:s16+$0x40]  }
0x273: {  	[tilespmem:s16+$0xFFFFFFE0] =	vst v5;
	v5 =	vmul.f32 v10, v3;
	v10 =	vld [tilespmem:s16+$0x50]  }
0x274: {  	[tilespmem:s16+$0xFFFFFFF0] =	vst v4;
	v4 =	vmul.f32 v6, v3;
	v11 =	vld [tilespmem:s16+$0x60]  }
.Ltmp4:
0x275: {  	[tilespmem:s16+$0x0] =	vst v5;
	v6 =	vmul.f32 v7, v3;
	v5 =	vld [tilespmem:s16+$0x70];
	(pc) =	sbr.rel @p0 .LBB2_11-.Ltmp4, $4  }
0x276: {  	[tilespmem:s16+$0x10] =	vst v4;
	v4 =	vmul.f32 v8, v3;
	v8 =	vld [tilespmem:s16+$0x80]  }
0x277: {  	[tilespmem:s16+$0x20] =	vst v6;
	v9 =	vmul.f32 v9, v3;
	v6 =	vld [tilespmem:s16+$0x90]  }
0x278: {  	[tilespmem:s16+$0x30] =	vst v4;
	v10 =	vmul.f32 v10, v3;
	v7 =	vld [tilespmem:s16+$0xA0]  }
0x279: {  	s5 =	sadd.s32 $0x10, s5;
	[tilespmem:s16+$0x40] =	vst v9;
	v9 =	vmul.f32 v11, v3;
	v4 =	vld [tilespmem:s16+$0xB0]  }
0x27a: {  	[tilespmem:s16+$0x50] =	vst v10  }
0x27b: {  	v10 =	vld [tilespmem:s16+$0xC0];
	v3 =	vmul.f32 v5, v3;
	[tilespmem:s13+$0xE0] =	vst v2  }
0x27c: {  	v5 =	vld [tilespmem:s16+$0xD0];
	v8 =	vmul.f32 v8, v1;
	[tilespmem:s16+$0x60] =	vst v9  }
0x27d: {  	v6 =	vmul.f32 v6, v1;
	[tilespmem:s16+$0x70] =	vst v3;
	v3 =	vmul.f32 v7, v1;
	v7 =	vld [tilespmem:s30+$0xE0]  }
0x27e: {  	[tilespmem:s30+$0x80] =	vst v8  }
0x27f: {  	p1 =	sgt.u32 s11, $0x1F;
	[tilespmem:s30+$0x90] =	vst v6;
	v4 =	vmul.f32 v4, v1  }
0x280: {  	p2 =	sne.s32 @!p1 s4, $0x0;
	[tilespmem:s30+$0xA0] =	vst v3;
	v3 =	vmul.f32 v10, v1  }
0x281: {  	p0 =	por p2, p1;
	[tilespmem:s30+$0xB0] =	vst v4;
	v4 =	vmul.f32 v5, v1  }
0x282: {  	s5 =	smulhi.u32 @!p0 $0x3E0F83E1, s21;
	[tilespmem:s30+$0xC0] =	vst v3;
	v1 =	vmul.f32 v7, v1  }
0x283: {  	[tilespmem:s30+$0xD0] =	vst v4  }
0x284: {  	s6 =	simm.s32 $0x3F00;
	s5 =	sshrl.u32 @!p0 s5, $0x3;
	[tilespmem:s30+$0xE0] =	vst v1  }
0x285: {  	[spmem:s2] =	stream.indirect.scatter.add.f32 [tilespmem:s26], [sflag:$0x4], $0x80, s6, s25, $0xb8;
	[tilespmem:$0x1FA00] =	vst v63  }
0x286: {  	p3 =	seq.s32 @!p0 s12, $0x0;
	s5 =	smul.u32 @!p0 $0xA50, s5;
	_ =	swait.ge [sflag:s3], $0x2800  }
0x287: {  	s7 =	simm.s32 @!p0 $0xA80;
	p2 =	por @!p1 !p3, p2;
	s6 =	rddreg [dreg:$0x8]  }
0x288: {  	s16 =	simm.s32 @!p0 $0x0;
	p1 =	por !p2, p1;
	s5 =	sadd.s32 @!p0 s5, s6  }
0x289: {  	[sflag:s3] =	ssyncset.done $0x0;
	s6 =	rddreg [dreg:$0x5];
	s5 =	sshrl.u32 @!p0 s5, $0x3  }
0x28a: {  	s7 =	simm.s32 @!p1 $0x0;
	[sflag:s3] =	ssyncadd.s32 $0xFFFFD800;
	s6 =	sadd.s32 @!p0 s6, s5  }
0x28b: {  	[tilespmem:s7], [sflag:$0x7] =	stream.linear.gather @!p0 [hbm4b:s6+s16], $0xA50, $0x38;
	[tilespmem:$0x1FA00] =	vst v63  }
0x28c: {  	s13 =	simm.s32 @!p0 $0x1F80;
	s6 =	rddreg [dreg:$0x6]  }
0x28d: {  	s13 =	simm.s32 @!p1 $0x1500;
	s6 =	sadd.s32 @!p0 s6, s5  }
0x28e: {  	[tilespmem:s13], [sflag:$0x7] =	stream.linear.gather @!p0 [hbm4b:s6+s16], $0xA50, $0x38;
	[tilespmem:$0x1FA00] =	vst v63  }
0x28f: {  	s7 =	simm.s32 @!p0 $0x3480;
	s6 =	rddreg [dreg:$0x7]  }
0x290: {  	s17 =	sadd.s32 $0x2, s4;
	s7 =	simm.s32 @!p1 $0x2A00;
	s5 =	sadd.s32 @!p0 s6, s5  }
0x291: {  	[tilespmem:s7], [sflag:$0x7] =	stream.linear.gather @!p0 [hbm4b:s5+s16], $0xA50, $0x38;
	[tilespmem:$0x1FA00] =	vst v63  }
0x292: {  	s6 =	smov.u32 s17;
	p0 =	sgt.s32 s17, $0x20;
	s5 =	sadd.s32 $0xFFFFFFE1, s4  }
0x293: {  	s16 =	sxor.u32 $0x1, s12;
	s7 =	smov.u32 s12;
	s6 =	smov.u32 @p0 s5  }
0x294: {  	s7 =	smov.u32 @p0 s16;
	s5 =	smul.u32 $0x140, s6  }
0x295: {  	p0 =	seq.s32 s7, $0x0;
	s6 =	simm.s32 $0x0  }
0x296: {  	s6 =	simm.s32 @!p0 $0xA80;
	s5 =	sshra.s32 s5, $0x2  }
0x297: {  	s13 =	sadd.s32 $0x1, s4;
	s5 =	sadd.s32 s5, s6  }
0x298: {  	[tilespmem:s0], [sflag:$0x3] =	stream.indirect.gather [hbm4b:s1+s25], $0x80, s5, s25, $0xb8;
	[tilespmem:$0x1FA00] =	vst v63  }
0x299: {  	s5 =	smul.u32 $0x50, s13;
	_ =	swait.ge [sflag:s20], $0x2800  }
0x29a: {  	[sflag:s20] =	ssyncset.done $0x0  }
0x29b: {  	s26 =	sadd.s32 s5, s14;
	[sflag:s20] =	ssyncadd.s32 $0xFFFFD800  }
0x29c: {  	v1 =	vld [tilespmem:s26+$0x0];
	_ =	sdelay $0x4  }
0x29d: {  	s7 =	sadd.s32 s5, s15;
	[tilespmem:$0x3F80] =	vst v1  }
0x29e: {  	v1 =	vld [tilespmem:s7+$0x0];
	_ =	sdelay $0x3  }
0x29f: {  	s9 =	sadd.s32 $0x10, s5  }
0x2a0: {  	s21 =	sadd.s32 s9, s14;
	[tilespmem:$0x4100] =	vst v1  }
0x2a1: {  	v1 =	vld [tilespmem:s21+$0x0];
	_ =	sdelay $0x4  }
0x2a2: {  	s6 =	sadd.s32 s9, s15;
	[tilespmem:$0x3F90] =	vst v1  }
0x2a3: {  	v1 =	vld [tilespmem:s6+$0x0];
	_ =	sdelay $0x3  }
0x2a4: {  	s26 =	sadd.s32 $0x20, s5  }
0x2a5: {  	s9 =	sadd.s32 s26, s14;
	[tilespmem:$0x4110] =	vst v1  }
0x2a6: {  	v1 =	vld [tilespmem:s9+$0x0];
	_ =	sdelay $0x4  }
0x2a7: {  	s6 =	sadd.s32 s26, s15;
	[tilespmem:$0x3FA0] =	vst v1  }
0x2a8: {  	v1 =	vld [tilespmem:s6+$0x0];
	_ =	sdelay $0x3  }
0x2a9: {  	s21 =	sadd.s32 $0x30, s5  }
0x2aa: {  	s26 =	sadd.s32 s21, s14;
	[tilespmem:$0x4120] =	vst v1  }
0x2ab: {  	v1 =	vld [tilespmem:s26+$0x0];
	_ =	sdelay $0x4  }
0x2ac: {  	s6 =	sadd.s32 s21, s15;
	[tilespmem:$0x3FB0] =	vst v1  }
0x2ad: {  	v1 =	vld [tilespmem:s6+$0x0];
	_ =	sdelay $0x3  }
0x2ae: {  	s5 =	sadd.s32 $0x40, s5  }
0x2af: {  	s9 =	sadd.s32 s5, s14;
	[tilespmem:$0x4130] =	vst v1  }
0x2b0: {  	v1 =	vld [tilespmem:s9+$0x0];
	_ =	sdelay $0x4  }
0x2b1: {  	s5 =	sadd.s32 s5, s15;
	[tilespmem:$0x3FC0] =	vst v1  }
0x2b2: {  	v1 =	vld [tilespmem:s5+$0x0];
	_ =	sdelay $0x2  }
0x2b3: {  	s21 =	simm.s32 $0x0  }
0x2b4: {  	s5 =	sand.u32 $0x1C0, s21  }
0x2b5: {  	s5 =	sshrl.u32 s5, $0x2;
	[tilespmem:$0x4140] =	vst v1  }
0x2b6: {  	s30 =	simm.s32 $0x6B00;
	v1 =	vld [tilespmem:s5+$0x4100]  }
0x2b7: {  	v2 =	vld [tilespmem:s30+$0xFFFFFF00]  }
0x2b8: {  	v3 =	vld [tilespmem:s30+$0xFFFFFF10]  }
0x2b9: {  	s26 =	simm.s32 $0x0;
	v5 =	vld [tilespmem:s30+$0xFFFFFF20]  }
0x2ba: {  	s5 =	sand.u32 $0xC, s26;
	v6 =	vld [tilespmem:s30+$0xFFFFFF30]  }
0x2bb: {  	v7 =	vld [tilespmem:s30+$0xFFFFFF40];
	v4 =	vmov s5  }
0x2bc: {  	v8 =	vld [tilespmem:s30+$0xFFFFFF50];
	v4 =	vperm.xlane v1, v4  }
0x2bd: {  	s7 =	simm.s32 $0x1;
	v16 =	vld [tilespmem:s30+$0xFFFFFFB0]  }
0x2be: {  	s9 =	sand.u32 $0xD, s7;
	v17 =	vld [tilespmem:s30+$0xFFFFFFC0];
	v2 =	vmul.f32 v2, v4  }
0x2bf: {  	v14 =	vmov s9;
	v9 =	vld [tilespmem:s30+$0xFFFFFF60];
	v3 =	vmul.f32 v3, v4  }
0x2c0: {  	v10 =	vld [tilespmem:s30+$0xF0];
	v14 =	vperm.xlane v1, v14;
	v5 =	vmul.f32 v5, v4;
	[tilespmem:s30+$0xFFFFFF00] =	vst v2  }
0x2c1: {  	v11 =	vld [tilespmem:s30+$0xFFFFFF70];
	v6 =	vmul.f32 v6, v4;
	[tilespmem:s30+$0xFFFFFF10] =	vst v3  }
0x2c2: {  	v12 =	vld [tilespmem:s30+$0xFFFFFF80];
	v49 =	vmul.f32 v16, v14;
	[tilespmem:s30+$0xFFFFFF20] =	vst v5  }
0x2c3: {  	v13 =	vld [tilespmem:s30+$0xFFFFFF90];
	v50 =	vmul.f32 v17, v14;
	[tilespmem:s30+$0xFFFFFF30] =	vst v6  }
0x2c4: {  	s6 =	simm.s32 $0x3;
	v15 =	vld [tilespmem:s30+$0xFFFFFFA0];
	v5 =	vmul.f32 v7, v4;
	[tilespmem:s30+$0xFFFFFFB0] =	vst v49  }
0x2c5: {  	v48 =	vld [tilespmem:s30+$0xFFFFFFD0];
	v2 =	vmov s6;
	v6 =	vmul.f32 v8, v4;
	[tilespmem:s30+$0xFFFFFFC0] =	vst v50  }
0x2c6: {  	v51 =	vld [tilespmem:s30+$0x70];
	v2 =	vperm.xlane v1, v2;
	[tilespmem:s30+$0xFFFFFF40] =	vst v5;
	v5 =	vmul.f32 v9, v4  }
0x2c7: {  	v3 =	vld [tilespmem:s30+$0xFFFFFFE0];
	[tilespmem:s30+$0xFFFFFF50] =	vst v6;
	v4 =	vmul.f32 v11, v4  }
0x2c8: {  	s21 =	simm.s32 $0x2;
	v8 =	vld [tilespmem:s30+$0x0];
	v10 =	vmul.f32 v10, v2;
	[tilespmem:s30+$0xFFFFFF60] =	vst v5  }
0x2c9: {  	v52 =	vld [tilespmem:s30+$0x90];
	s5 =	sand.u32 $0xE, s21;
	v5 =	vmul.f32 v13, v14;
	[tilespmem:s30+$0xFFFFFF70] =	vst v4  }
0x2ca: {  	v7 =	vld [tilespmem:s30+$0xFFFFFFF0];
	v6 =	vmov s5;
	v4 =	vmul.f32 v15, v14;
	[tilespmem:s30+$0xF0] =	vst v10  }
0x2cb: {  	v1 =	vperm.xlane v1, v6;
	v6 =	vld [tilespmem:s30+$0x30];
	v10 =	vmul.f32 v12, v14;
	[tilespmem:s30+$0xFFFFFF90] =	vst v5  }
0x2cc: {  	v9 =	vld [tilespmem:s30+$0x10];
	v12 =	vmul.f32 v48, v14;
	[tilespmem:s30+$0xFFFFFFA0] =	vst v4  }
0x2cd: {  	v3 =	vmul.f32 v3, v14;
	v5 =	vmul.f32 v8, v1;
	v8 =	vld [tilespmem:s30+$0x50];
	[tilespmem:s30+$0xFFFFFF80] =	vst v10  }
0x2ce: {  	v4 =	vld [tilespmem:s30+$0x60];
	[tilespmem:s30+$0xFFFFFFD0] =	vst v12  }
0x2cf: {  	v7 =	vmul.f32 v7, v14;
	v10 =	vld [tilespmem:s30+$0x20];
	[tilespmem:s30+$0xFFFFFFE0] =	vst v3  }
0x2d0: {  	[tilespmem:s30+$0x0] =	vst v5;
	v5 =	vld [tilespmem:s30+$0x80];
	v6 =	vmul.f32 v6, v1  }
0x2d1: {  	v3 =	vmul.f32 v9, v1;
	[tilespmem:s30+$0xFFFFFFF0] =	vst v7;
	v7 =	vld [tilespmem:s30+$0xC0]  }
0x2d2: {  	v11 =	vld [tilespmem:s30+$0x40];
	[tilespmem:s30+$0x30] =	vst v6;
	v6 =	vmul.f32 v8, v1  }
0x2d3: {  	v53 =	vld [tilespmem:s30+$0xA0];
	s26 =	simm.s32 $0x10;
	s21 =	simm.s32 $0x6D00;
	[tilespmem:s30+$0x10] =	vst v3;
	v4 =	vmul.f32 v4, v1  }
0x2d4: {  	v55 =	vld [tilespmem:s21+$0xFFFFFF20];
	s5 =	sand.u32 $0x1C0, s26;
	v10 =	vmul.f32 v10, v1;
	[tilespmem:s30+$0x50] =	vst v6  }
0x2d5: {  	s5 =	sshrl.u32 s5, $0x2;
	v3 =	vld [tilespmem:s30+$0xD0];
	v5 =	vmul.f32 v5, v2;
	[tilespmem:s30+$0x60] =	vst v4  }
0x2d6: {  	v54 =	vld [tilespmem:s5+$0x4100];
	v7 =	vmul.f32 v7, v2;
	[tilespmem:s30+$0x20] =	vst v10  }
0x2d7: {  	v9 =	vld [tilespmem:s30+$0xB0];
	[tilespmem:s30+$0x80] =	vst v5;
	v5 =	vmul.f32 v11, v1  }
0x2d8: {  	s31 =	simm.s32 $0x4;
	v6 =	vld [tilespmem:s21+$0xFFFFFF10];
	v4 =	vmul.f32 v52, v2;
	[tilespmem:s30+$0xC0] =	vst v7  }
0x2d9: {  	s6 =	sand.u32 $0xC, s31;
	v1 =	vmul.f32 v51, v1;
	[tilespmem:s30+$0x40] =	vst v5;
	v5 =	vld [tilespmem:s21+$0xFFFFFF00]  }
0x2da: {  	v56 =	vld [tilespmem:s21+$0xFFFFFF30];
	v3 =	vmul.f32 v3, v2;
	v11 =	vmov s6;
	[tilespmem:s30+$0x90] =	vst v4  }
0x2db: {  	v8 =	vld [tilespmem:s21+$0xF0];
	v11 =	vperm.xlane v54, v11;
	[tilespmem:s30+$0x70] =	vst v1;
	v1 =	vmul.f32 v53, v2  }
0x2dc: {  	s7 =	simm.s32 $0x7;
	v57 =	vld [tilespmem:s21+$0xFFFFFF50];
	v4 =	vmul.f32 v9, v2;
	[tilespmem:s30+$0xD0] =	vst v3  }
0x2dd: {  	v7 =	vld [tilespmem:s21+$0xFFFFFF70];
	v3 =	vmul.f32 v6, v11;
	[tilespmem:s30+$0xA0] =	vst v1;
	v1 =	vmov s7  }
0x2de: {  	[tilespmem:s30+$0xB0] =	vst v4;
	v4 =	vld [tilespmem:s21+$0xFFFFFF60];
	v1 =	vperm.xlane v54, v1;
	v5 =	vmul.f32 v5, v11  }
0x2df: {  	v9 =	vld [tilespmem:s21+$0xFFFFFF40];
	[tilespmem:s21+$0xFFFFFF10] =	vst v3;
	v3 =	vmul.f32 v56, v11  }
0x2e0: {  	v6 =	vld [tilespmem:s21+$0xFFFFFF80];
	[tilespmem:s21+$0xFFFFFF00] =	vst v5;
	v5 =	vmul.f32 v8, v1  }
0x2e1: {  	s9 =	simm.s32 $0x5;
	[tilespmem:s21+$0xFFFFFF30] =	vst v3;
	v3 =	vmul.f32 v57, v11;
	v8 =	vld [tilespmem:s21+$0xFFFFFF90]  }
0x2e2: {  	v59 =	vld [tilespmem:s21+$0xFFFFFFA0];
	s5 =	sand.u32 $0xD, s9;
	[tilespmem:s21+$0xF0] =	vst v5;
	v5 =	vmul.f32 v55, v11  }
0x2e3: {  	v60 =	vld [tilespmem:s21+$0xFFFFFFC0];
	v58 =	vmov s5;
	v4 =	vmul.f32 v4, v11;
	[tilespmem:s21+$0xFFFFFF50] =	vst v3  }
0x2e4: {  	v13 =	vperm.xlane v54, v58;
	[tilespmem:s21+$0xFFFFFF20] =	vst v5;
	v5 =	vmul.f32 v9, v11;
	v9 =	vld [tilespmem:s21+$0xFFFFFFB0]  }
0x2e5: {  	v61 =	vld [tilespmem:s21+$0xFFFFFFE0];
	v3 =	vmul.f32 v7, v11;
	[tilespmem:s21+$0xFFFFFF60] =	vst v4  }
0x2e6: {  	v4 =	vmul.f32 v8, v13;
	[tilespmem:s21+$0xFFFFFF40] =	vst v5;
	v5 =	vmul.f32 v6, v13;
	v6 =	vld [tilespmem:s21+$0xFFFFFFD0]  }
0x2e7: {  	v62 =	vld [tilespmem:s21+$0x20];
	[tilespmem:s21+$0xFFFFFF70] =	vst v3  }
0x2e8: {  	s26 =	simm.s32 $0x6;
	v7 =	vld [tilespmem:s21+$0x0];
	v3 =	vmul.f32 v59, v13;
	[tilespmem:s21+$0xFFFFFF90] =	vst v4  }
0x2e9: {  	s5 =	sand.u32 $0xE, s26;
	[tilespmem:s21+$0xFFFFFF80] =	vst v5;
	v5 =	vld [tilespmem:s21+$0xFFFFFFF0];
	v4 =	vmul.f32 v9, v13  }
0x2ea: {  	[tilespmem:s21+$0xFFFFFFA0] =	vst v3;
	v11 =	vmul.f32 v60, v13;
	v8 =	vld [tilespmem:s21+$0x10];
	v9 =	vmov s5  }
0x2eb: {  	v63 =	vld [tilespmem:s21+$0x50];
	v3 =	vperm.xlane v54, v9;
	[tilespmem:s21+$0xFFFFFFB0] =	vst v4;
	v4 =	vmul.f32 v6, v13  }
0x2ec: {  	[tilespmem:s21+$0xFFFFFFC0] =	vst v11;
	v9 =	vmul.f32 v61, v13;
	v6 =	vld [tilespmem:s21+$0x30]  }
0x2ed: {  	v11 =	vld [tilespmem:s21+$0x40];
	[tilespmem:s21+$0xFFFFFFD0] =	vst v4;
	v4 =	vmul.f32 v7, v3  }
0x2ee: {  	v10 =	vld [tilespmem:s30+$0xE0];
	[tilespmem:s21+$0xFFFFFFE0] =	vst v9;
	v5 =	vmul.f32 v5, v13  }
0x2ef: {  	v9 =	vld [tilespmem:s21+$0x60];
	v7 =	vmul.f32 v8, v3;
	[tilespmem:s21+$0x0] =	vst v4  }
0x2f0: {  	[tilespmem:s21+$0xFFFFFFF0] =	vst v5;
	v4 =	vmul.f32 v62, v3;
	v5 =	vld [tilespmem:s21+$0x70]  }
0x2f1: {  	v8 =	vld [tilespmem:s21+$0x80];
	[tilespmem:s21+$0x10] =	vst v7;
	v7 =	vmul.f32 v6, v3  }
0x2f2: {  	v6 =	vld [tilespmem:s21+$0x90];
	[tilespmem:s21+$0x20] =	vst v4;
	v4 =	vmul.f32 v11, v3  }
0x2f3: {  	v2 =	vmul.f32 v10, v2;
	v10 =	vmul.f32 v63, v3;
	[tilespmem:s21+$0x30] =	vst v7;
	v7 =	vld [tilespmem:s21+$0xA0]  }
0x2f4: {  	s6 =	simm.s32 $0x20;
	s5 =	simm.s32 $0x6D00;
	v9 =	vmul.f32 v9, v3;
	[tilespmem:s21+$0x40] =	vst v4;
	v4 =	vld [tilespmem:s21+$0xB0]  }
.LBB2_13:
0x2f5: {  	s7 =	sand.u32 $0x1C0, s6;
	[tilespmem:s21+$0x50] =	vst v10;
	v3 =	vmul.f32 v5, v3;
	v5 =	vld [tilespmem:s21+$0xC0];
	s9 =	smov.u32 s31  }
0x2f6: {  	s7 =	sshrl.u32 s7, $0x2;
	[tilespmem:s21+$0x60] =	vst v9;
	v8 =	vmul.f32 v8, v1;
	v9 =	vld [tilespmem:s21+$0xD0]  }
0x2f7: {  	v10 =	vld [tilespmem:s7+$0x4100];
	[tilespmem:s21+$0x70] =	vst v3;
	v3 =	vmul.f32 v6, v1  }
0x2f8: {  	s31 =	sadd.s32 $0x4, s31;
	s21 =	sadd.s32 $0x200, s21;
	[tilespmem:s5+$0x80] =	vst v8;
	v6 =	vmul.f32 v7, v1;
	v7 =	vld [tilespmem:s5+$0xE0]  }
0x2f9: {  	s26 =	sadd.s32 $0x5, s9;
	p0 =	slt.u32 s31, $0x4C;
	s7 =	sand.u32 $0xC, s31;
	v8 =	vld [tilespmem:s21+$0xF0];
	[tilespmem:s5+$0x90] =	vst v3;
	v3 =	vmul.f32 v4, v1  }
0x2fa: {  	v4 =	vmov s7;
	s7 =	sand.u32 $0xD, s26;
	s26 =	sadd.s32 $0x6, s9;
	s9 =	sadd.s32 $0x7, s9;
	v11 =	vld [tilespmem:s21+$0xFFFFFF00];
	[tilespmem:s5+$0xA0] =	vst v6;
	v5 =	vmul.f32 v5, v1  }
0x2fb: {  	v12 =	vmov s7;
	s7 =	sand.u32 $0xE, s26;
	v13 =	vmov s9;
	v6 =	vld [tilespmem:s21+$0xFFFFFF10];
	[tilespmem:s5+$0xB0] =	vst v3;
	v9 =	vmul.f32 v9, v1  }
0x2fc: {  	v3 =	vmov s7;
	v4 =	vperm.xlane v10, v4;
	v14 =	vld [tilespmem:s21+$0xFFFFFF20];
	v13 =	vperm.xlane v10, v13;
	[tilespmem:s5+$0xC0] =	vst v5  }
0x2fd: {  	v12 =	vperm.xlane v10, v12;
	v3 =	vperm.xlane v10, v3;
	v5 =	vld [tilespmem:s21+$0xFFFFFF30];
	[tilespmem:s5+$0xD0] =	vst v9  }
0x2fe: {  	v9 =	vld [tilespmem:s21+$0xFFFFFF40];
	v8 =	vmul.f32 v8, v13;
	[tilespmem:s30+$0xE0] =	vst v2;
	v2 =	vmul.f32 v7, v1;
	v1 =	vmov v13;
	s30 =	smov.u32 s5;
	s5 =	smov.u32 s21  }
0x2ff: {  	v7 =	vmul.f32 v11, v4;
	v10 =	vld [tilespmem:s21+$0xFFFFFF50]  }
0x300: {  	v6 =	vmul.f32 v6, v4;
	v11 =	vld [tilespmem:s21+$0xFFFFFF60];
	[tilespmem:s21+$0xF0] =	vst v8  }
0x301: {  	[tilespmem:s21+$0xFFFFFF00] =	vst v7;
	v7 =	vmul.f32 v14, v4;
	v8 =	vld [tilespmem:s21+$0xFFFFFF70]  }
0x302: {  	[tilespmem:s21+$0xFFFFFF10] =	vst v6;
	v5 =	vmul.f32 v5, v4;
	v6 =	vld [tilespmem:s21+$0xFFFFFF80]  }
0x303: {  	[tilespmem:s21+$0xFFFFFF20] =	vst v7;
	v7 =	vmul.f32 v9, v4;
	v9 =	vld [tilespmem:s21+$0xFFFFFF90]  }
0x304: {  	[tilespmem:s21+$0xFFFFFF30] =	vst v5;
	v5 =	vmul.f32 v10, v4;
	v10 =	vld [tilespmem:s21+$0xFFFFFFA0]  }
0x305: {  	[tilespmem:s21+$0xFFFFFF40] =	vst v7;
	v7 =	vmul.f32 v11, v4;
	v11 =	vld [tilespmem:s21+$0xFFFFFFB0]  }
0x306: {  	[tilespmem:s21+$0xFFFFFF50] =	vst v5;
	v4 =	vmul.f32 v8, v4;
	v5 =	vld [tilespmem:s21+$0xFFFFFFC0]  }
0x307: {  	[tilespmem:s21+$0xFFFFFF60] =	vst v7;
	v6 =	vmul.f32 v6, v12;
	v7 =	vld [tilespmem:s21+$0xFFFFFFD0]  }
0x308: {  	[tilespmem:s21+$0xFFFFFF70] =	vst v4;
	v4 =	vmul.f32 v9, v12;
	v8 =	vld [tilespmem:s21+$0xFFFFFFE0]  }
0x309: {  	[tilespmem:s21+$0xFFFFFF80] =	vst v6;
	v6 =	vmul.f32 v10, v12;
	v9 =	vld [tilespmem:s21+$0xFFFFFFF0]  }
0x30a: {  	[tilespmem:s21+$0xFFFFFF90] =	vst v4;
	v4 =	vmul.f32 v11, v12;
	v10 =	vld [tilespmem:s21+$0x0]  }
0x30b: {  	[tilespmem:s21+$0xFFFFFFA0] =	vst v6;
	v5 =	vmul.f32 v5, v12;
	v6 =	vld [tilespmem:s21+$0x10]  }
0x30c: {  	[tilespmem:s21+$0xFFFFFFB0] =	vst v4;
	v4 =	vmul.f32 v7, v12;
	v7 =	vld [tilespmem:s21+$0x20]  }
0x30d: {  	[tilespmem:s21+$0xFFFFFFC0] =	vst v5;
	v5 =	vmul.f32 v8, v12;
	v8 =	vld [tilespmem:s21+$0x30]  }
0x30e: {  	[tilespmem:s21+$0xFFFFFFD0] =	vst v4;
	v4 =	vmul.f32 v9, v12;
	v9 =	vld [tilespmem:s21+$0x40]  }
0x30f: {  	[tilespmem:s21+$0xFFFFFFE0] =	vst v5;
	v5 =	vmul.f32 v10, v3;
	v10 =	vld [tilespmem:s21+$0x50]  }
0x310: {  	[tilespmem:s21+$0xFFFFFFF0] =	vst v4;
	v4 =	vmul.f32 v6, v3;
	v11 =	vld [tilespmem:s21+$0x60]  }
.Ltmp5:
0x311: {  	[tilespmem:s21+$0x0] =	vst v5;
	v6 =	vmul.f32 v7, v3;
	v5 =	vld [tilespmem:s21+$0x70];
	(pc) =	sbr.rel @p0 .LBB2_13-.Ltmp5, $4  }
0x312: {  	[tilespmem:s21+$0x10] =	vst v4;
	v4 =	vmul.f32 v8, v3;
	v8 =	vld [tilespmem:s21+$0x80]  }
0x313: {  	[tilespmem:s21+$0x20] =	vst v6;
	v9 =	vmul.f32 v9, v3;
	v6 =	vld [tilespmem:s21+$0x90]  }
0x314: {  	[tilespmem:s21+$0x30] =	vst v4;
	v10 =	vmul.f32 v10, v3;
	v7 =	vld [tilespmem:s21+$0xA0]  }
0x315: {  	s6 =	sadd.s32 $0x10, s6;
	[tilespmem:s21+$0x40] =	vst v9;
	v9 =	vmul.f32 v11, v3;
	v4 =	vld [tilespmem:s21+$0xB0]  }
0x316: {  	[tilespmem:s21+$0x50] =	vst v10  }
0x317: {  	v10 =	vld [tilespmem:s21+$0xC0];
	v3 =	vmul.f32 v5, v3;
	[tilespmem:s30+$0xE0] =	vst v2  }
0x318: {  	v5 =	vld [tilespmem:s21+$0xD0];
	v8 =	vmul.f32 v8, v1;
	[tilespmem:s21+$0x60] =	vst v9  }
0x319: {  	v6 =	vmul.f32 v6, v1;
	[tilespmem:s21+$0x70] =	vst v3;
	v3 =	vmul.f32 v7, v1;
	v7 =	vld [tilespmem:s5+$0xE0]  }
0x31a: {  	[tilespmem:s5+$0x80] =	vst v8  }
0x31b: {  	[tilespmem:s5+$0x90] =	vst v6;
	v4 =	vmul.f32 v4, v1  }
0x31c: {  	[tilespmem:s5+$0xA0] =	vst v3;
	v3 =	vmul.f32 v10, v1  }
0x31d: {  	[tilespmem:s5+$0xB0] =	vst v4;
	v4 =	vmul.f32 v5, v1  }
0x31e: {  	[tilespmem:s5+$0xC0] =	vst v3;
	v1 =	vmul.f32 v7, v1  }
0x31f: {  	[tilespmem:s5+$0xD0] =	vst v4  }
0x320: {  	s31 =	simm.s32 $0x3F80;
	[tilespmem:s5+$0xE0] =	vst v1  }
0x321: {  	[spmem:s2] =	stream.indirect.scatter.add.f32 [tilespmem:s28], [sflag:$0x5], $0x80, s31, s25, $0xb8;
	[tilespmem:$0x1FA00] =	vst v63  }
0x322: {  	_ =	swait.ge [sflag:s22], $0x2800  }
0x323: {  	p1 =	sne.s32 s13, $0x1F;
	[sflag:s22] =	ssyncset.done $0x0  }
0x324: {  	s5 =	simm.s32 @!p1 $0x7;
	[sflag:s22] =	ssyncadd.s32 $0xFFFFD800  }
0x325: {  	_ =	swait.ge @!p1 [sflag:s5], $0xA50  }
0x326: {  	[sflag:s5] =	ssyncset.done @!p1 $0x0  }
0x327: {  	s13 =	sadd.s32 $0x3, s4;
	s6 =	sadd.s32 $0xFFFFFFE2, s4;
	[sflag:s5] =	ssyncadd.s32 @!p1 $0xFFFFF5B0  }
0x328: {  	p0 =	sgt.s32 s13, $0x20;
	s7 =	smov.u32 s13;
	_ =	swait.ge @!p1 [sflag:s5], $0xA50  }
0x329: {  	s30 =	smov.u32 s12;
	s7 =	smov.u32 @p0 s6;
	[sflag:s5] =	ssyncset.done @!p1 $0x0  }
0x32a: {  	s30 =	smov.u32 @p0 s16;
	s6 =	smul.u32 $0x140, s7;
	[sflag:s5] =	ssyncadd.s32 @!p1 $0xFFFFF5B0  }
0x32b: {  	p2 =	seq.s32 s30, $0x0;
	s7 =	simm.s32 $0x0;
	_ =	swait.ge @!p1 [sflag:s5], $0xA50  }
0x32c: {  	s7 =	simm.s32 @!p2 $0xA80;
	s6 =	sshra.s32 s6, $0x2;
	[sflag:s5] =	ssyncset.done @!p1 $0x0  }
0x32d: {  	s26 =	simm.s32 $0x4200;
	s6 =	sadd.s32 s6, s7;
	[sflag:s5] =	ssyncadd.s32 @!p1 $0xFFFFF5B0  }
0x32e: {  	[tilespmem:s26], [sflag:$0x1] =	stream.indirect.gather [hbm4b:s1+s25], $0x80, s6, s25, $0xb8;
	[tilespmem:$0x1FA00] =	vst v63  }
0x32f: {  	s5 =	smul.u32 $0x50, s17;
	_ =	swait.ge [sflag:s24], $0x2800  }
0x330: {  	[sflag:s24] =	ssyncset.done $0x0  }
0x331: {  	s7 =	sadd.s32 s5, s14;
	[sflag:s24] =	ssyncadd.s32 $0xFFFFD800  }
0x332: {  	v1 =	vld [tilespmem:s7+$0x0];
	_ =	sdelay $0x4  }
0x333: {  	s9 =	sadd.s32 s5, s15;
	[tilespmem:$0x4000] =	vst v1  }
0x334: {  	v1 =	vld [tilespmem:s9+$0x0];
	_ =	sdelay $0x3  }
0x335: {  	s17 =	sadd.s32 $0x10, s5  }
0x336: {  	s21 =	sadd.s32 s17, s14;
	[tilespmem:$0x4180] =	vst v1  }
0x337: {  	v1 =	vld [tilespmem:s21+$0x0];
	_ =	sdelay $0x4  }
0x338: {  	s6 =	sadd.s32 s17, s15;
	[tilespmem:$0x4010] =	vst v1  }
0x339: {  	v1 =	vld [tilespmem:s6+$0x0];
	_ =	sdelay $0x3  }
0x33a: {  	s31 =	sadd.s32 $0x20, s5  }
0x33b: {  	s9 =	sadd.s32 s31, s14;
	[tilespmem:$0x4190] =	vst v1  }
0x33c: {  	v1 =	vld [tilespmem:s9+$0x0];
	_ =	sdelay $0x4  }
0x33d: {  	s6 =	sadd.s32 s31, s15;
	[tilespmem:$0x4020] =	vst v1  }
0x33e: {  	v1 =	vld [tilespmem:s6+$0x0];
	_ =	sdelay $0x3  }
0x33f: {  	s17 =	sadd.s32 $0x30, s5  }
0x340: {  	s21 =	sadd.s32 s17, s14;
	[tilespmem:$0x41A0] =	vst v1  }
0x341: {  	v1 =	vld [tilespmem:s21+$0x0];
	_ =	sdelay $0x4  }
0x342: {  	s6 =	sadd.s32 s17, s15;
	[tilespmem:$0x4030] =	vst v1  }
0x343: {  	v1 =	vld [tilespmem:s6+$0x0];
	_ =	sdelay $0x3  }
0x344: {  	s5 =	sadd.s32 $0x40, s5  }
0x345: {  	s31 =	sadd.s32 s5, s14;
	[tilespmem:$0x41B0] =	vst v1  }
0x346: {  	v1 =	vld [tilespmem:s31+$0x0];
	_ =	sdelay $0x4  }
0x347: {  	s5 =	sadd.s32 s5, s15;
	[tilespmem:$0x4040] =	vst v1  }
0x348: {  	v1 =	vld [tilespmem:s5+$0x0];
	_ =	sdelay $0x2  }
0x349: {  	s7 =	simm.s32 $0x0  }
0x34a: {  	s5 =	sand.u32 $0x1C0, s7  }
0x34b: {  	s5 =	sshrl.u32 s5, $0x2;
	[tilespmem:$0x41C0] =	vst v1  }
0x34c: {  	s14 =	simm.s32 $0x9300;
	v1 =	vld [tilespmem:s5+$0x4180]  }
0x34d: {  	v2 =	vld [tilespmem:s14+$0xFFFFFF00]  }
0x34e: {  	v3 =	vld [tilespmem:s14+$0xFFFFFF10]  }
0x34f: {  	s9 =	simm.s32 $0x0;
	v5 =	vld [tilespmem:s14+$0xFFFFFF20]  }
0x350: {  	s5 =	sand.u32 $0xC, s9;
	v6 =	vld [tilespmem:s14+$0xFFFFFF30]  }
0x351: {  	v7 =	vld [tilespmem:s14+$0xFFFFFF40];
	v4 =	vmov s5  }
0x352: {  	v8 =	vld [tilespmem:s14+$0xFFFFFF50];
	v4 =	vperm.xlane v1, v4  }
0x353: {  	s17 =	simm.s32 $0x1;
	v16 =	vld [tilespmem:s14+$0xFFFFFFB0]  }
0x354: {  	s21 =	sand.u32 $0xD, s17;
	v17 =	vld [tilespmem:s14+$0xFFFFFFC0];
	v2 =	vmul.f32 v2, v4  }
0x355: {  	v14 =	vmov s21;
	v9 =	vld [tilespmem:s14+$0xFFFFFF60];
	v3 =	vmul.f32 v3, v4  }
0x356: {  	v10 =	vld [tilespmem:s14+$0xF0];
	v14 =	vperm.xlane v1, v14;
	v5 =	vmul.f32 v5, v4;
	[tilespmem:s14+$0xFFFFFF00] =	vst v2  }
0x357: {  	v11 =	vld [tilespmem:s14+$0xFFFFFF70];
	v6 =	vmul.f32 v6, v4;
	[tilespmem:s14+$0xFFFFFF10] =	vst v3  }
0x358: {  	v12 =	vld [tilespmem:s14+$0xFFFFFF80];
	v49 =	vmul.f32 v16, v14;
	[tilespmem:s14+$0xFFFFFF20] =	vst v5  }
0x359: {  	v13 =	vld [tilespmem:s14+$0xFFFFFF90];
	v50 =	vmul.f32 v17, v14;
	[tilespmem:s14+$0xFFFFFF30] =	vst v6  }
0x35a: {  	s15 =	simm.s32 $0x3;
	v15 =	vld [tilespmem:s14+$0xFFFFFFA0];
	v5 =	vmul.f32 v7, v4;
	[tilespmem:s14+$0xFFFFFFB0] =	vst v49  }
0x35b: {  	v48 =	vld [tilespmem:s14+$0xFFFFFFD0];
	v2 =	vmov s15;
	v6 =	vmul.f32 v8, v4;
	[tilespmem:s14+$0xFFFFFFC0] =	vst v50  }
0x35c: {  	v51 =	vld [tilespmem:s14+$0x70];
	v2 =	vperm.xlane v1, v2;
	[tilespmem:s14+$0xFFFFFF40] =	vst v5;
	v5 =	vmul.f32 v9, v4  }
0x35d: {  	v3 =	vld [tilespmem:s14+$0xFFFFFFE0];
	[tilespmem:s14+$0xFFFFFF50] =	vst v6;
	v4 =	vmul.f32 v11, v4  }
0x35e: {  	s31 =	simm.s32 $0x2;
	v8 =	vld [tilespmem:s14+$0x0];
	v10 =	vmul.f32 v10, v2;
	[tilespmem:s14+$0xFFFFFF60] =	vst v5  }
0x35f: {  	v52 =	vld [tilespmem:s14+$0x90];
	s5 =	sand.u32 $0xE, s31;
	v5 =	vmul.f32 v13, v14;
	[tilespmem:s14+$0xFFFFFF70] =	vst v4  }
0x360: {  	v7 =	vld [tilespmem:s14+$0xFFFFFFF0];
	v6 =	vmov s5;
	v4 =	vmul.f32 v15, v14;
	[tilespmem:s14+$0xF0] =	vst v10  }
0x361: {  	v1 =	vperm.xlane v1, v6;
	v6 =	vld [tilespmem:s14+$0x30];
	v10 =	vmul.f32 v12, v14;
	[tilespmem:s14+$0xFFFFFF90] =	vst v5  }
0x362: {  	v9 =	vld [tilespmem:s14+$0x10];
	v12 =	vmul.f32 v48, v14;
	[tilespmem:s14+$0xFFFFFFA0] =	vst v4  }
0x363: {  	v3 =	vmul.f32 v3, v14;
	v5 =	vmul.f32 v8, v1;
	v8 =	vld [tilespmem:s14+$0x50];
	[tilespmem:s14+$0xFFFFFF80] =	vst v10  }
0x364: {  	v4 =	vld [tilespmem:s14+$0x60];
	[tilespmem:s14+$0xFFFFFFD0] =	vst v12  }
0x365: {  	v7 =	vmul.f32 v7, v14;
	v10 =	vld [tilespmem:s14+$0x20];
	[tilespmem:s14+$0xFFFFFFE0] =	vst v3  }
0x366: {  	[tilespmem:s14+$0x0] =	vst v5;
	v5 =	vld [tilespmem:s14+$0x80];
	v6 =	vmul.f32 v6, v1  }
0x367: {  	v3 =	vmul.f32 v9, v1;
	[tilespmem:s14+$0xFFFFFFF0] =	vst v7;
	v7 =	vld [tilespmem:s14+$0xC0]  }
0x368: {  	v11 =	vld [tilespmem:s14+$0x40];
	[tilespmem:s14+$0x30] =	vst v6;
	v6 =	vmul.f32 v8, v1  }
0x369: {  	s6 =	simm.s32 $0x10;
	v53 =	vld [tilespmem:s14+$0xA0];
	s15 =	simm.s32 $0x9500;
	[tilespmem:s14+$0x10] =	vst v3;
	v4 =	vmul.f32 v4, v1  }
0x36a: {  	v55 =	vld [tilespmem:s15+$0xFFFFFF20];
	s5 =	sand.u32 $0x1C0, s6;
	v10 =	vmul.f32 v10, v1;
	[tilespmem:s14+$0x50] =	vst v6  }
0x36b: {  	s5 =	sshrl.u32 s5, $0x2;
	v3 =	vld [tilespmem:s14+$0xD0];
	v5 =	vmul.f32 v5, v2;
	[tilespmem:s14+$0x60] =	vst v4  }
0x36c: {  	v54 =	vld [tilespmem:s5+$0x4180];
	v7 =	vmul.f32 v7, v2;
	[tilespmem:s14+$0x20] =	vst v10  }
0x36d: {  	v9 =	vld [tilespmem:s14+$0xB0];
	[tilespmem:s14+$0x80] =	vst v5;
	v5 =	vmul.f32 v11, v1  }
0x36e: {  	s17 =	simm.s32 $0x4;
	v6 =	vld [tilespmem:s15+$0xFFFFFF10];
	v4 =	vmul.f32 v52, v2;
	[tilespmem:s14+$0xC0] =	vst v7  }
0x36f: {  	s7 =	sand.u32 $0xC, s17;
	v1 =	vmul.f32 v51, v1;
	[tilespmem:s14+$0x40] =	vst v5;
	v5 =	vld [tilespmem:s15+$0xFFFFFF00]  }
0x370: {  	v56 =	vld [tilespmem:s15+$0xFFFFFF30];
	v3 =	vmul.f32 v3, v2;
	v11 =	vmov s7;
	[tilespmem:s14+$0x90] =	vst v4  }
0x371: {  	v8 =	vld [tilespmem:s15+$0xF0];
	v11 =	vperm.xlane v54, v11;
	[tilespmem:s14+$0x70] =	vst v1;
	v1 =	vmul.f32 v53, v2  }
0x372: {  	s9 =	simm.s32 $0x7;
	v57 =	vld [tilespmem:s15+$0xFFFFFF50];
	v4 =	vmul.f32 v9, v2;
	[tilespmem:s14+$0xD0] =	vst v3  }
0x373: {  	v7 =	vld [tilespmem:s15+$0xFFFFFF70];
	v3 =	vmul.f32 v6, v11;
	[tilespmem:s14+$0xA0] =	vst v1;
	v1 =	vmov s9  }
0x374: {  	[tilespmem:s14+$0xB0] =	vst v4;
	v4 =	vld [tilespmem:s15+$0xFFFFFF60];
	v1 =	vperm.xlane v54, v1;
	v5 =	vmul.f32 v5, v11  }
0x375: {  	v9 =	vld [tilespmem:s15+$0xFFFFFF40];
	[tilespmem:s15+$0xFFFFFF10] =	vst v3;
	v3 =	vmul.f32 v56, v11  }
0x376: {  	v6 =	vld [tilespmem:s15+$0xFFFFFF80];
	[tilespmem:s15+$0xFFFFFF00] =	vst v5;
	v5 =	vmul.f32 v8, v1  }
0x377: {  	s21 =	simm.s32 $0x5;
	[tilespmem:s15+$0xFFFFFF30] =	vst v3;
	v3 =	vmul.f32 v57, v11;
	v8 =	vld [tilespmem:s15+$0xFFFFFF90]  }
0x378: {  	v59 =	vld [tilespmem:s15+$0xFFFFFFA0];
	s5 =	sand.u32 $0xD, s21;
	[tilespmem:s15+$0xF0] =	vst v5;
	v5 =	vmul.f32 v55, v11  }
0x379: {  	v60 =	vld [tilespmem:s15+$0xFFFFFFC0];
	v58 =	vmov s5;
	v4 =	vmul.f32 v4, v11;
	[tilespmem:s15+$0xFFFFFF50] =	vst v3  }
0x37a: {  	v13 =	vperm.xlane v54, v58;
	[tilespmem:s15+$0xFFFFFF20] =	vst v5;
	v5 =	vmul.f32 v9, v11;
	v9 =	vld [tilespmem:s15+$0xFFFFFFB0]  }
0x37b: {  	v61 =	vld [tilespmem:s15+$0xFFFFFFE0];
	v3 =	vmul.f32 v7, v11;
	[tilespmem:s15+$0xFFFFFF60] =	vst v4  }
0x37c: {  	v4 =	vmul.f32 v8, v13;
	[tilespmem:s15+$0xFFFFFF40] =	vst v5;
	v5 =	vmul.f32 v6, v13;
	v6 =	vld [tilespmem:s15+$0xFFFFFFD0]  }
0x37d: {  	v62 =	vld [tilespmem:s15+$0x20];
	[tilespmem:s15+$0xFFFFFF70] =	vst v3  }
0x37e: {  	s31 =	simm.s32 $0x6;
	v7 =	vld [tilespmem:s15+$0x0];
	v3 =	vmul.f32 v59, v13;
	[tilespmem:s15+$0xFFFFFF90] =	vst v4  }
0x37f: {  	s5 =	sand.u32 $0xE, s31;
	[tilespmem:s15+$0xFFFFFF80] =	vst v5;
	v5 =	vld [tilespmem:s15+$0xFFFFFFF0];
	v4 =	vmul.f32 v9, v13  }
0x380: {  	[tilespmem:s15+$0xFFFFFFA0] =	vst v3;
	v11 =	vmul.f32 v60, v13;
	v8 =	vld [tilespmem:s15+$0x10];
	v9 =	vmov s5  }
0x381: {  	v63 =	vld [tilespmem:s15+$0x50];
	v3 =	vperm.xlane v54, v9;
	[tilespmem:s15+$0xFFFFFFB0] =	vst v4;
	v4 =	vmul.f32 v6, v13  }
0x382: {  	[tilespmem:s15+$0xFFFFFFC0] =	vst v11;
	v9 =	vmul.f32 v61, v13;
	v6 =	vld [tilespmem:s15+$0x30]  }
0x383: {  	v11 =	vld [tilespmem:s15+$0x40];
	[tilespmem:s15+$0xFFFFFFD0] =	vst v4;
	v4 =	vmul.f32 v7, v3  }
0x384: {  	v10 =	vld [tilespmem:s14+$0xE0];
	[tilespmem:s15+$0xFFFFFFE0] =	vst v9;
	v5 =	vmul.f32 v5, v13  }
0x385: {  	v9 =	vld [tilespmem:s15+$0x60];
	v7 =	vmul.f32 v8, v3;
	[tilespmem:s15+$0x0] =	vst v4  }
0x386: {  	[tilespmem:s15+$0xFFFFFFF0] =	vst v5;
	v4 =	vmul.f32 v62, v3;
	v5 =	vld [tilespmem:s15+$0x70]  }
0x387: {  	v8 =	vld [tilespmem:s15+$0x80];
	[tilespmem:s15+$0x10] =	vst v7;
	v7 =	vmul.f32 v6, v3  }
0x388: {  	v6 =	vld [tilespmem:s15+$0x90];
	[tilespmem:s15+$0x20] =	vst v4;
	v4 =	vmul.f32 v11, v3  }
0x389: {  	v2 =	vmul.f32 v10, v2;
	v10 =	vmul.f32 v63, v3;
	[tilespmem:s15+$0x30] =	vst v7;
	v7 =	vld [tilespmem:s15+$0xA0]  }
0x38a: {  	s6 =	simm.s32 $0x20;
	s5 =	simm.s32 $0x9500;
	v9 =	vmul.f32 v9, v3;
	[tilespmem:s15+$0x40] =	vst v4;
	v4 =	vld [tilespmem:s15+$0xB0]  }
.LBB2_15:
0x38b: {  	s7 =	sand.u32 $0x1C0, s6;
	[tilespmem:s15+$0x50] =	vst v10;
	v3 =	vmul.f32 v5, v3;
	v5 =	vld [tilespmem:s15+$0xC0];
	s9 =	smov.u32 s17  }
0x38c: {  	s7 =	sshrl.u32 s7, $0x2;
	[tilespmem:s15+$0x60] =	vst v9;
	v8 =	vmul.f32 v8, v1;
	v9 =	vld [tilespmem:s15+$0xD0]  }
0x38d: {  	v10 =	vld [tilespmem:s7+$0x4180];
	[tilespmem:s15+$0x70] =	vst v3;
	v3 =	vmul.f32 v6, v1  }
0x38e: {  	s17 =	sadd.s32 $0x4, s17;
	s15 =	sadd.s32 $0x200, s15;
	[tilespmem:s5+$0x80] =	vst v8;
	v6 =	vmul.f32 v7, v1;
	v7 =	vld [tilespmem:s5+$0xE0]  }
0x38f: {  	s21 =	sadd.s32 $0x5, s9;
	p1 =	slt.u32 s17, $0x4C;
	s7 =	sand.u32 $0xC, s17;
	v8 =	vld [tilespmem:s15+$0xF0];
	[tilespmem:s5+$0x90] =	vst v3;
	v3 =	vmul.f32 v4, v1  }
0x390: {  	v4 =	vmov s7;
	s7 =	sand.u32 $0xD, s21;
	s21 =	sadd.s32 $0x6, s9;
	s9 =	sadd.s32 $0x7, s9;
	v11 =	vld [tilespmem:s15+$0xFFFFFF00];
	[tilespmem:s5+$0xA0] =	vst v6;
	v5 =	vmul.f32 v5, v1  }
0x391: {  	v12 =	vmov s7;
	s7 =	sand.u32 $0xE, s21;
	v13 =	vmov s9;
	v6 =	vld [tilespmem:s15+$0xFFFFFF10];
	[tilespmem:s5+$0xB0] =	vst v3;
	v9 =	vmul.f32 v9, v1  }
0x392: {  	v3 =	vmov s7;
	v4 =	vperm.xlane v10, v4;
	v14 =	vld [tilespmem:s15+$0xFFFFFF20];
	v13 =	vperm.xlane v10, v13;
	[tilespmem:s5+$0xC0] =	vst v5  }
0x393: {  	v12 =	vperm.xlane v10, v12;
	v3 =	vperm.xlane v10, v3;
	v5 =	vld [tilespmem:s15+$0xFFFFFF30];
	[tilespmem:s5+$0xD0] =	vst v9  }
0x394: {  	v9 =	vld [tilespmem:s15+$0xFFFFFF40];
	v8 =	vmul.f32 v8, v13;
	[tilespmem:s14+$0xE0] =	vst v2;
	v2 =	vmul.f32 v7, v1;
	v1 =	vmov v13;
	s14 =	smov.u32 s5;
	s5 =	smov.u32 s15  }
0x395: {  	v7 =	vmul.f32 v11, v4;
	v10 =	vld [tilespmem:s15+$0xFFFFFF50]  }
0x396: {  	v6 =	vmul.f32 v6, v4;
	v11 =	vld [tilespmem:s15+$0xFFFFFF60];
	[tilespmem:s15+$0xF0] =	vst v8  }
0x397: {  	[tilespmem:s15+$0xFFFFFF00] =	vst v7;
	v7 =	vmul.f32 v14, v4;
	v8 =	vld [tilespmem:s15+$0xFFFFFF70]  }
0x398: {  	[tilespmem:s15+$0xFFFFFF10] =	vst v6;
	v5 =	vmul.f32 v5, v4;
	v6 =	vld [tilespmem:s15+$0xFFFFFF80]  }
0x399: {  	[tilespmem:s15+$0xFFFFFF20] =	vst v7;
	v7 =	vmul.f32 v9, v4;
	v9 =	vld [tilespmem:s15+$0xFFFFFF90]  }
0x39a: {  	[tilespmem:s15+$0xFFFFFF30] =	vst v5;
	v5 =	vmul.f32 v10, v4;
	v10 =	vld [tilespmem:s15+$0xFFFFFFA0]  }
0x39b: {  	[tilespmem:s15+$0xFFFFFF40] =	vst v7;
	v7 =	vmul.f32 v11, v4;
	v11 =	vld [tilespmem:s15+$0xFFFFFFB0]  }
0x39c: {  	[tilespmem:s15+$0xFFFFFF50] =	vst v5;
	v4 =	vmul.f32 v8, v4;
	v5 =	vld [tilespmem:s15+$0xFFFFFFC0]  }
0x39d: {  	[tilespmem:s15+$0xFFFFFF60] =	vst v7;
	v6 =	vmul.f32 v6, v12;
	v7 =	vld [tilespmem:s15+$0xFFFFFFD0]  }
0x39e: {  	[tilespmem:s15+$0xFFFFFF70] =	vst v4;
	v4 =	vmul.f32 v9, v12;
	v8 =	vld [tilespmem:s15+$0xFFFFFFE0]  }
0x39f: {  	[tilespmem:s15+$0xFFFFFF80] =	vst v6;
	v6 =	vmul.f32 v10, v12;
	v9 =	vld [tilespmem:s15+$0xFFFFFFF0]  }
0x3a0: {  	[tilespmem:s15+$0xFFFFFF90] =	vst v4;
	v4 =	vmul.f32 v11, v12;
	v10 =	vld [tilespmem:s15+$0x0]  }
0x3a1: {  	[tilespmem:s15+$0xFFFFFFA0] =	vst v6;
	v5 =	vmul.f32 v5, v12;
	v6 =	vld [tilespmem:s15+$0x10]  }
0x3a2: {  	[tilespmem:s15+$0xFFFFFFB0] =	vst v4;
	v4 =	vmul.f32 v7, v12;
	v7 =	vld [tilespmem:s15+$0x20]  }
0x3a3: {  	[tilespmem:s15+$0xFFFFFFC0] =	vst v5;
	v5 =	vmul.f32 v8, v12;
	v8 =	vld [tilespmem:s15+$0x30]  }
0x3a4: {  	[tilespmem:s15+$0xFFFFFFD0] =	vst v4;
	v4 =	vmul.f32 v9, v12;
	v9 =	vld [tilespmem:s15+$0x40]  }
0x3a5: {  	[tilespmem:s15+$0xFFFFFFE0] =	vst v5;
	v5 =	vmul.f32 v10, v3;
	v10 =	vld [tilespmem:s15+$0x50]  }
0x3a6: {  	[tilespmem:s15+$0xFFFFFFF0] =	vst v4;
	v4 =	vmul.f32 v6, v3;
	v11 =	vld [tilespmem:s15+$0x60]  }
.Ltmp6:
0x3a7: {  	[tilespmem:s15+$0x0] =	vst v5;
	v6 =	vmul.f32 v7, v3;
	v5 =	vld [tilespmem:s15+$0x70];
	(pc) =	sbr.rel @p1 .LBB2_15-.Ltmp6, $4  }
0x3a8: {  	[tilespmem:s15+$0x10] =	vst v4;
	v4 =	vmul.f32 v8, v3;
	v8 =	vld [tilespmem:s15+$0x80]  }
0x3a9: {  	[tilespmem:s15+$0x20] =	vst v6;
	v9 =	vmul.f32 v9, v3;
	v6 =	vld [tilespmem:s15+$0x90]  }
0x3aa: {  	[tilespmem:s15+$0x30] =	vst v4;
	v10 =	vmul.f32 v10, v3;
	v7 =	vld [tilespmem:s15+$0xA0]  }
0x3ab: {  	s6 =	sadd.s32 $0x10, s6;
	[tilespmem:s15+$0x40] =	vst v9;
	v9 =	vmul.f32 v11, v3;
	v4 =	vld [tilespmem:s15+$0xB0]  }
0x3ac: {  	[tilespmem:s15+$0x50] =	vst v10  }
0x3ad: {  	v60 =	vld [tilespmem:s15+$0xC0];
	v3 =	vmul.f32 v5, v3;
	[tilespmem:s14+$0xE0] =	vst v2  }
0x3ae: {  	v61 =	vld [tilespmem:s15+$0xD0];
	v8 =	vmul.f32 v8, v1;
	[tilespmem:s15+$0x60] =	vst v9  }
0x3af: {  	v62 =	vld [tilespmem:s5+$0xE0];
	v6 =	vmul.f32 v6, v1;
	[tilespmem:s15+$0x70] =	vst v3  }
0x3b0: {  	[tilespmem:s5+$0x80] =	vst v8;
	v3 =	vmul.f32 v7, v1  }
0x3b1: {  	[tilespmem:s5+$0x90] =	vst v6;
	v4 =	vmul.f32 v4, v1  }
0x3b2: {  	[tilespmem:s5+$0xA0] =	vst v3;
	v3 =	vmul.f32 v60, v1  }
0x3b3: {  	v63 =	vmul.f32 v61, v1;
	[tilespmem:s5+$0xB0] =	vst v4  }
0x3b4: {  	v1 =	vmul.f32 v62, v1;
	[tilespmem:s5+$0xC0] =	vst v3  }
0x3b5: {  	[tilespmem:s5+$0xD0] =	vst v63  }
0x3b6: {  	s31 =	simm.s32 $0x4000;
	[tilespmem:s5+$0xE0] =	vst v1;
	s5 =	sadd.s32 $0x4, s4  }
0x3b7: {  	[spmem:s2] =	stream.indirect.scatter.add.f32 [tilespmem:s0], [sflag:$0x6], $0x80, s31, s25, $0xb8;
	[tilespmem:$0x1FA00] =	vst v63  }
0x3b8: {  	s11 =	sadd.s32 $0x1, s11;
	s4 =	sadd.s32 $0xFFFFFFE3, s4;
	p1 =	sgt.s32 s5, $0x20  }
0x3b9: {  	s13 =	simm.s32 @p0 $0x0;
	p0 =	sne.s32 s11, $0x2A;
	s5 =	smov.u32 @p1 s4  }
0x3ba: {  	s12 =	smov.u32 @p1 s16;
	_ =	swait.ge [sflag:s23], $0x2800;
	s4 =	smul.u32 $0x140, s5  }
.Ltmp7:
0x3bb: {  	p1 =	seq.s32 s12, $0x0;
	s5 =	simm.s32 $0x0;
	(pc) =	sbr.rel @p0 .LBB2_10-.Ltmp7, $4  }
0x3bc: {  	[sflag:s23] =	ssyncset.done $0x0;
	s5 =	simm.s32 @!p1 $0xA80;
	s4 =	sshra.s32 s4, $0x2  }
0x3bd: {  	[sflag:s23] =	ssyncadd.s32 $0xFFFFD800;
	s4 =	sadd.s32 s4, s5  }
0x3be: {  	[tilespmem:s28], [sflag:$0x2] =	stream.indirect.gather [hbm4b:s1+s25], $0x80, s4, s25, $0xb8;
	[tilespmem:$0x1FA00] =	vst v63  }
0x3bf: {  	s12 =	smov.u32 s30;
	s4 =	smov.u32 s13  }
0x3c0: {  	_ =	swait.ge [sflag:s29], $0x2800  }
0x3c1: {  	[sflag:s29] =	ssyncset.done $0x0  }
0x3c2: {  	[sflag:s29] =	ssyncadd.s32 $0xFFFFD800  }
0x3c3: {  	v1 =	vld [tilespmem:$0x28E0]  }
0x3c4: {  	v2 =	vld [tilespmem:$0x3DE0]  }
0x3c5: {  	v3 =	vld [tilespmem:$0x28F0]  }
0x3c6: {  	v4 =	vld [tilespmem:$0x3DF0]  }
0x3c7: {  	v5 =	vld [tilespmem:$0x2900]  }
0x3c8: {  	[tilespmem:$0x3F00] =	vst v1;
	v1 =	vld [tilespmem:$0x3E00]  }
0x3c9: {  	[tilespmem:$0x4080] =	vst v2;
	v2 =	vld [tilespmem:$0x2910]  }
0x3ca: {  	[tilespmem:$0x3F10] =	vst v3;
	v3 =	vld [tilespmem:$0x3E10]  }
0x3cb: {  	[tilespmem:$0x4090] =	vst v4;
	v4 =	vld [tilespmem:$0x2920]  }
0x3cc: {  	[tilespmem:$0x3F20] =	vst v5;
	v5 =	vld [tilespmem:$0x3E20]  }
0x3cd: {  	[tilespmem:$0x40A0] =	vst v1  }
0x3ce: {  	[tilespmem:$0x3F30] =	vst v2  }
0x3cf: {  	s4 =	simm.s32 $0x0;
	[tilespmem:$0x40B0] =	vst v3  }
0x3d0: {  	s4 =	sand.u32 $0x1C0, s4;
	[tilespmem:$0x3F40] =	vst v4  }
0x3d1: {  	s4 =	sshrl.u32 s4, $0x2;
	[tilespmem:$0x40C0] =	vst v5  }
0x3d2: {  	s10 =	simm.s32 $0x4500;
	v1 =	vld [tilespmem:s4+$0x4080]  }
0x3d3: {  	s4 =	simm.s32 $0x4300;
	v55 =	vld [tilespmem:s10+$0xFFFFFF20]  }
0x3d4: {  	v2 =	vld [tilespmem:s4+$0xFFFFFF00]  }
0x3d5: {  	s5 =	simm.s32 $0x0;
	v3 =	vld [tilespmem:s4+$0xFFFFFF10]  }
0x3d6: {  	s5 =	sand.u32 $0xC, s5;
	v5 =	vld [tilespmem:s4+$0xFFFFFF20]  }
0x3d7: {  	v4 =	vmov s5;
	v6 =	vld [tilespmem:s4+$0xFFFFFF30]  }
0x3d8: {  	v7 =	vld [tilespmem:s4+$0xFFFFFF40];
	v4 =	vperm.xlane v1, v4  }
0x3d9: {  	s6 =	simm.s32 $0x1;
	v16 =	vld [tilespmem:s4+$0xFFFFFFB0]  }
0x3da: {  	s14 =	sand.u32 $0xD, s6;
	v17 =	vld [tilespmem:s4+$0xFFFFFFC0];
	v2 =	vmul.f32 v2, v4  }
0x3db: {  	v14 =	vmov s14;
	v8 =	vld [tilespmem:s4+$0xFFFFFF50];
	v3 =	vmul.f32 v3, v4  }
0x3dc: {  	v9 =	vld [tilespmem:s4+$0xFFFFFF60];
	v14 =	vperm.xlane v1, v14;
	v5 =	vmul.f32 v5, v4;
	[tilespmem:s4+$0xFFFFFF00] =	vst v2  }
0x3dd: {  	v10 =	vld [tilespmem:s4+$0xF0];
	v6 =	vmul.f32 v6, v4;
	[tilespmem:s4+$0xFFFFFF10] =	vst v3  }
0x3de: {  	v11 =	vld [tilespmem:s4+$0xFFFFFF70];
	v49 =	vmul.f32 v16, v14;
	[tilespmem:s4+$0xFFFFFF20] =	vst v5  }
0x3df: {  	v12 =	vld [tilespmem:s4+$0xFFFFFF80];
	v50 =	vmul.f32 v17, v14;
	[tilespmem:s4+$0xFFFFFF30] =	vst v6  }
0x3e0: {  	s13 =	simm.s32 $0x3;
	v13 =	vld [tilespmem:s4+$0xFFFFFF90];
	v5 =	vmul.f32 v7, v4;
	[tilespmem:s4+$0xFFFFFFB0] =	vst v49  }
0x3e1: {  	v15 =	vld [tilespmem:s4+$0xFFFFFFA0];
	v2 =	vmov s13;
	v6 =	vmul.f32 v8, v4;
	[tilespmem:s4+$0xFFFFFFC0] =	vst v50  }
0x3e2: {  	v48 =	vld [tilespmem:s4+$0xFFFFFFD0];
	v2 =	vperm.xlane v1, v2;
	[tilespmem:s4+$0xFFFFFF40] =	vst v5;
	v5 =	vmul.f32 v9, v4  }
0x3e3: {  	v3 =	vld [tilespmem:s4+$0xFFFFFFE0];
	[tilespmem:s4+$0xFFFFFF50] =	vst v6;
	v4 =	vmul.f32 v11, v4  }
0x3e4: {  	s15 =	simm.s32 $0x2;
	v8 =	vld [tilespmem:s4+$0x0];
	v10 =	vmul.f32 v10, v2;
	[tilespmem:s4+$0xFFFFFF60] =	vst v5  }
0x3e5: {  	s5 =	sand.u32 $0xE, s15;
	v51 =	vld [tilespmem:s4+$0x70];
	v5 =	vmul.f32 v13, v14;
	[tilespmem:s4+$0xFFFFFF70] =	vst v4  }
0x3e6: {  	v7 =	vld [tilespmem:s4+$0xFFFFFFF0];
	v6 =	vmov s5;
	v4 =	vmul.f32 v15, v14;
	[tilespmem:s4+$0xF0] =	vst v10  }
0x3e7: {  	v1 =	vperm.xlane v1, v6;
	v6 =	vld [tilespmem:s4+$0x30];
	v10 =	vmul.f32 v12, v14;
	[tilespmem:s4+$0xFFFFFF90] =	vst v5  }
0x3e8: {  	v9 =	vld [tilespmem:s4+$0x10];
	v12 =	vmul.f32 v48, v14;
	[tilespmem:s4+$0xFFFFFFA0] =	vst v4  }
0x3e9: {  	v3 =	vmul.f32 v3, v14;
	v5 =	vmul.f32 v8, v1;
	v8 =	vld [tilespmem:s4+$0x50];
	[tilespmem:s4+$0xFFFFFF80] =	vst v10  }
0x3ea: {  	v4 =	vld [tilespmem:s4+$0x60];
	[tilespmem:s4+$0xFFFFFFD0] =	vst v12  }
0x3eb: {  	v7 =	vmul.f32 v7, v14;
	v10 =	vld [tilespmem:s4+$0x20];
	[tilespmem:s4+$0xFFFFFFE0] =	vst v3  }
0x3ec: {  	[tilespmem:s4+$0x0] =	vst v5;
	v5 =	vld [tilespmem:s4+$0x80];
	v6 =	vmul.f32 v6, v1  }
0x3ed: {  	v3 =	vmul.f32 v9, v1;
	[tilespmem:s4+$0xFFFFFFF0] =	vst v7;
	v7 =	vld [tilespmem:s4+$0xC0]  }
0x3ee: {  	v11 =	vld [tilespmem:s4+$0x40];
	[tilespmem:s4+$0x30] =	vst v6;
	v6 =	vmul.f32 v8, v1  }
0x3ef: {  	s16 =	simm.s32 $0x10;
	v52 =	vld [tilespmem:s4+$0x90];
	[tilespmem:s4+$0x10] =	vst v3;
	v4 =	vmul.f32 v4, v1  }
0x3f0: {  	v53 =	vld [tilespmem:s4+$0xA0];
	s5 =	sand.u32 $0x1C0, s16;
	v10 =	vmul.f32 v10, v1;
	[tilespmem:s4+$0x50] =	vst v6  }
0x3f1: {  	s5 =	sshrl.u32 s5, $0x2;
	v3 =	vld [tilespmem:s4+$0xD0];
	v5 =	vmul.f32 v5, v2;
	[tilespmem:s4+$0x60] =	vst v4  }
0x3f2: {  	v54 =	vld [tilespmem:s5+$0x4080];
	v7 =	vmul.f32 v7, v2;
	[tilespmem:s4+$0x20] =	vst v10  }
0x3f3: {  	v9 =	vld [tilespmem:s4+$0xB0];
	[tilespmem:s4+$0x80] =	vst v5;
	v5 =	vmul.f32 v11, v1  }
0x3f4: {  	s11 =	simm.s32 $0x4;
	v6 =	vld [tilespmem:s10+$0xFFFFFF10];
	v4 =	vmul.f32 v52, v2;
	[tilespmem:s4+$0xC0] =	vst v7  }
0x3f5: {  	s17 =	sand.u32 $0xC, s11;
	v1 =	vmul.f32 v51, v1;
	[tilespmem:s4+$0x40] =	vst v5;
	v5 =	vld [tilespmem:s10+$0xFFFFFF00]  }
0x3f6: {  	v56 =	vld [tilespmem:s10+$0xFFFFFF30];
	v3 =	vmul.f32 v3, v2;
	v11 =	vmov s17;
	[tilespmem:s4+$0x90] =	vst v4  }
0x3f7: {  	v8 =	vld [tilespmem:s10+$0xF0];
	v11 =	vperm.xlane v54, v11;
	[tilespmem:s4+$0x70] =	vst v1;
	v1 =	vmul.f32 v53, v2  }
0x3f8: {  	s21 =	simm.s32 $0x7;
	v57 =	vld [tilespmem:s10+$0xFFFFFF50];
	v4 =	vmul.f32 v9, v2;
	[tilespmem:s4+$0xD0] =	vst v3  }
0x3f9: {  	v7 =	vld [tilespmem:s10+$0xFFFFFF70];
	v3 =	vmul.f32 v6, v11;
	[tilespmem:s4+$0xA0] =	vst v1;
	v1 =	vmov s21  }
0x3fa: {  	[tilespmem:s4+$0xB0] =	vst v4;
	v4 =	vld [tilespmem:s10+$0xFFFFFF60];
	v1 =	vperm.xlane v54, v1;
	v5 =	vmul.f32 v5, v11  }
0x3fb: {  	v9 =	vld [tilespmem:s10+$0xFFFFFF40];
	[tilespmem:s10+$0xFFFFFF10] =	vst v3;
	v3 =	vmul.f32 v56, v11  }
0x3fc: {  	v6 =	vld [tilespmem:s10+$0xFFFFFF80];
	[tilespmem:s10+$0xFFFFFF00] =	vst v5;
	v5 =	vmul.f32 v8, v1  }
0x3fd: {  	s30 =	simm.s32 $0x5;
	[tilespmem:s10+$0xFFFFFF30] =	vst v3;
	v3 =	vmul.f32 v57, v11;
	v8 =	vld [tilespmem:s10+$0xFFFFFF90]  }
0x3fe: {  	v59 =	vld [tilespmem:s10+$0xFFFFFFA0];
	s5 =	sand.u32 $0xD, s30;
	[tilespmem:s10+$0xF0] =	vst v5;
	v5 =	vmul.f32 v55, v11  }
0x3ff: {  	v60 =	vld [tilespmem:s10+$0xFFFFFFC0];
	v58 =	vmov s5;
	v4 =	vmul.f32 v4, v11;
	[tilespmem:s10+$0xFFFFFF50] =	vst v3  }
0x400: {  	v13 =	vperm.xlane v54, v58;
	[tilespmem:s10+$0xFFFFFF20] =	vst v5;
	v5 =	vmul.f32 v9, v11;
	v9 =	vld [tilespmem:s10+$0xFFFFFFB0]  }
0x401: {  	v61 =	vld [tilespmem:s10+$0xFFFFFFE0];
	v3 =	vmul.f32 v7, v11;
	[tilespmem:s10+$0xFFFFFF60] =	vst v4  }
0x402: {  	v4 =	vmul.f32 v8, v13;
	[tilespmem:s10+$0xFFFFFF40] =	vst v5;
	v5 =	vmul.f32 v6, v13;
	v6 =	vld [tilespmem:s10+$0xFFFFFFD0]  }
0x403: {  	v62 =	vld [tilespmem:s10+$0x20];
	[tilespmem:s10+$0xFFFFFF70] =	vst v3  }
0x404: {  	s31 =	simm.s32 $0x6;
	v7 =	vld [tilespmem:s10+$0x0];
	v3 =	vmul.f32 v59, v13;
	[tilespmem:s10+$0xFFFFFF90] =	vst v4  }
0x405: {  	s5 =	sand.u32 $0xE, s31;
	[tilespmem:s10+$0xFFFFFF80] =	vst v5;
	v5 =	vld [tilespmem:s10+$0xFFFFFFF0];
	v4 =	vmul.f32 v9, v13  }
0x406: {  	[tilespmem:s10+$0xFFFFFFA0] =	vst v3;
	v11 =	vmul.f32 v60, v13;
	v8 =	vld [tilespmem:s10+$0x10];
	v9 =	vmov s5  }
0x407: {  	v63 =	vld [tilespmem:s10+$0x50];
	v3 =	vperm.xlane v54, v9;
	[tilespmem:s10+$0xFFFFFFB0] =	vst v4;
	v4 =	vmul.f32 v6, v13  }
0x408: {  	[tilespmem:s10+$0xFFFFFFC0] =	vst v11;
	v9 =	vmul.f32 v61, v13;
	v6 =	vld [tilespmem:s10+$0x30]  }
0x409: {  	v11 =	vld [tilespmem:s10+$0x40];
	[tilespmem:s10+$0xFFFFFFD0] =	vst v4;
	v4 =	vmul.f32 v7, v3  }
0x40a: {  	v10 =	vld [tilespmem:s4+$0xE0];
	[tilespmem:s10+$0xFFFFFFE0] =	vst v9;
	v5 =	vmul.f32 v5, v13  }
0x40b: {  	v9 =	vld [tilespmem:s10+$0x60];
	v7 =	vmul.f32 v8, v3;
	[tilespmem:s10+$0x0] =	vst v4  }
0x40c: {  	[tilespmem:s10+$0xFFFFFFF0] =	vst v5;
	v4 =	vmul.f32 v62, v3;
	v5 =	vld [tilespmem:s10+$0x70]  }
0x40d: {  	v8 =	vld [tilespmem:s10+$0x80];
	[tilespmem:s10+$0x10] =	vst v7;
	v7 =	vmul.f32 v6, v3  }
0x40e: {  	v6 =	vld [tilespmem:s10+$0x90];
	[tilespmem:s10+$0x20] =	vst v4;
	v4 =	vmul.f32 v11, v3  }
0x40f: {  	v2 =	vmul.f32 v10, v2;
	v10 =	vmul.f32 v63, v3;
	[tilespmem:s10+$0x30] =	vst v7;
	v7 =	vld [tilespmem:s10+$0xA0]  }
0x410: {  	s6 =	simm.s32 $0x20;
	s5 =	simm.s32 $0x4500;
	v9 =	vmul.f32 v9, v3;
	[tilespmem:s10+$0x40] =	vst v4;
	v4 =	vld [tilespmem:s10+$0xB0]  }
.LBB2_18:
0x411: {  	s7 =	sand.u32 $0x1C0, s6;
	[tilespmem:s10+$0x50] =	vst v10;
	v3 =	vmul.f32 v5, v3;
	v5 =	vld [tilespmem:s10+$0xC0];
	s9 =	smov.u32 s11  }
0x412: {  	s7 =	sshrl.u32 s7, $0x2;
	[tilespmem:s10+$0x60] =	vst v9;
	v8 =	vmul.f32 v8, v1;
	v9 =	vld [tilespmem:s10+$0xD0]  }
0x413: {  	v10 =	vld [tilespmem:s7+$0x4080];
	[tilespmem:s10+$0x70] =	vst v3;
	v3 =	vmul.f32 v6, v1  }
0x414: {  	s11 =	sadd.s32 $0x4, s11;
	s10 =	sadd.s32 $0x200, s10;
	[tilespmem:s5+$0x80] =	vst v8;
	v6 =	vmul.f32 v7, v1;
	v7 =	vld [tilespmem:s5+$0xE0]  }
0x415: {  	s12 =	sadd.s32 $0x5, s9;
	p0 =	slt.u32 s11, $0x4C;
	s7 =	sand.u32 $0xC, s11;
	v8 =	vld [tilespmem:s10+$0xF0];
	[tilespmem:s5+$0x90] =	vst v3;
	v3 =	vmul.f32 v4, v1  }
0x416: {  	v4 =	vmov s7;
	s7 =	sand.u32 $0xD, s12;
	s12 =	sadd.s32 $0x6, s9;
	s9 =	sadd.s32 $0x7, s9;
	v11 =	vld [tilespmem:s10+$0xFFFFFF00];
	[tilespmem:s5+$0xA0] =	vst v6;
	v5 =	vmul.f32 v5, v1  }
0x417: {  	v12 =	vmov s7;
	s7 =	sand.u32 $0xE, s12;
	v13 =	vmov s9;
	v6 =	vld [tilespmem:s10+$0xFFFFFF10];
	[tilespmem:s5+$0xB0] =	vst v3;
	v9 =	vmul.f32 v9, v1  }
0x418: {  	v3 =	vmov s7;
	v4 =	vperm.xlane v10, v4;
	v14 =	vld [tilespmem:s10+$0xFFFFFF20];
	v13 =	vperm.xlane v10, v13;
	[tilespmem:s5+$0xC0] =	vst v5  }
0x419: {  	v12 =	vperm.xlane v10, v12;
	v3 =	vperm.xlane v10, v3;
	v5 =	vld [tilespmem:s10+$0xFFFFFF30];
	[tilespmem:s5+$0xD0] =	vst v9  }
0x41a: {  	v9 =	vld [tilespmem:s10+$0xFFFFFF40];
	v8 =	vmul.f32 v8, v13;
	[tilespmem:s4+$0xE0] =	vst v2;
	v2 =	vmul.f32 v7, v1;
	v1 =	vmov v13;
	s4 =	smov.u32 s5;
	s5 =	smov.u32 s10  }
0x41b: {  	v7 =	vmul.f32 v11, v4;
	v10 =	vld [tilespmem:s10+$0xFFFFFF50]  }
0x41c: {  	v6 =	vmul.f32 v6, v4;
	v11 =	vld [tilespmem:s10+$0xFFFFFF60];
	[tilespmem:s10+$0xF0] =	vst v8  }
0x41d: {  	[tilespmem:s10+$0xFFFFFF00] =	vst v7;
	v7 =	vmul.f32 v14, v4;
	v8 =	vld [tilespmem:s10+$0xFFFFFF70]  }
0x41e: {  	[tilespmem:s10+$0xFFFFFF10] =	vst v6;
	v5 =	vmul.f32 v5, v4;
	v6 =	vld [tilespmem:s10+$0xFFFFFF80]  }
0x41f: {  	[tilespmem:s10+$0xFFFFFF20] =	vst v7;
	v7 =	vmul.f32 v9, v4;
	v9 =	vld [tilespmem:s10+$0xFFFFFF90]  }
0x420: {  	[tilespmem:s10+$0xFFFFFF30] =	vst v5;
	v5 =	vmul.f32 v10, v4;
	v10 =	vld [tilespmem:s10+$0xFFFFFFA0]  }
0x421: {  	[tilespmem:s10+$0xFFFFFF40] =	vst v7;
	v7 =	vmul.f32 v11, v4;
	v11 =	vld [tilespmem:s10+$0xFFFFFFB0]  }
0x422: {  	[tilespmem:s10+$0xFFFFFF50] =	vst v5;
	v4 =	vmul.f32 v8, v4;
	v5 =	vld [tilespmem:s10+$0xFFFFFFC0]  }
0x423: {  	[tilespmem:s10+$0xFFFFFF60] =	vst v7;
	v6 =	vmul.f32 v6, v12;
	v7 =	vld [tilespmem:s10+$0xFFFFFFD0]  }
0x424: {  	[tilespmem:s10+$0xFFFFFF70] =	vst v4;
	v4 =	vmul.f32 v9, v12;
	v8 =	vld [tilespmem:s10+$0xFFFFFFE0]  }
0x425: {  	[tilespmem:s10+$0xFFFFFF80] =	vst v6;
	v6 =	vmul.f32 v10, v12;
	v9 =	vld [tilespmem:s10+$0xFFFFFFF0]  }
0x426: {  	[tilespmem:s10+$0xFFFFFF90] =	vst v4;
	v4 =	vmul.f32 v11, v12;
	v10 =	vld [tilespmem:s10+$0x0]  }
0x427: {  	[tilespmem:s10+$0xFFFFFFA0] =	vst v6;
	v5 =	vmul.f32 v5, v12;
	v6 =	vld [tilespmem:s10+$0x10]  }
0x428: {  	[tilespmem:s10+$0xFFFFFFB0] =	vst v4;
	v4 =	vmul.f32 v7, v12;
	v7 =	vld [tilespmem:s10+$0x20]  }
0x429: {  	[tilespmem:s10+$0xFFFFFFC0] =	vst v5;
	v5 =	vmul.f32 v8, v12;
	v8 =	vld [tilespmem:s10+$0x30]  }
0x42a: {  	[tilespmem:s10+$0xFFFFFFD0] =	vst v4;
	v4 =	vmul.f32 v9, v12;
	v9 =	vld [tilespmem:s10+$0x40]  }
0x42b: {  	[tilespmem:s10+$0xFFFFFFE0] =	vst v5;
	v5 =	vmul.f32 v10, v3;
	v10 =	vld [tilespmem:s10+$0x50]  }
0x42c: {  	[tilespmem:s10+$0xFFFFFFF0] =	vst v4;
	v4 =	vmul.f32 v6, v3;
	v11 =	vld [tilespmem:s10+$0x60]  }
.Ltmp8:
0x42d: {  	[tilespmem:s10+$0x0] =	vst v5;
	v6 =	vmul.f32 v7, v3;
	v5 =	vld [tilespmem:s10+$0x70];
	(pc) =	sbr.rel @p0 .LBB2_18-.Ltmp8, $4  }
0x42e: {  	[tilespmem:s10+$0x10] =	vst v4;
	v4 =	vmul.f32 v8, v3;
	v8 =	vld [tilespmem:s10+$0x80]  }
0x42f: {  	[tilespmem:s10+$0x20] =	vst v6;
	v9 =	vmul.f32 v9, v3;
	v6 =	vld [tilespmem:s10+$0x90]  }
0x430: {  	[tilespmem:s10+$0x30] =	vst v4;
	v10 =	vmul.f32 v10, v3;
	v7 =	vld [tilespmem:s10+$0xA0]  }
0x431: {  	s6 =	sadd.s32 $0x10, s6;
	[tilespmem:s10+$0x40] =	vst v9;
	v9 =	vmul.f32 v11, v3;
	v4 =	vld [tilespmem:s10+$0xB0]  }
0x432: {  	[tilespmem:s10+$0x50] =	vst v10  }
0x433: {  	v10 =	vld [tilespmem:s10+$0xC0];
	v3 =	vmul.f32 v5, v3;
	[tilespmem:s4+$0xE0] =	vst v2  }
0x434: {  	v5 =	vld [tilespmem:s10+$0xD0];
	v8 =	vmul.f32 v8, v1;
	[tilespmem:s10+$0x60] =	vst v9  }
0x435: {  	v6 =	vmul.f32 v6, v1;
	[tilespmem:s10+$0x70] =	vst v3;
	v3 =	vmul.f32 v7, v1;
	v7 =	vld [tilespmem:s5+$0xE0]  }
0x436: {  	[tilespmem:s5+$0x80] =	vst v8  }
0x437: {  	[tilespmem:s5+$0x90] =	vst v6;
	v4 =	vmul.f32 v4, v1  }
0x438: {  	[tilespmem:s5+$0xA0] =	vst v3;
	v3 =	vmul.f32 v10, v1  }
0x439: {  	[tilespmem:s5+$0xB0] =	vst v4;
	v4 =	vmul.f32 v5, v1  }
0x43a: {  	[tilespmem:s5+$0xC0] =	vst v3;
	v1 =	vmul.f32 v7, v1  }
0x43b: {  	[tilespmem:s5+$0xD0] =	vst v4  }
0x43c: {  	s9 =	simm.s32 $0x3F00;
	[tilespmem:s5+$0xE0] =	vst v1  }
0x43d: {  	[spmem:s2] =	stream.indirect.scatter.add.f32 [tilespmem:s26], [sflag:$0x4], $0x80, s9, s25, $0xb8;
	[tilespmem:$0x1FA00] =	vst v63  }
0x43e: {  	_ =	swait.ge [sflag:s3], $0x2800  }
0x43f: {  	[sflag:s3] =	ssyncset.done $0x0  }
0x440: {  	s10 =	simm.s32 $0x1480;
	[sflag:s3] =	ssyncadd.s32 $0xFFFFD800  }
0x441: {  	[tilespmem:s0], [sflag:$0x3] =	stream.indirect.gather [hbm4b:s1+s25], $0x80, s10, s25, $0xb8;
	[tilespmem:$0x1FA00] =	vst v63  }
0x442: {  	_ =	swait.ge [sflag:s20], $0x2800  }
0x443: {  	[sflag:s20] =	ssyncset.done $0x0  }
0x444: {  	[sflag:s20] =	ssyncadd.s32 $0xFFFFD800  }
0x445: {  	v1 =	vld [tilespmem:$0x2930]  }
0x446: {  	v2 =	vld [tilespmem:$0x3E30]  }
0x447: {  	v3 =	vld [tilespmem:$0x2940]  }
0x448: {  	v4 =	vld [tilespmem:$0x3E40]  }
0x449: {  	v5 =	vld [tilespmem:$0x2950]  }
0x44a: {  	[tilespmem:$0x3F80] =	vst v1;
	v1 =	vld [tilespmem:$0x3E50]  }
0x44b: {  	[tilespmem:$0x4100] =	vst v2;
	v2 =	vld [tilespmem:$0x2960]  }
0x44c: {  	[tilespmem:$0x3F90] =	vst v3;
	v3 =	vld [tilespmem:$0x3E60]  }
0x44d: {  	[tilespmem:$0x4110] =	vst v4;
	v4 =	vld [tilespmem:$0x2970]  }
0x44e: {  	[tilespmem:$0x3FA0] =	vst v5;
	v5 =	vld [tilespmem:$0x3E70]  }
0x44f: {  	[tilespmem:$0x4120] =	vst v1  }
0x450: {  	[tilespmem:$0x3FB0] =	vst v2  }
0x451: {  	s11 =	simm.s32 $0x0;
	[tilespmem:$0x4130] =	vst v3  }
0x452: {  	s4 =	sand.u32 $0x1C0, s11;
	[tilespmem:$0x3FC0] =	vst v4  }
0x453: {  	s4 =	sshrl.u32 s4, $0x2;
	[tilespmem:$0x4140] =	vst v5  }
0x454: {  	s10 =	simm.s32 $0x6D00;
	v1 =	vld [tilespmem:s4+$0x4100]  }
0x455: {  	s4 =	simm.s32 $0x6B00;
	v55 =	vld [tilespmem:s10+$0xFFFFFF20]  }
0x456: {  	v2 =	vld [tilespmem:s4+$0xFFFFFF00]  }
0x457: {  	s12 =	simm.s32 $0x0;
	v3 =	vld [tilespmem:s4+$0xFFFFFF10]  }
0x458: {  	s5 =	sand.u32 $0xC, s12;
	v5 =	vld [tilespmem:s4+$0xFFFFFF20]  }
0x459: {  	v4 =	vmov s5;
	v6 =	vld [tilespmem:s4+$0xFFFFFF30]  }
0x45a: {  	v7 =	vld [tilespmem:s4+$0xFFFFFF40];
	v4 =	vperm.xlane v1, v4  }
0x45b: {  	s6 =	simm.s32 $0x1;
	v16 =	vld [tilespmem:s4+$0xFFFFFFB0]  }
0x45c: {  	s14 =	sand.u32 $0xD, s6;
	v17 =	vld [tilespmem:s4+$0xFFFFFFC0];
	v2 =	vmul.f32 v2, v4  }
0x45d: {  	v14 =	vmov s14;
	v8 =	vld [tilespmem:s4+$0xFFFFFF50];
	v3 =	vmul.f32 v3, v4  }
0x45e: {  	v9 =	vld [tilespmem:s4+$0xFFFFFF60];
	v14 =	vperm.xlane v1, v14;
	v5 =	vmul.f32 v5, v4;
	[tilespmem:s4+$0xFFFFFF00] =	vst v2  }
0x45f: {  	v10 =	vld [tilespmem:s4+$0xF0];
	v6 =	vmul.f32 v6, v4;
	[tilespmem:s4+$0xFFFFFF10] =	vst v3  }
0x460: {  	v11 =	vld [tilespmem:s4+$0xFFFFFF70];
	v49 =	vmul.f32 v16, v14;
	[tilespmem:s4+$0xFFFFFF20] =	vst v5  }
0x461: {  	v12 =	vld [tilespmem:s4+$0xFFFFFF80];
	v50 =	vmul.f32 v17, v14;
	[tilespmem:s4+$0xFFFFFF30] =	vst v6  }
0x462: {  	s13 =	simm.s32 $0x3;
	v13 =	vld [tilespmem:s4+$0xFFFFFF90];
	v5 =	vmul.f32 v7, v4;
	[tilespmem:s4+$0xFFFFFFB0] =	vst v49  }
0x463: {  	v15 =	vld [tilespmem:s4+$0xFFFFFFA0];
	v2 =	vmov s13;
	v6 =	vmul.f32 v8, v4;
	[tilespmem:s4+$0xFFFFFFC0] =	vst v50  }
0x464: {  	v48 =	vld [tilespmem:s4+$0xFFFFFFD0];
	v2 =	vperm.xlane v1, v2;
	[tilespmem:s4+$0xFFFFFF40] =	vst v5;
	v5 =	vmul.f32 v9, v4  }
0x465: {  	v3 =	vld [tilespmem:s4+$0xFFFFFFE0];
	[tilespmem:s4+$0xFFFFFF50] =	vst v6;
	v4 =	vmul.f32 v11, v4  }
0x466: {  	s15 =	simm.s32 $0x2;
	v8 =	vld [tilespmem:s4+$0x0];
	v10 =	vmul.f32 v10, v2;
	[tilespmem:s4+$0xFFFFFF60] =	vst v5  }
0x467: {  	s5 =	sand.u32 $0xE, s15;
	v51 =	vld [tilespmem:s4+$0x70];
	v5 =	vmul.f32 v13, v14;
	[tilespmem:s4+$0xFFFFFF70] =	vst v4  }
0x468: {  	v7 =	vld [tilespmem:s4+$0xFFFFFFF0];
	v6 =	vmov s5;
	v4 =	vmul.f32 v15, v14;
	[tilespmem:s4+$0xF0] =	vst v10  }
0x469: {  	v1 =	vperm.xlane v1, v6;
	v6 =	vld [tilespmem:s4+$0x30];
	v10 =	vmul.f32 v12, v14;
	[tilespmem:s4+$0xFFFFFF90] =	vst v5  }
0x46a: {  	v9 =	vld [tilespmem:s4+$0x10];
	v12 =	vmul.f32 v48, v14;
	[tilespmem:s4+$0xFFFFFFA0] =	vst v4  }
0x46b: {  	v3 =	vmul.f32 v3, v14;
	v5 =	vmul.f32 v8, v1;
	v8 =	vld [tilespmem:s4+$0x50];
	[tilespmem:s4+$0xFFFFFF80] =	vst v10  }
0x46c: {  	v4 =	vld [tilespmem:s4+$0x60];
	[tilespmem:s4+$0xFFFFFFD0] =	vst v12  }
0x46d: {  	v7 =	vmul.f32 v7, v14;
	v10 =	vld [tilespmem:s4+$0x20];
	[tilespmem:s4+$0xFFFFFFE0] =	vst v3  }
0x46e: {  	[tilespmem:s4+$0x0] =	vst v5;
	v5 =	vld [tilespmem:s4+$0x80];
	v6 =	vmul.f32 v6, v1  }
0x46f: {  	v3 =	vmul.f32 v9, v1;
	[tilespmem:s4+$0xFFFFFFF0] =	vst v7;
	v7 =	vld [tilespmem:s4+$0xC0]  }
0x470: {  	v11 =	vld [tilespmem:s4+$0x40];
	[tilespmem:s4+$0x30] =	vst v6;
	v6 =	vmul.f32 v8, v1  }
0x471: {  	s16 =	simm.s32 $0x10;
	v52 =	vld [tilespmem:s4+$0x90];
	[tilespmem:s4+$0x10] =	vst v3;
	v4 =	vmul.f32 v4, v1  }
0x472: {  	v53 =	vld [tilespmem:s4+$0xA0];
	s5 =	sand.u32 $0x1C0, s16;
	v10 =	vmul.f32 v10, v1;
	[tilespmem:s4+$0x50] =	vst v6  }
0x473: {  	s5 =	sshrl.u32 s5, $0x2;
	v3 =	vld [tilespmem:s4+$0xD0];
	v5 =	vmul.f32 v5, v2;
	[tilespmem:s4+$0x60] =	vst v4  }
0x474: {  	v54 =	vld [tilespmem:s5+$0x4100];
	v7 =	vmul.f32 v7, v2;
	[tilespmem:s4+$0x20] =	vst v10  }
0x475: {  	v9 =	vld [tilespmem:s4+$0xB0];
	[tilespmem:s4+$0x80] =	vst v5;
	v5 =	vmul.f32 v11, v1  }
0x476: {  	s11 =	simm.s32 $0x4;
	v6 =	vld [tilespmem:s10+$0xFFFFFF10];
	v4 =	vmul.f32 v52, v2;
	[tilespmem:s4+$0xC0] =	vst v7  }
0x477: {  	s17 =	sand.u32 $0xC, s11;
	v1 =	vmul.f32 v51, v1;
	[tilespmem:s4+$0x40] =	vst v5;
	v5 =	vld [tilespmem:s10+$0xFFFFFF00]  }
0x478: {  	v56 =	vld [tilespmem:s10+$0xFFFFFF30];
	v3 =	vmul.f32 v3, v2;
	v11 =	vmov s17;
	[tilespmem:s4+$0x90] =	vst v4  }
0x479: {  	v8 =	vld [tilespmem:s10+$0xF0];
	v11 =	vperm.xlane v54, v11;
	[tilespmem:s4+$0x70] =	vst v1;
	v1 =	vmul.f32 v53, v2  }
0x47a: {  	s21 =	simm.s32 $0x7;
	v57 =	vld [tilespmem:s10+$0xFFFFFF50];
	v4 =	vmul.f32 v9, v2;
	[tilespmem:s4+$0xD0] =	vst v3  }
0x47b: {  	v7 =	vld [tilespmem:s10+$0xFFFFFF70];
	v3 =	vmul.f32 v6, v11;
	[tilespmem:s4+$0xA0] =	vst v1;
	v1 =	vmov s21  }
0x47c: {  	[tilespmem:s4+$0xB0] =	vst v4;
	v4 =	vld [tilespmem:s10+$0xFFFFFF60];
	v1 =	vperm.xlane v54, v1;
	v5 =	vmul.f32 v5, v11  }
0x47d: {  	v9 =	vld [tilespmem:s10+$0xFFFFFF40];
	[tilespmem:s10+$0xFFFFFF10] =	vst v3;
	v3 =	vmul.f32 v56, v11  }
0x47e: {  	v6 =	vld [tilespmem:s10+$0xFFFFFF80];
	[tilespmem:s10+$0xFFFFFF00] =	vst v5;
	v5 =	vmul.f32 v8, v1  }
0x47f: {  	s30 =	simm.s32 $0x5;
	[tilespmem:s10+$0xFFFFFF30] =	vst v3;
	v3 =	vmul.f32 v57, v11;
	v8 =	vld [tilespmem:s10+$0xFFFFFF90]  }
0x480: {  	v59 =	vld [tilespmem:s10+$0xFFFFFFA0];
	s5 =	sand.u32 $0xD, s30;
	[tilespmem:s10+$0xF0] =	vst v5;
	v5 =	vmul.f32 v55, v11  }
0x481: {  	v60 =	vld [tilespmem:s10+$0xFFFFFFC0];
	v58 =	vmov s5;
	v4 =	vmul.f32 v4, v11;
	[tilespmem:s10+$0xFFFFFF50] =	vst v3  }
0x482: {  	v13 =	vperm.xlane v54, v58;
	[tilespmem:s10+$0xFFFFFF20] =	vst v5;
	v5 =	vmul.f32 v9, v11;
	v9 =	vld [tilespmem:s10+$0xFFFFFFB0]  }
0x483: {  	v61 =	vld [tilespmem:s10+$0xFFFFFFE0];
	v3 =	vmul.f32 v7, v11;
	[tilespmem:s10+$0xFFFFFF60] =	vst v4  }
0x484: {  	v4 =	vmul.f32 v8, v13;
	[tilespmem:s10+$0xFFFFFF40] =	vst v5;
	v5 =	vmul.f32 v6, v13;
	v6 =	vld [tilespmem:s10+$0xFFFFFFD0]  }
0x485: {  	v62 =	vld [tilespmem:s10+$0x20];
	[tilespmem:s10+$0xFFFFFF70] =	vst v3  }
0x486: {  	s31 =	simm.s32 $0x6;
	v7 =	vld [tilespmem:s10+$0x0];
	v3 =	vmul.f32 v59, v13;
	[tilespmem:s10+$0xFFFFFF90] =	vst v4  }
0x487: {  	s5 =	sand.u32 $0xE, s31;
	[tilespmem:s10+$0xFFFFFF80] =	vst v5;
	v5 =	vld [tilespmem:s10+$0xFFFFFFF0];
	v4 =	vmul.f32 v9, v13  }
0x488: {  	[tilespmem:s10+$0xFFFFFFA0] =	vst v3;
	v11 =	vmul.f32 v60, v13;
	v8 =	vld [tilespmem:s10+$0x10];
	v9 =	vmov s5  }
0x489: {  	v63 =	vld [tilespmem:s10+$0x50];
	v3 =	vperm.xlane v54, v9;
	[tilespmem:s10+$0xFFFFFFB0] =	vst v4;
	v4 =	vmul.f32 v6, v13  }
0x48a: {  	[tilespmem:s10+$0xFFFFFFC0] =	vst v11;
	v9 =	vmul.f32 v61, v13;
	v6 =	vld [tilespmem:s10+$0x30]  }
0x48b: {  	v11 =	vld [tilespmem:s10+$0x40];
	[tilespmem:s10+$0xFFFFFFD0] =	vst v4;
	v4 =	vmul.f32 v7, v3  }
0x48c: {  	v10 =	vld [tilespmem:s4+$0xE0];
	[tilespmem:s10+$0xFFFFFFE0] =	vst v9;
	v5 =	vmul.f32 v5, v13  }
0x48d: {  	v9 =	vld [tilespmem:s10+$0x60];
	v7 =	vmul.f32 v8, v3;
	[tilespmem:s10+$0x0] =	vst v4  }
0x48e: {  	[tilespmem:s10+$0xFFFFFFF0] =	vst v5;
	v4 =	vmul.f32 v62, v3;
	v5 =	vld [tilespmem:s10+$0x70]  }
0x48f: {  	v8 =	vld [tilespmem:s10+$0x80];
	[tilespmem:s10+$0x10] =	vst v7;
	v7 =	vmul.f32 v6, v3  }
0x490: {  	v6 =	vld [tilespmem:s10+$0x90];
	[tilespmem:s10+$0x20] =	vst v4;
	v4 =	vmul.f32 v11, v3  }
0x491: {  	v2 =	vmul.f32 v10, v2;
	v10 =	vmul.f32 v63, v3;
	[tilespmem:s10+$0x30] =	vst v7;
	v7 =	vld [tilespmem:s10+$0xA0]  }
0x492: {  	s6 =	simm.s32 $0x20;
	s5 =	simm.s32 $0x6D00;
	v9 =	vmul.f32 v9, v3;
	[tilespmem:s10+$0x40] =	vst v4;
	v4 =	vld [tilespmem:s10+$0xB0]  }
.LBB2_20:
0x493: {  	s7 =	sand.u32 $0x1C0, s6;
	[tilespmem:s10+$0x50] =	vst v10;
	v3 =	vmul.f32 v5, v3;
	v5 =	vld [tilespmem:s10+$0xC0];
	s9 =	smov.u32 s11  }
0x494: {  	s7 =	sshrl.u32 s7, $0x2;
	[tilespmem:s10+$0x60] =	vst v9;
	v8 =	vmul.f32 v8, v1;
	v9 =	vld [tilespmem:s10+$0xD0]  }
0x495: {  	v10 =	vld [tilespmem:s7+$0x4100];
	[tilespmem:s10+$0x70] =	vst v3;
	v3 =	vmul.f32 v6, v1  }
0x496: {  	s11 =	sadd.s32 $0x4, s11;
	s10 =	sadd.s32 $0x200, s10;
	[tilespmem:s5+$0x80] =	vst v8;
	v6 =	vmul.f32 v7, v1;
	v7 =	vld [tilespmem:s5+$0xE0]  }
0x497: {  	s12 =	sadd.s32 $0x5, s9;
	p0 =	slt.u32 s11, $0x4C;
	s7 =	sand.u32 $0xC, s11;
	v8 =	vld [tilespmem:s10+$0xF0];
	[tilespmem:s5+$0x90] =	vst v3;
	v3 =	vmul.f32 v4, v1  }
0x498: {  	v4 =	vmov s7;
	s7 =	sand.u32 $0xD, s12;
	s12 =	sadd.s32 $0x6, s9;
	s9 =	sadd.s32 $0x7, s9;
	v11 =	vld [tilespmem:s10+$0xFFFFFF00];
	[tilespmem:s5+$0xA0] =	vst v6;
	v5 =	vmul.f32 v5, v1  }
0x499: {  	v12 =	vmov s7;
	s7 =	sand.u32 $0xE, s12;
	v13 =	vmov s9;
	v6 =	vld [tilespmem:s10+$0xFFFFFF10];
	[tilespmem:s5+$0xB0] =	vst v3;
	v9 =	vmul.f32 v9, v1  }
0x49a: {  	v3 =	vmov s7;
	v4 =	vperm.xlane v10, v4;
	v14 =	vld [tilespmem:s10+$0xFFFFFF20];
	v13 =	vperm.xlane v10, v13;
	[tilespmem:s5+$0xC0] =	vst v5  }
0x49b: {  	v12 =	vperm.xlane v10, v12;
	v3 =	vperm.xlane v10, v3;
	v5 =	vld [tilespmem:s10+$0xFFFFFF30];
	[tilespmem:s5+$0xD0] =	vst v9  }
0x49c: {  	v9 =	vld [tilespmem:s10+$0xFFFFFF40];
	v8 =	vmul.f32 v8, v13;
	[tilespmem:s4+$0xE0] =	vst v2;
	v2 =	vmul.f32 v7, v1;
	v1 =	vmov v13;
	s4 =	smov.u32 s5;
	s5 =	smov.u32 s10  }
0x49d: {  	v7 =	vmul.f32 v11, v4;
	v10 =	vld [tilespmem:s10+$0xFFFFFF50]  }
0x49e: {  	v6 =	vmul.f32 v6, v4;
	v11 =	vld [tilespmem:s10+$0xFFFFFF60];
	[tilespmem:s10+$0xF0] =	vst v8  }
0x49f: {  	[tilespmem:s10+$0xFFFFFF00] =	vst v7;
	v7 =	vmul.f32 v14, v4;
	v8 =	vld [tilespmem:s10+$0xFFFFFF70]  }
0x4a0: {  	[tilespmem:s10+$0xFFFFFF10] =	vst v6;
	v5 =	vmul.f32 v5, v4;
	v6 =	vld [tilespmem:s10+$0xFFFFFF80]  }
0x4a1: {  	[tilespmem:s10+$0xFFFFFF20] =	vst v7;
	v7 =	vmul.f32 v9, v4;
	v9 =	vld [tilespmem:s10+$0xFFFFFF90]  }
0x4a2: {  	[tilespmem:s10+$0xFFFFFF30] =	vst v5;
	v5 =	vmul.f32 v10, v4;
	v10 =	vld [tilespmem:s10+$0xFFFFFFA0]  }
0x4a3: {  	[tilespmem:s10+$0xFFFFFF40] =	vst v7;
	v7 =	vmul.f32 v11, v4;
	v11 =	vld [tilespmem:s10+$0xFFFFFFB0]  }
0x4a4: {  	[tilespmem:s10+$0xFFFFFF50] =	vst v5;
	v4 =	vmul.f32 v8, v4;
	v5 =	vld [tilespmem:s10+$0xFFFFFFC0]  }
0x4a5: {  	[tilespmem:s10+$0xFFFFFF60] =	vst v7;
	v6 =	vmul.f32 v6, v12;
	v7 =	vld [tilespmem:s10+$0xFFFFFFD0]  }
0x4a6: {  	[tilespmem:s10+$0xFFFFFF70] =	vst v4;
	v4 =	vmul.f32 v9, v12;
	v8 =	vld [tilespmem:s10+$0xFFFFFFE0]  }
0x4a7: {  	[tilespmem:s10+$0xFFFFFF80] =	vst v6;
	v6 =	vmul.f32 v10, v12;
	v9 =	vld [tilespmem:s10+$0xFFFFFFF0]  }
0x4a8: {  	[tilespmem:s10+$0xFFFFFF90] =	vst v4;
	v4 =	vmul.f32 v11, v12;
	v10 =	vld [tilespmem:s10+$0x0]  }
0x4a9: {  	[tilespmem:s10+$0xFFFFFFA0] =	vst v6;
	v5 =	vmul.f32 v5, v12;
	v6 =	vld [tilespmem:s10+$0x10]  }
0x4aa: {  	[tilespmem:s10+$0xFFFFFFB0] =	vst v4;
	v4 =	vmul.f32 v7, v12;
	v7 =	vld [tilespmem:s10+$0x20]  }
0x4ab: {  	[tilespmem:s10+$0xFFFFFFC0] =	vst v5;
	v5 =	vmul.f32 v8, v12;
	v8 =	vld [tilespmem:s10+$0x30]  }
0x4ac: {  	[tilespmem:s10+$0xFFFFFFD0] =	vst v4;
	v4 =	vmul.f32 v9, v12;
	v9 =	vld [tilespmem:s10+$0x40]  }
0x4ad: {  	[tilespmem:s10+$0xFFFFFFE0] =	vst v5;
	v5 =	vmul.f32 v10, v3;
	v10 =	vld [tilespmem:s10+$0x50]  }
0x4ae: {  	[tilespmem:s10+$0xFFFFFFF0] =	vst v4;
	v4 =	vmul.f32 v6, v3;
	v11 =	vld [tilespmem:s10+$0x60]  }
.Ltmp9:
0x4af: {  	[tilespmem:s10+$0x0] =	vst v5;
	v6 =	vmul.f32 v7, v3;
	v5 =	vld [tilespmem:s10+$0x70];
	(pc) =	sbr.rel @p0 .LBB2_20-.Ltmp9, $4  }
0x4b0: {  	[tilespmem:s10+$0x10] =	vst v4;
	v4 =	vmul.f32 v8, v3;
	v8 =	vld [tilespmem:s10+$0x80]  }
0x4b1: {  	[tilespmem:s10+$0x20] =	vst v6;
	v9 =	vmul.f32 v9, v3;
	v6 =	vld [tilespmem:s10+$0x90]  }
0x4b2: {  	[tilespmem:s10+$0x30] =	vst v4;
	v10 =	vmul.f32 v10, v3;
	v7 =	vld [tilespmem:s10+$0xA0]  }
0x4b3: {  	s6 =	sadd.s32 $0x10, s6;
	[tilespmem:s10+$0x40] =	vst v9;
	v9 =	vmul.f32 v11, v3;
	v4 =	vld [tilespmem:s10+$0xB0]  }
0x4b4: {  	[tilespmem:s10+$0x50] =	vst v10  }
0x4b5: {  	v10 =	vld [tilespmem:s10+$0xC0];
	v3 =	vmul.f32 v5, v3;
	[tilespmem:s4+$0xE0] =	vst v2  }
0x4b6: {  	v5 =	vld [tilespmem:s10+$0xD0];
	v8 =	vmul.f32 v8, v1;
	[tilespmem:s10+$0x60] =	vst v9  }
0x4b7: {  	v6 =	vmul.f32 v6, v1;
	[tilespmem:s10+$0x70] =	vst v3;
	v3 =	vmul.f32 v7, v1;
	v7 =	vld [tilespmem:s5+$0xE0]  }
0x4b8: {  	[tilespmem:s5+$0x80] =	vst v8  }
0x4b9: {  	[tilespmem:s5+$0x90] =	vst v6;
	v4 =	vmul.f32 v4, v1  }
0x4ba: {  	[tilespmem:s5+$0xA0] =	vst v3;
	v3 =	vmul.f32 v10, v1  }
0x4bb: {  	[tilespmem:s5+$0xB0] =	vst v4;
	v4 =	vmul.f32 v5, v1  }
0x4bc: {  	[tilespmem:s5+$0xC0] =	vst v3;
	v1 =	vmul.f32 v7, v1  }
0x4bd: {  	[tilespmem:s5+$0xD0] =	vst v4  }
0x4be: {  	s10 =	simm.s32 $0x3F80;
	[tilespmem:s5+$0xE0] =	vst v1  }
0x4bf: {  	[spmem:s2] =	stream.indirect.scatter.add.f32 [tilespmem:s28], [sflag:$0x5], $0x80, s10, s25, $0xb8;
	[tilespmem:$0x1FA00] =	vst v63  }
0x4c0: {  	_ =	swait.ge [sflag:s22], $0x2800  }
0x4c1: {  	[sflag:s22] =	ssyncset.done $0x0  }
0x4c2: {  	[sflag:s22] =	ssyncadd.s32 $0xFFFFD800  }
0x4c3: {  	_ =	swait.ge [sflag:s24], $0x2800  }
0x4c4: {  	[sflag:s24] =	ssyncset.done $0x0  }
0x4c5: {  	[sflag:s24] =	ssyncadd.s32 $0xFFFFD800  }
0x4c6: {  	v1 =	vld [tilespmem:$0x2980]  }
0x4c7: {  	v2 =	vld [tilespmem:$0x3E80]  }
0x4c8: {  	v3 =	vld [tilespmem:$0x2990]  }
0x4c9: {  	v4 =	vld [tilespmem:$0x3E90]  }
0x4ca: {  	v5 =	vld [tilespmem:$0x29A0]  }
0x4cb: {  	[tilespmem:$0x4000] =	vst v1;
	v1 =	vld [tilespmem:$0x3EA0]  }
0x4cc: {  	[tilespmem:$0x4180] =	vst v2;
	v2 =	vld [tilespmem:$0x29B0]  }
0x4cd: {  	[tilespmem:$0x4010] =	vst v3;
	v3 =	vld [tilespmem:$0x3EB0]  }
0x4ce: {  	[tilespmem:$0x4190] =	vst v4;
	v4 =	vld [tilespmem:$0x29C0]  }
0x4cf: {  	[tilespmem:$0x4020] =	vst v5;
	v5 =	vld [tilespmem:$0x3EC0]  }
0x4d0: {  	[tilespmem:$0x41A0] =	vst v1  }
0x4d1: {  	[tilespmem:$0x4030] =	vst v2  }
0x4d2: {  	s11 =	simm.s32 $0x0;
	[tilespmem:$0x41B0] =	vst v3  }
0x4d3: {  	s4 =	sand.u32 $0x1C0, s11;
	[tilespmem:$0x4040] =	vst v4  }
0x4d4: {  	s4 =	sshrl.u32 s4, $0x2;
	[tilespmem:$0x41C0] =	vst v5  }
0x4d5: {  	s10 =	simm.s32 $0x9500;
	v1 =	vld [tilespmem:s4+$0x4180]  }
0x4d6: {  	s4 =	simm.s32 $0x9300;
	v55 =	vld [tilespmem:s10+$0xFFFFFF20]  }
0x4d7: {  	v2 =	vld [tilespmem:s4+$0xFFFFFF00]  }
0x4d8: {  	s12 =	simm.s32 $0x0;
	v3 =	vld [tilespmem:s4+$0xFFFFFF10]  }
0x4d9: {  	s5 =	sand.u32 $0xC, s12;
	v5 =	vld [tilespmem:s4+$0xFFFFFF20]  }
0x4da: {  	v4 =	vmov s5;
	v6 =	vld [tilespmem:s4+$0xFFFFFF30]  }
0x4db: {  	v7 =	vld [tilespmem:s4+$0xFFFFFF40];
	v4 =	vperm.xlane v1, v4  }
0x4dc: {  	s6 =	simm.s32 $0x1;
	v16 =	vld [tilespmem:s4+$0xFFFFFFB0]  }
0x4dd: {  	s14 =	sand.u32 $0xD, s6;
	v17 =	vld [tilespmem:s4+$0xFFFFFFC0];
	v2 =	vmul.f32 v2, v4  }
0x4de: {  	v14 =	vmov s14;
	v8 =	vld [tilespmem:s4+$0xFFFFFF50];
	v3 =	vmul.f32 v3, v4  }
0x4df: {  	v9 =	vld [tilespmem:s4+$0xFFFFFF60];
	v14 =	vperm.xlane v1, v14;
	v5 =	vmul.f32 v5, v4;
	[tilespmem:s4+$0xFFFFFF00] =	vst v2  }
0x4e0: {  	v10 =	vld [tilespmem:s4+$0xF0];
	v6 =	vmul.f32 v6, v4;
	[tilespmem:s4+$0xFFFFFF10] =	vst v3  }
0x4e1: {  	v11 =	vld [tilespmem:s4+$0xFFFFFF70];
	v49 =	vmul.f32 v16, v14;
	[tilespmem:s4+$0xFFFFFF20] =	vst v5  }
0x4e2: {  	v12 =	vld [tilespmem:s4+$0xFFFFFF80];
	v50 =	vmul.f32 v17, v14;
	[tilespmem:s4+$0xFFFFFF30] =	vst v6  }
0x4e3: {  	s13 =	simm.s32 $0x3;
	v13 =	vld [tilespmem:s4+$0xFFFFFF90];
	v5 =	vmul.f32 v7, v4;
	[tilespmem:s4+$0xFFFFFFB0] =	vst v49  }
0x4e4: {  	v15 =	vld [tilespmem:s4+$0xFFFFFFA0];
	v2 =	vmov s13;
	v6 =	vmul.f32 v8, v4;
	[tilespmem:s4+$0xFFFFFFC0] =	vst v50  }
0x4e5: {  	v48 =	vld [tilespmem:s4+$0xFFFFFFD0];
	v2 =	vperm.xlane v1, v2;
	[tilespmem:s4+$0xFFFFFF40] =	vst v5;
	v5 =	vmul.f32 v9, v4  }
0x4e6: {  	v3 =	vld [tilespmem:s4+$0xFFFFFFE0];
	[tilespmem:s4+$0xFFFFFF50] =	vst v6;
	v4 =	vmul.f32 v11, v4  }
0x4e7: {  	s15 =	simm.s32 $0x2;
	v8 =	vld [tilespmem:s4+$0x0];
	v10 =	vmul.f32 v10, v2;
	[tilespmem:s4+$0xFFFFFF60] =	vst v5  }
0x4e8: {  	s5 =	sand.u32 $0xE, s15;
	v51 =	vld [tilespmem:s4+$0x70];
	v5 =	vmul.f32 v13, v14;
	[tilespmem:s4+$0xFFFFFF70] =	vst v4  }
0x4e9: {  	v7 =	vld [tilespmem:s4+$0xFFFFFFF0];
	v6 =	vmov s5;
	v4 =	vmul.f32 v15, v14;
	[tilespmem:s4+$0xF0] =	vst v10  }
0x4ea: {  	v1 =	vperm.xlane v1, v6;
	v6 =	vld [tilespmem:s4+$0x30];
	v10 =	vmul.f32 v12, v14;
	[tilespmem:s4+$0xFFFFFF90] =	vst v5  }
0x4eb: {  	v9 =	vld [tilespmem:s4+$0x10];
	v12 =	vmul.f32 v48, v14;
	[tilespmem:s4+$0xFFFFFFA0] =	vst v4  }
0x4ec: {  	v3 =	vmul.f32 v3, v14;
	v5 =	vmul.f32 v8, v1;
	v8 =	vld [tilespmem:s4+$0x50];
	[tilespmem:s4+$0xFFFFFF80] =	vst v10  }
0x4ed: {  	v4 =	vld [tilespmem:s4+$0x60];
	[tilespmem:s4+$0xFFFFFFD0] =	vst v12  }
0x4ee: {  	v7 =	vmul.f32 v7, v14;
	v10 =	vld [tilespmem:s4+$0x20];
	[tilespmem:s4+$0xFFFFFFE0] =	vst v3  }
0x4ef: {  	[tilespmem:s4+$0x0] =	vst v5;
	v5 =	vld [tilespmem:s4+$0x80];
	v6 =	vmul.f32 v6, v1  }
0x4f0: {  	v3 =	vmul.f32 v9, v1;
	[tilespmem:s4+$0xFFFFFFF0] =	vst v7;
	v7 =	vld [tilespmem:s4+$0xC0]  }
0x4f1: {  	v11 =	vld [tilespmem:s4+$0x40];
	[tilespmem:s4+$0x30] =	vst v6;
	v6 =	vmul.f32 v8, v1  }
0x4f2: {  	s16 =	simm.s32 $0x10;
	v52 =	vld [tilespmem:s4+$0x90];
	[tilespmem:s4+$0x10] =	vst v3;
	v4 =	vmul.f32 v4, v1  }
0x4f3: {  	v53 =	vld [tilespmem:s4+$0xA0];
	s5 =	sand.u32 $0x1C0, s16;
	v10 =	vmul.f32 v10, v1;
	[tilespmem:s4+$0x50] =	vst v6  }
0x4f4: {  	s5 =	sshrl.u32 s5, $0x2;
	v3 =	vld [tilespmem:s4+$0xD0];
	v5 =	vmul.f32 v5, v2;
	[tilespmem:s4+$0x60] =	vst v4  }
0x4f5: {  	v54 =	vld [tilespmem:s5+$0x4180];
	v7 =	vmul.f32 v7, v2;
	[tilespmem:s4+$0x20] =	vst v10  }
0x4f6: {  	v9 =	vld [tilespmem:s4+$0xB0];
	[tilespmem:s4+$0x80] =	vst v5;
	v5 =	vmul.f32 v11, v1  }
0x4f7: {  	s11 =	simm.s32 $0x4;
	v6 =	vld [tilespmem:s10+$0xFFFFFF10];
	v4 =	vmul.f32 v52, v2;
	[tilespmem:s4+$0xC0] =	vst v7  }
0x4f8: {  	s17 =	sand.u32 $0xC, s11;
	v1 =	vmul.f32 v51, v1;
	[tilespmem:s4+$0x40] =	vst v5;
	v5 =	vld [tilespmem:s10+$0xFFFFFF00]  }
0x4f9: {  	v56 =	vld [tilespmem:s10+$0xFFFFFF30];
	v3 =	vmul.f32 v3, v2;
	v11 =	vmov s17;
	[tilespmem:s4+$0x90] =	vst v4  }
0x4fa: {  	v8 =	vld [tilespmem:s10+$0xF0];
	v11 =	vperm.xlane v54, v11;
	[tilespmem:s4+$0x70] =	vst v1;
	v1 =	vmul.f32 v53, v2  }
0x4fb: {  	s21 =	simm.s32 $0x7;
	v57 =	vld [tilespmem:s10+$0xFFFFFF50];
	v4 =	vmul.f32 v9, v2;
	[tilespmem:s4+$0xD0] =	vst v3  }
0x4fc: {  	v7 =	vld [tilespmem:s10+$0xFFFFFF70];
	v3 =	vmul.f32 v6, v11;
	[tilespmem:s4+$0xA0] =	vst v1;
	v1 =	vmov s21  }
0x4fd: {  	[tilespmem:s4+$0xB0] =	vst v4;
	v4 =	vld [tilespmem:s10+$0xFFFFFF60];
	v1 =	vperm.xlane v54, v1;
	v5 =	vmul.f32 v5, v11  }
0x4fe: {  	v9 =	vld [tilespmem:s10+$0xFFFFFF40];
	[tilespmem:s10+$0xFFFFFF10] =	vst v3;
	v3 =	vmul.f32 v56, v11  }
0x4ff: {  	v6 =	vld [tilespmem:s10+$0xFFFFFF80];
	[tilespmem:s10+$0xFFFFFF00] =	vst v5;
	v5 =	vmul.f32 v8, v1  }
0x500: {  	s30 =	simm.s32 $0x5;
	[tilespmem:s10+$0xFFFFFF30] =	vst v3;
	v3 =	vmul.f32 v57, v11;
	v8 =	vld [tilespmem:s10+$0xFFFFFF90]  }
0x501: {  	v59 =	vld [tilespmem:s10+$0xFFFFFFA0];
	s5 =	sand.u32 $0xD, s30;
	[tilespmem:s10+$0xF0] =	vst v5;
	v5 =	vmul.f32 v55, v11  }
0x502: {  	v60 =	vld [tilespmem:s10+$0xFFFFFFC0];
	v58 =	vmov s5;
	v4 =	vmul.f32 v4, v11;
	[tilespmem:s10+$0xFFFFFF50] =	vst v3  }
0x503: {  	v13 =	vperm.xlane v54, v58;
	[tilespmem:s10+$0xFFFFFF20] =	vst v5;
	v5 =	vmul.f32 v9, v11;
	v9 =	vld [tilespmem:s10+$0xFFFFFFB0]  }
0x504: {  	v61 =	vld [tilespmem:s10+$0xFFFFFFE0];
	v3 =	vmul.f32 v7, v11;
	[tilespmem:s10+$0xFFFFFF60] =	vst v4  }
0x505: {  	v4 =	vmul.f32 v8, v13;
	[tilespmem:s10+$0xFFFFFF40] =	vst v5;
	v5 =	vmul.f32 v6, v13;
	v6 =	vld [tilespmem:s10+$0xFFFFFFD0]  }
0x506: {  	v62 =	vld [tilespmem:s10+$0x20];
	[tilespmem:s10+$0xFFFFFF70] =	vst v3  }
0x507: {  	s31 =	simm.s32 $0x6;
	v7 =	vld [tilespmem:s10+$0x0];
	v3 =	vmul.f32 v59, v13;
	[tilespmem:s10+$0xFFFFFF90] =	vst v4  }
0x508: {  	s5 =	sand.u32 $0xE, s31;
	[tilespmem:s10+$0xFFFFFF80] =	vst v5;
	v5 =	vld [tilespmem:s10+$0xFFFFFFF0];
	v4 =	vmul.f32 v9, v13  }
0x509: {  	[tilespmem:s10+$0xFFFFFFA0] =	vst v3;
	v11 =	vmul.f32 v60, v13;
	v8 =	vld [tilespmem:s10+$0x10];
	v9 =	vmov s5  }
0x50a: {  	v63 =	vld [tilespmem:s10+$0x50];
	v3 =	vperm.xlane v54, v9;
	[tilespmem:s10+$0xFFFFFFB0] =	vst v4;
	v4 =	vmul.f32 v6, v13  }
0x50b: {  	[tilespmem:s10+$0xFFFFFFC0] =	vst v11;
	v9 =	vmul.f32 v61, v13;
	v6 =	vld [tilespmem:s10+$0x30]  }
0x50c: {  	v11 =	vld [tilespmem:s10+$0x40];
	[tilespmem:s10+$0xFFFFFFD0] =	vst v4;
	v4 =	vmul.f32 v7, v3  }
0x50d: {  	v10 =	vld [tilespmem:s4+$0xE0];
	[tilespmem:s10+$0xFFFFFFE0] =	vst v9;
	v5 =	vmul.f32 v5, v13  }
0x50e: {  	v9 =	vld [tilespmem:s10+$0x60];
	v7 =	vmul.f32 v8, v3;
	[tilespmem:s10+$0x0] =	vst v4  }
0x50f: {  	[tilespmem:s10+$0xFFFFFFF0] =	vst v5;
	v4 =	vmul.f32 v62, v3;
	v5 =	vld [tilespmem:s10+$0x70]  }
0x510: {  	v8 =	vld [tilespmem:s10+$0x80];
	[tilespmem:s10+$0x10] =	vst v7;
	v7 =	vmul.f32 v6, v3  }
0x511: {  	v6 =	vld [tilespmem:s10+$0x90];
	[tilespmem:s10+$0x20] =	vst v4;
	v4 =	vmul.f32 v11, v3  }
0x512: {  	v2 =	vmul.f32 v10, v2;
	v10 =	vmul.f32 v63, v3;
	[tilespmem:s10+$0x30] =	vst v7;
	v7 =	vld [tilespmem:s10+$0xA0]  }
0x513: {  	s6 =	simm.s32 $0x20;
	s5 =	simm.s32 $0x9500;
	v9 =	vmul.f32 v9, v3;
	[tilespmem:s10+$0x40] =	vst v4;
	v4 =	vld [tilespmem:s10+$0xB0]  }
.LBB2_22:
0x514: {  	s7 =	sand.u32 $0x1C0, s6;
	[tilespmem:s10+$0x50] =	vst v10;
	v3 =	vmul.f32 v5, v3;
	v5 =	vld [tilespmem:s10+$0xC0];
	s9 =	smov.u32 s11  }
0x515: {  	s7 =	sshrl.u32 s7, $0x2;
	[tilespmem:s10+$0x60] =	vst v9;
	v8 =	vmul.f32 v8, v1;
	v9 =	vld [tilespmem:s10+$0xD0]  }
0x516: {  	v10 =	vld [tilespmem:s7+$0x4180];
	[tilespmem:s10+$0x70] =	vst v3;
	v3 =	vmul.f32 v6, v1  }
0x517: {  	s11 =	sadd.s32 $0x4, s11;
	s10 =	sadd.s32 $0x200, s10;
	[tilespmem:s5+$0x80] =	vst v8;
	v6 =	vmul.f32 v7, v1;
	v7 =	vld [tilespmem:s5+$0xE0]  }
0x518: {  	s12 =	sadd.s32 $0x5, s9;
	p0 =	slt.u32 s11, $0x4C;
	s7 =	sand.u32 $0xC, s11;
	v8 =	vld [tilespmem:s10+$0xF0];
	[tilespmem:s5+$0x90] =	vst v3;
	v3 =	vmul.f32 v4, v1  }
0x519: {  	v4 =	vmov s7;
	s7 =	sand.u32 $0xD, s12;
	s12 =	sadd.s32 $0x6, s9;
	s9 =	sadd.s32 $0x7, s9;
	v11 =	vld [tilespmem:s10+$0xFFFFFF00];
	[tilespmem:s5+$0xA0] =	vst v6;
	v5 =	vmul.f32 v5, v1  }
0x51a: {  	v12 =	vmov s7;
	s7 =	sand.u32 $0xE, s12;
	v13 =	vmov s9;
	v6 =	vld [tilespmem:s10+$0xFFFFFF10];
	[tilespmem:s5+$0xB0] =	vst v3;
	v9 =	vmul.f32 v9, v1  }
0x51b: {  	v3 =	vmov s7;
	v4 =	vperm.xlane v10, v4;
	v14 =	vld [tilespmem:s10+$0xFFFFFF20];
	v13 =	vperm.xlane v10, v13;
	[tilespmem:s5+$0xC0] =	vst v5  }
0x51c: {  	v12 =	vperm.xlane v10, v12;
	v3 =	vperm.xlane v10, v3;
	v5 =	vld [tilespmem:s10+$0xFFFFFF30];
	[tilespmem:s5+$0xD0] =	vst v9  }
0x51d: {  	v9 =	vld [tilespmem:s10+$0xFFFFFF40];
	v8 =	vmul.f32 v8, v13;
	[tilespmem:s4+$0xE0] =	vst v2;
	v2 =	vmul.f32 v7, v1;
	v1 =	vmov v13;
	s4 =	smov.u32 s5;
	s5 =	smov.u32 s10  }
0x51e: {  	v7 =	vmul.f32 v11, v4;
	v10 =	vld [tilespmem:s10+$0xFFFFFF50]  }
0x51f: {  	v6 =	vmul.f32 v6, v4;
	v11 =	vld [tilespmem:s10+$0xFFFFFF60];
	[tilespmem:s10+$0xF0] =	vst v8  }
0x520: {  	[tilespmem:s10+$0xFFFFFF00] =	vst v7;
	v7 =	vmul.f32 v14, v4;
	v8 =	vld [tilespmem:s10+$0xFFFFFF70]  }
0x521: {  	[tilespmem:s10+$0xFFFFFF10] =	vst v6;
	v5 =	vmul.f32 v5, v4;
	v6 =	vld [tilespmem:s10+$0xFFFFFF80]  }
0x522: {  	[tilespmem:s10+$0xFFFFFF20] =	vst v7;
	v7 =	vmul.f32 v9, v4;
	v9 =	vld [tilespmem:s10+$0xFFFFFF90]  }
0x523: {  	[tilespmem:s10+$0xFFFFFF30] =	vst v5;
	v5 =	vmul.f32 v10, v4;
	v10 =	vld [tilespmem:s10+$0xFFFFFFA0]  }
0x524: {  	[tilespmem:s10+$0xFFFFFF40] =	vst v7;
	v7 =	vmul.f32 v11, v4;
	v11 =	vld [tilespmem:s10+$0xFFFFFFB0]  }
0x525: {  	[tilespmem:s10+$0xFFFFFF50] =	vst v5;
	v4 =	vmul.f32 v8, v4;
	v5 =	vld [tilespmem:s10+$0xFFFFFFC0]  }
0x526: {  	[tilespmem:s10+$0xFFFFFF60] =	vst v7;
	v6 =	vmul.f32 v6, v12;
	v7 =	vld [tilespmem:s10+$0xFFFFFFD0]  }
0x527: {  	[tilespmem:s10+$0xFFFFFF70] =	vst v4;
	v4 =	vmul.f32 v9, v12;
	v8 =	vld [tilespmem:s10+$0xFFFFFFE0]  }
0x528: {  	[tilespmem:s10+$0xFFFFFF80] =	vst v6;
	v6 =	vmul.f32 v10, v12;
	v9 =	vld [tilespmem:s10+$0xFFFFFFF0]  }
0x529: {  	[tilespmem:s10+$0xFFFFFF90] =	vst v4;
	v4 =	vmul.f32 v11, v12;
	v10 =	vld [tilespmem:s10+$0x0]  }
0x52a: {  	[tilespmem:s10+$0xFFFFFFA0] =	vst v6;
	v5 =	vmul.f32 v5, v12;
	v6 =	vld [tilespmem:s10+$0x10]  }
0x52b: {  	[tilespmem:s10+$0xFFFFFFB0] =	vst v4;
	v4 =	vmul.f32 v7, v12;
	v7 =	vld [tilespmem:s10+$0x20]  }
0x52c: {  	[tilespmem:s10+$0xFFFFFFC0] =	vst v5;
	v5 =	vmul.f32 v8, v12;
	v8 =	vld [tilespmem:s10+$0x30]  }
0x52d: {  	[tilespmem:s10+$0xFFFFFFD0] =	vst v4;
	v4 =	vmul.f32 v9, v12;
	v9 =	vld [tilespmem:s10+$0x40]  }
0x52e: {  	[tilespmem:s10+$0xFFFFFFE0] =	vst v5;
	v5 =	vmul.f32 v10, v3;
	v10 =	vld [tilespmem:s10+$0x50]  }
0x52f: {  	[tilespmem:s10+$0xFFFFFFF0] =	vst v4;
	v4 =	vmul.f32 v6, v3;
	v11 =	vld [tilespmem:s10+$0x60]  }
.Ltmp10:
0x530: {  	[tilespmem:s10+$0x0] =	vst v5;
	v6 =	vmul.f32 v7, v3;
	v5 =	vld [tilespmem:s10+$0x70];
	(pc) =	sbr.rel @p0 .LBB2_22-.Ltmp10, $4  }
0x531: {  	[tilespmem:s10+$0x10] =	vst v4;
	v4 =	vmul.f32 v8, v3;
	v8 =	vld [tilespmem:s10+$0x80]  }
0x532: {  	[tilespmem:s10+$0x20] =	vst v6;
	v9 =	vmul.f32 v9, v3;
	v6 =	vld [tilespmem:s10+$0x90]  }
0x533: {  	[tilespmem:s10+$0x30] =	vst v4;
	v10 =	vmul.f32 v10, v3;
	v7 =	vld [tilespmem:s10+$0xA0]  }
0x534: {  	s6 =	sadd.s32 $0x10, s6;
	[tilespmem:s10+$0x40] =	vst v9;
	v9 =	vmul.f32 v11, v3;
	v4 =	vld [tilespmem:s10+$0xB0]  }
0x535: {  	[tilespmem:s10+$0x50] =	vst v10  }
0x536: {  	v60 =	vld [tilespmem:s10+$0xC0];
	v3 =	vmul.f32 v5, v3;
	[tilespmem:s4+$0xE0] =	vst v2  }
0x537: {  	v61 =	vld [tilespmem:s10+$0xD0];
	v8 =	vmul.f32 v8, v1;
	[tilespmem:s10+$0x60] =	vst v9  }
0x538: {  	v62 =	vld [tilespmem:s5+$0xE0];
	v6 =	vmul.f32 v6, v1;
	[tilespmem:s10+$0x70] =	vst v3  }
0x539: {  	[tilespmem:s5+$0x80] =	vst v8;
	v3 =	vmul.f32 v7, v1  }
0x53a: {  	[tilespmem:s5+$0x90] =	vst v6;
	v4 =	vmul.f32 v4, v1  }
0x53b: {  	[tilespmem:s5+$0xA0] =	vst v3;
	v3 =	vmul.f32 v60, v1  }
0x53c: {  	v63 =	vmul.f32 v61, v1;
	[tilespmem:s5+$0xB0] =	vst v4  }
0x53d: {  	v1 =	vmul.f32 v62, v1;
	[tilespmem:s5+$0xC0] =	vst v3  }
0x53e: {  	[tilespmem:s5+$0xD0] =	vst v63  }
0x53f: {  	s17 =	simm.s32 $0x4000;
	[tilespmem:s5+$0xE0] =	vst v1  }
0x540: {  	[spmem:s2] =	stream.indirect.scatter.add.f32 [tilespmem:s0], [sflag:$0x6], $0x80, s17, s25, $0xb8;
	[tilespmem:$0x1FA00] =	vst v63  }
0x541: {  	_ =	swait.ge [sflag:s23], $0x2800  }
0x542: {  	[sflag:s23] =	ssyncset.done $0x0  }
0x543: {  	[sflag:s23] =	ssyncadd.s32 $0xFFFFD800  }
0x544: {  	_ =	swait.ge [sflag:s3], $0x2800  }
0x545: {  	[sflag:s3] =	ssyncset.done $0x0  }
0x546: {  	s21 =	stileid.u32;
	[sflag:s3] =	ssyncadd.s32 $0xFFFFD800  }
0x547: {  	s4 =	sshll.u32 s21, $0x6;
	[bflag:$0x0] =	sbarrier.arrive $0xFFFF  }
0x548: {  	s30 =	sshrl.u32 s8, $0x3;
	s4 =	sor.u32 $0x1C08, s4;
	s6 =	rddreg [dreg:$0xf]  }
0x549: {  	[hbm:s6], [sflag:s4] =	dma.local [spmem:s30], $0x2780  }
0x54a: {  	_ =	swait.ge [sflag:s19], $0x2780  }
0x54b: {  	s9 =	rddreg [dreg:$0x4]  }
0x54c: {  	s31 =	rddreg [dreg:$0x10];
	s9 =	sadd.s32 $0x1, s9  }
0x54d: {  	p0 =	sne.s32 s9, s31  }
.Ltmp11:
0x54e: {  	_ = 	snop;
	(pc) =	sbr.rel @p0 .LBB2_1-.Ltmp11, $3  }
0x54f: {  	_ =	sdelay $0x1  }
0x550: {  	[sflag:s19] =	ssyncset.done $0x0  }
0x551: {  	[sflag:s19] =	ssyncadd.s32 $0xFFFFD880  }
0x552: {  	_ =	sfence.sel $0x180000  }
0x553: {  	[bflag:$0x0] =	sbarrier.arrive $0xFFFF  }
0x554: {  	_ =	strace $0x90000047  }
0x555: {  	s0 =	stileid.u32;
	[bflag:$0x2] =	sbarrier.arrive $0xFFFF  }
0x556: {  	p0 =	sne.s32 s0, $0x0;
	s0 =	rddreg [dreg:$0x3]  }
0x557: {  	s0 =	sadd.s32 @!p0 $0x100000, s0  }
0x558: {  	[sflag:s0] =	ssyncadd.tile.s32 @!p0 $0x1;
	_ =	shalt  }
.Lfunc_end2:
_tile_overlayer_lowered:
.L_overlay_start_2:
0x559: {  	(tag) =	ssettag $0x2  }
0x55a: {  	s0 =	rddreg [dreg:$0x0];
	s2 =	stileid.u32  }
0x55b: {  	s1 =	rddreg [dreg:$0x1];
	p0 =	sne.s32 s2, $0x0  }
0x55c: {  	s3 =	rddreg [dreg:$0x2];
	[bflag:$0x3] =	sbarrier.arrive $0xFFFF;
	s2 =	simm.s32 @!p0 $0x1C08  }
0x55d: {  	[timem:s3], [sflag:s2] =	dma.local @!p0 [hbm:s0], s1  }
0x55e: {  	s0 =	simm.s32 @!p0 $0x8  }
0x55f: {  	_ =	swait.ge @!p0 [sflag:s0], s1  }
0x560: {  	s1 =	ssub.s32 @!p0 $0x0, s1;
	[sflag:s0] =	ssyncset.done @!p0 $0x0  }
0x561: {  	[sflag:s0] =	ssyncadd.s32 @!p0 s1  }
0x562: {  	[bflag:$0x3] =	sbarrier.arrive $0xFFFF  }
0x563: {  	_ =	shalt  }

</sc_bundles>
